<compile_context>
chip_gen: v7x
topology: tpu7x:2x2x1
jax: 0.10.2.dev20260603
libtpu: 0.0.44.dev20260713+nightly
codegen_flags: <defaults>
</compile_context>

<pallas_src>
import dataclasses
import functools

import jax
import jax.numpy as jnp
from jax import lax
from jax.experimental import pallas as pl
from jax.experimental.pallas import tpu as pltpu
from jax.experimental.pallas import tpu_sc as plsc

_B, _H, _G, _D, _NB = 16384, 50, 6, 64, 20
_NC, _NS = 2, 16
_NW = _NC * _NS
_IPW = _B // _NW
_CH = 8
_NCHUNK = _IPW // _CH
_RPC = _CH * _H
_L = 16

_BBLK = 2048


def _prepack(hist, ts):
    npad = _D - _H

    def body(hist_ref, ts_ref, packed_ref, wsum_ref):
        h = hist_ref[...]
        w = jnp.exp(ts_ref[...] * jnp.float32(-0.001))
        w = w * (h > 0).astype(jnp.float32)
        wsum_ref[...] = w.sum(axis=1, keepdims=True)
        r0 = (lax.broadcasted_iota(jnp.int32, (_BBLK, npad), 0)
              + pl.program_id(0) * _BBLK)
        padidx = (r0 * 53 + lax.broadcasted_iota(jnp.int32, (_BBLK, npad), 1)
                  * 4099) % jnp.int32(100000) + 1
        wbits = jax.lax.bitcast_convert_type(w, jnp.int32)
        packed_ref[...] = jnp.concatenate(
            [h, padidx, wbits, jnp.zeros((_BBLK, npad), jnp.int32)], axis=1)

    return pl.pallas_call(
        body, grid=(_B // _BBLK,),
        in_specs=[pl.BlockSpec((_BBLK, _H), lambda i: (i, 0)),
                  pl.BlockSpec((_BBLK, _H), lambda i: (i, 0))],
        out_specs=(pl.BlockSpec((_BBLK, 128), lambda i: (i, 0)),
                   pl.BlockSpec((_BBLK, 1), lambda i: (i, 0))),
        out_shape=(jax.ShapeDtypeStruct((_B, 128), jnp.int32),
                   jax.ShapeDtypeStruct((_B, 1), jnp.float32)),
    )(hist, ts)


def _sc_gather_pool(item_emb, user_emb, packed, uid, iid):
    mesh = plsc.VectorSubcoreMesh(core_axis_name="c", subcore_axis_name="s")
    out_type = (
        jax.ShapeDtypeStruct((_B, 128), jnp.float32),
        jax.ShapeDtypeStruct((_B, 128), jnp.float32),
        jax.ShapeDtypeStruct((_B, 128), jnp.float32),
    )

    cp = pltpu.CompilerParams(use_tc_tiling_on_sc=False)
    if "needs_layout_passes" in pltpu.CompilerParams.__dataclass_fields__:
        cp = dataclasses.replace(cp, needs_layout_passes=False)

    @functools.partial(
        pl.kernel,
        mesh=mesh,
        out_type=out_type,
        compiler_params=cp,
        scratch_types=[
            pltpu.VMEM((2, _CH, 128), jnp.int32),
            pltpu.VMEM((2, _CH, 56, _D), jnp.float32),
            pltpu.VMEM((_CH, 128), jnp.float32),
            pltpu.VMEM((128,), jnp.int32),
            pltpu.VMEM((128, _D), jnp.float32),
            pltpu.SemaphoreType.DMA,
            pltpu.SemaphoreType.DMA,
        ],
    )
    def k(item_hbm, user_hbm, packed_hbm, uid_hbm, iid_hbm,
          hs_out, u_out, ie_out,
          slab_v, rows_v, sum_v, id_v, row256_v, sem_s, sem_g):
        wid = lax.axis_index("s") * _NC + lax.axis_index("c")
        item_base = wid * _IPW

        def slab_fetch(ck, buf):
            base_i = item_base + ck * _CH
            return pltpu.async_copy(packed_hbm.at[pl.ds(base_i, _CH)],
                                    slab_v.at[buf], sem_s)

        def slab_drain(buf):
            pltpu.make_async_copy(packed_hbm.at[pl.ds(0, _CH)],
                                  slab_v.at[buf], sem_s).wait()

        def fire_gathers(buf):
            for i in range(_CH):
                pltpu.async_copy(item_hbm.at[slab_v.at[buf, i, pl.ds(0, 56)]],
                                 rows_v.at[buf, i], sem_g)

        def drain_gathers(buf):
            for i in range(_CH):
                pltpu.make_async_copy(
                    item_hbm.at[slab_v.at[buf, i, pl.ds(0, 56)]],
                    rows_v.at[buf, i], sem_g).wait()

        def accumulate(buf, ck):
            base_i = item_base + ck * _CH
            for i in range(_CH):
                def hbody(j, accs, i=i):
                    accs = list(accs)
                    for k5 in range(5):
                        h = j * 5 + k5
                        wv = plsc.bitcast(plsc.load_gather(
                            slab_v, [jnp.full((_L,), buf, jnp.int32),
                                     jnp.full((_L,), i, jnp.int32),
                                     jnp.full((_L,), _D + h, jnp.int32)]),
                            jnp.float32)
                        for c in range(_D // _L):
                            accs[c] = accs[c] + wv * rows_v[
                                buf, i, h, pl.ds(c * _L, _L)]
                    return tuple(accs)

                z = jnp.zeros((_L,), jnp.float32)
                accs = lax.fori_loop(0, _H // 5, hbody, (z,) * (_D // _L))
                for c in range(_D // _L):
                    sum_v[i, pl.ds(c * _L, _L)] = accs[c]
            pltpu.sync_copy(sum_v, hs_out.at[pl.ds(base_i, _CH)])

        for i in range(_CH):
            for c in range(_D // _L, 128 // _L):
                sum_v[i, pl.ds(c * _L, _L)] = jnp.zeros((_L,), jnp.float32)
        slab_fetch(0, 0).wait()
        slab_fetch(1, 1)
        fire_gathers(0)

        @pl.loop(0, _NCHUNK)
        def _chunk(ck):
            p = lax.rem(ck, 2)
            q = 1 - p

            @pl.when(ck < _NCHUNK - 1)
            def _():
                slab_drain(q)
                fire_gathers(q)

            drain_gathers(p)
            accumulate(p, ck)

            @pl.when(ck < _NCHUNK - 2)
            def _():
                slab_fetch(ck + 2, p)

        @pl.loop(0, 4)
        def _ug(ck):
            b = item_base + ck * 128
            pltpu.sync_copy(uid_hbm.at[pl.ds(b, 128)], id_v)
            pltpu.async_copy(user_hbm.at[id_v], row256_v, sem_s).wait()
            pltpu.sync_copy(row256_v, u_out.at[pl.ds(b, 128), pl.ds(0, _D)])

        @pl.loop(0, 4)
        def _ig(ck):
            b = item_base + ck * 128
            pltpu.sync_copy(iid_hbm.at[pl.ds(b, 128)], id_v)
            pltpu.async_copy(item_hbm.at[id_v], row256_v, sem_s).wait()
            pltpu.sync_copy(row256_v, ie_out.at[pl.ds(b, 128), pl.ds(0, _D)])

    return k(item_emb, user_emb, packed, uid, iid)


def _towers_body(u_ref, hs_ref, ie_ref, wsum_ref, tg_ref, ig_ref,
                 uar_ref, act_ref, ry_ref, iar_ref, rev_ref, bounds2_ref,
                 gph_ref, gpl_ref, dub_ref, dab_ref, dryb_ref, diab_ref,
                 drvb_ref, cu0_ref, ci0_ref,
                 Wu1h_ref, Wu1l_ref, bu1_ref, guln_ref, buln_ref,
                 Wu2h_ref, Wu2l_ref, bu2_ref,
                 Wi1h_ref, Wi1l_ref, bi1_ref, giln_ref, biln_ref,
                 Wi2h_ref, Wi2l_ref, bi2_ref,
                 uout_ref, iout_ref):
    f32, bf16 = jnp.float32, jnp.bfloat16
    lane_i = lax.broadcasted_iota(jnp.int32, (1, 128), 1)
    lane_v = lane_i % 64
    lane_tgt = jnp.where((lane_v >= 1) & (lane_v <= 20), lane_v, -1)
    lane_tgt = lane_tgt.astype(f32)
    sel2 = jnp.concatenate(
        [(lane_i < 64).astype(bf16), (lane_i >= 64).astype(bf16)], axis=0)

    def bdot(a, b):
        return jnp.dot(a, b, preferred_element_type=f32)

    def genre_counts(tg, ig):
        tgf, igf = tg.astype(bf16), ig.astype(bf16)
        counts = None
        cnt_u = (tg[:, 0:1] > 0).astype(f32)
        cnt_i = (ig[:, 0:1] > 0).astype(f32)
        for k in range(_G):
            pair = jnp.concatenate([tgf[:, k:k + 1], igf[:, k:k + 1]],
                                   axis=1)
            eq = (bdot(pair, sel2) == lane_tgt).astype(bf16)
            counts = eq if counts is None else counts + eq
            if k:
                cnt_u += (tg[:, k:k + 1] > 0).astype(f32)
                cnt_i += (ig[:, k:k + 1] > 0).astype(f32)
        ge = bdot(counts, gph_ref[...]) + bdot(counts, gpl_ref[...])
        return (ge[:, :_D] / (cnt_u + 1e-8), ge[:, _D:] / (cnt_i + 1e-8))

    def bucket(v, dtbl_ref):
        stair = (v > bounds2_ref[...]).astype(bf16)
        return bdot(stair, dtbl_ref[...])

    def mlp(c, W1h_ref, W1l_ref, b1_ref, g_ref, b_ref,
            W2h_ref, W2l_ref, b2_ref):
        ch = c.astype(bf16)
        cl = (c - ch.astype(f32)).astype(bf16)
        h = (bdot(ch, W1h_ref[...]) + bdot(cl, W1h_ref[...])
             + bdot(ch, W1l_ref[...])) + b1_ref[...]
        m = h.mean(axis=-1, keepdims=True)
        v = ((h - m) ** 2).mean(axis=-1, keepdims=True)
        h = (h - m) / jnp.sqrt(v + 1e-5) * g_ref[...] + b_ref[...]
        h = jnp.maximum(h, 0.0)
        hh = h.astype(bf16)
        hl = (h - hh.astype(f32)).astype(bf16)
        o = (bdot(hh, W2h_ref[...]) + bdot(hl, W2h_ref[...])
             + bdot(hh, W2l_ref[...])) + b2_ref[...]
        n = jnp.sqrt((o * o).sum(axis=-1, keepdims=True))
        return o / jnp.maximum(n, 1e-12)

    hist_agg = hs_ref[:, :_D] / (wsum_ref[...] + 1e-8)
    g_agg, g2 = genre_counts(tg_ref[...], ig_ref[...])
    cont_u = (bucket(uar_ref[...], dub_ref) + bucket(act_ref[...], dab_ref)
              + cu0_ref[...])
    cu = jnp.concatenate([u_ref[:, :_D], hist_agg, g_agg, cont_u], axis=1)
    uout_ref[...] = mlp(cu, Wu1h_ref, Wu1l_ref, bu1_ref, guln_ref, buln_ref,
                        Wu2h_ref, Wu2l_ref, bu2_ref)

    cont_i = (bucket(ry_ref[...], dryb_ref) + bucket(iar_ref[...], diab_ref)
              + bucket(rev_ref[...], drvb_ref) + ci0_ref[...])
    ci = jnp.concatenate([ie_ref[:, :_D], g2, cont_i], axis=1)
    iout_ref[...] = mlp(ci, Wi1h_ref, Wi1l_ref, bi1_ref, giln_ref, biln_ref,
                        Wi2h_ref, Wi2l_ref, bi2_ref)


def _towers(u, hs, ie, wsum, tg, ig, uar, act, ry, iar, rev, bounds2,
            gph, gpl, dub, dab, dryb, diab, drvb, cu0, ci0,
            Wu1h, Wu1l, bu1, guln, buln, Wu2h, Wu2l, bu2,
            Wi1h, Wi1l, bi1, giln, biln, Wi2h, Wi2l, bi2):
    nblk = _B // _BBLK

    def blk(r, c):
        return pl.BlockSpec((_BBLK, c), lambda i: (i, 0))

    def full(a):
        return pl.BlockSpec(a.shape, lambda i: tuple(0 for _ in a.shape))

    in_specs = [
        blk(_B, 128), blk(_B, 128), blk(_B, 128),
        blk(_B, 1), blk(_B, _G), blk(_B, _G),
        blk(_B, 1), blk(_B, 1), blk(_B, 1), blk(_B, 1), blk(_B, 1),
        full(bounds2), full(gph), full(gpl), full(dub), full(dab),
        full(dryb), full(diab), full(drvb), full(cu0), full(ci0),
        full(Wu1h), full(Wu1l), full(bu1), full(guln), full(buln),
        full(Wu2h), full(Wu2l), full(bu2),
        full(Wi1h), full(Wi1l), full(bi1), full(giln), full(biln),
        full(Wi2h), full(Wi2l), full(bi2),
    ]
    out_specs = (blk(_B, _D), blk(_B, _D))
    out_shape = (jax.ShapeDtypeStruct((_B, _D), jnp.float32),
                 jax.ShapeDtypeStruct((_B, _D), jnp.float32))
    return pl.pallas_call(
        _towers_body,
        grid=(nblk,),
        in_specs=in_specs,
        out_specs=out_specs,
        out_shape=out_shape,
    )(u, hs, ie, wsum, tg, ig, uar, act, ry, iar, rev, bounds2,
      gph, gpl, dub, dab, dryb, diab, drvb, cu0, ci0,
      Wu1h, Wu1l, bu1, guln, buln, Wu2h, Wu2l, bu2,
      Wi1h, Wi1l, bi1, giln, biln, Wi2h, Wi2l, bi2)


def kernel(user_id, history, top_genres, item_id, tmdb_genres,
           history_ts_diff, user_avg_rating, activity, release_year,
           item_avg_rating, revenue, item_emb, genre_emb, user_emb,
           u_avg_rating_bucket, activity_bucket, release_year_bucket,
           i_avg_rating_bucket, revenue_bucket,
           Wu1, bu1, gu_ln, bu_ln, Wu2, bu2,
           Wi1, bi1, gi_ln, bi_ln, Wi2, bi2):
    f32 = jnp.float32
    hist = history.astype(jnp.int32)
    tg = top_genres.astype(jnp.int32)
    ig = tmdb_genres.astype(jnp.int32)
    uid = user_id.astype(jnp.int32)
    iid = item_id.astype(jnp.int32)
    ts = history_ts_diff.astype(f32)

    packed, wsum = _prepack(hist, ts)
    hs, u, ie = _sc_gather_pool(item_emb, user_emb, packed, uid, iid)

    bf16 = jnp.bfloat16
    bounds1 = jnp.linspace(0.0, 1.0, _NB + 1)[1:-1].reshape(1, _NB - 1)
    bounds2 = jnp.concatenate([bounds1, bounds1], axis=1).astype(f32)

    def split(t):
        hi = t.astype(bf16)
        return hi, (t - hi.astype(f32)).astype(bf16)

    gpad = jnp.zeros((128, 128), f32)
    gpad = gpad.at[1:21, :_D].set(genre_emb[1:21])
    gpad = gpad.at[65:85, _D:].set(genre_emb[1:21])
    gph, gpl = split(gpad)

    def dstack(t):
        d = t[1:] - t[:-1]
        hi, lo = split(d)
        return jnp.concatenate([hi, lo], axis=0)

    row = lambda b: b.reshape(1, -1)
    col = lambda v: v.reshape(-1, 1).astype(f32)

    cu0 = (u_avg_rating_bucket[0] + activity_bucket[0]).reshape(1, _D)
    ci0 = (release_year_bucket[0] + i_avg_rating_bucket[0]
           + revenue_bucket[0]).reshape(1, _D)
    Wu1h, Wu1l = split(Wu1)
    Wu2h, Wu2l = split(Wu2)
    Wi1h, Wi1l = split(Wi1)
    Wi2h, Wi2l = split(Wi2)
    return _towers(
        u, hs, ie, wsum, tg, ig,
        col(user_avg_rating), col(activity), col(release_year),
        col(item_avg_rating), col(revenue), bounds2,
        gph, gpl, dstack(u_avg_rating_bucket),
        dstack(activity_bucket), dstack(release_year_bucket),
        dstack(i_avg_rating_bucket), dstack(revenue_bucket), cu0, ci0,
        Wu1h, Wu1l, row(bu1), row(gu_ln), row(bu_ln), Wu2h, Wu2l, row(bu2),
        Wi1h, Wi1l, row(bi1), row(gi_ln), row(bi_ln), Wi2h, Wi2l, row(bi2))

# --- scband reference (transcript-rebuilt; emitter-appended) ---
"""Pipeline reference for scband-dual-tower-model-89455578841456 (READ-ONLY COPY).

The authoritative reference and input builder live on the scoring server;
editing this copy changes nothing except your own understanding.
"""

import jax, jax.numpy as jnp
import numpy as np

B = 16384; H = 50; G = 6; VI = 100001; VU = 100001; VG = 21; D = 64; NB = 20

def _ln(x, g, b):
    m = x.mean(-1, keepdims=True)
    v = ((x - m) ** 2).mean(-1, keepdims=True)
    return (x - m) / jnp.sqrt(v + 1e-5) * g + b

def _l2norm(x):
    n = jnp.sqrt((x * x).sum(-1, keepdims=True))
    return x / jnp.maximum(n, 1e-12)

def setup_inputs(seed: int = 0):
    key = jax.random.key(seed)
    ks = jax.random.split(key, 40)
    inp = {}
    inp['user_id'] = jax.random.randint(ks[0], (B,), 0, VU)
    inp['history'] = jax.random.randint(ks[1], (B, H), 0, VI)
    inp['top_genres'] = jax.random.randint(ks[2], (B, G), 0, VG)
    inp['item_id'] = jax.random.randint(ks[3], (B,), 0, VI)
    inp['tmdb_genres'] = jax.random.randint(ks[4], (B, G), 0, VG)
    inp['history_ts_diff'] = jax.random.uniform(ks[5], (B, H), dtype=jnp.float32)
    inp['user_avg_rating'] = jax.random.uniform(ks[6], (B,), dtype=jnp.float32)
    inp['activity'] = jax.random.uniform(ks[7], (B,), dtype=jnp.float32)
    inp['release_year'] = jax.random.uniform(ks[8], (B,), dtype=jnp.float32)
    inp['item_avg_rating'] = jax.random.uniform(ks[9], (B,), dtype=jnp.float32)
    inp['revenue'] = jax.random.uniform(ks[10], (B,), dtype=jnp.float32)
    inp['item_emb'] = jax.random.normal(ks[11], (VI, D), dtype=jnp.float32) * 0.02
    inp['genre_emb'] = jax.random.normal(ks[12], (VG, D), dtype=jnp.float32) * 0.02
    inp['user_emb'] = jax.random.normal(ks[13], (VU, D), dtype=jnp.float32) * 0.02
    inp['u_avg_rating_bucket'] = jax.random.normal(ks[14], (NB, D), dtype=jnp.float32) * 0.02
    inp['activity_bucket'] = jax.random.normal(ks[15], (NB, D), dtype=jnp.float32) * 0.02
    inp['release_year_bucket'] = jax.random.normal(ks[16], (NB, D), dtype=jnp.float32) * 0.02
    inp['i_avg_rating_bucket'] = jax.random.normal(ks[17], (NB, D), dtype=jnp.float32) * 0.02
    inp['revenue_bucket'] = jax.random.normal(ks[18], (NB, D), dtype=jnp.float32) * 0.02
    inp['Wu1'] = jax.random.normal(ks[19], (4 * D, 2 * D), dtype=jnp.float32) * 0.05
    inp['bu1'] = jnp.zeros((2 * D,), dtype=jnp.float32)
    inp['gu_ln'] = jnp.ones((2 * D,), dtype=jnp.float32)
    inp['bu_ln'] = jnp.zeros((2 * D,), dtype=jnp.float32)
    inp['Wu2'] = jax.random.normal(ks[20], (2 * D, D), dtype=jnp.float32) * 0.05
    inp['bu2'] = jnp.zeros((D,), dtype=jnp.float32)
    inp['Wi1'] = jax.random.normal(ks[21], (3 * D, 2 * D), dtype=jnp.float32) * 0.05
    inp['bi1'] = jnp.zeros((2 * D,), dtype=jnp.float32)
    inp['gi_ln'] = jnp.ones((2 * D,), dtype=jnp.float32)
    inp['bi_ln'] = jnp.zeros((2 * D,), dtype=jnp.float32)
    inp['Wi2'] = jax.random.normal(ks[22], (2 * D, D), dtype=jnp.float32) * 0.05
    inp['bi2'] = jnp.zeros((D,), dtype=jnp.float32)
    return inp

def reference(user_id, history, top_genres, item_id, tmdb_genres,
              history_ts_diff, user_avg_rating, activity, release_year, item_avg_rating, revenue,
              item_emb, genre_emb, user_emb,
              u_avg_rating_bucket, activity_bucket, release_year_bucket, i_avg_rating_bucket, revenue_bucket,
              Wu1, bu1, gu_ln, bu_ln, Wu2, bu2,
              Wi1, bi1, gi_ln, bi_ln, Wi2, bi2):
    bounds = jnp.linspace(0.0, 1.0, NB + 1)[1:-1]
    # ---- user tower ----
    u = user_emb[user_id]
    hist = item_emb[history]
    hmask = (history > 0).astype(jnp.float32)
    tw = jnp.exp(-0.001 * history_ts_diff)
    cw = (tw * hmask)[..., None]
    hist_agg = (hist * cw).sum(1) / (cw.sum(1) + 1e-8)
    ge = genre_emb[top_genres]
    gmask = (top_genres > 0).astype(jnp.float32)[..., None]
    g_agg = (ge * gmask).sum(1) / (gmask.sum(1) + 1e-8)
    cont_u = u_avg_rating_bucket[jnp.searchsorted(bounds, user_avg_rating)] + activity_bucket[jnp.searchsorted(bounds, activity)]
    cu = jnp.concatenate([u, hist_agg, g_agg, cont_u], axis=1)
    hu = jnp.maximum(_ln(cu @ Wu1 + bu1, gu_ln, bu_ln), 0.0)
    u_out = _l2norm(hu @ Wu2 + bu2)
    # ---- item tower ----
    ie = item_emb[item_id]
    ge2 = genre_emb[tmdb_genres]
    gmask2 = (tmdb_genres > 0).astype(jnp.float32)[..., None]
    g2 = (ge2 * gmask2).sum(1) / (gmask2.sum(1) + 1e-8)
    cont_i = (release_year_bucket[jnp.searchsorted(bounds, release_year)]
              + i_avg_rating_bucket[jnp.searchsorted(bounds, item_avg_rating)]
              + revenue_bucket[jnp.searchsorted(bounds, revenue)])
    ci = jnp.concatenate([ie, g2, cont_i], axis=1)
    hi = jnp.maximum(_ln(ci @ Wi1 + bi1, gi_ln, bi_ln), 0.0)
    i_out = _l2norm(hi @ Wi2 + bi2)
    return (u_out, i_out)

if __name__ == "__main__":
    import jax
    _d = setup_inputs()
    print(jax.jit(kernel)(*tuple(_d.values())))

</pallas_src>

<mosaic_0001>
#map = affine_map<(d0, d1) -> (0, 0)>
#map1 = affine_map<(d0, d1) -> (0)>
module attributes {stable_mosaic.version = 14 : i64} {
  func.func @k(%arg0: i32, %arg1: i32, %arg2: memref<100001x64xf32, #tpu.memory_space<hbm>>, %arg3: memref<100001x64xf32, #tpu.memory_space<hbm>>, %arg4: memref<16384x128xi32, #tpu.memory_space<hbm>>, %arg5: memref<16384xi32, #tpu.memory_space<hbm>>, %arg6: memref<16384xi32, #tpu.memory_space<hbm>>, %arg7: memref<16384x128xf32, #tpu.memory_space<hbm>>, %arg8: memref<16384x128xf32, #tpu.memory_space<hbm>>, %arg9: memref<16384x128xf32, #tpu.memory_space<hbm>>, %arg10: memref<2x8x128xi32, #tpu.memory_space<vmem>>, %arg11: memref<2x8x56x64xf32, #tpu.memory_space<vmem>>, %arg12: memref<8x128xf32, #tpu.memory_space<vmem>>, %arg13: memref<128xi32, #tpu.memory_space<vmem>>, %arg14: memref<128x64xf32, #tpu.memory_space<vmem>>, %arg15: memref<!tpu.dma_semaphore, #tpu.memory_space<semaphore_mem>>, %arg16: memref<!tpu.dma_semaphore, #tpu.memory_space<semaphore_mem>>) attributes {dimension_semantics = [#tpu.dimension_semantics<core_parallel>, #tpu.dimension_semantics<subcore_parallel>], iteration_bounds = array<i64: 2, 16>, scalar_prefetch = 0 : i64, scratch_operands = 7 : i64, tpu.core_type = #tpu.core_type<sc_vector_subcore>, window_params = [{transform_indices = #map}, {transform_indices = #map}, {transform_indices = #map}, {transform_indices = #map1}, {transform_indices = #map1}, {transform_indices = #map}, {transform_indices = #map}, {transform_indices = #map}]} {
    %mul3A = arith.constant 2 : i32
    %mul3A_0 = arith.muli %arg1, %mul3A : i32
    %add3A = arith.addi %mul3A_0, %arg0 : i32
    %mul3A_1 = arith.constant 512 : i32
    %mul3A_2 = arith.muli %add3A, %mul3A_1 : i32
    %broadcast_in_dim3A = arith.constant 0.000000e+00 : f32
    %broadcast_in_dim3A_3 = vector.broadcast %broadcast_in_dim3A : f32 to vector<16xf32>
    %swap3A = arith.constant 0 : i32
    %swap3A_4 = arith.index_cast %swap3A : i32 to index
    %swap3A_5 = arith.constant 64 : index
    %swap3A_6 = tpu.vector_load %arg12[%swap3A_4, %swap3A_5] {strides = array<i32>} : memref<8x128xf32, #tpu.memory_space<vmem>>, vector<16xf32>,
    tpu.vector_store %arg12[%swap3A_4, %swap3A_5], %broadcast_in_dim3A_3 {strides = array<i32>} : memref<8x128xf32, #tpu.memory_space<vmem>>, vector<16xf32>,
    %broadcast_in_dim3A_7 = arith.constant 0.000000e+00 : f32
    %broadcast_in_dim3A_8 = vector.broadcast %broadcast_in_dim3A_7 : f32 to vector<16xf32>
    %swap3A_9 = arith.constant 0 : i32
    %swap3A_10 = arith.index_cast %swap3A_9 : i32 to index
    %swap3A_11 = arith.constant 80 : index
    %swap3A_12 = tpu.vector_load %arg12[%swap3A_10, %swap3A_11] {strides = array<i32>} : memref<8x128xf32, #tpu.memory_space<vmem>>, vector<16xf32>,
    tpu.vector_store %arg12[%swap3A_10, %swap3A_11], %broadcast_in_dim3A_8 {strides = array<i32>} : memref<8x128xf32, #tpu.memory_space<vmem>>, vector<16xf32>,
    %broadcast_in_dim3A_13 = arith.constant 0.000000e+00 : f32
    %broadcast_in_dim3A_14 = vector.broadcast %broadcast_in_dim3A_13 : f32 to vector<16xf32>
    %swap3A_15 = arith.constant 0 : i32
    %swap3A_16 = arith.index_cast %swap3A_15 : i32 to index
    %swap3A_17 = arith.constant 96 : index
    %swap3A_18 = tpu.vector_load %arg12[%swap3A_16, %swap3A_17] {strides = array<i32>} : memref<8x128xf32, #tpu.memory_space<vmem>>, vector<16xf32>,
    tpu.vector_store %arg12[%swap3A_16, %swap3A_17], %broadcast_in_dim3A_14 {strides = array<i32>} : memref<8x128xf32, #tpu.memory_space<vmem>>, vector<16xf32>,
    %broadcast_in_dim3A_19 = arith.constant 0.000000e+00 : f32
    %broadcast_in_dim3A_20 = vector.broadcast %broadcast_in_dim3A_19 : f32 to vector<16xf32>
    %swap3A_21 = arith.constant 0 : i32
    %swap3A_22 = arith.index_cast %swap3A_21 : i32 to index
    %swap3A_23 = arith.constant 112 : index
    %swap3A_24 = tpu.vector_load %arg12[%swap3A_22, %swap3A_23] {strides = array<i32>} : memref<8x128xf32, #tpu.memory_space<vmem>>, vector<16xf32>,
    tpu.vector_store %arg12[%swap3A_22, %swap3A_23], %broadcast_in_dim3A_20 {strides = array<i32>} : memref<8x128xf32, #tpu.memory_space<vmem>>, vector<16xf32>,
    %broadcast_in_dim3A_25 = arith.constant 0.000000e+00 : f32
    %broadcast_in_dim3A_26 = vector.broadcast %broadcast_in_dim3A_25 : f32 to vector<16xf32>
    %swap3A_27 = arith.constant 1 : i32
    %swap3A_28 = arith.index_cast %swap3A_27 : i32 to index
    %swap3A_29 = arith.constant 64 : index
    %swap3A_30 = tpu.vector_load %arg12[%swap3A_28, %swap3A_29] {strides = array<i32>} : memref<8x128xf32, #tpu.memory_space<vmem>>, vector<16xf32>,
    tpu.vector_store %arg12[%swap3A_28, %swap3A_29], %broadcast_in_dim3A_26 {strides = array<i32>} : memref<8x128xf32, #tpu.memory_space<vmem>>, vector<16xf32>,
    %broadcast_in_dim3A_31 = arith.constant 0.000000e+00 : f32
    %broadcast_in_dim3A_32 = vector.broadcast %broadcast_in_dim3A_31 : f32 to vector<16xf32>
    %swap3A_33 = arith.constant 1 : i32
    %swap3A_34 = arith.index_cast %swap3A_33 : i32 to index
    %swap3A_35 = arith.constant 80 : index
    %swap3A_36 = tpu.vector_load %arg12[%swap3A_34, %swap3A_35] {strides = array<i32>} : memref<8x128xf32, #tpu.memory_space<vmem>>, vector<16xf32>,
    tpu.vector_store %arg12[%swap3A_34, %swap3A_35], %broadcast_in_dim3A_32 {strides = array<i32>} : memref<8x128xf32, #tpu.memory_space<vmem>>, vector<16xf32>,
    %broadcast_in_dim3A_37 = arith.constant 0.000000e+00 : f32
    %broadcast_in_dim3A_38 = vector.broadcast %broadcast_in_dim3A_37 : f32 to vector<16xf32>
    %swap3A_39 = arith.constant 1 : i32
    %swap3A_40 = arith.index_cast %swap3A_39 : i32 to index
    %swap3A_41 = arith.constant 96 : index
    %swap3A_42 = tpu.vector_load %arg12[%swap3A_40, %swap3A_41] {strides = array<i32>} : memref<8x128xf32, #tpu.memory_space<vmem>>, vector<16xf32>,
    tpu.vector_store %arg12[%swap3A_40, %swap3A_41], %broadcast_in_dim3A_38 {strides = array<i32>} : memref<8x128xf32, #tpu.memory_space<vmem>>, vector<16xf32>,
    %broadcast_in_dim3A_43 = arith.constant 0.000000e+00 : f32
    %broadcast_in_dim3A_44 = vector.broadcast %broadcast_in_dim3A_43 : f32 to vector<16xf32>
    %swap3A_45 = arith.constant 1 : i32
    %swap3A_46 = arith.index_cast %swap3A_45 : i32 to index
    %swap3A_47 = arith.constant 112 : index
    %swap3A_48 = tpu.vector_load %arg12[%swap3A_46, %swap3A_47] {strides = array<i32>} : memref<8x128xf32, #tpu.memory_space<vmem>>, vector<16xf32>,
    tpu.vector_store %arg12[%swap3A_46, %swap3A_47], %broadcast_in_dim3A_44 {strides = array<i32>} : memref<8x128xf32, #tpu.memory_space<vmem>>, vector<16xf32>,
    %broadcast_in_dim3A_49 = arith.constant 0.000000e+00 : f32
    %broadcast_in_dim3A_50 = vector.broadcast %broadcast_in_dim3A_49 : f32 to vector<16xf32>
    %swap3A_51 = arith.constant 2 : i32
    %swap3A_52 = arith.index_cast %swap3A_51 : i32 to index
    %swap3A_53 = arith.constant 64 : index
    %swap3A_54 = tpu.vector_load %arg12[%swap3A_52, %swap3A_53] {strides = array<i32>} : memref<8x128xf32, #tpu.memory_space<vmem>>, vector<16xf32>,
    tpu.vector_store %arg12[%swap3A_52, %swap3A_53], %broadcast_in_dim3A_50 {strides = array<i32>} : memref<8x128xf32, #tpu.memory_space<vmem>>, vector<16xf32>,
    %broadcast_in_dim3A_55 = arith.constant 0.000000e+00 : f32
    %broadcast_in_dim3A_56 = vector.broadcast %broadcast_in_dim3A_55 : f32 to vector<16xf32>
    %swap3A_57 = arith.constant 2 : i32
    %swap3A_58 = arith.index_cast %swap3A_57 : i32 to index
    %swap3A_59 = arith.constant 80 : index
    %swap3A_60 = tpu.vector_load %arg12[%swap3A_58, %swap3A_59] {strides = array<i32>} : memref<8x128xf32, #tpu.memory_space<vmem>>, vector<16xf32>,
    tpu.vector_store %arg12[%swap3A_58, %swap3A_59], %broadcast_in_dim3A_56 {strides = array<i32>} : memref<8x128xf32, #tpu.memory_space<vmem>>, vector<16xf32>,
    %broadcast_in_dim3A_61 = arith.constant 0.000000e+00 : f32
    %broadcast_in_dim3A_62 = vector.broadcast %broadcast_in_dim3A_61 : f32 to vector<16xf32>
    %swap3A_63 = arith.constant 2 : i32
    %swap3A_64 = arith.index_cast %swap3A_63 : i32 to index
    %swap3A_65 = arith.constant 96 : index
    %swap3A_66 = tpu.vector_load %arg12[%swap3A_64, %swap3A_65] {strides = array<i32>} : memref<8x128xf32, #tpu.memory_space<vmem>>, vector<16xf32>,
    tpu.vector_store %arg12[%swap3A_64, %swap3A_65], %broadcast_in_dim3A_62 {strides = array<i32>} : memref<8x128xf32, #tpu.memory_space<vmem>>, vector<16xf32>,
    %broadcast_in_dim3A_67 = arith.constant 0.000000e+00 : f32
    %broadcast_in_dim3A_68 = vector.broadcast %broadcast_in_dim3A_67 : f32 to vector<16xf32>
    %swap3A_69 = arith.constant 2 : i32
    %swap3A_70 = arith.index_cast %swap3A_69 : i32 to index
    %swap3A_71 = arith.constant 112 : index
    %swap3A_72 = tpu.vector_load %arg12[%swap3A_70, %swap3A_71] {strides = array<i32>} : memref<8x128xf32, #tpu.memory_space<vmem>>, vector<16xf32>,
    tpu.vector_store %arg12[%swap3A_70, %swap3A_71], %broadcast_in_dim3A_68 {strides = array<i32>} : memref<8x128xf32, #tpu.memory_space<vmem>>, vector<16xf32>,
    %broadcast_in_dim3A_73 = arith.constant 0.000000e+00 : f32
    %broadcast_in_dim3A_74 = vector.broadcast %broadcast_in_dim3A_73 : f32 to vector<16xf32>
    %swap3A_75 = arith.constant 3 : i32
    %swap3A_76 = arith.index_cast %swap3A_75 : i32 to index
    %swap3A_77 = arith.constant 64 : index
    %swap3A_78 = tpu.vector_load %arg12[%swap3A_76, %swap3A_77] {strides = array<i32>} : memref<8x128xf32, #tpu.memory_space<vmem>>, vector<16xf32>,
    tpu.vector_store %arg12[%swap3A_76, %swap3A_77], %broadcast_in_dim3A_74 {strides = array<i32>} : memref<8x128xf32, #tpu.memory_space<vmem>>, vector<16xf32>,
    %broadcast_in_dim3A_79 = arith.constant 0.000000e+00 : f32
    %broadcast_in_dim3A_80 = vector.broadcast %broadcast_in_dim3A_79 : f32 to vector<16xf32>
    %swap3A_81 = arith.constant 3 : i32
    %swap3A_82 = arith.index_cast %swap3A_81 : i32 to index
    %swap3A_83 = arith.constant 80 : index
    %swap3A_84 = tpu.vector_load %arg12[%swap3A_82, %swap3A_83] {strides = array<i32>} : memref<8x128xf32, #tpu.memory_space<vmem>>, vector<16xf32>,
    tpu.vector_store %arg12[%swap3A_82, %swap3A_83], %broadcast_in_dim3A_80 {strides = array<i32>} : memref<8x128xf32, #tpu.memory_space<vmem>>, vector<16xf32>,
    %broadcast_in_dim3A_85 = arith.constant 0.000000e+00 : f32
    %broadcast_in_dim3A_86 = vector.broadcast %broadcast_in_dim3A_85 : f32 to vector<16xf32>
    %swap3A_87 = arith.constant 3 : i32
    %swap3A_88 = arith.index_cast %swap3A_87 : i32 to index
    %swap3A_89 = arith.constant 96 : index
    %swap3A_90 = tpu.vector_load %arg12[%swap3A_88, %swap3A_89] {strides = array<i32>} : memref<8x128xf32, #tpu.memory_space<vmem>>, vector<16xf32>,
    tpu.vector_store %arg12[%swap3A_88, %swap3A_89], %broadcast_in_dim3A_86 {strides = array<i32>} : memref<8x128xf32, #tpu.memory_space<vmem>>, vector<16xf32>,
    %broadcast_in_dim3A_91 = arith.constant 0.000000e+00 : f32
    %broadcast_in_dim3A_92 = vector.broadcast %broadcast_in_dim3A_91 : f32 to vector<16xf32>
    %swap3A_93 = arith.constant 3 : i32
    %swap3A_94 = arith.index_cast %swap3A_93 : i32 to index
    %swap3A_95 = arith.constant 112 : index
    %swap3A_96 = tpu.vector_load %arg12[%swap3A_94, %swap3A_95] {strides = array<i32>} : memref<8x128xf32, #tpu.memory_space<vmem>>, vector<16xf32>,
    tpu.vector_store %arg12[%swap3A_94, %swap3A_95], %broadcast_in_dim3A_92 {strides = array<i32>} : memref<8x128xf32, #tpu.memory_space<vmem>>, vector<16xf32>,
    %broadcast_in_dim3A_97 = arith.constant 0.000000e+00 : f32
    %broadcast_in_dim3A_98 = vector.broadcast %broadcast_in_dim3A_97 : f32 to vector<16xf32>
    %swap3A_99 = arith.constant 4 : i32
    %swap3A_100 = arith.index_cast %swap3A_99 : i32 to index
    %swap3A_101 = arith.constant 64 : index
    %swap3A_102 = tpu.vector_load %arg12[%swap3A_100, %swap3A_101] {strides = array<i32>} : memref<8x128xf32, #tpu.memory_space<vmem>>, vector<16xf32>,
    tpu.vector_store %arg12[%swap3A_100, %swap3A_101], %broadcast_in_dim3A_98 {strides = array<i32>} : memref<8x128xf32, #tpu.memory_space<vmem>>, vector<16xf32>,
    %broadcast_in_dim3A_103 = arith.constant 0.000000e+00 : f32
    %broadcast_in_dim3A_104 = vector.broadcast %broadcast_in_dim3A_103 : f32 to vector<16xf32>
    %swap3A_105 = arith.constant 4 : i32
    %swap3A_106 = arith.index_cast %swap3A_105 : i32 to index
    %swap3A_107 = arith.constant 80 : index
    %swap3A_108 = tpu.vector_load %arg12[%swap3A_106, %swap3A_107] {strides = array<i32>} : memref<8x128xf32, #tpu.memory_space<vmem>>, vector<16xf32>,
    tpu.vector_store %arg12[%swap3A_106, %swap3A_107], %broadcast_in_dim3A_104 {strides = array<i32>} : memref<8x128xf32, #tpu.memory_space<vmem>>, vector<16xf32>,
    %broadcast_in_dim3A_109 = arith.constant 0.000000e+00 : f32
    %broadcast_in_dim3A_110 = vector.broadcast %broadcast_in_dim3A_109 : f32 to vector<16xf32>
    %swap3A_111 = arith.constant 4 : i32
    %swap3A_112 = arith.index_cast %swap3A_111 : i32 to index
    %swap3A_113 = arith.constant 96 : index
    %swap3A_114 = tpu.vector_load %arg12[%swap3A_112, %swap3A_113] {strides = array<i32>} : memref<8x128xf32, #tpu.memory_space<vmem>>, vector<16xf32>,
    tpu.vector_store %arg12[%swap3A_112, %swap3A_113], %broadcast_in_dim3A_110 {strides = array<i32>} : memref<8x128xf32, #tpu.memory_space<vmem>>, vector<16xf32>,
    %broadcast_in_dim3A_115 = arith.constant 0.000000e+00 : f32
    %broadcast_in_dim3A_116 = vector.broadcast %broadcast_in_dim3A_115 : f32 to vector<16xf32>
    %swap3A_117 = arith.constant 4 : i32
    %swap3A_118 = arith.index_cast %swap3A_117 : i32 to index
    %swap3A_119 = arith.constant 112 : index
    %swap3A_120 = tpu.vector_load %arg12[%swap3A_118, %swap3A_119] {strides = array<i32>} : memref<8x128xf32, #tpu.memory_space<vmem>>, vector<16xf32>,
    tpu.vector_store %arg12[%swap3A_118, %swap3A_119], %broadcast_in_dim3A_116 {strides = array<i32>} : memref<8x128xf32, #tpu.memory_space<vmem>>, vector<16xf32>,
    %broadcast_in_dim3A_121 = arith.constant 0.000000e+00 : f32
    %broadcast_in_dim3A_122 = vector.broadcast %broadcast_in_dim3A_121 : f32 to vector<16xf32>
    %swap3A_123 = arith.constant 5 : i32
    %swap3A_124 = arith.index_cast %swap3A_123 : i32 to index
    %swap3A_125 = arith.constant 64 : index
    %swap3A_126 = tpu.vector_load %arg12[%swap3A_124, %swap3A_125] {strides = array<i32>} : memref<8x128xf32, #tpu.memory_space<vmem>>, vector<16xf32>,
    tpu.vector_store %arg12[%swap3A_124, %swap3A_125], %broadcast_in_dim3A_122 {strides = array<i32>} : memref<8x128xf32, #tpu.memory_space<vmem>>, vector<16xf32>,
    %broadcast_in_dim3A_127 = arith.constant 0.000000e+00 : f32
    %broadcast_in_dim3A_128 = vector.broadcast %broadcast_in_dim3A_127 : f32 to vector<16xf32>
    %swap3A_129 = arith.constant 5 : i32
    %swap3A_130 = arith.index_cast %swap3A_129 : i32 to index
    %swap3A_131 = arith.constant 80 : index
    %swap3A_132 = tpu.vector_load %arg12[%swap3A_130, %swap3A_131] {strides = array<i32>} : memref<8x128xf32, #tpu.memory_space<vmem>>, vector<16xf32>,
    tpu.vector_store %arg12[%swap3A_130, %swap3A_131], %broadcast_in_dim3A_128 {strides = array<i32>} : memref<8x128xf32, #tpu.memory_space<vmem>>, vector<16xf32>,
    %broadcast_in_dim3A_133 = arith.constant 0.000000e+00 : f32
    %broadcast_in_dim3A_134 = vector.broadcast %broadcast_in_dim3A_133 : f32 to vector<16xf32>
    %swap3A_135 = arith.constant 5 : i32
    %swap3A_136 = arith.index_cast %swap3A_135 : i32 to index
    %swap3A_137 = arith.constant 96 : index
    %swap3A_138 = tpu.vector_load %arg12[%swap3A_136, %swap3A_137] {strides = array<i32>} : memref<8x128xf32, #tpu.memory_space<vmem>>, vector<16xf32>,
    tpu.vector_store %arg12[%swap3A_136, %swap3A_137], %broadcast_in_dim3A_134 {strides = array<i32>} : memref<8x128xf32, #tpu.memory_space<vmem>>, vector<16xf32>,
    %broadcast_in_dim3A_139 = arith.constant 0.000000e+00 : f32
    %broadcast_in_dim3A_140 = vector.broadcast %broadcast_in_dim3A_139 : f32 to vector<16xf32>
    %swap3A_141 = arith.constant 5 : i32
    %swap3A_142 = arith.index_cast %swap3A_141 : i32 to index
    %swap3A_143 = arith.constant 112 : index
    %swap3A_144 = tpu.vector_load %arg12[%swap3A_142, %swap3A_143] {strides = array<i32>} : memref<8x128xf32, #tpu.memory_space<vmem>>, vector<16xf32>,
    tpu.vector_store %arg12[%swap3A_142, %swap3A_143], %broadcast_in_dim3A_140 {strides = array<i32>} : memref<8x128xf32, #tpu.memory_space<vmem>>, vector<16xf32>,
    %broadcast_in_dim3A_145 = arith.constant 0.000000e+00 : f32
    %broadcast_in_dim3A_146 = vector.broadcast %broadcast_in_dim3A_145 : f32 to vector<16xf32>
    %swap3A_147 = arith.constant 6 : i32
    %swap3A_148 = arith.index_cast %swap3A_147 : i32 to index
    %swap3A_149 = arith.constant 64 : index
    %swap3A_150 = tpu.vector_load %arg12[%swap3A_148, %swap3A_149] {strides = array<i32>} : memref<8x128xf32, #tpu.memory_space<vmem>>, vector<16xf32>,
    tpu.vector_store %arg12[%swap3A_148, %swap3A_149], %broadcast_in_dim3A_146 {strides = array<i32>} : memref<8x128xf32, #tpu.memory_space<vmem>>, vector<16xf32>,
    %broadcast_in_dim3A_151 = arith.constant 0.000000e+00 : f32
    %broadcast_in_dim3A_152 = vector.broadcast %broadcast_in_dim3A_151 : f32 to vector<16xf32>
    %swap3A_153 = arith.constant 6 : i32
    %swap3A_154 = arith.index_cast %swap3A_153 : i32 to index
    %swap3A_155 = arith.constant 80 : index
    %swap3A_156 = tpu.vector_load %arg12[%swap3A_154, %swap3A_155] {strides = array<i32>} : memref<8x128xf32, #tpu.memory_space<vmem>>, vector<16xf32>,
    tpu.vector_store %arg12[%swap3A_154, %swap3A_155], %broadcast_in_dim3A_152 {strides = array<i32>} : memref<8x128xf32, #tpu.memory_space<vmem>>, vector<16xf32>,
    %broadcast_in_dim3A_157 = arith.constant 0.000000e+00 : f32
    %broadcast_in_dim3A_158 = vector.broadcast %broadcast_in_dim3A_157 : f32 to vector<16xf32>
    %swap3A_159 = arith.constant 6 : i32
    %swap3A_160 = arith.index_cast %swap3A_159 : i32 to index
    %swap3A_161 = arith.constant 96 : index
    %swap3A_162 = tpu.vector_load %arg12[%swap3A_160, %swap3A_161] {strides = array<i32>} : memref<8x128xf32, #tpu.memory_space<vmem>>, vector<16xf32>,
    tpu.vector_store %arg12[%swap3A_160, %swap3A_161], %broadcast_in_dim3A_158 {strides = array<i32>} : memref<8x128xf32, #tpu.memory_space<vmem>>, vector<16xf32>,
    %broadcast_in_dim3A_163 = arith.constant 0.000000e+00 : f32
    %broadcast_in_dim3A_164 = vector.broadcast %broadcast_in_dim3A_163 : f32 to vector<16xf32>
    %swap3A_165 = arith.constant 6 : i32
    %swap3A_166 = arith.index_cast %swap3A_165 : i32 to index
    %swap3A_167 = arith.constant 112 : index
    %swap3A_168 = tpu.vector_load %arg12[%swap3A_166, %swap3A_167] {strides = array<i32>} : memref<8x128xf32, #tpu.memory_space<vmem>>, vector<16xf32>,
    tpu.vector_store %arg12[%swap3A_166, %swap3A_167], %broadcast_in_dim3A_164 {strides = array<i32>} : memref<8x128xf32, #tpu.memory_space<vmem>>, vector<16xf32>,
    %broadcast_in_dim3A_169 = arith.constant 0.000000e+00 : f32
    %broadcast_in_dim3A_170 = vector.broadcast %broadcast_in_dim3A_169 : f32 to vector<16xf32>
    %swap3A_171 = arith.constant 7 : i32
    %swap3A_172 = arith.index_cast %swap3A_171 : i32 to index
    %swap3A_173 = arith.constant 64 : index
    %swap3A_174 = tpu.vector_load %arg12[%swap3A_172, %swap3A_173] {strides = array<i32>} : memref<8x128xf32, #tpu.memory_space<vmem>>, vector<16xf32>,
    tpu.vector_store %arg12[%swap3A_172, %swap3A_173], %broadcast_in_dim3A_170 {strides = array<i32>} : memref<8x128xf32, #tpu.memory_space<vmem>>, vector<16xf32>,
    %broadcast_in_dim3A_175 = arith.constant 0.000000e+00 : f32
    %broadcast_in_dim3A_176 = vector.broadcast %broadcast_in_dim3A_175 : f32 to vector<16xf32>
    %swap3A_177 = arith.constant 7 : i32
    %swap3A_178 = arith.index_cast %swap3A_177 : i32 to index
    %swap3A_179 = arith.constant 80 : index
    %swap3A_180 = tpu.vector_load %arg12[%swap3A_178, %swap3A_179] {strides = array<i32>} : memref<8x128xf32, #tpu.memory_space<vmem>>, vector<16xf32>,
    tpu.vector_store %arg12[%swap3A_178, %swap3A_179], %broadcast_in_dim3A_176 {strides = array<i32>} : memref<8x128xf32, #tpu.memory_space<vmem>>, vector<16xf32>,
    %broadcast_in_dim3A_181 = arith.constant 0.000000e+00 : f32
    %broadcast_in_dim3A_182 = vector.broadcast %broadcast_in_dim3A_181 : f32 to vector<16xf32>
    %swap3A_183 = arith.constant 7 : i32
    %swap3A_184 = arith.index_cast %swap3A_183 : i32 to index
    %swap3A_185 = arith.constant 96 : index
    %swap3A_186 = tpu.vector_load %arg12[%swap3A_184, %swap3A_185] {strides = array<i32>} : memref<8x128xf32, #tpu.memory_space<vmem>>, vector<16xf32>,
    tpu.vector_store %arg12[%swap3A_184, %swap3A_185], %broadcast_in_dim3A_182 {strides = array<i32>} : memref<8x128xf32, #tpu.memory_space<vmem>>, vector<16xf32>,
    %broadcast_in_dim3A_187 = arith.constant 0.000000e+00 : f32
    %broadcast_in_dim3A_188 = vector.broadcast %broadcast_in_dim3A_187 : f32 to vector<16xf32>
    %swap3A_189 = arith.constant 7 : i32
    %swap3A_190 = arith.index_cast %swap3A_189 : i32 to index
    %swap3A_191 = arith.constant 112 : index
    %swap3A_192 = tpu.vector_load %arg12[%swap3A_190, %swap3A_191] {strides = array<i32>} : memref<8x128xf32, #tpu.memory_space<vmem>>, vector<16xf32>,
    tpu.vector_store %arg12[%swap3A_190, %swap3A_191], %broadcast_in_dim3A_188 {strides = array<i32>} : memref<8x128xf32, #tpu.memory_space<vmem>>, vector<16xf32>,
    %add3A_193 = arith.constant 0 : i32
    %add3A_194 = arith.addi %mul3A_2, %add3A_193 : i32
    %dma_start3A = arith.constant 0 : i32
    %dma_start3A_195 = arith.constant 0 : i32
    %dma_start3A_196 = arith.constant 0 : i32
    %dma_start3A_197 = tpu.memref_slice %arg10[%dma_start3A, %dma_start3A_195, %dma_start3A_196] : memref<2x8x128xi32, #tpu.memory_space<vmem>> -> memref<1x8x128xi32, #tpu.memory_space<vmem>>
    %dma_start3A_198 = tpu.memref_squeeze %dma_start3A_197 : memref<1x8x128xi32, #tpu.memory_space<vmem>> -> memref<8x128xi32, #tpu.memory_space<vmem>>
    %dma_start3A_199 = arith.constant 0 : i32
    %dma_start3A_200 = tpu.memref_slice %arg4[%add3A_194, %dma_start3A_199] : memref<16384x128xi32, #tpu.memory_space<hbm>> -> memref<8x128xi32, #tpu.memory_space<hbm>>
    %dma_start3A_201 = arith.constant 0 : i32
    %dma_start3A_202 = arith.constant 0 : i32
    %dma_start3A_203 = tpu.memref_slice %arg10[%dma_start3A, %dma_start3A_201, %dma_start3A_202] : memref<2x8x128xi32, #tpu.memory_space<vmem>> -> memref<1x8x128xi32, #tpu.memory_space<vmem>>
    %dma_start3A_204 = tpu.memref_squeeze %dma_start3A_203 : memref<1x8x128xi32, #tpu.memory_space<vmem>> -> memref<8x128xi32, #tpu.memory_space<vmem>>
    %dma_start3A_205 = arith.constant 0 : i32
    %dma_start3A_206 = tpu.memref_slice %arg4[%add3A_194, %dma_start3A_205] : memref<16384x128xi32, #tpu.memory_space<hbm>> -> memref<8x128xi32, #tpu.memory_space<hbm>>
    tpu.enqueue_dma source(%dma_start3A_206 : memref<8x128xi32, #tpu.memory_space<hbm>>) target(%dma_start3A_204 : memref<8x128xi32, #tpu.memory_space<vmem>>) target_semaphore(%arg15 : memref<!tpu.dma_semaphore, #tpu.memory_space<semaphore_mem>>)
    %dma_wait3A = arith.constant 0 : i32
    %dma_wait3A_207 = arith.constant 0 : i32
    %dma_wait3A_208 = arith.constant 0 : i32
    %dma_wait3A_209 = tpu.memref_slice %arg10[%dma_wait3A, %dma_wait3A_207, %dma_wait3A_208] : memref<2x8x128xi32, #tpu.memory_space<vmem>> -> memref<1x8x128xi32, #tpu.memory_space<vmem>>
    %dma_wait3A_210 = tpu.memref_squeeze %dma_wait3A_209 : memref<1x8x128xi32, #tpu.memory_space<vmem>> -> memref<8x128xi32, #tpu.memory_space<vmem>>
    %dma_wait3A_211 = arith.constant 0 : i32
    %dma_wait3A_212 = tpu.memref_slice %arg4[%add3A_194, %dma_wait3A_211] : memref<16384x128xi32, #tpu.memory_space<hbm>> -> memref<8x128xi32, #tpu.memory_space<hbm>>
    %dma_wait3A_213 = arith.constant 0 : i32
    %dma_wait3A_214 = arith.constant 0 : i32
    %dma_wait3A_215 = tpu.memref_slice %arg10[%dma_wait3A, %dma_wait3A_213, %dma_wait3A_214] : memref<2x8x128xi32, #tpu.memory_space<vmem>> -> memref<1x8x128xi32, #tpu.memory_space<vmem>>
    %dma_wait3A_216 = tpu.memref_squeeze %dma_wait3A_215 : memref<1x8x128xi32, #tpu.memory_space<vmem>> -> memref<8x128xi32, #tpu.memory_space<vmem>>
    %dma_wait3A_217 = arith.constant 0 : i32
    %dma_wait3A_218 = tpu.memref_slice %arg4[%add3A_194, %dma_wait3A_217] : memref<16384x128xi32, #tpu.memory_space<hbm>> -> memref<8x128xi32, #tpu.memory_space<hbm>>
    tpu.wait_dma2 semaphore(%arg15 : memref<!tpu.dma_semaphore, #tpu.memory_space<semaphore_mem>>) src(%dma_wait3A_218 : memref<8x128xi32, #tpu.memory_space<hbm>>) dst(%dma_wait3A_216 : memref<8x128xi32, #tpu.memory_space<vmem>>)
    %add3A_219 = arith.constant 8 : i32
    %add3A_220 = arith.addi %mul3A_2, %add3A_219 : i32
    %dma_start3A_221 = arith.constant 1 : i32
    %dma_start3A_222 = arith.constant 0 : i32
    %dma_start3A_223 = arith.constant 0 : i32
    %dma_start3A_224 = tpu.memref_slice %arg10[%dma_start3A_221, %dma_start3A_222, %dma_start3A_223] : memref<2x8x128xi32, #tpu.memory_space<vmem>> -> memref<1x8x128xi32, #tpu.memory_space<vmem>>
    %dma_start3A_225 = tpu.memref_squeeze %dma_start3A_224 : memref<1x8x128xi32, #tpu.memory_space<vmem>> -> memref<8x128xi32, #tpu.memory_space<vmem>>
    %dma_start3A_226 = arith.constant 0 : i32
    %dma_start3A_227 = tpu.memref_slice %arg4[%add3A_220, %dma_start3A_226] : memref<16384x128xi32, #tpu.memory_space<hbm>> -> memref<8x128xi32, #tpu.memory_space<hbm>>
    %dma_start3A_228 = arith.constant 0 : i32
    %dma_start3A_229 = arith.constant 0 : i32
    %dma_start3A_230 = tpu.memref_slice %arg10[%dma_start3A_221, %dma_start3A_228, %dma_start3A_229] : memref<2x8x128xi32, #tpu.memory_space<vmem>> -> memref<1x8x128xi32, #tpu.memory_space<vmem>>
    %dma_start3A_231 = tpu.memref_squeeze %dma_start3A_230 : memref<1x8x128xi32, #tpu.memory_space<vmem>> -> memref<8x128xi32, #tpu.memory_space<vmem>>
    %dma_start3A_232 = arith.constant 0 : i32
    %dma_start3A_233 = tpu.memref_slice %arg4[%add3A_220, %dma_start3A_232] : memref<16384x128xi32, #tpu.memory_space<hbm>> -> memref<8x128xi32, #tpu.memory_space<hbm>>
    tpu.enqueue_dma source(%dma_start3A_233 : memref<8x128xi32, #tpu.memory_space<hbm>>) target(%dma_start3A_231 : memref<8x128xi32, #tpu.memory_space<vmem>>) target_semaphore(%arg15 : memref<!tpu.dma_semaphore, #tpu.memory_space<semaphore_mem>>)
    %dma_start3A_234 = arith.constant 0 : i32
    %dma_start3A_235 = arith.constant 0 : i32
    %dma_start3A_236 = arith.constant 0 : i32
    %dma_start3A_237 = arith.constant 0 : i32
    %dma_start3A_238 = arith.constant 0 : i32
    %dma_start3A_239 = arith.constant 0 : i32
    %dma_start3A_240 = tpu.memref_slice %arg11[%dma_start3A_236, %dma_start3A_237, %dma_start3A_238, %dma_start3A_239] : memref<2x8x56x64xf32, #tpu.memory_space<vmem>> -> memref<1x1x56x64xf32, #tpu.memory_space<vmem>>
    %dma_start3A_241 = tpu.memref_squeeze %dma_start3A_240 : memref<1x1x56x64xf32, #tpu.memory_space<vmem>> -> memref<56x64xf32, #tpu.memory_space<vmem>>
    %dma_start3A_242 = arith.constant 0 : i32
    %dma_start3A_243 = tpu.memref_slice %arg10[%dma_start3A_234, %dma_start3A_235, %dma_start3A_242] : memref<2x8x128xi32, #tpu.memory_space<vmem>> -> memref<1x1x56xi32, #tpu.memory_space<vmem>>
    %dma_start3A_244 = tpu.memref_squeeze %dma_start3A_243 : memref<1x1x56xi32, #tpu.memory_space<vmem>> -> memref<56xi32, #tpu.memory_space<vmem>>
    %dma_start3A_245 = arith.constant 0 : i32
    %dma_start3A_246 = arith.constant 0 : i32
    %dma_start3A_247 = tpu.memref_slice %arg2[%dma_start3A_245, %dma_start3A_246] : memref<100001x64xf32, #tpu.memory_space<hbm>> -> memref<100001x64xf32, #tpu.memory_space<hbm>>
    tpu.enqueue_indirect_dma source(%dma_start3A_247 : memref<100001x64xf32, #tpu.memory_space<hbm>>) target(%dma_start3A_241 : memref<56x64xf32, #tpu.memory_space<vmem>>) offsets(%dma_start3A_244 : memref<56xi32, #tpu.memory_space<vmem>>) semaphore(%arg16 : memref<!tpu.dma_semaphore, #tpu.memory_space<semaphore_mem>>)
    %dma_start3A_248 = arith.constant 0 : i32
    %dma_start3A_249 = arith.constant 1 : i32
    %dma_start3A_250 = arith.constant 0 : i32
    %dma_start3A_251 = arith.constant 1 : i32
    %dma_start3A_252 = arith.constant 0 : i32
    %dma_start3A_253 = arith.constant 0 : i32
    %dma_start3A_254 = tpu.memref_slice %arg11[%dma_start3A_250, %dma_start3A_251, %dma_start3A_252, %dma_start3A_253] : memref<2x8x56x64xf32, #tpu.memory_space<vmem>> -> memref<1x1x56x64xf32, #tpu.memory_space<vmem>>
    %dma_start3A_255 = tpu.memref_squeeze %dma_start3A_254 : memref<1x1x56x64xf32, #tpu.memory_space<vmem>> -> memref<56x64xf32, #tpu.memory_space<vmem>>
    %dma_start3A_256 = arith.constant 0 : i32
    %dma_start3A_257 = tpu.memref_slice %arg10[%dma_start3A_248, %dma_start3A_249, %dma_start3A_256] : memref<2x8x128xi32, #tpu.memory_space<vmem>> -> memref<1x1x56xi32, #tpu.memory_space<vmem>>
    %dma_start3A_258 = tpu.memref_squeeze %dma_start3A_257 : memref<1x1x56xi32, #tpu.memory_space<vmem>> -> memref<56xi32, #tpu.memory_space<vmem>>
    %dma_start3A_259 = arith.constant 0 : i32
    %dma_start3A_260 = arith.constant 0 : i32
    %dma_start3A_261 = tpu.memref_slice %arg2[%dma_start3A_259, %dma_start3A_260] : memref<100001x64xf32, #tpu.memory_space<hbm>> -> memref<100001x64xf32, #tpu.memory_space<hbm>>
    tpu.enqueue_indirect_dma source(%dma_start3A_261 : memref<100001x64xf32, #tpu.memory_space<hbm>>) target(%dma_start3A_255 : memref<56x64xf32, #tpu.memory_space<vmem>>) offsets(%dma_start3A_258 : memref<56xi32, #tpu.memory_space<vmem>>) semaphore(%arg16 : memref<!tpu.dma_semaphore, #tpu.memory_space<semaphore_mem>>)
    %dma_start3A_262 = arith.constant 0 : i32
    %dma_start3A_263 = arith.constant 2 : i32
    %dma_start3A_264 = arith.constant 0 : i32
    %dma_start3A_265 = arith.constant 2 : i32
    %dma_start3A_266 = arith.constant 0 : i32
    %dma_start3A_267 = arith.constant 0 : i32
    %dma_start3A_268 = tpu.memref_slice %arg11[%dma_start3A_264, %dma_start3A_265, %dma_start3A_266, %dma_start3A_267] : memref<2x8x56x64xf32, #tpu.memory_space<vmem>> -> memref<1x1x56x64xf32, #tpu.memory_space<vmem>>
    %dma_start3A_269 = tpu.memref_squeeze %dma_start3A_268 : memref<1x1x56x64xf32, #tpu.memory_space<vmem>> -> memref<56x64xf32, #tpu.memory_space<vmem>>
    %dma_start3A_270 = arith.constant 0 : i32
    %dma_start3A_271 = tpu.memref_slice %arg10[%dma_start3A_262, %dma_start3A_263, %dma_start3A_270] : memref<2x8x128xi32, #tpu.memory_space<vmem>> -> memref<1x1x56xi32, #tpu.memory_space<vmem>>
    %dma_start3A_272 = tpu.memref_squeeze %dma_start3A_271 : memref<1x1x56xi32, #tpu.memory_space<vmem>> -> memref<56xi32, #tpu.memory_space<vmem>>
    %dma_start3A_273 = arith.constant 0 : i32
    %dma_start3A_274 = arith.constant 0 : i32
    %dma_start3A_275 = tpu.memref_slice %arg2[%dma_start3A_273, %dma_start3A_274] : memref<100001x64xf32, #tpu.memory_space<hbm>> -> memref<100001x64xf32, #tpu.memory_space<hbm>>
    tpu.enqueue_indirect_dma source(%dma_start3A_275 : memref<100001x64xf32, #tpu.memory_space<hbm>>) target(%dma_start3A_269 : memref<56x64xf32, #tpu.memory_space<vmem>>) offsets(%dma_start3A_272 : memref<56xi32, #tpu.memory_space<vmem>>) semaphore(%arg16 : memref<!tpu.dma_semaphore, #tpu.memory_space<semaphore_mem>>)
    %dma_start3A_276 = arith.constant 0 : i32
    %dma_start3A_277 = arith.constant 3 : i32
    %dma_start3A_278 = arith.constant 0 : i32
    %dma_start3A_279 = arith.constant 3 : i32
    %dma_start3A_280 = arith.constant 0 : i32
    %dma_start3A_281 = arith.constant 0 : i32
    %dma_start3A_282 = tpu.memref_slice %arg11[%dma_start3A_278, %dma_start3A_279, %dma_start3A_280, %dma_start3A_281] : memref<2x8x56x64xf32, #tpu.memory_space<vmem>> -> memref<1x1x56x64xf32, #tpu.memory_space<vmem>>
    %dma_start3A_283 = tpu.memref_squeeze %dma_start3A_282 : memref<1x1x56x64xf32, #tpu.memory_space<vmem>> -> memref<56x64xf32, #tpu.memory_space<vmem>>
    %dma_start3A_284 = arith.constant 0 : i32
    %dma_start3A_285 = tpu.memref_slice %arg10[%dma_start3A_276, %dma_start3A_277, %dma_start3A_284] : memref<2x8x128xi32, #tpu.memory_space<vmem>> -> memref<1x1x56xi32, #tpu.memory_space<vmem>>
    %dma_start3A_286 = tpu.memref_squeeze %dma_start3A_285 : memref<1x1x56xi32, #tpu.memory_space<vmem>> -> memref<56xi32, #tpu.memory_space<vmem>>
    %dma_start3A_287 = arith.constant 0 : i32
    %dma_start3A_288 = arith.constant 0 : i32
    %dma_start3A_289 = tpu.memref_slice %arg2[%dma_start3A_287, %dma_start3A_288] : memref<100001x64xf32, #tpu.memory_space<hbm>> -> memref<100001x64xf32, #tpu.memory_space<hbm>>
    tpu.enqueue_indirect_dma source(%dma_start3A_289 : memref<100001x64xf32, #tpu.memory_space<hbm>>) target(%dma_start3A_283 : memref<56x64xf32, #tpu.memory_space<vmem>>) offsets(%dma_start3A_286 : memref<56xi32, #tpu.memory_space<vmem>>) semaphore(%arg16 : memref<!tpu.dma_semaphore, #tpu.memory_space<semaphore_mem>>)
    %dma_start3A_290 = arith.constant 0 : i32
    %dma_start3A_291 = arith.constant 4 : i32
    %dma_start3A_292 = arith.constant 0 : i32
    %dma_start3A_293 = arith.constant 4 : i32
    %dma_start3A_294 = arith.constant 0 : i32
    %dma_start3A_295 = arith.constant 0 : i32
    %dma_start3A_296 = tpu.memref_slice %arg11[%dma_start3A_292, %dma_start3A_293, %dma_start3A_294, %dma_start3A_295] : memref<2x8x56x64xf32, #tpu.memory_space<vmem>> -> memref<1x1x56x64xf32, #tpu.memory_space<vmem>>
    %dma_start3A_297 = tpu.memref_squeeze %dma_start3A_296 : memref<1x1x56x64xf32, #tpu.memory_space<vmem>> -> memref<56x64xf32, #tpu.memory_space<vmem>>
    %dma_start3A_298 = arith.constant 0 : i32
    %dma_start3A_299 = tpu.memref_slice %arg10[%dma_start3A_290, %dma_start3A_291, %dma_start3A_298] : memref<2x8x128xi32, #tpu.memory_space<vmem>> -> memref<1x1x56xi32, #tpu.memory_space<vmem>>
    %dma_start3A_300 = tpu.memref_squeeze %dma_start3A_299 : memref<1x1x56xi32, #tpu.memory_space<vmem>> -> memref<56xi32, #tpu.memory_space<vmem>>
    %dma_start3A_301 = arith.constant 0 : i32
    %dma_start3A_302 = arith.constant 0 : i32
    %dma_start3A_303 = tpu.memref_slice %arg2[%dma_start3A_301, %dma_start3A_302] : memref<100001x64xf32, #tpu.memory_space<hbm>> -> memref<100001x64xf32, #tpu.memory_space<hbm>>
    tpu.enqueue_indirect_dma source(%dma_start3A_303 : memref<100001x64xf32, #tpu.memory_space<hbm>>) target(%dma_start3A_297 : memref<56x64xf32, #tpu.memory_space<vmem>>) offsets(%dma_start3A_300 : memref<56xi32, #tpu.memory_space<vmem>>) semaphore(%arg16 : memref<!tpu.dma_semaphore, #tpu.memory_space<semaphore_mem>>)
    %dma_start3A_304 = arith.constant 0 : i32
    %dma_start3A_305 = arith.constant 5 : i32
    %dma_start3A_306 = arith.constant 0 : i32
    %dma_start3A_307 = arith.constant 5 : i32
    %dma_start3A_308 = arith.constant 0 : i32
    %dma_start3A_309 = arith.constant 0 : i32
    %dma_start3A_310 = tpu.memref_slice %arg11[%dma_start3A_306, %dma_start3A_307, %dma_start3A_308, %dma_start3A_309] : memref<2x8x56x64xf32, #tpu.memory_space<vmem>> -> memref<1x1x56x64xf32, #tpu.memory_space<vmem>>
    %dma_start3A_311 = tpu.memref_squeeze %dma_start3A_310 : memref<1x1x56x64xf32, #tpu.memory_space<vmem>> -> memref<56x64xf32, #tpu.memory_space<vmem>>
    %dma_start3A_312 = arith.constant 0 : i32
    %dma_start3A_313 = tpu.memref_slice %arg10[%dma_start3A_304, %dma_start3A_305, %dma_start3A_312] : memref<2x8x128xi32, #tpu.memory_space<vmem>> -> memref<1x1x56xi32, #tpu.memory_space<vmem>>
    %dma_start3A_314 = tpu.memref_squeeze %dma_start3A_313 : memref<1x1x56xi32, #tpu.memory_space<vmem>> -> memref<56xi32, #tpu.memory_space<vmem>>
    %dma_start3A_315 = arith.constant 0 : i32
    %dma_start3A_316 = arith.constant 0 : i32
    %dma_start3A_317 = tpu.memref_slice %arg2[%dma_start3A_315, %dma_start3A_316] : memref<100001x64xf32, #tpu.memory_space<hbm>> -> memref<100001x64xf32, #tpu.memory_space<hbm>>
    tpu.enqueue_indirect_dma source(%dma_start3A_317 : memref<100001x64xf32, #tpu.memory_space<hbm>>) target(%dma_start3A_311 : memref<56x64xf32, #tpu.memory_space<vmem>>) offsets(%dma_start3A_314 : memref<56xi32, #tpu.memory_space<vmem>>) semaphore(%arg16 : memref<!tpu.dma_semaphore, #tpu.memory_space<semaphore_mem>>)
    %dma_start3A_318 = arith.constant 0 : i32
    %dma_start3A_319 = arith.constant 6 : i32
    %dma_start3A_320 = arith.constant 0 : i32
    %dma_start3A_321 = arith.constant 6 : i32
    %dma_start3A_322 = arith.constant 0 : i32
    %dma_start3A_323 = arith.constant 0 : i32
    %dma_start3A_324 = tpu.memref_slice %arg11[%dma_start3A_320, %dma_start3A_321, %dma_start3A_322, %dma_start3A_323] : memref<2x8x56x64xf32, #tpu.memory_space<vmem>> -> memref<1x1x56x64xf32, #tpu.memory_space<vmem>>
    %dma_start3A_325 = tpu.memref_squeeze %dma_start3A_324 : memref<1x1x56x64xf32, #tpu.memory_space<vmem>> -> memref<56x64xf32, #tpu.memory_space<vmem>>
    %dma_start3A_326 = arith.constant 0 : i32
    %dma_start3A_327 = tpu.memref_slice %arg10[%dma_start3A_318, %dma_start3A_319, %dma_start3A_326] : memref<2x8x128xi32, #tpu.memory_space<vmem>> -> memref<1x1x56xi32, #tpu.memory_space<vmem>>
    %dma_start3A_328 = tpu.memref_squeeze %dma_start3A_327 : memref<1x1x56xi32, #tpu.memory_space<vmem>> -> memref<56xi32, #tpu.memory_space<vmem>>
    %dma_start3A_329 = arith.constant 0 : i32
    %dma_start3A_330 = arith.constant 0 : i32
    %dma_start3A_331 = tpu.memref_slice %arg2[%dma_start3A_329, %dma_start3A_330] : memref<100001x64xf32, #tpu.memory_space<hbm>> -> memref<100001x64xf32, #tpu.memory_space<hbm>>
    tpu.enqueue_indirect_dma source(%dma_start3A_331 : memref<100001x64xf32, #tpu.memory_space<hbm>>) target(%dma_start3A_325 : memref<56x64xf32, #tpu.memory_space<vmem>>) offsets(%dma_start3A_328 : memref<56xi32, #tpu.memory_space<vmem>>) semaphore(%arg16 : memref<!tpu.dma_semaphore, #tpu.memory_space<semaphore_mem>>)
    %dma_start3A_332 = arith.constant 0 : i32
    %dma_start3A_333 = arith.constant 7 : i32
    %dma_start3A_334 = arith.constant 0 : i32
    %dma_start3A_335 = arith.constant 7 : i32
    %dma_start3A_336 = arith.constant 0 : i32
    %dma_start3A_337 = arith.constant 0 : i32
    %dma_start3A_338 = tpu.memref_slice %arg11[%dma_start3A_334, %dma_start3A_335, %dma_start3A_336, %dma_start3A_337] : memref<2x8x56x64xf32, #tpu.memory_space<vmem>> -> memref<1x1x56x64xf32, #tpu.memory_space<vmem>>
    %dma_start3A_339 = tpu.memref_squeeze %dma_start3A_338 : memref<1x1x56x64xf32, #tpu.memory_space<vmem>> -> memref<56x64xf32, #tpu.memory_space<vmem>>
    %dma_start3A_340 = arith.constant 0 : i32
    %dma_start3A_341 = tpu.memref_slice %arg10[%dma_start3A_332, %dma_start3A_333, %dma_start3A_340] : memref<2x8x128xi32, #tpu.memory_space<vmem>> -> memref<1x1x56xi32, #tpu.memory_space<vmem>>
    %dma_start3A_342 = tpu.memref_squeeze %dma_start3A_341 : memref<1x1x56xi32, #tpu.memory_space<vmem>> -> memref<56xi32, #tpu.memory_space<vmem>>
    %dma_start3A_343 = arith.constant 0 : i32
    %dma_start3A_344 = arith.constant 0 : i32
    %dma_start3A_345 = tpu.memref_slice %arg2[%dma_start3A_343, %dma_start3A_344] : memref<100001x64xf32, #tpu.memory_space<hbm>> -> memref<100001x64xf32, #tpu.memory_space<hbm>>
    tpu.enqueue_indirect_dma source(%dma_start3A_345 : memref<100001x64xf32, #tpu.memory_space<hbm>>) target(%dma_start3A_339 : memref<56x64xf32, #tpu.memory_space<vmem>>) offsets(%dma_start3A_342 : memref<56xi32, #tpu.memory_space<vmem>>) semaphore(%arg16 : memref<!tpu.dma_semaphore, #tpu.memory_space<semaphore_mem>>)
    %scan3A = arith.constant 0 : i32
    %scan3A_346 = arith.constant 64 : i32
    %scan3A_347 = arith.addi %scan3A, %scan3A_346 : i32
    %scan3A_348 = arith.constant 1 : i32
    scf.for %scan3A_360 = %scan3A to %scan3A_347 step %scan3A_348  : i32 {
      %mul3A_361 = arith.constant 1 : i32
      %mul3A_362 = arith.muli %scan3A_360, %mul3A_361 : i32
      %add3A_363 = arith.constant 0 : i32
      %add3A_364 = arith.addi %add3A_363, %mul3A_362 : i32
      %rem3A = arith.constant 2 : i32
      %rem3A_365 = arith.remsi %add3A_364, %rem3A : i32
      %sub3A = arith.constant 1 : i32
      %sub3A_366 = arith.subi %sub3A, %rem3A_365 : i32
      %lt3A = arith.constant 63 : i32
      %lt3A_367 = arith.cmpi slt, %add3A_364, %lt3A : i32
      %convert_element_type3A = arith.extui %lt3A_367 : i1 to i32
      %cond3A = arith.constant 0 : i32
      %cond3A_368 = arith.cmpi ne, %convert_element_type3A, %cond3A : i32
      scf.if %cond3A_368 {
        %dma_wait3A_665 = arith.constant 0 : i32
        %dma_wait3A_666 = arith.constant 0 : i32
        %dma_wait3A_667 = tpu.memref_slice %arg10[%sub3A_366, %dma_wait3A_665, %dma_wait3A_666] : memref<2x8x128xi32, #tpu.memory_space<vmem>> -> memref<1x8x128xi32, #tpu.memory_space<vmem>>
        %dma_wait3A_668 = tpu.memref_squeeze %dma_wait3A_667 : memref<1x8x128xi32, #tpu.memory_space<vmem>> -> memref<8x128xi32, #tpu.memory_space<vmem>>
        %dma_wait3A_669 = arith.constant 0 : i32
        %dma_wait3A_670 = arith.constant 0 : i32
        %dma_wait3A_671 = tpu.memref_slice %arg4[%dma_wait3A_669, %dma_wait3A_670] : memref<16384x128xi32, #tpu.memory_space<hbm>> -> memref<8x128xi32, #tpu.memory_space<hbm>>
        %dma_wait3A_672 = arith.constant 0 : i32
        %dma_wait3A_673 = arith.constant 0 : i32
        %dma_wait3A_674 = tpu.memref_slice %arg10[%sub3A_366, %dma_wait3A_672, %dma_wait3A_673] : memref<2x8x128xi32, #tpu.memory_space<vmem>> -> memref<1x8x128xi32, #tpu.memory_space<vmem>>
        %dma_wait3A_675 = tpu.memref_squeeze %dma_wait3A_674 : memref<1x8x128xi32, #tpu.memory_space<vmem>> -> memref<8x128xi32, #tpu.memory_space<vmem>>
        %dma_wait3A_676 = arith.constant 0 : i32
        %dma_wait3A_677 = arith.constant 0 : i32
        %dma_wait3A_678 = tpu.memref_slice %arg4[%dma_wait3A_676, %dma_wait3A_677] : memref<16384x128xi32, #tpu.memory_space<hbm>> -> memref<8x128xi32, #tpu.memory_space<hbm>>
        tpu.wait_dma2 semaphore(%arg15 : memref<!tpu.dma_semaphore, #tpu.memory_space<semaphore_mem>>) src(%dma_wait3A_678 : memref<8x128xi32, #tpu.memory_space<hbm>>) dst(%dma_wait3A_675 : memref<8x128xi32, #tpu.memory_space<vmem>>)
        %dma_start3A_679 = arith.constant 0 : i32
        %dma_start3A_680 = arith.constant 0 : i32
        %dma_start3A_681 = arith.constant 0 : i32
        %dma_start3A_682 = arith.constant 0 : i32
        %dma_start3A_683 = tpu.memref_slice %arg11[%sub3A_366, %dma_start3A_680, %dma_start3A_681, %dma_start3A_682] : memref<2x8x56x64xf32, #tpu.memory_space<vmem>> -> memref<1x1x56x64xf32, #tpu.memory_space<vmem>>
        %dma_start3A_684 = tpu.memref_squeeze %dma_start3A_683 : memref<1x1x56x64xf32, #tpu.memory_space<vmem>> -> memref<56x64xf32, #tpu.memory_space<vmem>>
        %dma_start3A_685 = arith.constant 0 : i32
        %dma_start3A_686 = tpu.memref_slice %arg10[%sub3A_366, %dma_start3A_679, %dma_start3A_685] : memref<2x8x128xi32, #tpu.memory_space<vmem>> -> memref<1x1x56xi32, #tpu.memory_space<vmem>>
        %dma_start3A_687 = tpu.memref_squeeze %dma_start3A_686 : memref<1x1x56xi32, #tpu.memory_space<vmem>> -> memref<56xi32, #tpu.memory_space<vmem>>
        %dma_start3A_688 = arith.constant 0 : i32
        %dma_start3A_689 = arith.constant 0 : i32
        %dma_start3A_690 = tpu.memref_slice %arg2[%dma_start3A_688, %dma_start3A_689] : memref<100001x64xf32, #tpu.memory_space<hbm>> -> memref<100001x64xf32, #tpu.memory_space<hbm>>
        tpu.enqueue_indirect_dma source(%dma_start3A_690 : memref<100001x64xf32, #tpu.memory_space<hbm>>) target(%dma_start3A_684 : memref<56x64xf32, #tpu.memory_space<vmem>>) offsets(%dma_start3A_687 : memref<56xi32, #tpu.memory_space<vmem>>) semaphore(%arg16 : memref<!tpu.dma_semaphore, #tpu.memory_space<semaphore_mem>>)
        %dma_start3A_691 = arith.constant 1 : i32
        %dma_start3A_692 = arith.constant 1 : i32
        %dma_start3A_693 = arith.constant 0 : i32
        %dma_start3A_694 = arith.constant 0 : i32
        %dma_start3A_695 = tpu.memref_slice %arg11[%sub3A_366, %dma_start3A_692, %dma_start3A_693, %dma_start3A_694] : memref<2x8x56x64xf32, #tpu.memory_space<vmem>> -> memref<1x1x56x64xf32, #tpu.memory_space<vmem>>
        %dma_start3A_696 = tpu.memref_squeeze %dma_start3A_695 : memref<1x1x56x64xf32, #tpu.memory_space<vmem>> -> memref<56x64xf32, #tpu.memory_space<vmem>>
        %dma_start3A_697 = arith.constant 0 : i32
        %dma_start3A_698 = tpu.memref_slice %arg10[%sub3A_366, %dma_start3A_691, %dma_start3A_697] : memref<2x8x128xi32, #tpu.memory_space<vmem>> -> memref<1x1x56xi32, #tpu.memory_space<vmem>>
        %dma_start3A_699 = tpu.memref_squeeze %dma_start3A_698 : memref<1x1x56xi32, #tpu.memory_space<vmem>> -> memref<56xi32, #tpu.memory_space<vmem>>
        %dma_start3A_700 = arith.constant 0 : i32
        %dma_start3A_701 = arith.constant 0 : i32
        %dma_start3A_702 = tpu.memref_slice %arg2[%dma_start3A_700, %dma_start3A_701] : memref<100001x64xf32, #tpu.memory_space<hbm>> -> memref<100001x64xf32, #tpu.memory_space<hbm>>
        tpu.enqueue_indirect_dma source(%dma_start3A_702 : memref<100001x64xf32, #tpu.memory_space<hbm>>) target(%dma_start3A_696 : memref<56x64xf32, #tpu.memory_space<vmem>>) offsets(%dma_start3A_699 : memref<56xi32, #tpu.memory_space<vmem>>) semaphore(%arg16 : memref<!tpu.dma_semaphore, #tpu.memory_space<semaphore_mem>>)
        %dma_start3A_703 = arith.constant 2 : i32
        %dma_start3A_704 = arith.constant 2 : i32
        %dma_start3A_705 = arith.constant 0 : i32
        %dma_start3A_706 = arith.constant 0 : i32
        %dma_start3A_707 = tpu.memref_slice %arg11[%sub3A_366, %dma_start3A_704, %dma_start3A_705, %dma_start3A_706] : memref<2x8x56x64xf32, #tpu.memory_space<vmem>> -> memref<1x1x56x64xf32, #tpu.memory_space<vmem>>
        %dma_start3A_708 = tpu.memref_squeeze %dma_start3A_707 : memref<1x1x56x64xf32, #tpu.memory_space<vmem>> -> memref<56x64xf32, #tpu.memory_space<vmem>>
        %dma_start3A_709 = arith.constant 0 : i32
        %dma_start3A_710 = tpu.memref_slice %arg10[%sub3A_366, %dma_start3A_703, %dma_start3A_709] : memref<2x8x128xi32, #tpu.memory_space<vmem>> -> memref<1x1x56xi32, #tpu.memory_space<vmem>>
        %dma_start3A_711 = tpu.memref_squeeze %dma_start3A_710 : memref<1x1x56xi32, #tpu.memory_space<vmem>> -> memref<56xi32, #tpu.memory_space<vmem>>
        %dma_start3A_712 = arith.constant 0 : i32
        %dma_start3A_713 = arith.constant 0 : i32
        %dma_start3A_714 = tpu.memref_slice %arg2[%dma_start3A_712, %dma_start3A_713] : memref<100001x64xf32, #tpu.memory_space<hbm>> -> memref<100001x64xf32, #tpu.memory_space<hbm>>
        tpu.enqueue_indirect_dma source(%dma_start3A_714 : memref<100001x64xf32, #tpu.memory_space<hbm>>) target(%dma_start3A_708 : memref<56x64xf32, #tpu.memory_space<vmem>>) offsets(%dma_start3A_711 : memref<56xi32, #tpu.memory_space<vmem>>) semaphore(%arg16 : memref<!tpu.dma_semaphore, #tpu.memory_space<semaphore_mem>>)
        %dma_start3A_715 = arith.constant 3 : i32
        %dma_start3A_716 = arith.constant 3 : i32
        %dma_start3A_717 = arith.constant 0 : i32
        %dma_start3A_718 = arith.constant 0 : i32
        %dma_start3A_719 = tpu.memref_slice %arg11[%sub3A_366, %dma_start3A_716, %dma_start3A_717, %dma_start3A_718] : memref<2x8x56x64xf32, #tpu.memory_space<vmem>> -> memref<1x1x56x64xf32, #tpu.memory_space<vmem>>
        %dma_start3A_720 = tpu.memref_squeeze %dma_start3A_719 : memref<1x1x56x64xf32, #tpu.memory_space<vmem>> -> memref<56x64xf32, #tpu.memory_space<vmem>>
        %dma_start3A_721 = arith.constant 0 : i32
        %dma_start3A_722 = tpu.memref_slice %arg10[%sub3A_366, %dma_start3A_715, %dma_start3A_721] : memref<2x8x128xi32, #tpu.memory_space<vmem>> -> memref<1x1x56xi32, #tpu.memory_space<vmem>>
        %dma_start3A_723 = tpu.memref_squeeze %dma_start3A_722 : memref<1x1x56xi32, #tpu.memory_space<vmem>> -> memref<56xi32, #tpu.memory_space<vmem>>
        %dma_start3A_724 = arith.constant 0 : i32
        %dma_start3A_725 = arith.constant 0 : i32
        %dma_start3A_726 = tpu.memref_slice %arg2[%dma_start3A_724, %dma_start3A_725] : memref<100001x64xf32, #tpu.memory_space<hbm>> -> memref<100001x64xf32, #tpu.memory_space<hbm>>
        tpu.enqueue_indirect_dma source(%dma_start3A_726 : memref<100001x64xf32, #tpu.memory_space<hbm>>) target(%dma_start3A_720 : memref<56x64xf32, #tpu.memory_space<vmem>>) offsets(%dma_start3A_723 : memref<56xi32, #tpu.memory_space<vmem>>) semaphore(%arg16 : memref<!tpu.dma_semaphore, #tpu.memory_space<semaphore_mem>>)
        %dma_start3A_727 = arith.constant 4 : i32
        %dma_start3A_728 = arith.constant 4 : i32
        %dma_start3A_729 = arith.constant 0 : i32
        %dma_start3A_730 = arith.constant 0 : i32
        %dma_start3A_731 = tpu.memref_slice %arg11[%sub3A_366, %dma_start3A_728, %dma_start3A_729, %dma_start3A_730] : memref<2x8x56x64xf32, #tpu.memory_space<vmem>> -> memref<1x1x56x64xf32, #tpu.memory_space<vmem>>
        %dma_start3A_732 = tpu.memref_squeeze %dma_start3A_731 : memref<1x1x56x64xf32, #tpu.memory_space<vmem>> -> memref<56x64xf32, #tpu.memory_space<vmem>>
        %dma_start3A_733 = arith.constant 0 : i32
        %dma_start3A_734 = tpu.memref_slice %arg10[%sub3A_366, %dma_start3A_727, %dma_start3A_733] : memref<2x8x128xi32, #tpu.memory_space<vmem>> -> memref<1x1x56xi32, #tpu.memory_space<vmem>>
        %dma_start3A_735 = tpu.memref_squeeze %dma_start3A_734 : memref<1x1x56xi32, #tpu.memory_space<vmem>> -> memref<56xi32, #tpu.memory_space<vmem>>
        %dma_start3A_736 = arith.constant 0 : i32
        %dma_start3A_737 = arith.constant 0 : i32
        %dma_start3A_738 = tpu.memref_slice %arg2[%dma_start3A_736, %dma_start3A_737] : memref<100001x64xf32, #tpu.memory_space<hbm>> -> memref<100001x64xf32, #tpu.memory_space<hbm>>
        tpu.enqueue_indirect_dma source(%dma_start3A_738 : memref<100001x64xf32, #tpu.memory_space<hbm>>) target(%dma_start3A_732 : memref<56x64xf32, #tpu.memory_space<vmem>>) offsets(%dma_start3A_735 : memref<56xi32, #tpu.memory_space<vmem>>) semaphore(%arg16 : memref<!tpu.dma_semaphore, #tpu.memory_space<semaphore_mem>>)
        %dma_start3A_739 = arith.constant 5 : i32
        %dma_start3A_740 = arith.constant 5 : i32
        %dma_start3A_741 = arith.constant 0 : i32
        %dma_start3A_742 = arith.constant 0 : i32
        %dma_start3A_743 = tpu.memref_slice %arg11[%sub3A_366, %dma_start3A_740, %dma_start3A_741, %dma_start3A_742] : memref<2x8x56x64xf32, #tpu.memory_space<vmem>> -> memref<1x1x56x64xf32, #tpu.memory_space<vmem>>
        %dma_start3A_744 = tpu.memref_squeeze %dma_start3A_743 : memref<1x1x56x64xf32, #tpu.memory_space<vmem>> -> memref<56x64xf32, #tpu.memory_space<vmem>>
        %dma_start3A_745 = arith.constant 0 : i32
        %dma_start3A_746 = tpu.memref_slice %arg10[%sub3A_366, %dma_start3A_739, %dma_start3A_745] : memref<2x8x128xi32, #tpu.memory_space<vmem>> -> memref<1x1x56xi32, #tpu.memory_space<vmem>>
        %dma_start3A_747 = tpu.memref_squeeze %dma_start3A_746 : memref<1x1x56xi32, #tpu.memory_space<vmem>> -> memref<56xi32, #tpu.memory_space<vmem>>
        %dma_start3A_748 = arith.constant 0 : i32
        %dma_start3A_749 = arith.constant 0 : i32
        %dma_start3A_750 = tpu.memref_slice %arg2[%dma_start3A_748, %dma_start3A_749] : memref<100001x64xf32, #tpu.memory_space<hbm>> -> memref<100001x64xf32, #tpu.memory_space<hbm>>
        tpu.enqueue_indirect_dma source(%dma_start3A_750 : memref<100001x64xf32, #tpu.memory_space<hbm>>) target(%dma_start3A_744 : memref<56x64xf32, #tpu.memory_space<vmem>>) offsets(%dma_start3A_747 : memref<56xi32, #tpu.memory_space<vmem>>) semaphore(%arg16 : memref<!tpu.dma_semaphore, #tpu.memory_space<semaphore_mem>>)
        %dma_start3A_751 = arith.constant 6 : i32
        %dma_start3A_752 = arith.constant 6 : i32
        %dma_start3A_753 = arith.constant 0 : i32
        %dma_start3A_754 = arith.constant 0 : i32
        %dma_start3A_755 = tpu.memref_slice %arg11[%sub3A_366, %dma_start3A_752, %dma_start3A_753, %dma_start3A_754] : memref<2x8x56x64xf32, #tpu.memory_space<vmem>> -> memref<1x1x56x64xf32, #tpu.memory_space<vmem>>
        %dma_start3A_756 = tpu.memref_squeeze %dma_start3A_755 : memref<1x1x56x64xf32, #tpu.memory_space<vmem>> -> memref<56x64xf32, #tpu.memory_space<vmem>>
        %dma_start3A_757 = arith.constant 0 : i32
        %dma_start3A_758 = tpu.memref_slice %arg10[%sub3A_366, %dma_start3A_751, %dma_start3A_757] : memref<2x8x128xi32, #tpu.memory_space<vmem>> -> memref<1x1x56xi32, #tpu.memory_space<vmem>>
        %dma_start3A_759 = tpu.memref_squeeze %dma_start3A_758 : memref<1x1x56xi32, #tpu.memory_space<vmem>> -> memref<56xi32, #tpu.memory_space<vmem>>
        %dma_start3A_760 = arith.constant 0 : i32
        %dma_start3A_761 = arith.constant 0 : i32
        %dma_start3A_762 = tpu.memref_slice %arg2[%dma_start3A_760, %dma_start3A_761] : memref<100001x64xf32, #tpu.memory_space<hbm>> -> memref<100001x64xf32, #tpu.memory_space<hbm>>
        tpu.enqueue_indirect_dma source(%dma_start3A_762 : memref<100001x64xf32, #tpu.memory_space<hbm>>) target(%dma_start3A_756 : memref<56x64xf32, #tpu.memory_space<vmem>>) offsets(%dma_start3A_759 : memref<56xi32, #tpu.memory_space<vmem>>) semaphore(%arg16 : memref<!tpu.dma_semaphore, #tpu.memory_space<semaphore_mem>>)
        %dma_start3A_763 = arith.constant 7 : i32
        %dma_start3A_764 = arith.constant 7 : i32
        %dma_start3A_765 = arith.constant 0 : i32
        %dma_start3A_766 = arith.constant 0 : i32
        %dma_start3A_767 = tpu.memref_slice %arg11[%sub3A_366, %dma_start3A_764, %dma_start3A_765, %dma_start3A_766] : memref<2x8x56x64xf32, #tpu.memory_space<vmem>> -> memref<1x1x56x64xf32, #tpu.memory_space<vmem>>
        %dma_start3A_768 = tpu.memref_squeeze %dma_start3A_767 : memref<1x1x56x64xf32, #tpu.memory_space<vmem>> -> memref<56x64xf32, #tpu.memory_space<vmem>>
        %dma_start3A_769 = arith.constant 0 : i32
        %dma_start3A_770 = tpu.memref_slice %arg10[%sub3A_366, %dma_start3A_763, %dma_start3A_769] : memref<2x8x128xi32, #tpu.memory_space<vmem>> -> memref<1x1x56xi32, #tpu.memory_space<vmem>>
        %dma_start3A_771 = tpu.memref_squeeze %dma_start3A_770 : memref<1x1x56xi32, #tpu.memory_space<vmem>> -> memref<56xi32, #tpu.memory_space<vmem>>
        %dma_start3A_772 = arith.constant 0 : i32
        %dma_start3A_773 = arith.constant 0 : i32
        %dma_start3A_774 = tpu.memref_slice %arg2[%dma_start3A_772, %dma_start3A_773] : memref<100001x64xf32, #tpu.memory_space<hbm>> -> memref<100001x64xf32, #tpu.memory_space<hbm>>
        tpu.enqueue_indirect_dma source(%dma_start3A_774 : memref<100001x64xf32, #tpu.memory_space<hbm>>) target(%dma_start3A_768 : memref<56x64xf32, #tpu.memory_space<vmem>>) offsets(%dma_start3A_771 : memref<56xi32, #tpu.memory_space<vmem>>) semaphore(%arg16 : memref<!tpu.dma_semaphore, #tpu.memory_space<semaphore_mem>>)
      } else {
      }
      %dma_wait3A_369 = arith.constant 0 : i32
      %dma_wait3A_370 = arith.constant 0 : i32
      %dma_wait3A_371 = arith.constant 0 : i32
      %dma_wait3A_372 = arith.constant 0 : i32
      %dma_wait3A_373 = tpu.memref_slice %arg11[%rem3A_365, %dma_wait3A_370, %dma_wait3A_371, %dma_wait3A_372] : memref<2x8x56x64xf32, #tpu.memory_space<vmem>> -> memref<1x1x56x64xf32, #tpu.memory_space<vmem>>
      %dma_wait3A_374 = tpu.memref_squeeze %dma_wait3A_373 : memref<1x1x56x64xf32, #tpu.memory_space<vmem>> -> memref<56x64xf32, #tpu.memory_space<vmem>>
      %dma_wait3A_375 = arith.constant 0 : i32
      %dma_wait3A_376 = tpu.memref_slice %arg10[%rem3A_365, %dma_wait3A_369, %dma_wait3A_375] : memref<2x8x128xi32, #tpu.memory_space<vmem>> -> memref<1x1x56xi32, #tpu.memory_space<vmem>>
      %dma_wait3A_377 = tpu.memref_squeeze %dma_wait3A_376 : memref<1x1x56xi32, #tpu.memory_space<vmem>> -> memref<56xi32, #tpu.memory_space<vmem>>
      %dma_wait3A_378 = arith.constant 0 : i32
      %dma_wait3A_379 = arith.constant 0 : i32
      %dma_wait3A_380 = tpu.memref_slice %arg2[%dma_wait3A_378, %dma_wait3A_379] : memref<100001x64xf32, #tpu.memory_space<hbm>> -> memref<100001x64xf32, #tpu.memory_space<hbm>>
      tpu.wait_indirect_dma semaphore(%arg16 : memref<!tpu.dma_semaphore, #tpu.memory_space<semaphore_mem>>) src(%dma_wait3A_380 : memref<100001x64xf32, #tpu.memory_space<hbm>>) dst(%dma_wait3A_374 : memref<56x64xf32, #tpu.memory_space<vmem>>)
      %dma_wait3A_381 = arith.constant 1 : i32
      %dma_wait3A_382 = arith.constant 1 : i32
      %dma_wait3A_383 = arith.constant 0 : i32
      %dma_wait3A_384 = arith.constant 0 : i32
      %dma_wait3A_385 = tpu.memref_slice %arg11[%rem3A_365, %dma_wait3A_382, %dma_wait3A_383, %dma_wait3A_384] : memref<2x8x56x64xf32, #tpu.memory_space<vmem>> -> memref<1x1x56x64xf32, #tpu.memory_space<vmem>>
      %dma_wait3A_386 = tpu.memref_squeeze %dma_wait3A_385 : memref<1x1x56x64xf32, #tpu.memory_space<vmem>> -> memref<56x64xf32, #tpu.memory_space<vmem>>
      %dma_wait3A_387 = arith.constant 0 : i32
      %dma_wait3A_388 = tpu.memref_slice %arg10[%rem3A_365, %dma_wait3A_381, %dma_wait3A_387] : memref<2x8x128xi32, #tpu.memory_space<vmem>> -> memref<1x1x56xi32, #tpu.memory_space<vmem>>
      %dma_wait3A_389 = tpu.memref_squeeze %dma_wait3A_388 : memref<1x1x56xi32, #tpu.memory_space<vmem>> -> memref<56xi32, #tpu.memory_space<vmem>>
      %dma_wait3A_390 = arith.constant 0 : i32
      %dma_wait3A_391 = arith.constant 0 : i32
      %dma_wait3A_392 = tpu.memref_slice %arg2[%dma_wait3A_390, %dma_wait3A_391] : memref<100001x64xf32, #tpu.memory_space<hbm>> -> memref<100001x64xf32, #tpu.memory_space<hbm>>
      tpu.wait_indirect_dma semaphore(%arg16 : memref<!tpu.dma_semaphore, #tpu.memory_space<semaphore_mem>>) src(%dma_wait3A_392 : memref<100001x64xf32, #tpu.memory_space<hbm>>) dst(%dma_wait3A_386 : memref<56x64xf32, #tpu.memory_space<vmem>>)
      %dma_wait3A_393 = arith.constant 2 : i32
      %dma_wait3A_394 = arith.constant 2 : i32
      %dma_wait3A_395 = arith.constant 0 : i32
      %dma_wait3A_396 = arith.constant 0 : i32
      %dma_wait3A_397 = tpu.memref_slice %arg11[%rem3A_365, %dma_wait3A_394, %dma_wait3A_395, %dma_wait3A_396] : memref<2x8x56x64xf32, #tpu.memory_space<vmem>> -> memref<1x1x56x64xf32, #tpu.memory_space<vmem>>
      %dma_wait3A_398 = tpu.memref_squeeze %dma_wait3A_397 : memref<1x1x56x64xf32, #tpu.memory_space<vmem>> -> memref<56x64xf32, #tpu.memory_space<vmem>>
      %dma_wait3A_399 = arith.constant 0 : i32
      %dma_wait3A_400 = tpu.memref_slice %arg10[%rem3A_365, %dma_wait3A_393, %dma_wait3A_399] : memref<2x8x128xi32, #tpu.memory_space<vmem>> -> memref<1x1x56xi32, #tpu.memory_space<vmem>>
      %dma_wait3A_401 = tpu.memref_squeeze %dma_wait3A_400 : memref<1x1x56xi32, #tpu.memory_space<vmem>> -> memref<56xi32, #tpu.memory_space<vmem>>
      %dma_wait3A_402 = arith.constant 0 : i32
      %dma_wait3A_403 = arith.constant 0 : i32
      %dma_wait3A_404 = tpu.memref_slice %arg2[%dma_wait3A_402, %dma_wait3A_403] : memref<100001x64xf32, #tpu.memory_space<hbm>> -> memref<100001x64xf32, #tpu.memory_space<hbm>>
      tpu.wait_indirect_dma semaphore(%arg16 : memref<!tpu.dma_semaphore, #tpu.memory_space<semaphore_mem>>) src(%dma_wait3A_404 : memref<100001x64xf32, #tpu.memory_space<hbm>>) dst(%dma_wait3A_398 : memref<56x64xf32, #tpu.memory_space<vmem>>)
      %dma_wait3A_405 = arith.constant 3 : i32
      %dma_wait3A_406 = arith.constant 3 : i32
      %dma_wait3A_407 = arith.constant 0 : i32
      %dma_wait3A_408 = arith.constant 0 : i32
      %dma_wait3A_409 = tpu.memref_slice %arg11[%rem3A_365, %dma_wait3A_406, %dma_wait3A_407, %dma_wait3A_408] : memref<2x8x56x64xf32, #tpu.memory_space<vmem>> -> memref<1x1x56x64xf32, #tpu.memory_space<vmem>>
      %dma_wait3A_410 = tpu.memref_squeeze %dma_wait3A_409 : memref<1x1x56x64xf32, #tpu.memory_space<vmem>> -> memref<56x64xf32, #tpu.memory_space<vmem>>
      %dma_wait3A_411 = arith.constant 0 : i32
      %dma_wait3A_412 = tpu.memref_slice %arg10[%rem3A_365, %dma_wait3A_405, %dma_wait3A_411] : memref<2x8x128xi32, #tpu.memory_space<vmem>> -> memref<1x1x56xi32, #tpu.memory_space<vmem>>
      %dma_wait3A_413 = tpu.memref_squeeze %dma_wait3A_412 : memref<1x1x56xi32, #tpu.memory_space<vmem>> -> memref<56xi32, #tpu.memory_space<vmem>>
      %dma_wait3A_414 = arith.constant 0 : i32
      %dma_wait3A_415 = arith.constant 0 : i32
      %dma_wait3A_416 = tpu.memref_slice %arg2[%dma_wait3A_414, %dma_wait3A_415] : memref<100001x64xf32, #tpu.memory_space<hbm>> -> memref<100001x64xf32, #tpu.memory_space<hbm>>
      tpu.wait_indirect_dma semaphore(%arg16 : memref<!tpu.dma_semaphore, #tpu.memory_space<semaphore_mem>>) src(%dma_wait3A_416 : memref<100001x64xf32, #tpu.memory_space<hbm>>) dst(%dma_wait3A_410 : memref<56x64xf32, #tpu.memory_space<vmem>>)
      %dma_wait3A_417 = arith.constant 4 : i32
      %dma_wait3A_418 = arith.constant 4 : i32
      %dma_wait3A_419 = arith.constant 0 : i32
      %dma_wait3A_420 = arith.constant 0 : i32
      %dma_wait3A_421 = tpu.memref_slice %arg11[%rem3A_365, %dma_wait3A_418, %dma_wait3A_419, %dma_wait3A_420] : memref<2x8x56x64xf32, #tpu.memory_space<vmem>> -> memref<1x1x56x64xf32, #tpu.memory_space<vmem>>
      %dma_wait3A_422 = tpu.memref_squeeze %dma_wait3A_421 : memref<1x1x56x64xf32, #tpu.memory_space<vmem>> -> memref<56x64xf32, #tpu.memory_space<vmem>>
      %dma_wait3A_423 = arith.constant 0 : i32
      %dma_wait3A_424 = tpu.memref_slice %arg10[%rem3A_365, %dma_wait3A_417, %dma_wait3A_423] : memref<2x8x128xi32, #tpu.memory_space<vmem>> -> memref<1x1x56xi32, #tpu.memory_space<vmem>>
      %dma_wait3A_425 = tpu.memref_squeeze %dma_wait3A_424 : memref<1x1x56xi32, #tpu.memory_space<vmem>> -> memref<56xi32, #tpu.memory_space<vmem>>
      %dma_wait3A_426 = arith.constant 0 : i32
      %dma_wait3A_427 = arith.constant 0 : i32
      %dma_wait3A_428 = tpu.memref_slice %arg2[%dma_wait3A_426, %dma_wait3A_427] : memref<100001x64xf32, #tpu.memory_space<hbm>> -> memref<100001x64xf32, #tpu.memory_space<hbm>>
      tpu.wait_indirect_dma semaphore(%arg16 : memref<!tpu.dma_semaphore, #tpu.memory_space<semaphore_mem>>) src(%dma_wait3A_428 : memref<100001x64xf32, #tpu.memory_space<hbm>>) dst(%dma_wait3A_422 : memref<56x64xf32, #tpu.memory_space<vmem>>)
      %dma_wait3A_429 = arith.constant 5 : i32
      %dma_wait3A_430 = arith.constant 5 : i32
      %dma_wait3A_431 = arith.constant 0 : i32
      %dma_wait3A_432 = arith.constant 0 : i32
      %dma_wait3A_433 = tpu.memref_slice %arg11[%rem3A_365, %dma_wait3A_430, %dma_wait3A_431, %dma_wait3A_432] : memref<2x8x56x64xf32, #tpu.memory_space<vmem>> -> memref<1x1x56x64xf32, #tpu.memory_space<vmem>>
      %dma_wait3A_434 = tpu.memref_squeeze %dma_wait3A_433 : memref<1x1x56x64xf32, #tpu.memory_space<vmem>> -> memref<56x64xf32, #tpu.memory_space<vmem>>
      %dma_wait3A_435 = arith.constant 0 : i32
      %dma_wait3A_436 = tpu.memref_slice %arg10[%rem3A_365, %dma_wait3A_429, %dma_wait3A_435] : memref<2x8x128xi32, #tpu.memory_space<vmem>> -> memref<1x1x56xi32, #tpu.memory_space<vmem>>
      %dma_wait3A_437 = tpu.memref_squeeze %dma_wait3A_436 : memref<1x1x56xi32, #tpu.memory_space<vmem>> -> memref<56xi32, #tpu.memory_space<vmem>>
      %dma_wait3A_438 = arith.constant 0 : i32
      %dma_wait3A_439 = arith.constant 0 : i32
      %dma_wait3A_440 = tpu.memref_slice %arg2[%dma_wait3A_438, %dma_wait3A_439] : memref<100001x64xf32, #tpu.memory_space<hbm>> -> memref<100001x64xf32, #tpu.memory_space<hbm>>
      tpu.wait_indirect_dma semaphore(%arg16 : memref<!tpu.dma_semaphore, #tpu.memory_space<semaphore_mem>>) src(%dma_wait3A_440 : memref<100001x64xf32, #tpu.memory_space<hbm>>) dst(%dma_wait3A_434 : memref<56x64xf32, #tpu.memory_space<vmem>>)
      %dma_wait3A_441 = arith.constant 6 : i32
      %dma_wait3A_442 = arith.constant 6 : i32
      %dma_wait3A_443 = arith.constant 0 : i32
      %dma_wait3A_444 = arith.constant 0 : i32
      %dma_wait3A_445 = tpu.memref_slice %arg11[%rem3A_365, %dma_wait3A_442, %dma_wait3A_443, %dma_wait3A_444] : memref<2x8x56x64xf32, #tpu.memory_space<vmem>> -> memref<1x1x56x64xf32, #tpu.memory_space<vmem>>
      %dma_wait3A_446 = tpu.memref_squeeze %dma_wait3A_445 : memref<1x1x56x64xf32, #tpu.memory_space<vmem>> -> memref<56x64xf32, #tpu.memory_space<vmem>>
      %dma_wait3A_447 = arith.constant 0 : i32
      %dma_wait3A_448 = tpu.memref_slice %arg10[%rem3A_365, %dma_wait3A_441, %dma_wait3A_447] : memref<2x8x128xi32, #tpu.memory_space<vmem>> -> memref<1x1x56xi32, #tpu.memory_space<vmem>>
      %dma_wait3A_449 = tpu.memref_squeeze %dma_wait3A_448 : memref<1x1x56xi32, #tpu.memory_space<vmem>> -> memref<56xi32, #tpu.memory_space<vmem>>
      %dma_wait3A_450 = arith.constant 0 : i32
      %dma_wait3A_451 = arith.constant 0 : i32
      %dma_wait3A_452 = tpu.memref_slice %arg2[%dma_wait3A_450, %dma_wait3A_451] : memref<100001x64xf32, #tpu.memory_space<hbm>> -> memref<100001x64xf32, #tpu.memory_space<hbm>>
      tpu.wait_indirect_dma semaphore(%arg16 : memref<!tpu.dma_semaphore, #tpu.memory_space<semaphore_mem>>) src(%dma_wait3A_452 : memref<100001x64xf32, #tpu.memory_space<hbm>>) dst(%dma_wait3A_446 : memref<56x64xf32, #tpu.memory_space<vmem>>)
      %dma_wait3A_453 = arith.constant 7 : i32
      %dma_wait3A_454 = arith.constant 7 : i32
      %dma_wait3A_455 = arith.constant 0 : i32
      %dma_wait3A_456 = arith.constant 0 : i32
      %dma_wait3A_457 = tpu.memref_slice %arg11[%rem3A_365, %dma_wait3A_454, %dma_wait3A_455, %dma_wait3A_456] : memref<2x8x56x64xf32, #tpu.memory_space<vmem>> -> memref<1x1x56x64xf32, #tpu.memory_space<vmem>>
      %dma_wait3A_458 = tpu.memref_squeeze %dma_wait3A_457 : memref<1x1x56x64xf32, #tpu.memory_space<vmem>> -> memref<56x64xf32, #tpu.memory_space<vmem>>
      %dma_wait3A_459 = arith.constant 0 : i32
      %dma_wait3A_460 = tpu.memref_slice %arg10[%rem3A_365, %dma_wait3A_453, %dma_wait3A_459] : memref<2x8x128xi32, #tpu.memory_space<vmem>> -> memref<1x1x56xi32, #tpu.memory_space<vmem>>
      %dma_wait3A_461 = tpu.memref_squeeze %dma_wait3A_460 : memref<1x1x56xi32, #tpu.memory_space<vmem>> -> memref<56xi32, #tpu.memory_space<vmem>>
      %dma_wait3A_462 = arith.constant 0 : i32
      %dma_wait3A_463 = arith.constant 0 : i32
      %dma_wait3A_464 = tpu.memref_slice %arg2[%dma_wait3A_462, %dma_wait3A_463] : memref<100001x64xf32, #tpu.memory_space<hbm>> -> memref<100001x64xf32, #tpu.memory_space<hbm>>
      tpu.wait_indirect_dma semaphore(%arg16 : memref<!tpu.dma_semaphore, #tpu.memory_space<semaphore_mem>>) src(%dma_wait3A_464 : memref<100001x64xf32, #tpu.memory_space<hbm>>) dst(%dma_wait3A_458 : memref<56x64xf32, #tpu.memory_space<vmem>>)
      %mul3A_465 = arith.constant 8 : i32
      %mul3A_466 = arith.muli %add3A_364, %mul3A_465 : i32
      %add3A_467 = arith.addi %mul3A_2, %mul3A_466 : i32
      %broadcast_in_dim3A_468 = arith.constant 0.000000e+00 : f32
      %broadcast_in_dim3A_469 = vector.broadcast %broadcast_in_dim3A_468 : f32 to vector<16xf32>
      %scan3A_470 = arith.constant 0 : i32
      %scan3A_471 = arith.constant 10 : i32
      %scan3A_472 = arith.addi %scan3A_470, %scan3A_471 : i32
      %scan3A_473 = arith.constant 1 : i32
      %scan3A_474:4 = scf.for %scan3A_665 = %scan3A_470 to %scan3A_472 step %scan3A_473 iter_args(%scan3A_666 = %broadcast_in_dim3A_469, %scan3A_667 = %broadcast_in_dim3A_469, %scan3A_668 = %broadcast_in_dim3A_469, %scan3A_669 = %broadcast_in_dim3A_469) -> (vector<16xf32>, vector<16xf32>, vector<16xf32>, vector<16xf32>)  : i32 {
        %mul3A_670 = arith.constant 5 : i32
        %mul3A_671 = arith.muli %scan3A_665, %mul3A_670 : i32
        %add3A_672 = arith.constant 0 : i32
        %add3A_673 = arith.addi %mul3A_671, %add3A_672 : i32
        %broadcast_in_dim3A_674 = vector.broadcast %rem3A_365 : i32 to vector<16xi32>
        %broadcast_in_dim3A_675 = arith.constant 0 : i32
        %broadcast_in_dim3A_676 = vector.broadcast %broadcast_in_dim3A_675 : i32 to vector<16xi32>
        %add3A_677 = arith.constant 64 : i32
        %add3A_678 = arith.addi %add3A_677, %add3A_673 : i32
        %broadcast_in_dim3A_679 = vector.broadcast %add3A_678 : i32 to vector<16xi32>
        %gather3A = tpu.vector_load_idx %arg10[%broadcast_in_dim3A_674, %broadcast_in_dim3A_676, %broadcast_in_dim3A_679] : memref<2x8x128xi32, #tpu.memory_space<vmem>>[vector<16xi32>, vector<16xi32>, vector<16xi32>], vector<16xi32>,
        %bitcast3A = vector.bitcast %gather3A : vector<16xi32> to vector<16xf32>
        %get3A = arith.constant 0 : i32
        %get3A_680 = arith.index_cast %rem3A_365 : i32 to index
        %get3A_681 = arith.index_cast %get3A : i32 to index
        %get3A_682 = arith.index_cast %add3A_673 : i32 to index
        %get3A_683 = arith.constant 0 : index
        %get3A_684 = tpu.vector_load %arg11[%get3A_680, %get3A_681, %get3A_682, %get3A_683] {strides = array<i32>} : memref<2x8x56x64xf32, #tpu.memory_space<vmem>>, vector<16xf32>,
        %mul3A_685 = arith.mulf %bitcast3A, %get3A_684 : vector<16xf32>
        %add3A_686 = arith.addf %scan3A_666, %mul3A_685 : vector<16xf32>
        %get3A_687 = arith.constant 0 : i32
        %get3A_688 = arith.index_cast %rem3A_365 : i32 to index
        %get3A_689 = arith.index_cast %get3A_687 : i32 to index
        %get3A_690 = arith.index_cast %add3A_673 : i32 to index
        %get3A_691 = arith.constant 16 : index
        %get3A_692 = tpu.vector_load %arg11[%get3A_688, %get3A_689, %get3A_690, %get3A_691] {strides = array<i32>} : memref<2x8x56x64xf32, #tpu.memory_space<vmem>>, vector<16xf32>,
        %mul3A_693 = arith.mulf %bitcast3A, %get3A_692 : vector<16xf32>
        %add3A_694 = arith.addf %scan3A_667, %mul3A_693 : vector<16xf32>
        %get3A_695 = arith.constant 0 : i32
        %get3A_696 = arith.index_cast %rem3A_365 : i32 to index
        %get3A_697 = arith.index_cast %get3A_695 : i32 to index
        %get3A_698 = arith.index_cast %add3A_673 : i32 to index
        %get3A_699 = arith.constant 32 : index
        %get3A_700 = tpu.vector_load %arg11[%get3A_696, %get3A_697, %get3A_698, %get3A_699] {strides = array<i32>} : memref<2x8x56x64xf32, #tpu.memory_space<vmem>>, vector<16xf32>,
        %mul3A_701 = arith.mulf %bitcast3A, %get3A_700 : vector<16xf32>
        %add3A_702 = arith.addf %scan3A_668, %mul3A_701 : vector<16xf32>
        %get3A_703 = arith.constant 0 : i32
        %get3A_704 = arith.index_cast %rem3A_365 : i32 to index
        %get3A_705 = arith.index_cast %get3A_703 : i32 to index
        %get3A_706 = arith.index_cast %add3A_673 : i32 to index
        %get3A_707 = arith.constant 48 : index
        %get3A_708 = tpu.vector_load %arg11[%get3A_704, %get3A_705, %get3A_706, %get3A_707] {strides = array<i32>} : memref<2x8x56x64xf32, #tpu.memory_space<vmem>>, vector<16xf32>,
        %mul3A_709 = arith.mulf %bitcast3A, %get3A_708 : vector<16xf32>
        %add3A_710 = arith.addf %scan3A_669, %mul3A_709 : vector<16xf32>
        %mul3A_711 = arith.constant 5 : i32
        %mul3A_712 = arith.muli %scan3A_665, %mul3A_711 : i32
        %add3A_713 = arith.constant 1 : i32
        %add3A_714 = arith.addi %mul3A_712, %add3A_713 : i32
        %broadcast_in_dim3A_715 = vector.broadcast %rem3A_365 : i32 to vector<16xi32>
        %broadcast_in_dim3A_716 = arith.constant 0 : i32
        %broadcast_in_dim3A_717 = vector.broadcast %broadcast_in_dim3A_716 : i32 to vector<16xi32>
        %add3A_718 = arith.constant 64 : i32
        %add3A_719 = arith.addi %add3A_718, %add3A_714 : i32
        %broadcast_in_dim3A_720 = vector.broadcast %add3A_719 : i32 to vector<16xi32>
        %gather3A_721 = tpu.vector_load_idx %arg10[%broadcast_in_dim3A_715, %broadcast_in_dim3A_717, %broadcast_in_dim3A_720] : memref<2x8x128xi32, #tpu.memory_space<vmem>>[vector<16xi32>, vector<16xi32>, vector<16xi32>], vector<16xi32>,
        %bitcast3A_722 = vector.bitcast %gather3A_721 : vector<16xi32> to vector<16xf32>
        %get3A_723 = arith.constant 0 : i32
        %get3A_724 = arith.index_cast %rem3A_365 : i32 to index
        %get3A_725 = arith.index_cast %get3A_723 : i32 to index
        %get3A_726 = arith.index_cast %add3A_714 : i32 to index
        %get3A_727 = arith.constant 0 : index
        %get3A_728 = tpu.vector_load %arg11[%get3A_724, %get3A_725, %get3A_726, %get3A_727] {strides = array<i32>} : memref<2x8x56x64xf32, #tpu.memory_space<vmem>>, vector<16xf32>,
        %mul3A_729 = arith.mulf %bitcast3A_722, %get3A_728 : vector<16xf32>
        %add3A_730 = arith.addf %add3A_686, %mul3A_729 : vector<16xf32>
        %get3A_731 = arith.constant 0 : i32
        %get3A_732 = arith.index_cast %rem3A_365 : i32 to index
        %get3A_733 = arith.index_cast %get3A_731 : i32 to index
        %get3A_734 = arith.index_cast %add3A_714 : i32 to index
        %get3A_735 = arith.constant 16 : index
        %get3A_736 = tpu.vector_load %arg11[%get3A_732, %get3A_733, %get3A_734, %get3A_735] {strides = array<i32>} : memref<2x8x56x64xf32, #tpu.memory_space<vmem>>, vector<16xf32>,
        %mul3A_737 = arith.mulf %bitcast3A_722, %get3A_736 : vector<16xf32>
        %add3A_738 = arith.addf %add3A_694, %mul3A_737 : vector<16xf32>
        %get3A_739 = arith.constant 0 : i32
        %get3A_740 = arith.index_cast %rem3A_365 : i32 to index
        %get3A_741 = arith.index_cast %get3A_739 : i32 to index
        %get3A_742 = arith.index_cast %add3A_714 : i32 to index
        %get3A_743 = arith.constant 32 : index
        %get3A_744 = tpu.vector_load %arg11[%get3A_740, %get3A_741, %get3A_742, %get3A_743] {strides = array<i32>} : memref<2x8x56x64xf32, #tpu.memory_space<vmem>>, vector<16xf32>,
        %mul3A_745 = arith.mulf %bitcast3A_722, %get3A_744 : vector<16xf32>
        %add3A_746 = arith.addf %add3A_702, %mul3A_745 : vector<16xf32>
        %get3A_747 = arith.constant 0 : i32
        %get3A_748 = arith.index_cast %rem3A_365 : i32 to index
        %get3A_749 = arith.index_cast %get3A_747 : i32 to index
        %get3A_750 = arith.index_cast %add3A_714 : i32 to index
        %get3A_751 = arith.constant 48 : index
        %get3A_752 = tpu.vector_load %arg11[%get3A_748, %get3A_749, %get3A_750, %get3A_751] {strides = array<i32>} : memref<2x8x56x64xf32, #tpu.memory_space<vmem>>, vector<16xf32>,
        %mul3A_753 = arith.mulf %bitcast3A_722, %get3A_752 : vector<16xf32>
        %add3A_754 = arith.addf %add3A_710, %mul3A_753 : vector<16xf32>
        %mul3A_755 = arith.constant 5 : i32
        %mul3A_756 = arith.muli %scan3A_665, %mul3A_755 : i32
        %add3A_757 = arith.constant 2 : i32
        %add3A_758 = arith.addi %mul3A_756, %add3A_757 : i32
        %broadcast_in_dim3A_759 = vector.broadcast %rem3A_365 : i32 to vector<16xi32>
        %broadcast_in_dim3A_760 = arith.constant 0 : i32
        %broadcast_in_dim3A_761 = vector.broadcast %broadcast_in_dim3A_760 : i32 to vector<16xi32>
        %add3A_762 = arith.constant 64 : i32
        %add3A_763 = arith.addi %add3A_762, %add3A_758 : i32
        %broadcast_in_dim3A_764 = vector.broadcast %add3A_763 : i32 to vector<16xi32>
        %gather3A_765 = tpu.vector_load_idx %arg10[%broadcast_in_dim3A_759, %broadcast_in_dim3A_761, %broadcast_in_dim3A_764] : memref<2x8x128xi32, #tpu.memory_space<vmem>>[vector<16xi32>, vector<16xi32>, vector<16xi32>], vector<16xi32>,
        %bitcast3A_766 = vector.bitcast %gather3A_765 : vector<16xi32> to vector<16xf32>
        %get3A_767 = arith.constant 0 : i32
        %get3A_768 = arith.index_cast %rem3A_365 : i32 to index
        %get3A_769 = arith.index_cast %get3A_767 : i32 to index
        %get3A_770 = arith.index_cast %add3A_758 : i32 to index
        %get3A_771 = arith.constant 0 : index
        %get3A_772 = tpu.vector_load %arg11[%get3A_768, %get3A_769, %get3A_770, %get3A_771] {strides = array<i32>} : memref<2x8x56x64xf32, #tpu.memory_space<vmem>>, vector<16xf32>,
        %mul3A_773 = arith.mulf %bitcast3A_766, %get3A_772 : vector<16xf32>
        %add3A_774 = arith.addf %add3A_730, %mul3A_773 : vector<16xf32>
        %get3A_775 = arith.constant 0 : i32
        %get3A_776 = arith.index_cast %rem3A_365 : i32 to index
        %get3A_777 = arith.index_cast %get3A_775 : i32 to index
        %get3A_778 = arith.index_cast %add3A_758 : i32 to index
        %get3A_779 = arith.constant 16 : index
        %get3A_780 = tpu.vector_load %arg11[%get3A_776, %get3A_777, %get3A_778, %get3A_779] {strides = array<i32>} : memref<2x8x56x64xf32, #tpu.memory_space<vmem>>, vector<16xf32>,
        %mul3A_781 = arith.mulf %bitcast3A_766, %get3A_780 : vector<16xf32>
        %add3A_782 = arith.addf %add3A_738, %mul3A_781 : vector<16xf32>
        %get3A_783 = arith.constant 0 : i32
        %get3A_784 = arith.index_cast %rem3A_365 : i32 to index
        %get3A_785 = arith.index_cast %get3A_783 : i32 to index
        %get3A_786 = arith.index_cast %add3A_758 : i32 to index
        %get3A_787 = arith.constant 32 : index
        %get3A_788 = tpu.vector_load %arg11[%get3A_784, %get3A_785, %get3A_786, %get3A_787] {strides = array<i32>} : memref<2x8x56x64xf32, #tpu.memory_space<vmem>>, vector<16xf32>,
        %mul3A_789 = arith.mulf %bitcast3A_766, %get3A_788 : vector<16xf32>
        %add3A_790 = arith.addf %add3A_746, %mul3A_789 : vector<16xf32>
        %get3A_791 = arith.constant 0 : i32
        %get3A_792 = arith.index_cast %rem3A_365 : i32 to index
        %get3A_793 = arith.index_cast %get3A_791 : i32 to index
        %get3A_794 = arith.index_cast %add3A_758 : i32 to index
        %get3A_795 = arith.constant 48 : index
        %get3A_796 = tpu.vector_load %arg11[%get3A_792, %get3A_793, %get3A_794, %get3A_795] {strides = array<i32>} : memref<2x8x56x64xf32, #tpu.memory_space<vmem>>, vector<16xf32>,
        %mul3A_797 = arith.mulf %bitcast3A_766, %get3A_796 : vector<16xf32>
        %add3A_798 = arith.addf %add3A_754, %mul3A_797 : vector<16xf32>
        %mul3A_799 = arith.constant 5 : i32
        %mul3A_800 = arith.muli %scan3A_665, %mul3A_799 : i32
        %add3A_801 = arith.constant 3 : i32
        %add3A_802 = arith.addi %mul3A_800, %add3A_801 : i32
        %broadcast_in_dim3A_803 = vector.broadcast %rem3A_365 : i32 to vector<16xi32>
        %broadcast_in_dim3A_804 = arith.constant 0 : i32
        %broadcast_in_dim3A_805 = vector.broadcast %broadcast_in_dim3A_804 : i32 to vector<16xi32>
        %add3A_806 = arith.constant 64 : i32
        %add3A_807 = arith.addi %add3A_806, %add3A_802 : i32
        %broadcast_in_dim3A_808 = vector.broadcast %add3A_807 : i32 to vector<16xi32>
        %gather3A_809 = tpu.vector_load_idx %arg10[%broadcast_in_dim3A_803, %broadcast_in_dim3A_805, %broadcast_in_dim3A_808] : memref<2x8x128xi32, #tpu.memory_space<vmem>>[vector<16xi32>, vector<16xi32>, vector<16xi32>], vector<16xi32>,
        %bitcast3A_810 = vector.bitcast %gather3A_809 : vector<16xi32> to vector<16xf32>
        %get3A_811 = arith.constant 0 : i32
        %get3A_812 = arith.index_cast %rem3A_365 : i32 to index
        %get3A_813 = arith.index_cast %get3A_811 : i32 to index
        %get3A_814 = arith.index_cast %add3A_802 : i32 to index
        %get3A_815 = arith.constant 0 : index
        %get3A_816 = tpu.vector_load %arg11[%get3A_812, %get3A_813, %get3A_814, %get3A_815] {strides = array<i32>} : memref<2x8x56x64xf32, #tpu.memory_space<vmem>>, vector<16xf32>,
        %mul3A_817 = arith.mulf %bitcast3A_810, %get3A_816 : vector<16xf32>
        %add3A_818 = arith.addf %add3A_774, %mul3A_817 : vector<16xf32>
        %get3A_819 = arith.constant 0 : i32
        %get3A_820 = arith.index_cast %rem3A_365 : i32 to index
        %get3A_821 = arith.index_cast %get3A_819 : i32 to index
        %get3A_822 = arith.index_cast %add3A_802 : i32 to index
        %get3A_823 = arith.constant 16 : index
        %get3A_824 = tpu.vector_load %arg11[%get3A_820, %get3A_821, %get3A_822, %get3A_823] {strides = array<i32>} : memref<2x8x56x64xf32, #tpu.memory_space<vmem>>, vector<16xf32>,
        %mul3A_825 = arith.mulf %bitcast3A_810, %get3A_824 : vector<16xf32>
        %add3A_826 = arith.addf %add3A_782, %mul3A_825 : vector<16xf32>
        %get3A_827 = arith.constant 0 : i32
        %get3A_828 = arith.index_cast %rem3A_365 : i32 to index
        %get3A_829 = arith.index_cast %get3A_827 : i32 to index
        %get3A_830 = arith.index_cast %add3A_802 : i32 to index
        %get3A_831 = arith.constant 32 : index
        %get3A_832 = tpu.vector_load %arg11[%get3A_828, %get3A_829, %get3A_830, %get3A_831] {strides = array<i32>} : memref<2x8x56x64xf32, #tpu.memory_space<vmem>>, vector<16xf32>,
        %mul3A_833 = arith.mulf %bitcast3A_810, %get3A_832 : vector<16xf32>
        %add3A_834 = arith.addf %add3A_790, %mul3A_833 : vector<16xf32>
        %get3A_835 = arith.constant 0 : i32
        %get3A_836 = arith.index_cast %rem3A_365 : i32 to index
        %get3A_837 = arith.index_cast %get3A_835 : i32 to index
        %get3A_838 = arith.index_cast %add3A_802 : i32 to index
        %get3A_839 = arith.constant 48 : index
        %get3A_840 = tpu.vector_load %arg11[%get3A_836, %get3A_837, %get3A_838, %get3A_839] {strides = array<i32>} : memref<2x8x56x64xf32, #tpu.memory_space<vmem>>, vector<16xf32>,
        %mul3A_841 = arith.mulf %bitcast3A_810, %get3A_840 : vector<16xf32>
        %add3A_842 = arith.addf %add3A_798, %mul3A_841 : vector<16xf32>
        %mul3A_843 = arith.constant 5 : i32
        %mul3A_844 = arith.muli %scan3A_665, %mul3A_843 : i32
        %add3A_845 = arith.constant 4 : i32
        %add3A_846 = arith.addi %mul3A_844, %add3A_845 : i32
        %broadcast_in_dim3A_847 = vector.broadcast %rem3A_365 : i32 to vector<16xi32>
        %broadcast_in_dim3A_848 = arith.constant 0 : i32
        %broadcast_in_dim3A_849 = vector.broadcast %broadcast_in_dim3A_848 : i32 to vector<16xi32>
        %add3A_850 = arith.constant 64 : i32
        %add3A_851 = arith.addi %add3A_850, %add3A_846 : i32
        %broadcast_in_dim3A_852 = vector.broadcast %add3A_851 : i32 to vector<16xi32>
        %gather3A_853 = tpu.vector_load_idx %arg10[%broadcast_in_dim3A_847, %broadcast_in_dim3A_849, %broadcast_in_dim3A_852] : memref<2x8x128xi32, #tpu.memory_space<vmem>>[vector<16xi32>, vector<16xi32>, vector<16xi32>], vector<16xi32>,
        %bitcast3A_854 = vector.bitcast %gather3A_853 : vector<16xi32> to vector<16xf32>
        %get3A_855 = arith.constant 0 : i32
        %get3A_856 = arith.index_cast %rem3A_365 : i32 to index
        %get3A_857 = arith.index_cast %get3A_855 : i32 to index
        %get3A_858 = arith.index_cast %add3A_846 : i32 to index
        %get3A_859 = arith.constant 0 : index
        %get3A_860 = tpu.vector_load %arg11[%get3A_856, %get3A_857, %get3A_858, %get3A_859] {strides = array<i32>} : memref<2x8x56x64xf32, #tpu.memory_space<vmem>>, vector<16xf32>,
        %mul3A_861 = arith.mulf %bitcast3A_854, %get3A_860 : vector<16xf32>
        %add3A_862 = arith.addf %add3A_818, %mul3A_861 : vector<16xf32>
        %get3A_863 = arith.constant 0 : i32
        %get3A_864 = arith.index_cast %rem3A_365 : i32 to index
        %get3A_865 = arith.index_cast %get3A_863 : i32 to index
        %get3A_866 = arith.index_cast %add3A_846 : i32 to index
        %get3A_867 = arith.constant 16 : index
        %get3A_868 = tpu.vector_load %arg11[%get3A_864, %get3A_865, %get3A_866, %get3A_867] {strides = array<i32>} : memref<2x8x56x64xf32, #tpu.memory_space<vmem>>, vector<16xf32>,
        %mul3A_869 = arith.mulf %bitcast3A_854, %get3A_868 : vector<16xf32>
        %add3A_870 = arith.addf %add3A_826, %mul3A_869 : vector<16xf32>
        %get3A_871 = arith.constant 0 : i32
        %get3A_872 = arith.index_cast %rem3A_365 : i32 to index
        %get3A_873 = arith.index_cast %get3A_871 : i32 to index
        %get3A_874 = arith.index_cast %add3A_846 : i32 to index
        %get3A_875 = arith.constant 32 : index
        %get3A_876 = tpu.vector_load %arg11[%get3A_872, %get3A_873, %get3A_874, %get3A_875] {strides = array<i32>} : memref<2x8x56x64xf32, #tpu.memory_space<vmem>>, vector<16xf32>,
        %mul3A_877 = arith.mulf %bitcast3A_854, %get3A_876 : vector<16xf32>
        %add3A_878 = arith.addf %add3A_834, %mul3A_877 : vector<16xf32>
        %get3A_879 = arith.constant 0 : i32
        %get3A_880 = arith.index_cast %rem3A_365 : i32 to index
        %get3A_881 = arith.index_cast %get3A_879 : i32 to index
        %get3A_882 = arith.index_cast %add3A_846 : i32 to index
        %get3A_883 = arith.constant 48 : index
        %get3A_884 = tpu.vector_load %arg11[%get3A_880, %get3A_881, %get3A_882, %get3A_883] {strides = array<i32>} : memref<2x8x56x64xf32, #tpu.memory_space<vmem>>, vector<16xf32>,
        %mul3A_885 = arith.mulf %bitcast3A_854, %get3A_884 : vector<16xf32>
        %add3A_886 = arith.addf %add3A_842, %mul3A_885 : vector<16xf32>
        scf.yield %add3A_862, %add3A_870, %add3A_878, %add3A_886 : vector<16xf32>, vector<16xf32>, vector<16xf32>, vector<16xf32>
      }
      %scan3A_475 = arith.constant 10 : i32
      %swap3A_476 = arith.constant 0 : i32
      %swap3A_477 = arith.index_cast %swap3A_476 : i32 to index
      %swap3A_478 = arith.constant 0 : index
      %swap3A_479 = tpu.vector_load %arg12[%swap3A_477, %swap3A_478] {strides = array<i32>} : memref<8x128xf32, #tpu.memory_space<vmem>>, vector<16xf32>,
      tpu.vector_store %arg12[%swap3A_477, %swap3A_478], %scan3A_474#0 {strides = array<i32>} : memref<8x128xf32, #tpu.memory_space<vmem>>, vector<16xf32>,
      %swap3A_480 = arith.constant 0 : i32
      %swap3A_481 = arith.index_cast %swap3A_480 : i32 to index
      %swap3A_482 = arith.constant 16 : index
      %swap3A_483 = tpu.vector_load %arg12[%swap3A_481, %swap3A_482] {strides = array<i32>} : memref<8x128xf32, #tpu.memory_space<vmem>>, vector<16xf32>,
      tpu.vector_store %arg12[%swap3A_481, %swap3A_482], %scan3A_474#1 {strides = array<i32>} : memref<8x128xf32, #tpu.memory_space<vmem>>, vector<16xf32>,
      %swap3A_484 = arith.constant 0 : i32
      %swap3A_485 = arith.index_cast %swap3A_484 : i32 to index
      %swap3A_486 = arith.constant 32 : index
      %swap3A_487 = tpu.vector_load %arg12[%swap3A_485, %swap3A_486] {strides = array<i32>} : memref<8x128xf32, #tpu.memory_space<vmem>>, vector<16xf32>,
      tpu.vector_store %arg12[%swap3A_485, %swap3A_486], %scan3A_474#2 {strides = array<i32>} : memref<8x128xf32, #tpu.memory_space<vmem>>, vector<16xf32>,
      %swap3A_488 = arith.constant 0 : i32
      %swap3A_489 = arith.index_cast %swap3A_488 : i32 to index
      %swap3A_490 = arith.constant 48 : index
      %swap3A_491 = tpu.vector_load %arg12[%swap3A_489, %swap3A_490] {strides = array<i32>} : memref<8x128xf32, #tpu.memory_space<vmem>>, vector<16xf32>,
      tpu.vector_store %arg12[%swap3A_489, %swap3A_490], %scan3A_474#3 {strides = array<i32>} : memref<8x128xf32, #tpu.memory_space<vmem>>, vector<16xf32>,
      %broadcast_in_dim3A_492 = arith.constant 0.000000e+00 : f32
      %broadcast_in_dim3A_493 = vector.broadcast %broadcast_in_dim3A_492 : f32 to vector<16xf32>
      %scan3A_494 = arith.constant 0 : i32
      %scan3A_495 = arith.constant 10 : i32
      %scan3A_496 = arith.addi %scan3A_494, %scan3A_495 : i32
      %scan3A_497 = arith.constant 1 : i32
      %scan3A_498:4 = scf.for %scan3A_665 = %scan3A_494 to %scan3A_496 step %scan3A_497 iter_args(%scan3A_666 = %broadcast_in_dim3A_493, %scan3A_667 = %broadcast_in_dim3A_493, %scan3A_668 = %broadcast_in_dim3A_493, %scan3A_669 = %broadcast_in_dim3A_493) -> (vector<16xf32>, vector<16xf32>, vector<16xf32>, vector<16xf32>)  : i32 {
        %mul3A_670 = arith.constant 5 : i32
        %mul3A_671 = arith.muli %scan3A_665, %mul3A_670 : i32
        %add3A_672 = arith.constant 0 : i32
        %add3A_673 = arith.addi %mul3A_671, %add3A_672 : i32
        %broadcast_in_dim3A_674 = vector.broadcast %rem3A_365 : i32 to vector<16xi32>
        %broadcast_in_dim3A_675 = arith.constant 1 : i32
        %broadcast_in_dim3A_676 = vector.broadcast %broadcast_in_dim3A_675 : i32 to vector<16xi32>
        %add3A_677 = arith.constant 64 : i32
        %add3A_678 = arith.addi %add3A_677, %add3A_673 : i32
        %broadcast_in_dim3A_679 = vector.broadcast %add3A_678 : i32 to vector<16xi32>
        %gather3A = tpu.vector_load_idx %arg10[%broadcast_in_dim3A_674, %broadcast_in_dim3A_676, %broadcast_in_dim3A_679] : memref<2x8x128xi32, #tpu.memory_space<vmem>>[vector<16xi32>, vector<16xi32>, vector<16xi32>], vector<16xi32>,
        %bitcast3A = vector.bitcast %gather3A : vector<16xi32> to vector<16xf32>
        %get3A = arith.constant 1 : i32
        %get3A_680 = arith.index_cast %rem3A_365 : i32 to index
        %get3A_681 = arith.index_cast %get3A : i32 to index
        %get3A_682 = arith.index_cast %add3A_673 : i32 to index
        %get3A_683 = arith.constant 0 : index
        %get3A_684 = tpu.vector_load %arg11[%get3A_680, %get3A_681, %get3A_682, %get3A_683] {strides = array<i32>} : memref<2x8x56x64xf32, #tpu.memory_space<vmem>>, vector<16xf32>,
        %mul3A_685 = arith.mulf %bitcast3A, %get3A_684 : vector<16xf32>
        %add3A_686 = arith.addf %scan3A_666, %mul3A_685 : vector<16xf32>
        %get3A_687 = arith.constant 1 : i32
        %get3A_688 = arith.index_cast %rem3A_365 : i32 to index
        %get3A_689 = arith.index_cast %get3A_687 : i32 to index
        %get3A_690 = arith.index_cast %add3A_673 : i32 to index
        %get3A_691 = arith.constant 16 : index
        %get3A_692 = tpu.vector_load %arg11[%get3A_688, %get3A_689, %get3A_690, %get3A_691] {strides = array<i32>} : memref<2x8x56x64xf32, #tpu.memory_space<vmem>>, vector<16xf32>,
        %mul3A_693 = arith.mulf %bitcast3A, %get3A_692 : vector<16xf32>
        %add3A_694 = arith.addf %scan3A_667, %mul3A_693 : vector<16xf32>
        %get3A_695 = arith.constant 1 : i32
        %get3A_696 = arith.index_cast %rem3A_365 : i32 to index
        %get3A_697 = arith.index_cast %get3A_695 : i32 to index
        %get3A_698 = arith.index_cast %add3A_673 : i32 to index
        %get3A_699 = arith.constant 32 : index
        %get3A_700 = tpu.vector_load %arg11[%get3A_696, %get3A_697, %get3A_698, %get3A_699] {strides = array<i32>} : memref<2x8x56x64xf32, #tpu.memory_space<vmem>>, vector<16xf32>,
        %mul3A_701 = arith.mulf %bitcast3A, %get3A_700 : vector<16xf32>
        %add3A_702 = arith.addf %scan3A_668, %mul3A_701 : vector<16xf32>
        %get3A_703 = arith.constant 1 : i32
        %get3A_704 = arith.index_cast %rem3A_365 : i32 to index
        %get3A_705 = arith.index_cast %get3A_703 : i32 to index
        %get3A_706 = arith.index_cast %add3A_673 : i32 to index
        %get3A_707 = arith.constant 48 : index
        %get3A_708 = tpu.vector_load %arg11[%get3A_704, %get3A_705, %get3A_706, %get3A_707] {strides = array<i32>} : memref<2x8x56x64xf32, #tpu.memory_space<vmem>>, vector<16xf32>,
        %mul3A_709 = arith.mulf %bitcast3A, %get3A_708 : vector<16xf32>
        %add3A_710 = arith.addf %scan3A_669, %mul3A_709 : vector<16xf32>
        %mul3A_711 = arith.constant 5 : i32
        %mul3A_712 = arith.muli %scan3A_665, %mul3A_711 : i32
        %add3A_713 = arith.constant 1 : i32
        %add3A_714 = arith.addi %mul3A_712, %add3A_713 : i32
        %broadcast_in_dim3A_715 = vector.broadcast %rem3A_365 : i32 to vector<16xi32>
        %broadcast_in_dim3A_716 = arith.constant 1 : i32
        %broadcast_in_dim3A_717 = vector.broadcast %broadcast_in_dim3A_716 : i32 to vector<16xi32>
        %add3A_718 = arith.constant 64 : i32
        %add3A_719 = arith.addi %add3A_718, %add3A_714 : i32
        %broadcast_in_dim3A_720 = vector.broadcast %add3A_719 : i32 to vector<16xi32>
        %gather3A_721 = tpu.vector_load_idx %arg10[%broadcast_in_dim3A_715, %broadcast_in_dim3A_717, %broadcast_in_dim3A_720] : memref<2x8x128xi32, #tpu.memory_space<vmem>>[vector<16xi32>, vector<16xi32>, vector<16xi32>], vector<16xi32>,
        %bitcast3A_722 = vector.bitcast %gather3A_721 : vector<16xi32> to vector<16xf32>
        %get3A_723 = arith.constant 1 : i32
        %get3A_724 = arith.index_cast %rem3A_365 : i32 to index
        %get3A_725 = arith.index_cast %get3A_723 : i32 to index
        %get3A_726 = arith.index_cast %add3A_714 : i32 to index
        %get3A_727 = arith.constant 0 : index
        %get3A_728 = tpu.vector_load %arg11[%get3A_724, %get3A_725, %get3A_726, %get3A_727] {strides = array<i32>} : memref<2x8x56x64xf32, #tpu.memory_space<vmem>>, vector<16xf32>,
        %mul3A_729 = arith.mulf %bitcast3A_722, %get3A_728 : vector<16xf32>
        %add3A_730 = arith.addf %add3A_686, %mul3A_729 : vector<16xf32>
        %get3A_731 = arith.constant 1 : i32
        %get3A_732 = arith.index_cast %rem3A_365 : i32 to index
        %get3A_733 = arith.index_cast %get3A_731 : i32 to index
        %get3A_734 = arith.index_cast %add3A_714 : i32 to index
        %get3A_735 = arith.constant 16 : index
        %get3A_736 = tpu.vector_load %arg11[%get3A_732, %get3A_733, %get3A_734, %get3A_735] {strides = array<i32>} : memref<2x8x56x64xf32, #tpu.memory_space<vmem>>, vector<16xf32>,
        %mul3A_737 = arith.mulf %bitcast3A_722, %get3A_736 : vector<16xf32>
        %add3A_738 = arith.addf %add3A_694, %mul3A_737 : vector<16xf32>
        %get3A_739 = arith.constant 1 : i32
        %get3A_740 = arith.index_cast %rem3A_365 : i32 to index
        %get3A_741 = arith.index_cast %get3A_739 : i32 to index
        %get3A_742 = arith.index_cast %add3A_714 : i32 to index
        %get3A_743 = arith.constant 32 : index
        %get3A_744 = tpu.vector_load %arg11[%get3A_740, %get3A_741, %get3A_742, %get3A_743] {strides = array<i32>} : memref<2x8x56x64xf32, #tpu.memory_space<vmem>>, vector<16xf32>,
        %mul3A_745 = arith.mulf %bitcast3A_722, %get3A_744 : vector<16xf32>
        %add3A_746 = arith.addf %add3A_702, %mul3A_745 : vector<16xf32>
        %get3A_747 = arith.constant 1 : i32
        %get3A_748 = arith.index_cast %rem3A_365 : i32 to index
        %get3A_749 = arith.index_cast %get3A_747 : i32 to index
        %get3A_750 = arith.index_cast %add3A_714 : i32 to index
        %get3A_751 = arith.constant 48 : index
        %get3A_752 = tpu.vector_load %arg11[%get3A_748, %get3A_749, %get3A_750, %get3A_751] {strides = array<i32>} : memref<2x8x56x64xf32, #tpu.memory_space<vmem>>, vector<16xf32>,
        %mul3A_753 = arith.mulf %bitcast3A_722, %get3A_752 : vector<16xf32>
        %add3A_754 = arith.addf %add3A_710, %mul3A_753 : vector<16xf32>
        %mul3A_755 = arith.constant 5 : i32
        %mul3A_756 = arith.muli %scan3A_665, %mul3A_755 : i32
        %add3A_757 = arith.constant 2 : i32
        %add3A_758 = arith.addi %mul3A_756, %add3A_757 : i32
        %broadcast_in_dim3A_759 = vector.broadcast %rem3A_365 : i32 to vector<16xi32>
        %broadcast_in_dim3A_760 = arith.constant 1 : i32
        %broadcast_in_dim3A_761 = vector.broadcast %broadcast_in_dim3A_760 : i32 to vector<16xi32>
        %add3A_762 = arith.constant 64 : i32
        %add3A_763 = arith.addi %add3A_762, %add3A_758 : i32
        %broadcast_in_dim3A_764 = vector.broadcast %add3A_763 : i32 to vector<16xi32>
        %gather3A_765 = tpu.vector_load_idx %arg10[%broadcast_in_dim3A_759, %broadcast_in_dim3A_761, %broadcast_in_dim3A_764] : memref<2x8x128xi32, #tpu.memory_space<vmem>>[vector<16xi32>, vector<16xi32>, vector<16xi32>], vector<16xi32>,
        %bitcast3A_766 = vector.bitcast %gather3A_765 : vector<16xi32> to vector<16xf32>
        %get3A_767 = arith.constant 1 : i32
        %get3A_768 = arith.index_cast %rem3A_365 : i32 to index
        %get3A_769 = arith.index_cast %get3A_767 : i32 to index
        %get3A_770 = arith.index_cast %add3A_758 : i32 to index
        %get3A_771 = arith.constant 0 : index
        %get3A_772 = tpu.vector_load %arg11[%get3A_768, %get3A_769, %get3A_770, %get3A_771] {strides = array<i32>} : memref<2x8x56x64xf32, #tpu.memory_space<vmem>>, vector<16xf32>,
        %mul3A_773 = arith.mulf %bitcast3A_766, %get3A_772 : vector<16xf32>
        %add3A_774 = arith.addf %add3A_730, %mul3A_773 : vector<16xf32>
        %get3A_775 = arith.constant 1 : i32
        %get3A_776 = arith.index_cast %rem3A_365 : i32 to index
        %get3A_777 = arith.index_cast %get3A_775 : i32 to index
        %get3A_778 = arith.index_cast %add3A_758 : i32 to index
        %get3A_779 = arith.constant 16 : index
        %get3A_780 = tpu.vector_load %arg11[%get3A_776, %get3A_777, %get3A_778, %get3A_779] {strides = array<i32>} : memref<2x8x56x64xf32, #tpu.memory_space<vmem>>, vector<16xf32>,
        %mul3A_781 = arith.mulf %bitcast3A_766, %get3A_780 : vector<16xf32>
        %add3A_782 = arith.addf %add3A_738, %mul3A_781 : vector<16xf32>
        %get3A_783 = arith.constant 1 : i32
        %get3A_784 = arith.index_cast %rem3A_365 : i32 to index
        %get3A_785 = arith.index_cast %get3A_783 : i32 to index
        %get3A_786 = arith.index_cast %add3A_758 : i32 to index
        %get3A_787 = arith.constant 32 : index
        %get3A_788 = tpu.vector_load %arg11[%get3A_784, %get3A_785, %get3A_786, %get3A_787] {strides = array<i32>} : memref<2x8x56x64xf32, #tpu.memory_space<vmem>>, vector<16xf32>,
        %mul3A_789 = arith.mulf %bitcast3A_766, %get3A_788 : vector<16xf32>
        %add3A_790 = arith.addf %add3A_746, %mul3A_789 : vector<16xf32>
        %get3A_791 = arith.constant 1 : i32
        %get3A_792 = arith.index_cast %rem3A_365 : i32 to index
        %get3A_793 = arith.index_cast %get3A_791 : i32 to index
        %get3A_794 = arith.index_cast %add3A_758 : i32 to index
        %get3A_795 = arith.constant 48 : index
        %get3A_796 = tpu.vector_load %arg11[%get3A_792, %get3A_793, %get3A_794, %get3A_795] {strides = array<i32>} : memref<2x8x56x64xf32, #tpu.memory_space<vmem>>, vector<16xf32>,
        %mul3A_797 = arith.mulf %bitcast3A_766, %get3A_796 : vector<16xf32>
        %add3A_798 = arith.addf %add3A_754, %mul3A_797 : vector<16xf32>
        %mul3A_799 = arith.constant 5 : i32
        %mul3A_800 = arith.muli %scan3A_665, %mul3A_799 : i32
        %add3A_801 = arith.constant 3 : i32
        %add3A_802 = arith.addi %mul3A_800, %add3A_801 : i32
        %broadcast_in_dim3A_803 = vector.broadcast %rem3A_365 : i32 to vector<16xi32>
        %broadcast_in_dim3A_804 = arith.constant 1 : i32
        %broadcast_in_dim3A_805 = vector.broadcast %broadcast_in_dim3A_804 : i32 to vector<16xi32>
        %add3A_806 = arith.constant 64 : i32
        %add3A_807 = arith.addi %add3A_806, %add3A_802 : i32
        %broadcast_in_dim3A_808 = vector.broadcast %add3A_807 : i32 to vector<16xi32>
        %gather3A_809 = tpu.vector_load_idx %arg10[%broadcast_in_dim3A_803, %broadcast_in_dim3A_805, %broadcast_in_dim3A_808] : memref<2x8x128xi32, #tpu.memory_space<vmem>>[vector<16xi32>, vector<16xi32>, vector<16xi32>], vector<16xi32>,
        %bitcast3A_810 = vector.bitcast %gather3A_809 : vector<16xi32> to vector<16xf32>
        %get3A_811 = arith.constant 1 : i32
        %get3A_812 = arith.index_cast %rem3A_365 : i32 to index
        %get3A_813 = arith.index_cast %get3A_811 : i32 to index
        %get3A_814 = arith.index_cast %add3A_802 : i32 to index
        %get3A_815 = arith.constant 0 : index
        %get3A_816 = tpu.vector_load %arg11[%get3A_812, %get3A_813, %get3A_814, %get3A_815] {strides = array<i32>} : memref<2x8x56x64xf32, #tpu.memory_space<vmem>>, vector<16xf32>,
        %mul3A_817 = arith.mulf %bitcast3A_810, %get3A_816 : vector<16xf32>
        %add3A_818 = arith.addf %add3A_774, %mul3A_817 : vector<16xf32>
        %get3A_819 = arith.constant 1 : i32
        %get3A_820 = arith.index_cast %rem3A_365 : i32 to index
        %get3A_821 = arith.index_cast %get3A_819 : i32 to index
        %get3A_822 = arith.index_cast %add3A_802 : i32 to index
        %get3A_823 = arith.constant 16 : index
        %get3A_824 = tpu.vector_load %arg11[%get3A_820, %get3A_821, %get3A_822, %get3A_823] {strides = array<i32>} : memref<2x8x56x64xf32, #tpu.memory_space<vmem>>, vector<16xf32>,
        %mul3A_825 = arith.mulf %bitcast3A_810, %get3A_824 : vector<16xf32>
        %add3A_826 = arith.addf %add3A_782, %mul3A_825 : vector<16xf32>
        %get3A_827 = arith.constant 1 : i32
        %get3A_828 = arith.index_cast %rem3A_365 : i32 to index
        %get3A_829 = arith.index_cast %get3A_827 : i32 to index
        %get3A_830 = arith.index_cast %add3A_802 : i32 to index
        %get3A_831 = arith.constant 32 : index
        %get3A_832 = tpu.vector_load %arg11[%get3A_828, %get3A_829, %get3A_830, %get3A_831] {strides = array<i32>} : memref<2x8x56x64xf32, #tpu.memory_space<vmem>>, vector<16xf32>,
        %mul3A_833 = arith.mulf %bitcast3A_810, %get3A_832 : vector<16xf32>
        %add3A_834 = arith.addf %add3A_790, %mul3A_833 : vector<16xf32>
        %get3A_835 = arith.constant 1 : i32
        %get3A_836 = arith.index_cast %rem3A_365 : i32 to index
        %get3A_837 = arith.index_cast %get3A_835 : i32 to index
        %get3A_838 = arith.index_cast %add3A_802 : i32 to index
        %get3A_839 = arith.constant 48 : index
        %get3A_840 = tpu.vector_load %arg11[%get3A_836, %get3A_837, %get3A_838, %get3A_839] {strides = array<i32>} : memref<2x8x56x64xf32, #tpu.memory_space<vmem>>, vector<16xf32>,
        %mul3A_841 = arith.mulf %bitcast3A_810, %get3A_840 : vector<16xf32>
        %add3A_842 = arith.addf %add3A_798, %mul3A_841 : vector<16xf32>
        %mul3A_843 = arith.constant 5 : i32
        %mul3A_844 = arith.muli %scan3A_665, %mul3A_843 : i32
        %add3A_845 = arith.constant 4 : i32
        %add3A_846 = arith.addi %mul3A_844, %add3A_845 : i32
        %broadcast_in_dim3A_847 = vector.broadcast %rem3A_365 : i32 to vector<16xi32>
        %broadcast_in_dim3A_848 = arith.constant 1 : i32
        %broadcast_in_dim3A_849 = vector.broadcast %broadcast_in_dim3A_848 : i32 to vector<16xi32>
        %add3A_850 = arith.constant 64 : i32
        %add3A_851 = arith.addi %add3A_850, %add3A_846 : i32
        %broadcast_in_dim3A_852 = vector.broadcast %add3A_851 : i32 to vector<16xi32>
        %gather3A_853 = tpu.vector_load_idx %arg10[%broadcast_in_dim3A_847, %broadcast_in_dim3A_849, %broadcast_in_dim3A_852] : memref<2x8x128xi32, #tpu.memory_space<vmem>>[vector<16xi32>, vector<16xi32>, vector<16xi32>], vector<16xi32>,
        %bitcast3A_854 = vector.bitcast %gather3A_853 : vector<16xi32> to vector<16xf32>
        %get3A_855 = arith.constant 1 : i32
        %get3A_856 = arith.index_cast %rem3A_365 : i32 to index
        %get3A_857 = arith.index_cast %get3A_855 : i32 to index
        %get3A_858 = arith.index_cast %add3A_846 : i32 to index
        %get3A_859 = arith.constant 0 : index
        %get3A_860 = tpu.vector_load %arg11[%get3A_856, %get3A_857, %get3A_858, %get3A_859] {strides = array<i32>} : memref<2x8x56x64xf32, #tpu.memory_space<vmem>>, vector<16xf32>,
        %mul3A_861 = arith.mulf %bitcast3A_854, %get3A_860 : vector<16xf32>
        %add3A_862 = arith.addf %add3A_818, %mul3A_861 : vector<16xf32>
        %get3A_863 = arith.constant 1 : i32
        %get3A_864 = arith.index_cast %rem3A_365 : i32 to index
        %get3A_865 = arith.index_cast %get3A_863 : i32 to index
        %get3A_866 = arith.index_cast %add3A_846 : i32 to index
        %get3A_867 = arith.constant 16 : index
        %get3A_868 = tpu.vector_load %arg11[%get3A_864, %get3A_865, %get3A_866, %get3A_867] {strides = array<i32>} : memref<2x8x56x64xf32, #tpu.memory_space<vmem>>, vector<16xf32>,
        %mul3A_869 = arith.mulf %bitcast3A_854, %get3A_868 : vector<16xf32>
        %add3A_870 = arith.addf %add3A_826, %mul3A_869 : vector<16xf32>
        %get3A_871 = arith.constant 1 : i32
        %get3A_872 = arith.index_cast %rem3A_365 : i32 to index
        %get3A_873 = arith.index_cast %get3A_871 : i32 to index
        %get3A_874 = arith.index_cast %add3A_846 : i32 to index
        %get3A_875 = arith.constant 32 : index
        %get3A_876 = tpu.vector_load %arg11[%get3A_872, %get3A_873, %get3A_874, %get3A_875] {strides = array<i32>} : memref<2x8x56x64xf32, #tpu.memory_space<vmem>>, vector<16xf32>,
        %mul3A_877 = arith.mulf %bitcast3A_854, %get3A_876 : vector<16xf32>
        %add3A_878 = arith.addf %add3A_834, %mul3A_877 : vector<16xf32>
        %get3A_879 = arith.constant 1 : i32
        %get3A_880 = arith.index_cast %rem3A_365 : i32 to index
        %get3A_881 = arith.index_cast %get3A_879 : i32 to index
        %get3A_882 = arith.index_cast %add3A_846 : i32 to index
        %get3A_883 = arith.constant 48 : index
        %get3A_884 = tpu.vector_load %arg11[%get3A_880, %get3A_881, %get3A_882, %get3A_883] {strides = array<i32>} : memref<2x8x56x64xf32, #tpu.memory_space<vmem>>, vector<16xf32>,
        %mul3A_885 = arith.mulf %bitcast3A_854, %get3A_884 : vector<16xf32>
        %add3A_886 = arith.addf %add3A_842, %mul3A_885 : vector<16xf32>
        scf.yield %add3A_862, %add3A_870, %add3A_878, %add3A_886 : vector<16xf32>, vector<16xf32>, vector<16xf32>, vector<16xf32>
      }
      %scan3A_499 = arith.constant 10 : i32
      %swap3A_500 = arith.constant 1 : i32
      %swap3A_501 = arith.index_cast %swap3A_500 : i32 to index
      %swap3A_502 = arith.constant 0 : index
      %swap3A_503 = tpu.vector_load %arg12[%swap3A_501, %swap3A_502] {strides = array<i32>} : memref<8x128xf32, #tpu.memory_space<vmem>>, vector<16xf32>,
      tpu.vector_store %arg12[%swap3A_501, %swap3A_502], %scan3A_498#0 {strides = array<i32>} : memref<8x128xf32, #tpu.memory_space<vmem>>, vector<16xf32>,
      %swap3A_504 = arith.constant 1 : i32
      %swap3A_505 = arith.index_cast %swap3A_504 : i32 to index
      %swap3A_506 = arith.constant 16 : index
      %swap3A_507 = tpu.vector_load %arg12[%swap3A_505, %swap3A_506] {strides = array<i32>} : memref<8x128xf32, #tpu.memory_space<vmem>>, vector<16xf32>,
      tpu.vector_store %arg12[%swap3A_505, %swap3A_506], %scan3A_498#1 {strides = array<i32>} : memref<8x128xf32, #tpu.memory_space<vmem>>, vector<16xf32>,
      %swap3A_508 = arith.constant 1 : i32
      %swap3A_509 = arith.index_cast %swap3A_508 : i32 to index
      %swap3A_510 = arith.constant 32 : index
      %swap3A_511 = tpu.vector_load %arg12[%swap3A_509, %swap3A_510] {strides = array<i32>} : memref<8x128xf32, #tpu.memory_space<vmem>>, vector<16xf32>,
      tpu.vector_store %arg12[%swap3A_509, %swap3A_510], %scan3A_498#2 {strides = array<i32>} : memref<8x128xf32, #tpu.memory_space<vmem>>, vector<16xf32>,
      %swap3A_512 = arith.constant 1 : i32
      %swap3A_513 = arith.index_cast %swap3A_512 : i32 to index
      %swap3A_514 = arith.constant 48 : index
      %swap3A_515 = tpu.vector_load %arg12[%swap3A_513, %swap3A_514] {strides = array<i32>} : memref<8x128xf32, #tpu.memory_space<vmem>>, vector<16xf32>,
      tpu.vector_store %arg12[%swap3A_513, %swap3A_514], %scan3A_498#3 {strides = array<i32>} : memref<8x128xf32, #tpu.memory_space<vmem>>, vector<16xf32>,
      %broadcast_in_dim3A_516 = arith.constant 0.000000e+00 : f32
      %broadcast_in_dim3A_517 = vector.broadcast %broadcast_in_dim3A_516 : f32 to vector<16xf32>
      %scan3A_518 = arith.constant 0 : i32
      %scan3A_519 = arith.constant 10 : i32
      %scan3A_520 = arith.addi %scan3A_518, %scan3A_519 : i32
      %scan3A_521 = arith.constant 1 : i32
      %scan3A_522:4 = scf.for %scan3A_665 = %scan3A_518 to %scan3A_520 step %scan3A_521 iter_args(%scan3A_666 = %broadcast_in_dim3A_517, %scan3A_667 = %broadcast_in_dim3A_517, %scan3A_668 = %broadcast_in_dim3A_517, %scan3A_669 = %broadcast_in_dim3A_517) -> (vector<16xf32>, vector<16xf32>, vector<16xf32>, vector<16xf32>)  : i32 {
        %mul3A_670 = arith.constant 5 : i32
        %mul3A_671 = arith.muli %scan3A_665, %mul3A_670 : i32
        %add3A_672 = arith.constant 0 : i32
        %add3A_673 = arith.addi %mul3A_671, %add3A_672 : i32
        %broadcast_in_dim3A_674 = vector.broadcast %rem3A_365 : i32 to vector<16xi32>
        %broadcast_in_dim3A_675 = arith.constant 2 : i32
        %broadcast_in_dim3A_676 = vector.broadcast %broadcast_in_dim3A_675 : i32 to vector<16xi32>
        %add3A_677 = arith.constant 64 : i32
        %add3A_678 = arith.addi %add3A_677, %add3A_673 : i32
        %broadcast_in_dim3A_679 = vector.broadcast %add3A_678 : i32 to vector<16xi32>
        %gather3A = tpu.vector_load_idx %arg10[%broadcast_in_dim3A_674, %broadcast_in_dim3A_676, %broadcast_in_dim3A_679] : memref<2x8x128xi32, #tpu.memory_space<vmem>>[vector<16xi32>, vector<16xi32>, vector<16xi32>], vector<16xi32>,
        %bitcast3A = vector.bitcast %gather3A : vector<16xi32> to vector<16xf32>
        %get3A = arith.constant 2 : i32
        %get3A_680 = arith.index_cast %rem3A_365 : i32 to index
        %get3A_681 = arith.index_cast %get3A : i32 to index
        %get3A_682 = arith.index_cast %add3A_673 : i32 to index
        %get3A_683 = arith.constant 0 : index
        %get3A_684 = tpu.vector_load %arg11[%get3A_680, %get3A_681, %get3A_682, %get3A_683] {strides = array<i32>} : memref<2x8x56x64xf32, #tpu.memory_space<vmem>>, vector<16xf32>,
        %mul3A_685 = arith.mulf %bitcast3A, %get3A_684 : vector<16xf32>
        %add3A_686 = arith.addf %scan3A_666, %mul3A_685 : vector<16xf32>
        %get3A_687 = arith.constant 2 : i32
        %get3A_688 = arith.index_cast %rem3A_365 : i32 to index
        %get3A_689 = arith.index_cast %get3A_687 : i32 to index
        %get3A_690 = arith.index_cast %add3A_673 : i32 to index
        %get3A_691 = arith.constant 16 : index
        %get3A_692 = tpu.vector_load %arg11[%get3A_688, %get3A_689, %get3A_690, %get3A_691] {strides = array<i32>} : memref<2x8x56x64xf32, #tpu.memory_space<vmem>>, vector<16xf32>,
        %mul3A_693 = arith.mulf %bitcast3A, %get3A_692 : vector<16xf32>
        %add3A_694 = arith.addf %scan3A_667, %mul3A_693 : vector<16xf32>
        %get3A_695 = arith.constant 2 : i32
        %get3A_696 = arith.index_cast %rem3A_365 : i32 to index
        %get3A_697 = arith.index_cast %get3A_695 : i32 to index
        %get3A_698 = arith.index_cast %add3A_673 : i32 to index
        %get3A_699 = arith.constant 32 : index
        %get3A_700 = tpu.vector_load %arg11[%get3A_696, %get3A_697, %get3A_698, %get3A_699] {strides = array<i32>} : memref<2x8x56x64xf32, #tpu.memory_space<vmem>>, vector<16xf32>,
        %mul3A_701 = arith.mulf %bitcast3A, %get3A_700 : vector<16xf32>
        %add3A_702 = arith.addf %scan3A_668, %mul3A_701 : vector<16xf32>
        %get3A_703 = arith.constant 2 : i32
        %get3A_704 = arith.index_cast %rem3A_365 : i32 to index
        %get3A_705 = arith.index_cast %get3A_703 : i32 to index
        %get3A_706 = arith.index_cast %add3A_673 : i32 to index
        %get3A_707 = arith.constant 48 : index
        %get3A_708 = tpu.vector_load %arg11[%get3A_704, %get3A_705, %get3A_706, %get3A_707] {strides = array<i32>} : memref<2x8x56x64xf32, #tpu.memory_space<vmem>>, vector<16xf32>,
        %mul3A_709 = arith.mulf %bitcast3A, %get3A_708 : vector<16xf32>
        %add3A_710 = arith.addf %scan3A_669, %mul3A_709 : vector<16xf32>
        %mul3A_711 = arith.constant 5 : i32
        %mul3A_712 = arith.muli %scan3A_665, %mul3A_711 : i32
        %add3A_713 = arith.constant 1 : i32
        %add3A_714 = arith.addi %mul3A_712, %add3A_713 : i32
        %broadcast_in_dim3A_715 = vector.broadcast %rem3A_365 : i32 to vector<16xi32>
        %broadcast_in_dim3A_716 = arith.constant 2 : i32
        %broadcast_in_dim3A_717 = vector.broadcast %broadcast_in_dim3A_716 : i32 to vector<16xi32>
        %add3A_718 = arith.constant 64 : i32
        %add3A_719 = arith.addi %add3A_718, %add3A_714 : i32
        %broadcast_in_dim3A_720 = vector.broadcast %add3A_719 : i32 to vector<16xi32>
        %gather3A_721 = tpu.vector_load_idx %arg10[%broadcast_in_dim3A_715, %broadcast_in_dim3A_717, %broadcast_in_dim3A_720] : memref<2x8x128xi32, #tpu.memory_space<vmem>>[vector<16xi32>, vector<16xi32>, vector<16xi32>], vector<16xi32>,
        %bitcast3A_722 = vector.bitcast %gather3A_721 : vector<16xi32> to vector<16xf32>
        %get3A_723 = arith.constant 2 : i32
        %get3A_724 = arith.index_cast %rem3A_365 : i32 to index
        %get3A_725 = arith.index_cast %get3A_723 : i32 to index
        %get3A_726 = arith.index_cast %add3A_714 : i32 to index
        %get3A_727 = arith.constant 0 : index
        %get3A_728 = tpu.vector_load %arg11[%get3A_724, %get3A_725, %get3A_726, %get3A_727] {strides = array<i32>} : memref<2x8x56x64xf32, #tpu.memory_space<vmem>>, vector<16xf32>,
        %mul3A_729 = arith.mulf %bitcast3A_722, %get3A_728 : vector<16xf32>
        %add3A_730 = arith.addf %add3A_686, %mul3A_729 : vector<16xf32>
        %get3A_731 = arith.constant 2 : i32
        %get3A_732 = arith.index_cast %rem3A_365 : i32 to index
        %get3A_733 = arith.index_cast %get3A_731 : i32 to index
        %get3A_734 = arith.index_cast %add3A_714 : i32 to index
        %get3A_735 = arith.constant 16 : index
        %get3A_736 = tpu.vector_load %arg11[%get3A_732, %get3A_733, %get3A_734, %get3A_735] {strides = array<i32>} : memref<2x8x56x64xf32, #tpu.memory_space<vmem>>, vector<16xf32>,
        %mul3A_737 = arith.mulf %bitcast3A_722, %get3A_736 : vector<16xf32>
        %add3A_738 = arith.addf %add3A_694, %mul3A_737 : vector<16xf32>
        %get3A_739 = arith.constant 2 : i32
        %get3A_740 = arith.index_cast %rem3A_365 : i32 to index
        %get3A_741 = arith.index_cast %get3A_739 : i32 to index
        %get3A_742 = arith.index_cast %add3A_714 : i32 to index
        %get3A_743 = arith.constant 32 : index
        %get3A_744 = tpu.vector_load %arg11[%get3A_740, %get3A_741, %get3A_742, %get3A_743] {strides = array<i32>} : memref<2x8x56x64xf32, #tpu.memory_space<vmem>>, vector<16xf32>,
        %mul3A_745 = arith.mulf %bitcast3A_722, %get3A_744 : vector<16xf32>
        %add3A_746 = arith.addf %add3A_702, %mul3A_745 : vector<16xf32>
        %get3A_747 = arith.constant 2 : i32
        %get3A_748 = arith.index_cast %rem3A_365 : i32 to index
        %get3A_749 = arith.index_cast %get3A_747 : i32 to index
        %get3A_750 = arith.index_cast %add3A_714 : i32 to index
        %get3A_751 = arith.constant 48 : index
        %get3A_752 = tpu.vector_load %arg11[%get3A_748, %get3A_749, %get3A_750, %get3A_751] {strides = array<i32>} : memref<2x8x56x64xf32, #tpu.memory_space<vmem>>, vector<16xf32>,
        %mul3A_753 = arith.mulf %bitcast3A_722, %get3A_752 : vector<16xf32>
        %add3A_754 = arith.addf %add3A_710, %mul3A_753 : vector<16xf32>
        %mul3A_755 = arith.constant 5 : i32
        %mul3A_756 = arith.muli %scan3A_665, %mul3A_755 : i32
        %add3A_757 = arith.constant 2 : i32
        %add3A_758 = arith.addi %mul3A_756, %add3A_757 : i32
        %broadcast_in_dim3A_759 = vector.broadcast %rem3A_365 : i32 to vector<16xi32>
        %broadcast_in_dim3A_760 = arith.constant 2 : i32
        %broadcast_in_dim3A_761 = vector.broadcast %broadcast_in_dim3A_760 : i32 to vector<16xi32>
        %add3A_762 = arith.constant 64 : i32
        %add3A_763 = arith.addi %add3A_762, %add3A_758 : i32
        %broadcast_in_dim3A_764 = vector.broadcast %add3A_763 : i32 to vector<16xi32>
        %gather3A_765 = tpu.vector_load_idx %arg10[%broadcast_in_dim3A_759, %broadcast_in_dim3A_761, %broadcast_in_dim3A_764] : memref<2x8x128xi32, #tpu.memory_space<vmem>>[vector<16xi32>, vector<16xi32>, vector<16xi32>], vector<16xi32>,
        %bitcast3A_766 = vector.bitcast %gather3A_765 : vector<16xi32> to vector<16xf32>
        %get3A_767 = arith.constant 2 : i32
        %get3A_768 = arith.index_cast %rem3A_365 : i32 to index
        %get3A_769 = arith.index_cast %get3A_767 : i32 to index
        %get3A_770 = arith.index_cast %add3A_758 : i32 to index
        %get3A_771 = arith.constant 0 : index
        %get3A_772 = tpu.vector_load %arg11[%get3A_768, %get3A_769, %get3A_770, %get3A_771] {strides = array<i32>} : memref<2x8x56x64xf32, #tpu.memory_space<vmem>>, vector<16xf32>,
        %mul3A_773 = arith.mulf %bitcast3A_766, %get3A_772 : vector<16xf32>
        %add3A_774 = arith.addf %add3A_730, %mul3A_773 : vector<16xf32>
        %get3A_775 = arith.constant 2 : i32
        %get3A_776 = arith.index_cast %rem3A_365 : i32 to index
        %get3A_777 = arith.index_cast %get3A_775 : i32 to index
        %get3A_778 = arith.index_cast %add3A_758 : i32 to index
        %get3A_779 = arith.constant 16 : index
        %get3A_780 = tpu.vector_load %arg11[%get3A_776, %get3A_777, %get3A_778, %get3A_779] {strides = array<i32>} : memref<2x8x56x64xf32, #tpu.memory_space<vmem>>, vector<16xf32>,
        %mul3A_781 = arith.mulf %bitcast3A_766, %get3A_780 : vector<16xf32>
        %add3A_782 = arith.addf %add3A_738, %mul3A_781 : vector<16xf32>
        %get3A_783 = arith.constant 2 : i32
        %get3A_784 = arith.index_cast %rem3A_365 : i32 to index
        %get3A_785 = arith.index_cast %get3A_783 : i32 to index
        %get3A_786 = arith.index_cast %add3A_758 : i32 to index
        %get3A_787 = arith.constant 32 : index
        %get3A_788 = tpu.vector_load %arg11[%get3A_784, %get3A_785, %get3A_786, %get3A_787] {strides = array<i32>} : memref<2x8x56x64xf32, #tpu.memory_space<vmem>>, vector<16xf32>,
        %mul3A_789 = arith.mulf %bitcast3A_766, %get3A_788 : vector<16xf32>
        %add3A_790 = arith.addf %add3A_746, %mul3A_789 : vector<16xf32>
        %get3A_791 = arith.constant 2 : i32
        %get3A_792 = arith.index_cast %rem3A_365 : i32 to index
        %get3A_793 = arith.index_cast %get3A_791 : i32 to index
        %get3A_794 = arith.index_cast %add3A_758 : i32 to index
        %get3A_795 = arith.constant 48 : index
        %get3A_796 = tpu.vector_load %arg11[%get3A_792, %get3A_793, %get3A_794, %get3A_795] {strides = array<i32>} : memref<2x8x56x64xf32, #tpu.memory_space<vmem>>, vector<16xf32>,
        %mul3A_797 = arith.mulf %bitcast3A_766, %get3A_796 : vector<16xf32>
        %add3A_798 = arith.addf %add3A_754, %mul3A_797 : vector<16xf32>
        %mul3A_799 = arith.constant 5 : i32
        %mul3A_800 = arith.muli %scan3A_665, %mul3A_799 : i32
        %add3A_801 = arith.constant 3 : i32
        %add3A_802 = arith.addi %mul3A_800, %add3A_801 : i32
        %broadcast_in_dim3A_803 = vector.broadcast %rem3A_365 : i32 to vector<16xi32>
        %broadcast_in_dim3A_804 = arith.constant 2 : i32
        %broadcast_in_dim3A_805 = vector.broadcast %broadcast_in_dim3A_804 : i32 to vector<16xi32>
        %add3A_806 = arith.constant 64 : i32
        %add3A_807 = arith.addi %add3A_806, %add3A_802 : i32
        %broadcast_in_dim3A_808 = vector.broadcast %add3A_807 : i32 to vector<16xi32>
        %gather3A_809 = tpu.vector_load_idx %arg10[%broadcast_in_dim3A_803, %broadcast_in_dim3A_805, %broadcast_in_dim3A_808] : memref<2x8x128xi32, #tpu.memory_space<vmem>>[vector<16xi32>, vector<16xi32>, vector<16xi32>], vector<16xi32>,
        %bitcast3A_810 = vector.bitcast %gather3A_809 : vector<16xi32> to vector<16xf32>
        %get3A_811 = arith.constant 2 : i32
        %get3A_812 = arith.index_cast %rem3A_365 : i32 to index
        %get3A_813 = arith.index_cast %get3A_811 : i32 to index
        %get3A_814 = arith.index_cast %add3A_802 : i32 to index
        %get3A_815 = arith.constant 0 : index
        %get3A_816 = tpu.vector_load %arg11[%get3A_812, %get3A_813, %get3A_814, %get3A_815] {strides = array<i32>} : memref<2x8x56x64xf32, #tpu.memory_space<vmem>>, vector<16xf32>,
        %mul3A_817 = arith.mulf %bitcast3A_810, %get3A_816 : vector<16xf32>
        %add3A_818 = arith.addf %add3A_774, %mul3A_817 : vector<16xf32>
        %get3A_819 = arith.constant 2 : i32
        %get3A_820 = arith.index_cast %rem3A_365 : i32 to index
        %get3A_821 = arith.index_cast %get3A_819 : i32 to index
        %get3A_822 = arith.index_cast %add3A_802 : i32 to index
        %get3A_823 = arith.constant 16 : index
        %get3A_824 = tpu.vector_load %arg11[%get3A_820, %get3A_821, %get3A_822, %get3A_823] {strides = array<i32>} : memref<2x8x56x64xf32, #tpu.memory_space<vmem>>, vector<16xf32>,
        %mul3A_825 = arith.mulf %bitcast3A_810, %get3A_824 : vector<16xf32>
        %add3A_826 = arith.addf %add3A_782, %mul3A_825 : vector<16xf32>
        %get3A_827 = arith.constant 2 : i32
        %get3A_828 = arith.index_cast %rem3A_365 : i32 to index
        %get3A_829 = arith.index_cast %get3A_827 : i32 to index
        %get3A_830 = arith.index_cast %add3A_802 : i32 to index
        %get3A_831 = arith.constant 32 : index
        %get3A_832 = tpu.vector_load %arg11[%get3A_828, %get3A_829, %get3A_830, %get3A_831] {strides = array<i32>} : memref<2x8x56x64xf32, #tpu.memory_space<vmem>>, vector<16xf32>,
        %mul3A_833 = arith.mulf %bitcast3A_810, %get3A_832 : vector<16xf32>
        %add3A_834 = arith.addf %add3A_790, %mul3A_833 : vector<16xf32>
        %get3A_835 = arith.constant 2 : i32
        %get3A_836 = arith.index_cast %rem3A_365 : i32 to index
        %get3A_837 = arith.index_cast %get3A_835 : i32 to index
        %get3A_838 = arith.index_cast %add3A_802 : i32 to index
        %get3A_839 = arith.constant 48 : index
        %get3A_840 = tpu.vector_load %arg11[%get3A_836, %get3A_837, %get3A_838, %get3A_839] {strides = array<i32>} : memref<2x8x56x64xf32, #tpu.memory_space<vmem>>, vector<16xf32>,
        %mul3A_841 = arith.mulf %bitcast3A_810, %get3A_840 : vector<16xf32>
        %add3A_842 = arith.addf %add3A_798, %mul3A_841 : vector<16xf32>
        %mul3A_843 = arith.constant 5 : i32
        %mul3A_844 = arith.muli %scan3A_665, %mul3A_843 : i32
        %add3A_845 = arith.constant 4 : i32
        %add3A_846 = arith.addi %mul3A_844, %add3A_845 : i32
        %broadcast_in_dim3A_847 = vector.broadcast %rem3A_365 : i32 to vector<16xi32>
        %broadcast_in_dim3A_848 = arith.constant 2 : i32
        %broadcast_in_dim3A_849 = vector.broadcast %broadcast_in_dim3A_848 : i32 to vector<16xi32>
        %add3A_850 = arith.constant 64 : i32
        %add3A_851 = arith.addi %add3A_850, %add3A_846 : i32
        %broadcast_in_dim3A_852 = vector.broadcast %add3A_851 : i32 to vector<16xi32>
        %gather3A_853 = tpu.vector_load_idx %arg10[%broadcast_in_dim3A_847, %broadcast_in_dim3A_849, %broadcast_in_dim3A_852] : memref<2x8x128xi32, #tpu.memory_space<vmem>>[vector<16xi32>, vector<16xi32>, vector<16xi32>], vector<16xi32>,
        %bitcast3A_854 = vector.bitcast %gather3A_853 : vector<16xi32> to vector<16xf32>
        %get3A_855 = arith.constant 2 : i32
        %get3A_856 = arith.index_cast %rem3A_365 : i32 to index
        %get3A_857 = arith.index_cast %get3A_855 : i32 to index
        %get3A_858 = arith.index_cast %add3A_846 : i32 to index
        %get3A_859 = arith.constant 0 : index
        %get3A_860 = tpu.vector_load %arg11[%get3A_856, %get3A_857, %get3A_858, %get3A_859] {strides = array<i32>} : memref<2x8x56x64xf32, #tpu.memory_space<vmem>>, vector<16xf32>,
        %mul3A_861 = arith.mulf %bitcast3A_854, %get3A_860 : vector<16xf32>
        %add3A_862 = arith.addf %add3A_818, %mul3A_861 : vector<16xf32>
        %get3A_863 = arith.constant 2 : i32
        %get3A_864 = arith.index_cast %rem3A_365 : i32 to index
        %get3A_865 = arith.index_cast %get3A_863 : i32 to index
        %get3A_866 = arith.index_cast %add3A_846 : i32 to index
        %get3A_867 = arith.constant 16 : index
        %get3A_868 = tpu.vector_load %arg11[%get3A_864, %get3A_865, %get3A_866, %get3A_867] {strides = array<i32>} : memref<2x8x56x64xf32, #tpu.memory_space<vmem>>, vector<16xf32>,
        %mul3A_869 = arith.mulf %bitcast3A_854, %get3A_868 : vector<16xf32>
        %add3A_870 = arith.addf %add3A_826, %mul3A_869 : vector<16xf32>
        %get3A_871 = arith.constant 2 : i32
        %get3A_872 = arith.index_cast %rem3A_365 : i32 to index
        %get3A_873 = arith.index_cast %get3A_871 : i32 to index
        %get3A_874 = arith.index_cast %add3A_846 : i32 to index
        %get3A_875 = arith.constant 32 : index
        %get3A_876 = tpu.vector_load %arg11[%get3A_872, %get3A_873, %get3A_874, %get3A_875] {strides = array<i32>} : memref<2x8x56x64xf32, #tpu.memory_space<vmem>>, vector<16xf32>,
        %mul3A_877 = arith.mulf %bitcast3A_854, %get3A_876 : vector<16xf32>
        %add3A_878 = arith.addf %add3A_834, %mul3A_877 : vector<16xf32>
        %get3A_879 = arith.constant 2 : i32
        %get3A_880 = arith.index_cast %rem3A_365 : i32 to index
        %get3A_881 = arith.index_cast %get3A_879 : i32 to index
        %get3A_882 = arith.index_cast %add3A_846 : i32 to index
        %get3A_883 = arith.constant 48 : index
        %get3A_884 = tpu.vector_load %arg11[%get3A_880, %get3A_881, %get3A_882, %get3A_883] {strides = array<i32>} : memref<2x8x56x64xf32, #tpu.memory_space<vmem>>, vector<16xf32>,
        %mul3A_885 = arith.mulf %bitcast3A_854, %get3A_884 : vector<16xf32>
        %add3A_886 = arith.addf %add3A_842, %mul3A_885 : vector<16xf32>
        scf.yield %add3A_862, %add3A_870, %add3A_878, %add3A_886 : vector<16xf32>, vector<16xf32>, vector<16xf32>, vector<16xf32>
      }
      %scan3A_523 = arith.constant 10 : i32
      %swap3A_524 = arith.constant 2 : i32
      %swap3A_525 = arith.index_cast %swap3A_524 : i32 to index
      %swap3A_526 = arith.constant 0 : index
      %swap3A_527 = tpu.vector_load %arg12[%swap3A_525, %swap3A_526] {strides = array<i32>} : memref<8x128xf32, #tpu.memory_space<vmem>>, vector<16xf32>,
      tpu.vector_store %arg12[%swap3A_525, %swap3A_526], %scan3A_522#0 {strides = array<i32>} : memref<8x128xf32, #tpu.memory_space<vmem>>, vector<16xf32>,
      %swap3A_528 = arith.constant 2 : i32
      %swap3A_529 = arith.index_cast %swap3A_528 : i32 to index
      %swap3A_530 = arith.constant 16 : index
      %swap3A_531 = tpu.vector_load %arg12[%swap3A_529, %swap3A_530] {strides = array<i32>} : memref<8x128xf32, #tpu.memory_space<vmem>>, vector<16xf32>,
      tpu.vector_store %arg12[%swap3A_529, %swap3A_530], %scan3A_522#1 {strides = array<i32>} : memref<8x128xf32, #tpu.memory_space<vmem>>, vector<16xf32>,
      %swap3A_532 = arith.constant 2 : i32
      %swap3A_533 = arith.index_cast %swap3A_532 : i32 to index
      %swap3A_534 = arith.constant 32 : index
      %swap3A_535 = tpu.vector_load %arg12[%swap3A_533, %swap3A_534] {strides = array<i32>} : memref<8x128xf32, #tpu.memory_space<vmem>>, vector<16xf32>,
      tpu.vector_store %arg12[%swap3A_533, %swap3A_534], %scan3A_522#2 {strides = array<i32>} : memref<8x128xf32, #tpu.memory_space<vmem>>, vector<16xf32>,
      %swap3A_536 = arith.constant 2 : i32
      %swap3A_537 = arith.index_cast %swap3A_536 : i32 to index
      %swap3A_538 = arith.constant 48 : index
      %swap3A_539 = tpu.vector_load %arg12[%swap3A_537, %swap3A_538] {strides = array<i32>} : memref<8x128xf32, #tpu.memory_space<vmem>>, vector<16xf32>,
      tpu.vector_store %arg12[%swap3A_537, %swap3A_538], %scan3A_522#3 {strides = array<i32>} : memref<8x128xf32, #tpu.memory_space<vmem>>, vector<16xf32>,
      %broadcast_in_dim3A_540 = arith.constant 0.000000e+00 : f32
      %broadcast_in_dim3A_541 = vector.broadcast %broadcast_in_dim3A_540 : f32 to vector<16xf32>
      %scan3A_542 = arith.constant 0 : i32
      %scan3A_543 = arith.constant 10 : i32
      %scan3A_544 = arith.addi %scan3A_542, %scan3A_543 : i32
      %scan3A_545 = arith.constant 1 : i32
      %scan3A_546:4 = scf.for %scan3A_665 = %scan3A_542 to %scan3A_544 step %scan3A_545 iter_args(%scan3A_666 = %broadcast_in_dim3A_541, %scan3A_667 = %broadcast_in_dim3A_541, %scan3A_668 = %broadcast_in_dim3A_541, %scan3A_669 = %broadcast_in_dim3A_541) -> (vector<16xf32>, vector<16xf32>, vector<16xf32>, vector<16xf32>)  : i32 {
        %mul3A_670 = arith.constant 5 : i32
        %mul3A_671 = arith.muli %scan3A_665, %mul3A_670 : i32
        %add3A_672 = arith.constant 0 : i32
        %add3A_673 = arith.addi %mul3A_671, %add3A_672 : i32
        %broadcast_in_dim3A_674 = vector.broadcast %rem3A_365 : i32 to vector<16xi32>
        %broadcast_in_dim3A_675 = arith.constant 3 : i32
        %broadcast_in_dim3A_676 = vector.broadcast %broadcast_in_dim3A_675 : i32 to vector<16xi32>
        %add3A_677 = arith.constant 64 : i32
        %add3A_678 = arith.addi %add3A_677, %add3A_673 : i32
        %broadcast_in_dim3A_679 = vector.broadcast %add3A_678 : i32 to vector<16xi32>
        %gather3A = tpu.vector_load_idx %arg10[%broadcast_in_dim3A_674, %broadcast_in_dim3A_676, %broadcast_in_dim3A_679] : memref<2x8x128xi32, #tpu.memory_space<vmem>>[vector<16xi32>, vector<16xi32>, vector<16xi32>], vector<16xi32>,
        %bitcast3A = vector.bitcast %gather3A : vector<16xi32> to vector<16xf32>
        %get3A = arith.constant 3 : i32
        %get3A_680 = arith.index_cast %rem3A_365 : i32 to index
        %get3A_681 = arith.index_cast %get3A : i32 to index
        %get3A_682 = arith.index_cast %add3A_673 : i32 to index
        %get3A_683 = arith.constant 0 : index
        %get3A_684 = tpu.vector_load %arg11[%get3A_680, %get3A_681, %get3A_682, %get3A_683] {strides = array<i32>} : memref<2x8x56x64xf32, #tpu.memory_space<vmem>>, vector<16xf32>,
        %mul3A_685 = arith.mulf %bitcast3A, %get3A_684 : vector<16xf32>
        %add3A_686 = arith.addf %scan3A_666, %mul3A_685 : vector<16xf32>
        %get3A_687 = arith.constant 3 : i32
        %get3A_688 = arith.index_cast %rem3A_365 : i32 to index
        %get3A_689 = arith.index_cast %get3A_687 : i32 to index
        %get3A_690 = arith.index_cast %add3A_673 : i32 to index
        %get3A_691 = arith.constant 16 : index
        %get3A_692 = tpu.vector_load %arg11[%get3A_688, %get3A_689, %get3A_690, %get3A_691] {strides = array<i32>} : memref<2x8x56x64xf32, #tpu.memory_space<vmem>>, vector<16xf32>,
        %mul3A_693 = arith.mulf %bitcast3A, %get3A_692 : vector<16xf32>
        %add3A_694 = arith.addf %scan3A_667, %mul3A_693 : vector<16xf32>
        %get3A_695 = arith.constant 3 : i32
        %get3A_696 = arith.index_cast %rem3A_365 : i32 to index
        %get3A_697 = arith.index_cast %get3A_695 : i32 to index
        %get3A_698 = arith.index_cast %add3A_673 : i32 to index
        %get3A_699 = arith.constant 32 : index
        %get3A_700 = tpu.vector_load %arg11[%get3A_696, %get3A_697, %get3A_698, %get3A_699] {strides = array<i32>} : memref<2x8x56x64xf32, #tpu.memory_space<vmem>>, vector<16xf32>,
        %mul3A_701 = arith.mulf %bitcast3A, %get3A_700 : vector<16xf32>
        %add3A_702 = arith.addf %scan3A_668, %mul3A_701 : vector<16xf32>
        %get3A_703 = arith.constant 3 : i32
        %get3A_704 = arith.index_cast %rem3A_365 : i32 to index
        %get3A_705 = arith.index_cast %get3A_703 : i32 to index
        %get3A_706 = arith.index_cast %add3A_673 : i32 to index
        %get3A_707 = arith.constant 48 : index
        %get3A_708 = tpu.vector_load %arg11[%get3A_704, %get3A_705, %get3A_706, %get3A_707] {strides = array<i32>} : memref<2x8x56x64xf32, #tpu.memory_space<vmem>>, vector<16xf32>,
        %mul3A_709 = arith.mulf %bitcast3A, %get3A_708 : vector<16xf32>
        %add3A_710 = arith.addf %scan3A_669, %mul3A_709 : vector<16xf32>
        %mul3A_711 = arith.constant 5 : i32
        %mul3A_712 = arith.muli %scan3A_665, %mul3A_711 : i32
        %add3A_713 = arith.constant 1 : i32
        %add3A_714 = arith.addi %mul3A_712, %add3A_713 : i32
        %broadcast_in_dim3A_715 = vector.broadcast %rem3A_365 : i32 to vector<16xi32>
        %broadcast_in_dim3A_716 = arith.constant 3 : i32
        %broadcast_in_dim3A_717 = vector.broadcast %broadcast_in_dim3A_716 : i32 to vector<16xi32>
        %add3A_718 = arith.constant 64 : i32
        %add3A_719 = arith.addi %add3A_718, %add3A_714 : i32
        %broadcast_in_dim3A_720 = vector.broadcast %add3A_719 : i32 to vector<16xi32>
        %gather3A_721 = tpu.vector_load_idx %arg10[%broadcast_in_dim3A_715, %broadcast_in_dim3A_717, %broadcast_in_dim3A_720] : memref<2x8x128xi32, #tpu.memory_space<vmem>>[vector<16xi32>, vector<16xi32>, vector<16xi32>], vector<16xi32>,
        %bitcast3A_722 = vector.bitcast %gather3A_721 : vector<16xi32> to vector<16xf32>
        %get3A_723 = arith.constant 3 : i32
        %get3A_724 = arith.index_cast %rem3A_365 : i32 to index
        %get3A_725 = arith.index_cast %get3A_723 : i32 to index
        %get3A_726 = arith.index_cast %add3A_714 : i32 to index
        %get3A_727 = arith.constant 0 : index
        %get3A_728 = tpu.vector_load %arg11[%get3A_724, %get3A_725, %get3A_726, %get3A_727] {strides = array<i32>} : memref<2x8x56x64xf32, #tpu.memory_space<vmem>>, vector<16xf32>,
        %mul3A_729 = arith.mulf %bitcast3A_722, %get3A_728 : vector<16xf32>
        %add3A_730 = arith.addf %add3A_686, %mul3A_729 : vector<16xf32>
        %get3A_731 = arith.constant 3 : i32
        %get3A_732 = arith.index_cast %rem3A_365 : i32 to index
        %get3A_733 = arith.index_cast %get3A_731 : i32 to index
        %get3A_734 = arith.index_cast %add3A_714 : i32 to index
        %get3A_735 = arith.constant 16 : index
        %get3A_736 = tpu.vector_load %arg11[%get3A_732, %get3A_733, %get3A_734, %get3A_735] {strides = array<i32>} : memref<2x8x56x64xf32, #tpu.memory_space<vmem>>, vector<16xf32>,
        %mul3A_737 = arith.mulf %bitcast3A_722, %get3A_736 : vector<16xf32>
        %add3A_738 = arith.addf %add3A_694, %mul3A_737 : vector<16xf32>
        %get3A_739 = arith.constant 3 : i32
        %get3A_740 = arith.index_cast %rem3A_365 : i32 to index
        %get3A_741 = arith.index_cast %get3A_739 : i32 to index
        %get3A_742 = arith.index_cast %add3A_714 : i32 to index
        %get3A_743 = arith.constant 32 : index
        %get3A_744 = tpu.vector_load %arg11[%get3A_740, %get3A_741, %get3A_742, %get3A_743] {strides = array<i32>} : memref<2x8x56x64xf32, #tpu.memory_space<vmem>>, vector<16xf32>,
        %mul3A_745 = arith.mulf %bitcast3A_722, %get3A_744 : vector<16xf32>
        %add3A_746 = arith.addf %add3A_702, %mul3A_745 : vector<16xf32>
        %get3A_747 = arith.constant 3 : i32
        %get3A_748 = arith.index_cast %rem3A_365 : i32 to index
        %get3A_749 = arith.index_cast %get3A_747 : i32 to index
        %get3A_750 = arith.index_cast %add3A_714 : i32 to index
        %get3A_751 = arith.constant 48 : index
        %get3A_752 = tpu.vector_load %arg11[%get3A_748, %get3A_749, %get3A_750, %get3A_751] {strides = array<i32>} : memref<2x8x56x64xf32, #tpu.memory_space<vmem>>, vector<16xf32>,
        %mul3A_753 = arith.mulf %bitcast3A_722, %get3A_752 : vector<16xf32>
        %add3A_754 = arith.addf %add3A_710, %mul3A_753 : vector<16xf32>
        %mul3A_755 = arith.constant 5 : i32
        %mul3A_756 = arith.muli %scan3A_665, %mul3A_755 : i32
        %add3A_757 = arith.constant 2 : i32
        %add3A_758 = arith.addi %mul3A_756, %add3A_757 : i32
        %broadcast_in_dim3A_759 = vector.broadcast %rem3A_365 : i32 to vector<16xi32>
        %broadcast_in_dim3A_760 = arith.constant 3 : i32
        %broadcast_in_dim3A_761 = vector.broadcast %broadcast_in_dim3A_760 : i32 to vector<16xi32>
        %add3A_762 = arith.constant 64 : i32
        %add3A_763 = arith.addi %add3A_762, %add3A_758 : i32
        %broadcast_in_dim3A_764 = vector.broadcast %add3A_763 : i32 to vector<16xi32>
        %gather3A_765 = tpu.vector_load_idx %arg10[%broadcast_in_dim3A_759, %broadcast_in_dim3A_761, %broadcast_in_dim3A_764] : memref<2x8x128xi32, #tpu.memory_space<vmem>>[vector<16xi32>, vector<16xi32>, vector<16xi32>], vector<16xi32>,
        %bitcast3A_766 = vector.bitcast %gather3A_765 : vector<16xi32> to vector<16xf32>
        %get3A_767 = arith.constant 3 : i32
        %get3A_768 = arith.index_cast %rem3A_365 : i32 to index
        %get3A_769 = arith.index_cast %get3A_767 : i32 to index
        %get3A_770 = arith.index_cast %add3A_758 : i32 to index
        %get3A_771 = arith.constant 0 : index
        %get3A_772 = tpu.vector_load %arg11[%get3A_768, %get3A_769, %get3A_770, %get3A_771] {strides = array<i32>} : memref<2x8x56x64xf32, #tpu.memory_space<vmem>>, vector<16xf32>,
        %mul3A_773 = arith.mulf %bitcast3A_766, %get3A_772 : vector<16xf32>
        %add3A_774 = arith.addf %add3A_730, %mul3A_773 : vector<16xf32>
        %get3A_775 = arith.constant 3 : i32
        %get3A_776 = arith.index_cast %rem3A_365 : i32 to index
        %get3A_777 = arith.index_cast %get3A_775 : i32 to index
        %get3A_778 = arith.index_cast %add3A_758 : i32 to index
        %get3A_779 = arith.constant 16 : index
        %get3A_780 = tpu.vector_load %arg11[%get3A_776, %get3A_777, %get3A_778, %get3A_779] {strides = array<i32>} : memref<2x8x56x64xf32, #tpu.memory_space<vmem>>, vector<16xf32>,
        %mul3A_781 = arith.mulf %bitcast3A_766, %get3A_780 : vector<16xf32>
        %add3A_782 = arith.addf %add3A_738, %mul3A_781 : vector<16xf32>
        %get3A_783 = arith.constant 3 : i32
        %get3A_784 = arith.index_cast %rem3A_365 : i32 to index
        %get3A_785 = arith.index_cast %get3A_783 : i32 to index
        %get3A_786 = arith.index_cast %add3A_758 : i32 to index
        %get3A_787 = arith.constant 32 : index
        %get3A_788 = tpu.vector_load %arg11[%get3A_784, %get3A_785, %get3A_786, %get3A_787] {strides = array<i32>} : memref<2x8x56x64xf32, #tpu.memory_space<vmem>>, vector<16xf32>,
        %mul3A_789 = arith.mulf %bitcast3A_766, %get3A_788 : vector<16xf32>
        %add3A_790 = arith.addf %add3A_746, %mul3A_789 : vector<16xf32>
        %get3A_791 = arith.constant 3 : i32
        %get3A_792 = arith.index_cast %rem3A_365 : i32 to index
        %get3A_793 = arith.index_cast %get3A_791 : i32 to index
        %get3A_794 = arith.index_cast %add3A_758 : i32 to index
        %get3A_795 = arith.constant 48 : index
        %get3A_796 = tpu.vector_load %arg11[%get3A_792, %get3A_793, %get3A_794, %get3A_795] {strides = array<i32>} : memref<2x8x56x64xf32, #tpu.memory_space<vmem>>, vector<16xf32>,
        %mul3A_797 = arith.mulf %bitcast3A_766, %get3A_796 : vector<16xf32>
        %add3A_798 = arith.addf %add3A_754, %mul3A_797 : vector<16xf32>
        %mul3A_799 = arith.constant 5 : i32
        %mul3A_800 = arith.muli %scan3A_665, %mul3A_799 : i32
        %add3A_801 = arith.constant 3 : i32
        %add3A_802 = arith.addi %mul3A_800, %add3A_801 : i32
        %broadcast_in_dim3A_803 = vector.broadcast %rem3A_365 : i32 to vector<16xi32>
        %broadcast_in_dim3A_804 = arith.constant 3 : i32
        %broadcast_in_dim3A_805 = vector.broadcast %broadcast_in_dim3A_804 : i32 to vector<16xi32>
        %add3A_806 = arith.constant 64 : i32
        %add3A_807 = arith.addi %add3A_806, %add3A_802 : i32
        %broadcast_in_dim3A_808 = vector.broadcast %add3A_807 : i32 to vector<16xi32>
        %gather3A_809 = tpu.vector_load_idx %arg10[%broadcast_in_dim3A_803, %broadcast_in_dim3A_805, %broadcast_in_dim3A_808] : memref<2x8x128xi32, #tpu.memory_space<vmem>>[vector<16xi32>, vector<16xi32>, vector<16xi32>], vector<16xi32>,
        %bitcast3A_810 = vector.bitcast %gather3A_809 : vector<16xi32> to vector<16xf32>
        %get3A_811 = arith.constant 3 : i32
        %get3A_812 = arith.index_cast %rem3A_365 : i32 to index
        %get3A_813 = arith.index_cast %get3A_811 : i32 to index
        %get3A_814 = arith.index_cast %add3A_802 : i32 to index
        %get3A_815 = arith.constant 0 : index
        %get3A_816 = tpu.vector_load %arg11[%get3A_812, %get3A_813, %get3A_814, %get3A_815] {strides = array<i32>} : memref<2x8x56x64xf32, #tpu.memory_space<vmem>>, vector<16xf32>,
        %mul3A_817 = arith.mulf %bitcast3A_810, %get3A_816 : vector<16xf32>
        %add3A_818 = arith.addf %add3A_774, %mul3A_817 : vector<16xf32>
        %get3A_819 = arith.constant 3 : i32
        %get3A_820 = arith.index_cast %rem3A_365 : i32 to index
        %get3A_821 = arith.index_cast %get3A_819 : i32 to index
        %get3A_822 = arith.index_cast %add3A_802 : i32 to index
        %get3A_823 = arith.constant 16 : index
        %get3A_824 = tpu.vector_load %arg11[%get3A_820, %get3A_821, %get3A_822, %get3A_823] {strides = array<i32>} : memref<2x8x56x64xf32, #tpu.memory_space<vmem>>, vector<16xf32>,
        %mul3A_825 = arith.mulf %bitcast3A_810, %get3A_824 : vector<16xf32>
        %add3A_826 = arith.addf %add3A_782, %mul3A_825 : vector<16xf32>
        %get3A_827 = arith.constant 3 : i32
        %get3A_828 = arith.index_cast %rem3A_365 : i32 to index
        %get3A_829 = arith.index_cast %get3A_827 : i32 to index
        %get3A_830 = arith.index_cast %add3A_802 : i32 to index
        %get3A_831 = arith.constant 32 : index
        %get3A_832 = tpu.vector_load %arg11[%get3A_828, %get3A_829, %get3A_830, %get3A_831] {strides = array<i32>} : memref<2x8x56x64xf32, #tpu.memory_space<vmem>>, vector<16xf32>,
        %mul3A_833 = arith.mulf %bitcast3A_810, %get3A_832 : vector<16xf32>
        %add3A_834 = arith.addf %add3A_790, %mul3A_833 : vector<16xf32>
        %get3A_835 = arith.constant 3 : i32
        %get3A_836 = arith.index_cast %rem3A_365 : i32 to index
        %get3A_837 = arith.index_cast %get3A_835 : i32 to index
        %get3A_838 = arith.index_cast %add3A_802 : i32 to index
        %get3A_839 = arith.constant 48 : index
        %get3A_840 = tpu.vector_load %arg11[%get3A_836, %get3A_837, %get3A_838, %get3A_839] {strides = array<i32>} : memref<2x8x56x64xf32, #tpu.memory_space<vmem>>, vector<16xf32>,
        %mul3A_841 = arith.mulf %bitcast3A_810, %get3A_840 : vector<16xf32>
        %add3A_842 = arith.addf %add3A_798, %mul3A_841 : vector<16xf32>
        %mul3A_843 = arith.constant 5 : i32
        %mul3A_844 = arith.muli %scan3A_665, %mul3A_843 : i32
        %add3A_845 = arith.constant 4 : i32
        %add3A_846 = arith.addi %mul3A_844, %add3A_845 : i32
        %broadcast_in_dim3A_847 = vector.broadcast %rem3A_365 : i32 to vector<16xi32>
        %broadcast_in_dim3A_848 = arith.constant 3 : i32
        %broadcast_in_dim3A_849 = vector.broadcast %broadcast_in_dim3A_848 : i32 to vector<16xi32>
        %add3A_850 = arith.constant 64 : i32
        %add3A_851 = arith.addi %add3A_850, %add3A_846 : i32
        %broadcast_in_dim3A_852 = vector.broadcast %add3A_851 : i32 to vector<16xi32>
        %gather3A_853 = tpu.vector_load_idx %arg10[%broadcast_in_dim3A_847, %broadcast_in_dim3A_849, %broadcast_in_dim3A_852] : memref<2x8x128xi32, #tpu.memory_space<vmem>>[vector<16xi32>, vector<16xi32>, vector<16xi32>], vector<16xi32>,
        %bitcast3A_854 = vector.bitcast %gather3A_853 : vector<16xi32> to vector<16xf32>
        %get3A_855 = arith.constant 3 : i32
        %get3A_856 = arith.index_cast %rem3A_365 : i32 to index
        %get3A_857 = arith.index_cast %get3A_855 : i32 to index
        %get3A_858 = arith.index_cast %add3A_846 : i32 to index
        %get3A_859 = arith.constant 0 : index
        %get3A_860 = tpu.vector_load %arg11[%get3A_856, %get3A_857, %get3A_858, %get3A_859] {strides = array<i32>} : memref<2x8x56x64xf32, #tpu.memory_space<vmem>>, vector<16xf32>,
        %mul3A_861 = arith.mulf %bitcast3A_854, %get3A_860 : vector<16xf32>
        %add3A_862 = arith.addf %add3A_818, %mul3A_861 : vector<16xf32>
        %get3A_863 = arith.constant 3 : i32
        %get3A_864 = arith.index_cast %rem3A_365 : i32 to index
        %get3A_865 = arith.index_cast %get3A_863 : i32 to index
        %get3A_866 = arith.index_cast %add3A_846 : i32 to index
        %get3A_867 = arith.constant 16 : index
        %get3A_868 = tpu.vector_load %arg11[%get3A_864, %get3A_865, %get3A_866, %get3A_867] {strides = array<i32>} : memref<2x8x56x64xf32, #tpu.memory_space<vmem>>, vector<16xf32>,
        %mul3A_869 = arith.mulf %bitcast3A_854, %get3A_868 : vector<16xf32>
        %add3A_870 = arith.addf %add3A_826, %mul3A_869 : vector<16xf32>
        %get3A_871 = arith.constant 3 : i32
        %get3A_872 = arith.index_cast %rem3A_365 : i32 to index
        %get3A_873 = arith.index_cast %get3A_871 : i32 to index
        %get3A_874 = arith.index_cast %add3A_846 : i32 to index
        %get3A_875 = arith.constant 32 : index
        %get3A_876 = tpu.vector_load %arg11[%get3A_872, %get3A_873, %get3A_874, %get3A_875] {strides = array<i32>} : memref<2x8x56x64xf32, #tpu.memory_space<vmem>>, vector<16xf32>,
        %mul3A_877 = arith.mulf %bitcast3A_854, %get3A_876 : vector<16xf32>
        %add3A_878 = arith.addf %add3A_834, %mul3A_877 : vector<16xf32>
        %get3A_879 = arith.constant 3 : i32
        %get3A_880 = arith.index_cast %rem3A_365 : i32 to index
        %get3A_881 = arith.index_cast %get3A_879 : i32 to index
        %get3A_882 = arith.index_cast %add3A_846 : i32 to index
        %get3A_883 = arith.constant 48 : index
        %get3A_884 = tpu.vector_load %arg11[%get3A_880, %get3A_881, %get3A_882, %get3A_883] {strides = array<i32>} : memref<2x8x56x64xf32, #tpu.memory_space<vmem>>, vector<16xf32>,
        %mul3A_885 = arith.mulf %bitcast3A_854, %get3A_884 : vector<16xf32>
        %add3A_886 = arith.addf %add3A_842, %mul3A_885 : vector<16xf32>
        scf.yield %add3A_862, %add3A_870, %add3A_878, %add3A_886 : vector<16xf32>, vector<16xf32>, vector<16xf32>, vector<16xf32>
      }
      %scan3A_547 = arith.constant 10 : i32
      %swap3A_548 = arith.constant 3 : i32
      %swap3A_549 = arith.index_cast %swap3A_548 : i32 to index
      %swap3A_550 = arith.constant 0 : index
      %swap3A_551 = tpu.vector_load %arg12[%swap3A_549, %swap3A_550] {strides = array<i32>} : memref<8x128xf32, #tpu.memory_space<vmem>>, vector<16xf32>,
      tpu.vector_store %arg12[%swap3A_549, %swap3A_550], %scan3A_546#0 {strides = array<i32>} : memref<8x128xf32, #tpu.memory_space<vmem>>, vector<16xf32>,
      %swap3A_552 = arith.constant 3 : i32
      %swap3A_553 = arith.index_cast %swap3A_552 : i32 to index
      %swap3A_554 = arith.constant 16 : index
      %swap3A_555 = tpu.vector_load %arg12[%swap3A_553, %swap3A_554] {strides = array<i32>} : memref<8x128xf32, #tpu.memory_space<vmem>>, vector<16xf32>,
      tpu.vector_store %arg12[%swap3A_553, %swap3A_554], %scan3A_546#1 {strides = array<i32>} : memref<8x128xf32, #tpu.memory_space<vmem>>, vector<16xf32>,
      %swap3A_556 = arith.constant 3 : i32
      %swap3A_557 = arith.index_cast %swap3A_556 : i32 to index
      %swap3A_558 = arith.constant 32 : index
      %swap3A_559 = tpu.vector_load %arg12[%swap3A_557, %swap3A_558] {strides = array<i32>} : memref<8x128xf32, #tpu.memory_space<vmem>>, vector<16xf32>,
      tpu.vector_store %arg12[%swap3A_557, %swap3A_558], %scan3A_546#2 {strides = array<i32>} : memref<8x128xf32, #tpu.memory_space<vmem>>, vector<16xf32>,
      %swap3A_560 = arith.constant 3 : i32
      %swap3A_561 = arith.index_cast %swap3A_560 : i32 to index
      %swap3A_562 = arith.constant 48 : index
      %swap3A_563 = tpu.vector_load %arg12[%swap3A_561, %swap3A_562] {strides = array<i32>} : memref<8x128xf32, #tpu.memory_space<vmem>>, vector<16xf32>,
      tpu.vector_store %arg12[%swap3A_561, %swap3A_562], %scan3A_546#3 {strides = array<i32>} : memref<8x128xf32, #tpu.memory_space<vmem>>, vector<16xf32>,
      %broadcast_in_dim3A_564 = arith.constant 0.000000e+00 : f32
      %broadcast_in_dim3A_565 = vector.broadcast %broadcast_in_dim3A_564 : f32 to vector<16xf32>
      %scan3A_566 = arith.constant 0 : i32
      %scan3A_567 = arith.constant 10 : i32
      %scan3A_568 = arith.addi %scan3A_566, %scan3A_567 : i32
      %scan3A_569 = arith.constant 1 : i32
      %scan3A_570:4 = scf.for %scan3A_665 = %scan3A_566 to %scan3A_568 step %scan3A_569 iter_args(%scan3A_666 = %broadcast_in_dim3A_565, %scan3A_667 = %broadcast_in_dim3A_565, %scan3A_668 = %broadcast_in_dim3A_565, %scan3A_669 = %broadcast_in_dim3A_565) -> (vector<16xf32>, vector<16xf32>, vector<16xf32>, vector<16xf32>)  : i32 {
        %mul3A_670 = arith.constant 5 : i32
        %mul3A_671 = arith.muli %scan3A_665, %mul3A_670 : i32
        %add3A_672 = arith.constant 0 : i32
        %add3A_673 = arith.addi %mul3A_671, %add3A_672 : i32
        %broadcast_in_dim3A_674 = vector.broadcast %rem3A_365 : i32 to vector<16xi32>
        %broadcast_in_dim3A_675 = arith.constant 4 : i32
        %broadcast_in_dim3A_676 = vector.broadcast %broadcast_in_dim3A_675 : i32 to vector<16xi32>
        %add3A_677 = arith.constant 64 : i32
        %add3A_678 = arith.addi %add3A_677, %add3A_673 : i32
        %broadcast_in_dim3A_679 = vector.broadcast %add3A_678 : i32 to vector<16xi32>
        %gather3A = tpu.vector_load_idx %arg10[%broadcast_in_dim3A_674, %broadcast_in_dim3A_676, %broadcast_in_dim3A_679] : memref<2x8x128xi32, #tpu.memory_space<vmem>>[vector<16xi32>, vector<16xi32>, vector<16xi32>], vector<16xi32>,
        %bitcast3A = vector.bitcast %gather3A : vector<16xi32> to vector<16xf32>
        %get3A = arith.constant 4 : i32
        %get3A_680 = arith.index_cast %rem3A_365 : i32 to index
        %get3A_681 = arith.index_cast %get3A : i32 to index
        %get3A_682 = arith.index_cast %add3A_673 : i32 to index
        %get3A_683 = arith.constant 0 : index
        %get3A_684 = tpu.vector_load %arg11[%get3A_680, %get3A_681, %get3A_682, %get3A_683] {strides = array<i32>} : memref<2x8x56x64xf32, #tpu.memory_space<vmem>>, vector<16xf32>,
        %mul3A_685 = arith.mulf %bitcast3A, %get3A_684 : vector<16xf32>
        %add3A_686 = arith.addf %scan3A_666, %mul3A_685 : vector<16xf32>
        %get3A_687 = arith.constant 4 : i32
        %get3A_688 = arith.index_cast %rem3A_365 : i32 to index
        %get3A_689 = arith.index_cast %get3A_687 : i32 to index
        %get3A_690 = arith.index_cast %add3A_673 : i32 to index
        %get3A_691 = arith.constant 16 : index
        %get3A_692 = tpu.vector_load %arg11[%get3A_688, %get3A_689, %get3A_690, %get3A_691] {strides = array<i32>} : memref<2x8x56x64xf32, #tpu.memory_space<vmem>>, vector<16xf32>,
        %mul3A_693 = arith.mulf %bitcast3A, %get3A_692 : vector<16xf32>
        %add3A_694 = arith.addf %scan3A_667, %mul3A_693 : vector<16xf32>
        %get3A_695 = arith.constant 4 : i32
        %get3A_696 = arith.index_cast %rem3A_365 : i32 to index
        %get3A_697 = arith.index_cast %get3A_695 : i32 to index
        %get3A_698 = arith.index_cast %add3A_673 : i32 to index
        %get3A_699 = arith.constant 32 : index
        %get3A_700 = tpu.vector_load %arg11[%get3A_696, %get3A_697, %get3A_698, %get3A_699] {strides = array<i32>} : memref<2x8x56x64xf32, #tpu.memory_space<vmem>>, vector<16xf32>,
        %mul3A_701 = arith.mulf %bitcast3A, %get3A_700 : vector<16xf32>
        %add3A_702 = arith.addf %scan3A_668, %mul3A_701 : vector<16xf32>
        %get3A_703 = arith.constant 4 : i32
        %get3A_704 = arith.index_cast %rem3A_365 : i32 to index
        %get3A_705 = arith.index_cast %get3A_703 : i32 to index
        %get3A_706 = arith.index_cast %add3A_673 : i32 to index
        %get3A_707 = arith.constant 48 : index
        %get3A_708 = tpu.vector_load %arg11[%get3A_704, %get3A_705, %get3A_706, %get3A_707] {strides = array<i32>} : memref<2x8x56x64xf32, #tpu.memory_space<vmem>>, vector<16xf32>,
        %mul3A_709 = arith.mulf %bitcast3A, %get3A_708 : vector<16xf32>
        %add3A_710 = arith.addf %scan3A_669, %mul3A_709 : vector<16xf32>
        %mul3A_711 = arith.constant 5 : i32
        %mul3A_712 = arith.muli %scan3A_665, %mul3A_711 : i32
        %add3A_713 = arith.constant 1 : i32
        %add3A_714 = arith.addi %mul3A_712, %add3A_713 : i32
        %broadcast_in_dim3A_715 = vector.broadcast %rem3A_365 : i32 to vector<16xi32>
        %broadcast_in_dim3A_716 = arith.constant 4 : i32
        %broadcast_in_dim3A_717 = vector.broadcast %broadcast_in_dim3A_716 : i32 to vector<16xi32>
        %add3A_718 = arith.constant 64 : i32
        %add3A_719 = arith.addi %add3A_718, %add3A_714 : i32
        %broadcast_in_dim3A_720 = vector.broadcast %add3A_719 : i32 to vector<16xi32>
        %gather3A_721 = tpu.vector_load_idx %arg10[%broadcast_in_dim3A_715, %broadcast_in_dim3A_717, %broadcast_in_dim3A_720] : memref<2x8x128xi32, #tpu.memory_space<vmem>>[vector<16xi32>, vector<16xi32>, vector<16xi32>], vector<16xi32>,
        %bitcast3A_722 = vector.bitcast %gather3A_721 : vector<16xi32> to vector<16xf32>
        %get3A_723 = arith.constant 4 : i32
        %get3A_724 = arith.index_cast %rem3A_365 : i32 to index
        %get3A_725 = arith.index_cast %get3A_723 : i32 to index
        %get3A_726 = arith.index_cast %add3A_714 : i32 to index
        %get3A_727 = arith.constant 0 : index
        %get3A_728 = tpu.vector_load %arg11[%get3A_724, %get3A_725, %get3A_726, %get3A_727] {strides = array<i32>} : memref<2x8x56x64xf32, #tpu.memory_space<vmem>>, vector<16xf32>,
        %mul3A_729 = arith.mulf %bitcast3A_722, %get3A_728 : vector<16xf32>
        %add3A_730 = arith.addf %add3A_686, %mul3A_729 : vector<16xf32>
        %get3A_731 = arith.constant 4 : i32
        %get3A_732 = arith.index_cast %rem3A_365 : i32 to index
        %get3A_733 = arith.index_cast %get3A_731 : i32 to index
        %get3A_734 = arith.index_cast %add3A_714 : i32 to index
        %get3A_735 = arith.constant 16 : index
        %get3A_736 = tpu.vector_load %arg11[%get3A_732, %get3A_733, %get3A_734, %get3A_735] {strides = array<i32>} : memref<2x8x56x64xf32, #tpu.memory_space<vmem>>, vector<16xf32>,
        %mul3A_737 = arith.mulf %bitcast3A_722, %get3A_736 : vector<16xf32>
        %add3A_738 = arith.addf %add3A_694, %mul3A_737 : vector<16xf32>
        %get3A_739 = arith.constant 4 : i32
        %get3A_740 = arith.index_cast %rem3A_365 : i32 to index
        %get3A_741 = arith.index_cast %get3A_739 : i32 to index
        %get3A_742 = arith.index_cast %add3A_714 : i32 to index
        %get3A_743 = arith.constant 32 : index
        %get3A_744 = tpu.vector_load %arg11[%get3A_740, %get3A_741, %get3A_742, %get3A_743] {strides = array<i32>} : memref<2x8x56x64xf32, #tpu.memory_space<vmem>>, vector<16xf32>,
        %mul3A_745 = arith.mulf %bitcast3A_722, %get3A_744 : vector<16xf32>
        %add3A_746 = arith.addf %add3A_702, %mul3A_745 : vector<16xf32>
        %get3A_747 = arith.constant 4 : i32
        %get3A_748 = arith.index_cast %rem3A_365 : i32 to index
        %get3A_749 = arith.index_cast %get3A_747 : i32 to index
        %get3A_750 = arith.index_cast %add3A_714 : i32 to index
        %get3A_751 = arith.constant 48 : index
        %get3A_752 = tpu.vector_load %arg11[%get3A_748, %get3A_749, %get3A_750, %get3A_751] {strides = array<i32>} : memref<2x8x56x64xf32, #tpu.memory_space<vmem>>, vector<16xf32>,
        %mul3A_753 = arith.mulf %bitcast3A_722, %get3A_752 : vector<16xf32>
        %add3A_754 = arith.addf %add3A_710, %mul3A_753 : vector<16xf32>
        %mul3A_755 = arith.constant 5 : i32
        %mul3A_756 = arith.muli %scan3A_665, %mul3A_755 : i32
        %add3A_757 = arith.constant 2 : i32
        %add3A_758 = arith.addi %mul3A_756, %add3A_757 : i32
        %broadcast_in_dim3A_759 = vector.broadcast %rem3A_365 : i32 to vector<16xi32>
        %broadcast_in_dim3A_760 = arith.constant 4 : i32
        %broadcast_in_dim3A_761 = vector.broadcast %broadcast_in_dim3A_760 : i32 to vector<16xi32>
        %add3A_762 = arith.constant 64 : i32
        %add3A_763 = arith.addi %add3A_762, %add3A_758 : i32
        %broadcast_in_dim3A_764 = vector.broadcast %add3A_763 : i32 to vector<16xi32>
        %gather3A_765 = tpu.vector_load_idx %arg10[%broadcast_in_dim3A_759, %broadcast_in_dim3A_761, %broadcast_in_dim3A_764] : memref<2x8x128xi32, #tpu.memory_space<vmem>>[vector<16xi32>, vector<16xi32>, vector<16xi32>], vector<16xi32>,
        %bitcast3A_766 = vector.bitcast %gather3A_765 : vector<16xi32> to vector<16xf32>
        %get3A_767 = arith.constant 4 : i32
        %get3A_768 = arith.index_cast %rem3A_365 : i32 to index
        %get3A_769 = arith.index_cast %get3A_767 : i32 to index
        %get3A_770 = arith.index_cast %add3A_758 : i32 to index
        %get3A_771 = arith.constant 0 : index
        %get3A_772 = tpu.vector_load %arg11[%get3A_768, %get3A_769, %get3A_770, %get3A_771] {strides = array<i32>} : memref<2x8x56x64xf32, #tpu.memory_space<vmem>>, vector<16xf32>,
        %mul3A_773 = arith.mulf %bitcast3A_766, %get3A_772 : vector<16xf32>
        %add3A_774 = arith.addf %add3A_730, %mul3A_773 : vector<16xf32>
        %get3A_775 = arith.constant 4 : i32
        %get3A_776 = arith.index_cast %rem3A_365 : i32 to index
        %get3A_777 = arith.index_cast %get3A_775 : i32 to index
        %get3A_778 = arith.index_cast %add3A_758 : i32 to index
        %get3A_779 = arith.constant 16 : index
        %get3A_780 = tpu.vector_load %arg11[%get3A_776, %get3A_777, %get3A_778, %get3A_779] {strides = array<i32>} : memref<2x8x56x64xf32, #tpu.memory_space<vmem>>, vector<16xf32>,
        %mul3A_781 = arith.mulf %bitcast3A_766, %get3A_780 : vector<16xf32>
        %add3A_782 = arith.addf %add3A_738, %mul3A_781 : vector<16xf32>
        %get3A_783 = arith.constant 4 : i32
        %get3A_784 = arith.index_cast %rem3A_365 : i32 to index
        %get3A_785 = arith.index_cast %get3A_783 : i32 to index
        %get3A_786 = arith.index_cast %add3A_758 : i32 to index
        %get3A_787 = arith.constant 32 : index
        %get3A_788 = tpu.vector_load %arg11[%get3A_784, %get3A_785, %get3A_786, %get3A_787] {strides = array<i32>} : memref<2x8x56x64xf32, #tpu.memory_space<vmem>>, vector<16xf32>,
        %mul3A_789 = arith.mulf %bitcast3A_766, %get3A_788 : vector<16xf32>
        %add3A_790 = arith.addf %add3A_746, %mul3A_789 : vector<16xf32>
        %get3A_791 = arith.constant 4 : i32
        %get3A_792 = arith.index_cast %rem3A_365 : i32 to index
        %get3A_793 = arith.index_cast %get3A_791 : i32 to index
        %get3A_794 = arith.index_cast %add3A_758 : i32 to index
        %get3A_795 = arith.constant 48 : index
        %get3A_796 = tpu.vector_load %arg11[%get3A_792, %get3A_793, %get3A_794, %get3A_795] {strides = array<i32>} : memref<2x8x56x64xf32, #tpu.memory_space<vmem>>, vector<16xf32>,
        %mul3A_797 = arith.mulf %bitcast3A_766, %get3A_796 : vector<16xf32>
        %add3A_798 = arith.addf %add3A_754, %mul3A_797 : vector<16xf32>
        %mul3A_799 = arith.constant 5 : i32
        %mul3A_800 = arith.muli %scan3A_665, %mul3A_799 : i32
        %add3A_801 = arith.constant 3 : i32
        %add3A_802 = arith.addi %mul3A_800, %add3A_801 : i32
        %broadcast_in_dim3A_803 = vector.broadcast %rem3A_365 : i32 to vector<16xi32>
        %broadcast_in_dim3A_804 = arith.constant 4 : i32
        %broadcast_in_dim3A_805 = vector.broadcast %broadcast_in_dim3A_804 : i32 to vector<16xi32>
        %add3A_806 = arith.constant 64 : i32
        %add3A_807 = arith.addi %add3A_806, %add3A_802 : i32
        %broadcast_in_dim3A_808 = vector.broadcast %add3A_807 : i32 to vector<16xi32>
        %gather3A_809 = tpu.vector_load_idx %arg10[%broadcast_in_dim3A_803, %broadcast_in_dim3A_805, %broadcast_in_dim3A_808] : memref<2x8x128xi32, #tpu.memory_space<vmem>>[vector<16xi32>, vector<16xi32>, vector<16xi32>], vector<16xi32>,
        %bitcast3A_810 = vector.bitcast %gather3A_809 : vector<16xi32> to vector<16xf32>
        %get3A_811 = arith.constant 4 : i32
        %get3A_812 = arith.index_cast %rem3A_365 : i32 to index
        %get3A_813 = arith.index_cast %get3A_811 : i32 to index
        %get3A_814 = arith.index_cast %add3A_802 : i32 to index
        %get3A_815 = arith.constant 0 : index
        %get3A_816 = tpu.vector_load %arg11[%get3A_812, %get3A_813, %get3A_814, %get3A_815] {strides = array<i32>} : memref<2x8x56x64xf32, #tpu.memory_space<vmem>>, vector<16xf32>,
        %mul3A_817 = arith.mulf %bitcast3A_810, %get3A_816 : vector<16xf32>
        %add3A_818 = arith.addf %add3A_774, %mul3A_817 : vector<16xf32>
        %get3A_819 = arith.constant 4 : i32
        %get3A_820 = arith.index_cast %rem3A_365 : i32 to index
        %get3A_821 = arith.index_cast %get3A_819 : i32 to index
        %get3A_822 = arith.index_cast %add3A_802 : i32 to index
        %get3A_823 = arith.constant 16 : index
        %get3A_824 = tpu.vector_load %arg11[%get3A_820, %get3A_821, %get3A_822, %get3A_823] {strides = array<i32>} : memref<2x8x56x64xf32, #tpu.memory_space<vmem>>, vector<16xf32>,
        %mul3A_825 = arith.mulf %bitcast3A_810, %get3A_824 : vector<16xf32>
        %add3A_826 = arith.addf %add3A_782, %mul3A_825 : vector<16xf32>
        %get3A_827 = arith.constant 4 : i32
        %get3A_828 = arith.index_cast %rem3A_365 : i32 to index
        %get3A_829 = arith.index_cast %get3A_827 : i32 to index
        %get3A_830 = arith.index_cast %add3A_802 : i32 to index
        %get3A_831 = arith.constant 32 : index
        %get3A_832 = tpu.vector_load %arg11[%get3A_828, %get3A_829, %get3A_830, %get3A_831] {strides = array<i32>} : memref<2x8x56x64xf32, #tpu.memory_space<vmem>>, vector<16xf32>,
        %mul3A_833 = arith.mulf %bitcast3A_810, %get3A_832 : vector<16xf32>
        %add3A_834 = arith.addf %add3A_790, %mul3A_833 : vector<16xf32>
        %get3A_835 = arith.constant 4 : i32
        %get3A_836 = arith.index_cast %rem3A_365 : i32 to index
        %get3A_837 = arith.index_cast %get3A_835 : i32 to index
        %get3A_838 = arith.index_cast %add3A_802 : i32 to index
        %get3A_839 = arith.constant 48 : index
        %get3A_840 = tpu.vector_load %arg11[%get3A_836, %get3A_837, %get3A_838, %get3A_839] {strides = array<i32>} : memref<2x8x56x64xf32, #tpu.memory_space<vmem>>, vector<16xf32>,
        %mul3A_841 = arith.mulf %bitcast3A_810, %get3A_840 : vector<16xf32>
        %add3A_842 = arith.addf %add3A_798, %mul3A_841 : vector<16xf32>
        %mul3A_843 = arith.constant 5 : i32
        %mul3A_844 = arith.muli %scan3A_665, %mul3A_843 : i32
        %add3A_845 = arith.constant 4 : i32
        %add3A_846 = arith.addi %mul3A_844, %add3A_845 : i32
        %broadcast_in_dim3A_847 = vector.broadcast %rem3A_365 : i32 to vector<16xi32>
        %broadcast_in_dim3A_848 = arith.constant 4 : i32
        %broadcast_in_dim3A_849 = vector.broadcast %broadcast_in_dim3A_848 : i32 to vector<16xi32>
        %add3A_850 = arith.constant 64 : i32
        %add3A_851 = arith.addi %add3A_850, %add3A_846 : i32
        %broadcast_in_dim3A_852 = vector.broadcast %add3A_851 : i32 to vector<16xi32>
        %gather3A_853 = tpu.vector_load_idx %arg10[%broadcast_in_dim3A_847, %broadcast_in_dim3A_849, %broadcast_in_dim3A_852] : memref<2x8x128xi32, #tpu.memory_space<vmem>>[vector<16xi32>, vector<16xi32>, vector<16xi32>], vector<16xi32>,
        %bitcast3A_854 = vector.bitcast %gather3A_853 : vector<16xi32> to vector<16xf32>
        %get3A_855 = arith.constant 4 : i32
        %get3A_856 = arith.index_cast %rem3A_365 : i32 to index
        %get3A_857 = arith.index_cast %get3A_855 : i32 to index
        %get3A_858 = arith.index_cast %add3A_846 : i32 to index
        %get3A_859 = arith.constant 0 : index
        %get3A_860 = tpu.vector_load %arg11[%get3A_856, %get3A_857, %get3A_858, %get3A_859] {strides = array<i32>} : memref<2x8x56x64xf32, #tpu.memory_space<vmem>>, vector<16xf32>,
        %mul3A_861 = arith.mulf %bitcast3A_854, %get3A_860 : vector<16xf32>
        %add3A_862 = arith.addf %add3A_818, %mul3A_861 : vector<16xf32>
        %get3A_863 = arith.constant 4 : i32
        %get3A_864 = arith.index_cast %rem3A_365 : i32 to index
        %get3A_865 = arith.index_cast %get3A_863 : i32 to index
        %get3A_866 = arith.index_cast %add3A_846 : i32 to index
        %get3A_867 = arith.constant 16 : index
        %get3A_868 = tpu.vector_load %arg11[%get3A_864, %get3A_865, %get3A_866, %get3A_867] {strides = array<i32>} : memref<2x8x56x64xf32, #tpu.memory_space<vmem>>, vector<16xf32>,
        %mul3A_869 = arith.mulf %bitcast3A_854, %get3A_868 : vector<16xf32>
        %add3A_870 = arith.addf %add3A_826, %mul3A_869 : vector<16xf32>
        %get3A_871 = arith.constant 4 : i32
        %get3A_872 = arith.index_cast %rem3A_365 : i32 to index
        %get3A_873 = arith.index_cast %get3A_871 : i32 to index
        %get3A_874 = arith.index_cast %add3A_846 : i32 to index
        %get3A_875 = arith.constant 32 : index
        %get3A_876 = tpu.vector_load %arg11[%get3A_872, %get3A_873, %get3A_874, %get3A_875] {strides = array<i32>} : memref<2x8x56x64xf32, #tpu.memory_space<vmem>>, vector<16xf32>,
        %mul3A_877 = arith.mulf %bitcast3A_854, %get3A_876 : vector<16xf32>
        %add3A_878 = arith.addf %add3A_834, %mul3A_877 : vector<16xf32>
        %get3A_879 = arith.constant 4 : i32
        %get3A_880 = arith.index_cast %rem3A_365 : i32 to index
        %get3A_881 = arith.index_cast %get3A_879 : i32 to index
        %get3A_882 = arith.index_cast %add3A_846 : i32 to index
        %get3A_883 = arith.constant 48 : index
        %get3A_884 = tpu.vector_load %arg11[%get3A_880, %get3A_881, %get3A_882, %get3A_883] {strides = array<i32>} : memref<2x8x56x64xf32, #tpu.memory_space<vmem>>, vector<16xf32>,
        %mul3A_885 = arith.mulf %bitcast3A_854, %get3A_884 : vector<16xf32>
        %add3A_886 = arith.addf %add3A_842, %mul3A_885 : vector<16xf32>
        scf.yield %add3A_862, %add3A_870, %add3A_878, %add3A_886 : vector<16xf32>, vector<16xf32>, vector<16xf32>, vector<16xf32>
      }
      %scan3A_571 = arith.constant 10 : i32
      %swap3A_572 = arith.constant 4 : i32
      %swap3A_573 = arith.index_cast %swap3A_572 : i32 to index
      %swap3A_574 = arith.constant 0 : index
      %swap3A_575 = tpu.vector_load %arg12[%swap3A_573, %swap3A_574] {strides = array<i32>} : memref<8x128xf32, #tpu.memory_space<vmem>>, vector<16xf32>,
      tpu.vector_store %arg12[%swap3A_573, %swap3A_574], %scan3A_570#0 {strides = array<i32>} : memref<8x128xf32, #tpu.memory_space<vmem>>, vector<16xf32>,
      %swap3A_576 = arith.constant 4 : i32
      %swap3A_577 = arith.index_cast %swap3A_576 : i32 to index
      %swap3A_578 = arith.constant 16 : index
      %swap3A_579 = tpu.vector_load %arg12[%swap3A_577, %swap3A_578] {strides = array<i32>} : memref<8x128xf32, #tpu.memory_space<vmem>>, vector<16xf32>,
      tpu.vector_store %arg12[%swap3A_577, %swap3A_578], %scan3A_570#1 {strides = array<i32>} : memref<8x128xf32, #tpu.memory_space<vmem>>, vector<16xf32>,
      %swap3A_580 = arith.constant 4 : i32
      %swap3A_581 = arith.index_cast %swap3A_580 : i32 to index
      %swap3A_582 = arith.constant 32 : index
      %swap3A_583 = tpu.vector_load %arg12[%swap3A_581, %swap3A_582] {strides = array<i32>} : memref<8x128xf32, #tpu.memory_space<vmem>>, vector<16xf32>,
      tpu.vector_store %arg12[%swap3A_581, %swap3A_582], %scan3A_570#2 {strides = array<i32>} : memref<8x128xf32, #tpu.memory_space<vmem>>, vector<16xf32>,
      %swap3A_584 = arith.constant 4 : i32
      %swap3A_585 = arith.index_cast %swap3A_584 : i32 to index
      %swap3A_586 = arith.constant 48 : index
      %swap3A_587 = tpu.vector_load %arg12[%swap3A_585, %swap3A_586] {strides = array<i32>} : memref<8x128xf32, #tpu.memory_space<vmem>>, vector<16xf32>,
      tpu.vector_store %arg12[%swap3A_585, %swap3A_586], %scan3A_570#3 {strides = array<i32>} : memref<8x128xf32, #tpu.memory_space<vmem>>, vector<16xf32>,
      %broadcast_in_dim3A_588 = arith.constant 0.000000e+00 : f32
      %broadcast_in_dim3A_589 = vector.broadcast %broadcast_in_dim3A_588 : f32 to vector<16xf32>
      %scan3A_590 = arith.constant 0 : i32
      %scan3A_591 = arith.constant 10 : i32
      %scan3A_592 = arith.addi %scan3A_590, %scan3A_591 : i32
      %scan3A_593 = arith.constant 1 : i32
      %scan3A_594:4 = scf.for %scan3A_665 = %scan3A_590 to %scan3A_592 step %scan3A_593 iter_args(%scan3A_666 = %broadcast_in_dim3A_589, %scan3A_667 = %broadcast_in_dim3A_589, %scan3A_668 = %broadcast_in_dim3A_589, %scan3A_669 = %broadcast_in_dim3A_589) -> (vector<16xf32>, vector<16xf32>, vector<16xf32>, vector<16xf32>)  : i32 {
        %mul3A_670 = arith.constant 5 : i32
        %mul3A_671 = arith.muli %scan3A_665, %mul3A_670 : i32
        %add3A_672 = arith.constant 0 : i32
        %add3A_673 = arith.addi %mul3A_671, %add3A_672 : i32
        %broadcast_in_dim3A_674 = vector.broadcast %rem3A_365 : i32 to vector<16xi32>
        %broadcast_in_dim3A_675 = arith.constant 5 : i32
        %broadcast_in_dim3A_676 = vector.broadcast %broadcast_in_dim3A_675 : i32 to vector<16xi32>
        %add3A_677 = arith.constant 64 : i32
        %add3A_678 = arith.addi %add3A_677, %add3A_673 : i32
        %broadcast_in_dim3A_679 = vector.broadcast %add3A_678 : i32 to vector<16xi32>
        %gather3A = tpu.vector_load_idx %arg10[%broadcast_in_dim3A_674, %broadcast_in_dim3A_676, %broadcast_in_dim3A_679] : memref<2x8x128xi32, #tpu.memory_space<vmem>>[vector<16xi32>, vector<16xi32>, vector<16xi32>], vector<16xi32>,
        %bitcast3A = vector.bitcast %gather3A : vector<16xi32> to vector<16xf32>
        %get3A = arith.constant 5 : i32
        %get3A_680 = arith.index_cast %rem3A_365 : i32 to index
        %get3A_681 = arith.index_cast %get3A : i32 to index
        %get3A_682 = arith.index_cast %add3A_673 : i32 to index
        %get3A_683 = arith.constant 0 : index
        %get3A_684 = tpu.vector_load %arg11[%get3A_680, %get3A_681, %get3A_682, %get3A_683] {strides = array<i32>} : memref<2x8x56x64xf32, #tpu.memory_space<vmem>>, vector<16xf32>,
        %mul3A_685 = arith.mulf %bitcast3A, %get3A_684 : vector<16xf32>
        %add3A_686 = arith.addf %scan3A_666, %mul3A_685 : vector<16xf32>
        %get3A_687 = arith.constant 5 : i32
        %get3A_688 = arith.index_cast %rem3A_365 : i32 to index
        %get3A_689 = arith.index_cast %get3A_687 : i32 to index
        %get3A_690 = arith.index_cast %add3A_673 : i32 to index
        %get3A_691 = arith.constant 16 : index
        %get3A_692 = tpu.vector_load %arg11[%get3A_688, %get3A_689, %get3A_690, %get3A_691] {strides = array<i32>} : memref<2x8x56x64xf32, #tpu.memory_space<vmem>>, vector<16xf32>,
        %mul3A_693 = arith.mulf %bitcast3A, %get3A_692 : vector<16xf32>
        %add3A_694 = arith.addf %scan3A_667, %mul3A_693 : vector<16xf32>
        %get3A_695 = arith.constant 5 : i32
        %get3A_696 = arith.index_cast %rem3A_365 : i32 to index
        %get3A_697 = arith.index_cast %get3A_695 : i32 to index
        %get3A_698 = arith.index_cast %add3A_673 : i32 to index
        %get3A_699 = arith.constant 32 : index
        %get3A_700 = tpu.vector_load %arg11[%get3A_696, %get3A_697, %get3A_698, %get3A_699] {strides = array<i32>} : memref<2x8x56x64xf32, #tpu.memory_space<vmem>>, vector<16xf32>,
        %mul3A_701 = arith.mulf %bitcast3A, %get3A_700 : vector<16xf32>
        %add3A_702 = arith.addf %scan3A_668, %mul3A_701 : vector<16xf32>
        %get3A_703 = arith.constant 5 : i32
        %get3A_704 = arith.index_cast %rem3A_365 : i32 to index
        %get3A_705 = arith.index_cast %get3A_703 : i32 to index
        %get3A_706 = arith.index_cast %add3A_673 : i32 to index
        %get3A_707 = arith.constant 48 : index
        %get3A_708 = tpu.vector_load %arg11[%get3A_704, %get3A_705, %get3A_706, %get3A_707] {strides = array<i32>} : memref<2x8x56x64xf32, #tpu.memory_space<vmem>>, vector<16xf32>,
        %mul3A_709 = arith.mulf %bitcast3A, %get3A_708 : vector<16xf32>
        %add3A_710 = arith.addf %scan3A_669, %mul3A_709 : vector<16xf32>
        %mul3A_711 = arith.constant 5 : i32
        %mul3A_712 = arith.muli %scan3A_665, %mul3A_711 : i32
        %add3A_713 = arith.constant 1 : i32
        %add3A_714 = arith.addi %mul3A_712, %add3A_713 : i32
        %broadcast_in_dim3A_715 = vector.broadcast %rem3A_365 : i32 to vector<16xi32>
        %broadcast_in_dim3A_716 = arith.constant 5 : i32
        %broadcast_in_dim3A_717 = vector.broadcast %broadcast_in_dim3A_716 : i32 to vector<16xi32>
        %add3A_718 = arith.constant 64 : i32
        %add3A_719 = arith.addi %add3A_718, %add3A_714 : i32
        %broadcast_in_dim3A_720 = vector.broadcast %add3A_719 : i32 to vector<16xi32>
        %gather3A_721 = tpu.vector_load_idx %arg10[%broadcast_in_dim3A_715, %broadcast_in_dim3A_717, %broadcast_in_dim3A_720] : memref<2x8x128xi32, #tpu.memory_space<vmem>>[vector<16xi32>, vector<16xi32>, vector<16xi32>], vector<16xi32>,
        %bitcast3A_722 = vector.bitcast %gather3A_721 : vector<16xi32> to vector<16xf32>
        %get3A_723 = arith.constant 5 : i32
        %get3A_724 = arith.index_cast %rem3A_365 : i32 to index
        %get3A_725 = arith.index_cast %get3A_723 : i32 to index
        %get3A_726 = arith.index_cast %add3A_714 : i32 to index
        %get3A_727 = arith.constant 0 : index
        %get3A_728 = tpu.vector_load %arg11[%get3A_724, %get3A_725, %get3A_726, %get3A_727] {strides = array<i32>} : memref<2x8x56x64xf32, #tpu.memory_space<vmem>>, vector<16xf32>,
        %mul3A_729 = arith.mulf %bitcast3A_722, %get3A_728 : vector<16xf32>
        %add3A_730 = arith.addf %add3A_686, %mul3A_729 : vector<16xf32>
        %get3A_731 = arith.constant 5 : i32
        %get3A_732 = arith.index_cast %rem3A_365 : i32 to index
        %get3A_733 = arith.index_cast %get3A_731 : i32 to index
        %get3A_734 = arith.index_cast %add3A_714 : i32 to index
        %get3A_735 = arith.constant 16 : index
        %get3A_736 = tpu.vector_load %arg11[%get3A_732, %get3A_733, %get3A_734, %get3A_735] {strides = array<i32>} : memref<2x8x56x64xf32, #tpu.memory_space<vmem>>, vector<16xf32>,
        %mul3A_737 = arith.mulf %bitcast3A_722, %get3A_736 : vector<16xf32>
        %add3A_738 = arith.addf %add3A_694, %mul3A_737 : vector<16xf32>
        %get3A_739 = arith.constant 5 : i32
        %get3A_740 = arith.index_cast %rem3A_365 : i32 to index
        %get3A_741 = arith.index_cast %get3A_739 : i32 to index
        %get3A_742 = arith.index_cast %add3A_714 : i32 to index
        %get3A_743 = arith.constant 32 : index
        %get3A_744 = tpu.vector_load %arg11[%get3A_740, %get3A_741, %get3A_742, %get3A_743] {strides = array<i32>} : memref<2x8x56x64xf32, #tpu.memory_space<vmem>>, vector<16xf32>,
        %mul3A_745 = arith.mulf %bitcast3A_722, %get3A_744 : vector<16xf32>
        %add3A_746 = arith.addf %add3A_702, %mul3A_745 : vector<16xf32>
        %get3A_747 = arith.constant 5 : i32
        %get3A_748 = arith.index_cast %rem3A_365 : i32 to index
        %get3A_749 = arith.index_cast %get3A_747 : i32 to index
        %get3A_750 = arith.index_cast %add3A_714 : i32 to index
        %get3A_751 = arith.constant 48 : index
        %get3A_752 = tpu.vector_load %arg11[%get3A_748, %get3A_749, %get3A_750, %get3A_751] {strides = array<i32>} : memref<2x8x56x64xf32, #tpu.memory_space<vmem>>, vector<16xf32>,
        %mul3A_753 = arith.mulf %bitcast3A_722, %get3A_752 : vector<16xf32>
        %add3A_754 = arith.addf %add3A_710, %mul3A_753 : vector<16xf32>
        %mul3A_755 = arith.constant 5 : i32
        %mul3A_756 = arith.muli %scan3A_665, %mul3A_755 : i32
        %add3A_757 = arith.constant 2 : i32
        %add3A_758 = arith.addi %mul3A_756, %add3A_757 : i32
        %broadcast_in_dim3A_759 = vector.broadcast %rem3A_365 : i32 to vector<16xi32>
        %broadcast_in_dim3A_760 = arith.constant 5 : i32
        %broadcast_in_dim3A_761 = vector.broadcast %broadcast_in_dim3A_760 : i32 to vector<16xi32>
        %add3A_762 = arith.constant 64 : i32
        %add3A_763 = arith.addi %add3A_762, %add3A_758 : i32
        %broadcast_in_dim3A_764 = vector.broadcast %add3A_763 : i32 to vector<16xi32>
        %gather3A_765 = tpu.vector_load_idx %arg10[%broadcast_in_dim3A_759, %broadcast_in_dim3A_761, %broadcast_in_dim3A_764] : memref<2x8x128xi32, #tpu.memory_space<vmem>>[vector<16xi32>, vector<16xi32>, vector<16xi32>], vector<16xi32>,
        %bitcast3A_766 = vector.bitcast %gather3A_765 : vector<16xi32> to vector<16xf32>
        %get3A_767 = arith.constant 5 : i32
        %get3A_768 = arith.index_cast %rem3A_365 : i32 to index
        %get3A_769 = arith.index_cast %get3A_767 : i32 to index
        %get3A_770 = arith.index_cast %add3A_758 : i32 to index
        %get3A_771 = arith.constant 0 : index
        %get3A_772 = tpu.vector_load %arg11[%get3A_768, %get3A_769, %get3A_770, %get3A_771] {strides = array<i32>} : memref<2x8x56x64xf32, #tpu.memory_space<vmem>>, vector<16xf32>,
        %mul3A_773 = arith.mulf %bitcast3A_766, %get3A_772 : vector<16xf32>
        %add3A_774 = arith.addf %add3A_730, %mul3A_773 : vector<16xf32>
        %get3A_775 = arith.constant 5 : i32
        %get3A_776 = arith.index_cast %rem3A_365 : i32 to index
        %get3A_777 = arith.index_cast %get3A_775 : i32 to index
        %get3A_778 = arith.index_cast %add3A_758 : i32 to index
        %get3A_779 = arith.constant 16 : index
        %get3A_780 = tpu.vector_load %arg11[%get3A_776, %get3A_777, %get3A_778, %get3A_779] {strides = array<i32>} : memref<2x8x56x64xf32, #tpu.memory_space<vmem>>, vector<16xf32>,
        %mul3A_781 = arith.mulf %bitcast3A_766, %get3A_780 : vector<16xf32>
        %add3A_782 = arith.addf %add3A_738, %mul3A_781 : vector<16xf32>
        %get3A_783 = arith.constant 5 : i32
        %get3A_784 = arith.index_cast %rem3A_365 : i32 to index
        %get3A_785 = arith.index_cast %get3A_783 : i32 to index
        %get3A_786 = arith.index_cast %add3A_758 : i32 to index
        %get3A_787 = arith.constant 32 : index
        %get3A_788 = tpu.vector_load %arg11[%get3A_784, %get3A_785, %get3A_786, %get3A_787] {strides = array<i32>} : memref<2x8x56x64xf32, #tpu.memory_space<vmem>>, vector<16xf32>,
        %mul3A_789 = arith.mulf %bitcast3A_766, %get3A_788 : vector<16xf32>
        %add3A_790 = arith.addf %add3A_746, %mul3A_789 : vector<16xf32>
        %get3A_791 = arith.constant 5 : i32
        %get3A_792 = arith.index_cast %rem3A_365 : i32 to index
        %get3A_793 = arith.index_cast %get3A_791 : i32 to index
        %get3A_794 = arith.index_cast %add3A_758 : i32 to index
        %get3A_795 = arith.constant 48 : index
        %get3A_796 = tpu.vector_load %arg11[%get3A_792, %get3A_793, %get3A_794, %get3A_795] {strides = array<i32>} : memref<2x8x56x64xf32, #tpu.memory_space<vmem>>, vector<16xf32>,
        %mul3A_797 = arith.mulf %bitcast3A_766, %get3A_796 : vector<16xf32>
        %add3A_798 = arith.addf %add3A_754, %mul3A_797 : vector<16xf32>
        %mul3A_799 = arith.constant 5 : i32
        %mul3A_800 = arith.muli %scan3A_665, %mul3A_799 : i32
        %add3A_801 = arith.constant 3 : i32
        %add3A_802 = arith.addi %mul3A_800, %add3A_801 : i32
        %broadcast_in_dim3A_803 = vector.broadcast %rem3A_365 : i32 to vector<16xi32>
        %broadcast_in_dim3A_804 = arith.constant 5 : i32
        %broadcast_in_dim3A_805 = vector.broadcast %broadcast_in_dim3A_804 : i32 to vector<16xi32>
        %add3A_806 = arith.constant 64 : i32
        %add3A_807 = arith.addi %add3A_806, %add3A_802 : i32
        %broadcast_in_dim3A_808 = vector.broadcast %add3A_807 : i32 to vector<16xi32>
        %gather3A_809 = tpu.vector_load_idx %arg10[%broadcast_in_dim3A_803, %broadcast_in_dim3A_805, %broadcast_in_dim3A_808] : memref<2x8x128xi32, #tpu.memory_space<vmem>>[vector<16xi32>, vector<16xi32>, vector<16xi32>], vector<16xi32>,
        %bitcast3A_810 = vector.bitcast %gather3A_809 : vector<16xi32> to vector<16xf32>
        %get3A_811 = arith.constant 5 : i32
        %get3A_812 = arith.index_cast %rem3A_365 : i32 to index
        %get3A_813 = arith.index_cast %get3A_811 : i32 to index
        %get3A_814 = arith.index_cast %add3A_802 : i32 to index
        %get3A_815 = arith.constant 0 : index
        %get3A_816 = tpu.vector_load %arg11[%get3A_812, %get3A_813, %get3A_814, %get3A_815] {strides = array<i32>} : memref<2x8x56x64xf32, #tpu.memory_space<vmem>>, vector<16xf32>,
        %mul3A_817 = arith.mulf %bitcast3A_810, %get3A_816 : vector<16xf32>
        %add3A_818 = arith.addf %add3A_774, %mul3A_817 : vector<16xf32>
        %get3A_819 = arith.constant 5 : i32
        %get3A_820 = arith.index_cast %rem3A_365 : i32 to index
        %get3A_821 = arith.index_cast %get3A_819 : i32 to index
        %get3A_822 = arith.index_cast %add3A_802 : i32 to index
        %get3A_823 = arith.constant 16 : index
        %get3A_824 = tpu.vector_load %arg11[%get3A_820, %get3A_821, %get3A_822, %get3A_823] {strides = array<i32>} : memref<2x8x56x64xf32, #tpu.memory_space<vmem>>, vector<16xf32>,
        %mul3A_825 = arith.mulf %bitcast3A_810, %get3A_824 : vector<16xf32>
        %add3A_826 = arith.addf %add3A_782, %mul3A_825 : vector<16xf32>
        %get3A_827 = arith.constant 5 : i32
        %get3A_828 = arith.index_cast %rem3A_365 : i32 to index
        %get3A_829 = arith.index_cast %get3A_827 : i32 to index
        %get3A_830 = arith.index_cast %add3A_802 : i32 to index
        %get3A_831 = arith.constant 32 : index
        %get3A_832 = tpu.vector_load %arg11[%get3A_828, %get3A_829, %get3A_830, %get3A_831] {strides = array<i32>} : memref<2x8x56x64xf32, #tpu.memory_space<vmem>>, vector<16xf32>,
        %mul3A_833 = arith.mulf %bitcast3A_810, %get3A_832 : vector<16xf32>
        %add3A_834 = arith.addf %add3A_790, %mul3A_833 : vector<16xf32>
        %get3A_835 = arith.constant 5 : i32
        %get3A_836 = arith.index_cast %rem3A_365 : i32 to index
        %get3A_837 = arith.index_cast %get3A_835 : i32 to index
        %get3A_838 = arith.index_cast %add3A_802 : i32 to index
        %get3A_839 = arith.constant 48 : index
        %get3A_840 = tpu.vector_load %arg11[%get3A_836, %get3A_837, %get3A_838, %get3A_839] {strides = array<i32>} : memref<2x8x56x64xf32, #tpu.memory_space<vmem>>, vector<16xf32>,
        %mul3A_841 = arith.mulf %bitcast3A_810, %get3A_840 : vector<16xf32>
        %add3A_842 = arith.addf %add3A_798, %mul3A_841 : vector<16xf32>
        %mul3A_843 = arith.constant 5 : i32
        %mul3A_844 = arith.muli %scan3A_665, %mul3A_843 : i32
        %add3A_845 = arith.constant 4 : i32
        %add3A_846 = arith.addi %mul3A_844, %add3A_845 : i32
        %broadcast_in_dim3A_847 = vector.broadcast %rem3A_365 : i32 to vector<16xi32>
        %broadcast_in_dim3A_848 = arith.constant 5 : i32
        %broadcast_in_dim3A_849 = vector.broadcast %broadcast_in_dim3A_848 : i32 to vector<16xi32>
        %add3A_850 = arith.constant 64 : i32
        %add3A_851 = arith.addi %add3A_850, %add3A_846 : i32
        %broadcast_in_dim3A_852 = vector.broadcast %add3A_851 : i32 to vector<16xi32>
        %gather3A_853 = tpu.vector_load_idx %arg10[%broadcast_in_dim3A_847, %broadcast_in_dim3A_849, %broadcast_in_dim3A_852] : memref<2x8x128xi32, #tpu.memory_space<vmem>>[vector<16xi32>, vector<16xi32>, vector<16xi32>], vector<16xi32>,
        %bitcast3A_854 = vector.bitcast %gather3A_853 : vector<16xi32> to vector<16xf32>
        %get3A_855 = arith.constant 5 : i32
        %get3A_856 = arith.index_cast %rem3A_365 : i32 to index
        %get3A_857 = arith.index_cast %get3A_855 : i32 to index
        %get3A_858 = arith.index_cast %add3A_846 : i32 to index
        %get3A_859 = arith.constant 0 : index
        %get3A_860 = tpu.vector_load %arg11[%get3A_856, %get3A_857, %get3A_858, %get3A_859] {strides = array<i32>} : memref<2x8x56x64xf32, #tpu.memory_space<vmem>>, vector<16xf32>,
        %mul3A_861 = arith.mulf %bitcast3A_854, %get3A_860 : vector<16xf32>
        %add3A_862 = arith.addf %add3A_818, %mul3A_861 : vector<16xf32>
        %get3A_863 = arith.constant 5 : i32
        %get3A_864 = arith.index_cast %rem3A_365 : i32 to index
        %get3A_865 = arith.index_cast %get3A_863 : i32 to index
        %get3A_866 = arith.index_cast %add3A_846 : i32 to index
        %get3A_867 = arith.constant 16 : index
        %get3A_868 = tpu.vector_load %arg11[%get3A_864, %get3A_865, %get3A_866, %get3A_867] {strides = array<i32>} : memref<2x8x56x64xf32, #tpu.memory_space<vmem>>, vector<16xf32>,
        %mul3A_869 = arith.mulf %bitcast3A_854, %get3A_868 : vector<16xf32>
        %add3A_870 = arith.addf %add3A_826, %mul3A_869 : vector<16xf32>
        %get3A_871 = arith.constant 5 : i32
        %get3A_872 = arith.index_cast %rem3A_365 : i32 to index
        %get3A_873 = arith.index_cast %get3A_871 : i32 to index
        %get3A_874 = arith.index_cast %add3A_846 : i32 to index
        %get3A_875 = arith.constant 32 : index
        %get3A_876 = tpu.vector_load %arg11[%get3A_872, %get3A_873, %get3A_874, %get3A_875] {strides = array<i32>} : memref<2x8x56x64xf32, #tpu.memory_space<vmem>>, vector<16xf32>,
        %mul3A_877 = arith.mulf %bitcast3A_854, %get3A_876 : vector<16xf32>
        %add3A_878 = arith.addf %add3A_834, %mul3A_877 : vector<16xf32>
        %get3A_879 = arith.constant 5 : i32
        %get3A_880 = arith.index_cast %rem3A_365 : i32 to index
        %get3A_881 = arith.index_cast %get3A_879 : i32 to index
        %get3A_882 = arith.index_cast %add3A_846 : i32 to index
        %get3A_883 = arith.constant 48 : index
        %get3A_884 = tpu.vector_load %arg11[%get3A_880, %get3A_881, %get3A_882, %get3A_883] {strides = array<i32>} : memref<2x8x56x64xf32, #tpu.memory_space<vmem>>, vector<16xf32>,
        %mul3A_885 = arith.mulf %bitcast3A_854, %get3A_884 : vector<16xf32>
        %add3A_886 = arith.addf %add3A_842, %mul3A_885 : vector<16xf32>
        scf.yield %add3A_862, %add3A_870, %add3A_878, %add3A_886 : vector<16xf32>, vector<16xf32>, vector<16xf32>, vector<16xf32>
      }
      %scan3A_595 = arith.constant 10 : i32
      %swap3A_596 = arith.constant 5 : i32
      %swap3A_597 = arith.index_cast %swap3A_596 : i32 to index
      %swap3A_598 = arith.constant 0 : index
      %swap3A_599 = tpu.vector_load %arg12[%swap3A_597, %swap3A_598] {strides = array<i32>} : memref<8x128xf32, #tpu.memory_space<vmem>>, vector<16xf32>,
      tpu.vector_store %arg12[%swap3A_597, %swap3A_598], %scan3A_594#0 {strides = array<i32>} : memref<8x128xf32, #tpu.memory_space<vmem>>, vector<16xf32>,
      %swap3A_600 = arith.constant 5 : i32
      %swap3A_601 = arith.index_cast %swap3A_600 : i32 to index
      %swap3A_602 = arith.constant 16 : index
      %swap3A_603 = tpu.vector_load %arg12[%swap3A_601, %swap3A_602] {strides = array<i32>} : memref<8x128xf32, #tpu.memory_space<vmem>>, vector<16xf32>,
      tpu.vector_store %arg12[%swap3A_601, %swap3A_602], %scan3A_594#1 {strides = array<i32>} : memref<8x128xf32, #tpu.memory_space<vmem>>, vector<16xf32>,
      %swap3A_604 = arith.constant 5 : i32
      %swap3A_605 = arith.index_cast %swap3A_604 : i32 to index
      %swap3A_606 = arith.constant 32 : index
      %swap3A_607 = tpu.vector_load %arg12[%swap3A_605, %swap3A_606] {strides = array<i32>} : memref<8x128xf32, #tpu.memory_space<vmem>>, vector<16xf32>,
      tpu.vector_store %arg12[%swap3A_605, %swap3A_606], %scan3A_594#2 {strides = array<i32>} : memref<8x128xf32, #tpu.memory_space<vmem>>, vector<16xf32>,
      %swap3A_608 = arith.constant 5 : i32
      %swap3A_609 = arith.index_cast %swap3A_608 : i32 to index
      %swap3A_610 = arith.constant 48 : index
      %swap3A_611 = tpu.vector_load %arg12[%swap3A_609, %swap3A_610] {strides = array<i32>} : memref<8x128xf32, #tpu.memory_space<vmem>>, vector<16xf32>,
      tpu.vector_store %arg12[%swap3A_609, %swap3A_610], %scan3A_594#3 {strides = array<i32>} : memref<8x128xf32, #tpu.memory_space<vmem>>, vector<16xf32>,
      %broadcast_in_dim3A_612 = arith.constant 0.000000e+00 : f32
      %broadcast_in_dim3A_613 = vector.broadcast %broadcast_in_dim3A_612 : f32 to vector<16xf32>
      %scan3A_614 = arith.constant 0 : i32
      %scan3A_615 = arith.constant 10 : i32
      %scan3A_616 = arith.addi %scan3A_614, %scan3A_615 : i32
      %scan3A_617 = arith.constant 1 : i32
      %scan3A_618:4 = scf.for %scan3A_665 = %scan3A_614 to %scan3A_616 step %scan3A_617 iter_args(%scan3A_666 = %broadcast_in_dim3A_613, %scan3A_667 = %broadcast_in_dim3A_613, %scan3A_668 = %broadcast_in_dim3A_613, %scan3A_669 = %broadcast_in_dim3A_613) -> (vector<16xf32>, vector<16xf32>, vector<16xf32>, vector<16xf32>)  : i32 {
        %mul3A_670 = arith.constant 5 : i32
        %mul3A_671 = arith.muli %scan3A_665, %mul3A_670 : i32
        %add3A_672 = arith.constant 0 : i32
        %add3A_673 = arith.addi %mul3A_671, %add3A_672 : i32
        %broadcast_in_dim3A_674 = vector.broadcast %rem3A_365 : i32 to vector<16xi32>
        %broadcast_in_dim3A_675 = arith.constant 6 : i32
        %broadcast_in_dim3A_676 = vector.broadcast %broadcast_in_dim3A_675 : i32 to vector<16xi32>
        %add3A_677 = arith.constant 64 : i32
        %add3A_678 = arith.addi %add3A_677, %add3A_673 : i32
        %broadcast_in_dim3A_679 = vector.broadcast %add3A_678 : i32 to vector<16xi32>
        %gather3A = tpu.vector_load_idx %arg10[%broadcast_in_dim3A_674, %broadcast_in_dim3A_676, %broadcast_in_dim3A_679] : memref<2x8x128xi32, #tpu.memory_space<vmem>>[vector<16xi32>, vector<16xi32>, vector<16xi32>], vector<16xi32>,
        %bitcast3A = vector.bitcast %gather3A : vector<16xi32> to vector<16xf32>
        %get3A = arith.constant 6 : i32
        %get3A_680 = arith.index_cast %rem3A_365 : i32 to index
        %get3A_681 = arith.index_cast %get3A : i32 to index
        %get3A_682 = arith.index_cast %add3A_673 : i32 to index
        %get3A_683 = arith.constant 0 : index
        %get3A_684 = tpu.vector_load %arg11[%get3A_680, %get3A_681, %get3A_682, %get3A_683] {strides = array<i32>} : memref<2x8x56x64xf32, #tpu.memory_space<vmem>>, vector<16xf32>,
        %mul3A_685 = arith.mulf %bitcast3A, %get3A_684 : vector<16xf32>
        %add3A_686 = arith.addf %scan3A_666, %mul3A_685 : vector<16xf32>
        %get3A_687 = arith.constant 6 : i32
        %get3A_688 = arith.index_cast %rem3A_365 : i32 to index
        %get3A_689 = arith.index_cast %get3A_687 : i32 to index
        %get3A_690 = arith.index_cast %add3A_673 : i32 to index
        %get3A_691 = arith.constant 16 : index
        %get3A_692 = tpu.vector_load %arg11[%get3A_688, %get3A_689, %get3A_690, %get3A_691] {strides = array<i32>} : memref<2x8x56x64xf32, #tpu.memory_space<vmem>>, vector<16xf32>,
        %mul3A_693 = arith.mulf %bitcast3A, %get3A_692 : vector<16xf32>
        %add3A_694 = arith.addf %scan3A_667, %mul3A_693 : vector<16xf32>
        %get3A_695 = arith.constant 6 : i32
        %get3A_696 = arith.index_cast %rem3A_365 : i32 to index
        %get3A_697 = arith.index_cast %get3A_695 : i32 to index
        %get3A_698 = arith.index_cast %add3A_673 : i32 to index
        %get3A_699 = arith.constant 32 : index
        %get3A_700 = tpu.vector_load %arg11[%get3A_696, %get3A_697, %get3A_698, %get3A_699] {strides = array<i32>} : memref<2x8x56x64xf32, #tpu.memory_space<vmem>>, vector<16xf32>,
        %mul3A_701 = arith.mulf %bitcast3A, %get3A_700 : vector<16xf32>
        %add3A_702 = arith.addf %scan3A_668, %mul3A_701 : vector<16xf32>
        %get3A_703 = arith.constant 6 : i32
        %get3A_704 = arith.index_cast %rem3A_365 : i32 to index
        %get3A_705 = arith.index_cast %get3A_703 : i32 to index
        %get3A_706 = arith.index_cast %add3A_673 : i32 to index
        %get3A_707 = arith.constant 48 : index
        %get3A_708 = tpu.vector_load %arg11[%get3A_704, %get3A_705, %get3A_706, %get3A_707] {strides = array<i32>} : memref<2x8x56x64xf32, #tpu.memory_space<vmem>>, vector<16xf32>,
        %mul3A_709 = arith.mulf %bitcast3A, %get3A_708 : vector<16xf32>
        %add3A_710 = arith.addf %scan3A_669, %mul3A_709 : vector<16xf32>
        %mul3A_711 = arith.constant 5 : i32
        %mul3A_712 = arith.muli %scan3A_665, %mul3A_711 : i32
        %add3A_713 = arith.constant 1 : i32
        %add3A_714 = arith.addi %mul3A_712, %add3A_713 : i32
        %broadcast_in_dim3A_715 = vector.broadcast %rem3A_365 : i32 to vector<16xi32>
        %broadcast_in_dim3A_716 = arith.constant 6 : i32
        %broadcast_in_dim3A_717 = vector.broadcast %broadcast_in_dim3A_716 : i32 to vector<16xi32>
        %add3A_718 = arith.constant 64 : i32
        %add3A_719 = arith.addi %add3A_718, %add3A_714 : i32
        %broadcast_in_dim3A_720 = vector.broadcast %add3A_719 : i32 to vector<16xi32>
        %gather3A_721 = tpu.vector_load_idx %arg10[%broadcast_in_dim3A_715, %broadcast_in_dim3A_717, %broadcast_in_dim3A_720] : memref<2x8x128xi32, #tpu.memory_space<vmem>>[vector<16xi32>, vector<16xi32>, vector<16xi32>], vector<16xi32>,
        %bitcast3A_722 = vector.bitcast %gather3A_721 : vector<16xi32> to vector<16xf32>
        %get3A_723 = arith.constant 6 : i32
        %get3A_724 = arith.index_cast %rem3A_365 : i32 to index
        %get3A_725 = arith.index_cast %get3A_723 : i32 to index
        %get3A_726 = arith.index_cast %add3A_714 : i32 to index
        %get3A_727 = arith.constant 0 : index
        %get3A_728 = tpu.vector_load %arg11[%get3A_724, %get3A_725, %get3A_726, %get3A_727] {strides = array<i32>} : memref<2x8x56x64xf32, #tpu.memory_space<vmem>>, vector<16xf32>,
        %mul3A_729 = arith.mulf %bitcast3A_722, %get3A_728 : vector<16xf32>
        %add3A_730 = arith.addf %add3A_686, %mul3A_729 : vector<16xf32>
        %get3A_731 = arith.constant 6 : i32
        %get3A_732 = arith.index_cast %rem3A_365 : i32 to index
        %get3A_733 = arith.index_cast %get3A_731 : i32 to index
        %get3A_734 = arith.index_cast %add3A_714 : i32 to index
        %get3A_735 = arith.constant 16 : index
        %get3A_736 = tpu.vector_load %arg11[%get3A_732, %get3A_733, %get3A_734, %get3A_735] {strides = array<i32>} : memref<2x8x56x64xf32, #tpu.memory_space<vmem>>, vector<16xf32>,
        %mul3A_737 = arith.mulf %bitcast3A_722, %get3A_736 : vector<16xf32>
        %add3A_738 = arith.addf %add3A_694, %mul3A_737 : vector<16xf32>
        %get3A_739 = arith.constant 6 : i32
        %get3A_740 = arith.index_cast %rem3A_365 : i32 to index
        %get3A_741 = arith.index_cast %get3A_739 : i32 to index
        %get3A_742 = arith.index_cast %add3A_714 : i32 to index
        %get3A_743 = arith.constant 32 : index
        %get3A_744 = tpu.vector_load %arg11[%get3A_740, %get3A_741, %get3A_742, %get3A_743] {strides = array<i32>} : memref<2x8x56x64xf32, #tpu.memory_space<vmem>>, vector<16xf32>,
        %mul3A_745 = arith.mulf %bitcast3A_722, %get3A_744 : vector<16xf32>
        %add3A_746 = arith.addf %add3A_702, %mul3A_745 : vector<16xf32>
        %get3A_747 = arith.constant 6 : i32
        %get3A_748 = arith.index_cast %rem3A_365 : i32 to index
        %get3A_749 = arith.index_cast %get3A_747 : i32 to index
        %get3A_750 = arith.index_cast %add3A_714 : i32 to index
        %get3A_751 = arith.constant 48 : index
        %get3A_752 = tpu.vector_load %arg11[%get3A_748, %get3A_749, %get3A_750, %get3A_751] {strides = array<i32>} : memref<2x8x56x64xf32, #tpu.memory_space<vmem>>, vector<16xf32>,
        %mul3A_753 = arith.mulf %bitcast3A_722, %get3A_752 : vector<16xf32>
        %add3A_754 = arith.addf %add3A_710, %mul3A_753 : vector<16xf32>
        %mul3A_755 = arith.constant 5 : i32
        %mul3A_756 = arith.muli %scan3A_665, %mul3A_755 : i32
        %add3A_757 = arith.constant 2 : i32
        %add3A_758 = arith.addi %mul3A_756, %add3A_757 : i32
        %broadcast_in_dim3A_759 = vector.broadcast %rem3A_365 : i32 to vector<16xi32>
        %broadcast_in_dim3A_760 = arith.constant 6 : i32
        %broadcast_in_dim3A_761 = vector.broadcast %broadcast_in_dim3A_760 : i32 to vector<16xi32>
        %add3A_762 = arith.constant 64 : i32
        %add3A_763 = arith.addi %add3A_762, %add3A_758 : i32
        %broadcast_in_dim3A_764 = vector.broadcast %add3A_763 : i32 to vector<16xi32>
        %gather3A_765 = tpu.vector_load_idx %arg10[%broadcast_in_dim3A_759, %broadcast_in_dim3A_761, %broadcast_in_dim3A_764] : memref<2x8x128xi32, #tpu.memory_space<vmem>>[vector<16xi32>, vector<16xi32>, vector<16xi32>], vector<16xi32>,
        %bitcast3A_766 = vector.bitcast %gather3A_765 : vector<16xi32> to vector<16xf32>
        %get3A_767 = arith.constant 6 : i32
        %get3A_768 = arith.index_cast %rem3A_365 : i32 to index
        %get3A_769 = arith.index_cast %get3A_767 : i32 to index
        %get3A_770 = arith.index_cast %add3A_758 : i32 to index
        %get3A_771 = arith.constant 0 : index
        %get3A_772 = tpu.vector_load %arg11[%get3A_768, %get3A_769, %get3A_770, %get3A_771] {strides = array<i32>} : memref<2x8x56x64xf32, #tpu.memory_space<vmem>>, vector<16xf32>,
        %mul3A_773 = arith.mulf %bitcast3A_766, %get3A_772 : vector<16xf32>
        %add3A_774 = arith.addf %add3A_730, %mul3A_773 : vector<16xf32>
        %get3A_775 = arith.constant 6 : i32
        %get3A_776 = arith.index_cast %rem3A_365 : i32 to index
        %get3A_777 = arith.index_cast %get3A_775 : i32 to index
        %get3A_778 = arith.index_cast %add3A_758 : i32 to index
        %get3A_779 = arith.constant 16 : index
        %get3A_780 = tpu.vector_load %arg11[%get3A_776, %get3A_777, %get3A_778, %get3A_779] {strides = array<i32>} : memref<2x8x56x64xf32, #tpu.memory_space<vmem>>, vector<16xf32>,
        %mul3A_781 = arith.mulf %bitcast3A_766, %get3A_780 : vector<16xf32>
        %add3A_782 = arith.addf %add3A_738, %mul3A_781 : vector<16xf32>
        %get3A_783 = arith.constant 6 : i32
        %get3A_784 = arith.index_cast %rem3A_365 : i32 to index
        %get3A_785 = arith.index_cast %get3A_783 : i32 to index
        %get3A_786 = arith.index_cast %add3A_758 : i32 to index
        %get3A_787 = arith.constant 32 : index
        %get3A_788 = tpu.vector_load %arg11[%get3A_784, %get3A_785, %get3A_786, %get3A_787] {strides = array<i32>} : memref<2x8x56x64xf32, #tpu.memory_space<vmem>>, vector<16xf32>,
        %mul3A_789 = arith.mulf %bitcast3A_766, %get3A_788 : vector<16xf32>
        %add3A_790 = arith.addf %add3A_746, %mul3A_789 : vector<16xf32>
        %get3A_791 = arith.constant 6 : i32
        %get3A_792 = arith.index_cast %rem3A_365 : i32 to index
        %get3A_793 = arith.index_cast %get3A_791 : i32 to index
        %get3A_794 = arith.index_cast %add3A_758 : i32 to index
        %get3A_795 = arith.constant 48 : index
        %get3A_796 = tpu.vector_load %arg11[%get3A_792, %get3A_793, %get3A_794, %get3A_795] {strides = array<i32>} : memref<2x8x56x64xf32, #tpu.memory_space<vmem>>, vector<16xf32>,
        %mul3A_797 = arith.mulf %bitcast3A_766, %get3A_796 : vector<16xf32>
        %add3A_798 = arith.addf %add3A_754, %mul3A_797 : vector<16xf32>
        %mul3A_799 = arith.constant 5 : i32
        %mul3A_800 = arith.muli %scan3A_665, %mul3A_799 : i32
        %add3A_801 = arith.constant 3 : i32
        %add3A_802 = arith.addi %mul3A_800, %add3A_801 : i32
        %broadcast_in_dim3A_803 = vector.broadcast %rem3A_365 : i32 to vector<16xi32>
        %broadcast_in_dim3A_804 = arith.constant 6 : i32
        %broadcast_in_dim3A_805 = vector.broadcast %broadcast_in_dim3A_804 : i32 to vector<16xi32>
        %add3A_806 = arith.constant 64 : i32
        %add3A_807 = arith.addi %add3A_806, %add3A_802 : i32
        %broadcast_in_dim3A_808 = vector.broadcast %add3A_807 : i32 to vector<16xi32>
        %gather3A_809 = tpu.vector_load_idx %arg10[%broadcast_in_dim3A_803, %broadcast_in_dim3A_805, %broadcast_in_dim3A_808] : memref<2x8x128xi32, #tpu.memory_space<vmem>>[vector<16xi32>, vector<16xi32>, vector<16xi32>], vector<16xi32>,
        %bitcast3A_810 = vector.bitcast %gather3A_809 : vector<16xi32> to vector<16xf32>
        %get3A_811 = arith.constant 6 : i32
        %get3A_812 = arith.index_cast %rem3A_365 : i32 to index
        %get3A_813 = arith.index_cast %get3A_811 : i32 to index
        %get3A_814 = arith.index_cast %add3A_802 : i32 to index
        %get3A_815 = arith.constant 0 : index
        %get3A_816 = tpu.vector_load %arg11[%get3A_812, %get3A_813, %get3A_814, %get3A_815] {strides = array<i32>} : memref<2x8x56x64xf32, #tpu.memory_space<vmem>>, vector<16xf32>,
        %mul3A_817 = arith.mulf %bitcast3A_810, %get3A_816 : vector<16xf32>
        %add3A_818 = arith.addf %add3A_774, %mul3A_817 : vector<16xf32>
        %get3A_819 = arith.constant 6 : i32
        %get3A_820 = arith.index_cast %rem3A_365 : i32 to index
        %get3A_821 = arith.index_cast %get3A_819 : i32 to index
        %get3A_822 = arith.index_cast %add3A_802 : i32 to index
        %get3A_823 = arith.constant 16 : index
        %get3A_824 = tpu.vector_load %arg11[%get3A_820, %get3A_821, %get3A_822, %get3A_823] {strides = array<i32>} : memref<2x8x56x64xf32, #tpu.memory_space<vmem>>, vector<16xf32>,
        %mul3A_825 = arith.mulf %bitcast3A_810, %get3A_824 : vector<16xf32>
        %add3A_826 = arith.addf %add3A_782, %mul3A_825 : vector<16xf32>
        %get3A_827 = arith.constant 6 : i32
        %get3A_828 = arith.index_cast %rem3A_365 : i32 to index
        %get3A_829 = arith.index_cast %get3A_827 : i32 to index
        %get3A_830 = arith.index_cast %add3A_802 : i32 to index
        %get3A_831 = arith.constant 32 : index
        %get3A_832 = tpu.vector_load %arg11[%get3A_828, %get3A_829, %get3A_830, %get3A_831] {strides = array<i32>} : memref<2x8x56x64xf32, #tpu.memory_space<vmem>>, vector<16xf32>,
        %mul3A_833 = arith.mulf %bitcast3A_810, %get3A_832 : vector<16xf32>
        %add3A_834 = arith.addf %add3A_790, %mul3A_833 : vector<16xf32>
        %get3A_835 = arith.constant 6 : i32
        %get3A_836 = arith.index_cast %rem3A_365 : i32 to index
        %get3A_837 = arith.index_cast %get3A_835 : i32 to index
        %get3A_838 = arith.index_cast %add3A_802 : i32 to index
        %get3A_839 = arith.constant 48 : index
        %get3A_840 = tpu.vector_load %arg11[%get3A_836, %get3A_837, %get3A_838, %get3A_839] {strides = array<i32>} : memref<2x8x56x64xf32, #tpu.memory_space<vmem>>, vector<16xf32>,
        %mul3A_841 = arith.mulf %bitcast3A_810, %get3A_840 : vector<16xf32>
        %add3A_842 = arith.addf %add3A_798, %mul3A_841 : vector<16xf32>
        %mul3A_843 = arith.constant 5 : i32
        %mul3A_844 = arith.muli %scan3A_665, %mul3A_843 : i32
        %add3A_845 = arith.constant 4 : i32
        %add3A_846 = arith.addi %mul3A_844, %add3A_845 : i32
        %broadcast_in_dim3A_847 = vector.broadcast %rem3A_365 : i32 to vector<16xi32>
        %broadcast_in_dim3A_848 = arith.constant 6 : i32
        %broadcast_in_dim3A_849 = vector.broadcast %broadcast_in_dim3A_848 : i32 to vector<16xi32>
        %add3A_850 = arith.constant 64 : i32
        %add3A_851 = arith.addi %add3A_850, %add3A_846 : i32
        %broadcast_in_dim3A_852 = vector.broadcast %add3A_851 : i32 to vector<16xi32>
        %gather3A_853 = tpu.vector_load_idx %arg10[%broadcast_in_dim3A_847, %broadcast_in_dim3A_849, %broadcast_in_dim3A_852] : memref<2x8x128xi32, #tpu.memory_space<vmem>>[vector<16xi32>, vector<16xi32>, vector<16xi32>], vector<16xi32>,
        %bitcast3A_854 = vector.bitcast %gather3A_853 : vector<16xi32> to vector<16xf32>
        %get3A_855 = arith.constant 6 : i32
        %get3A_856 = arith.index_cast %rem3A_365 : i32 to index
        %get3A_857 = arith.index_cast %get3A_855 : i32 to index
        %get3A_858 = arith.index_cast %add3A_846 : i32 to index
        %get3A_859 = arith.constant 0 : index
        %get3A_860 = tpu.vector_load %arg11[%get3A_856, %get3A_857, %get3A_858, %get3A_859] {strides = array<i32>} : memref<2x8x56x64xf32, #tpu.memory_space<vmem>>, vector<16xf32>,
        %mul3A_861 = arith.mulf %bitcast3A_854, %get3A_860 : vector<16xf32>
        %add3A_862 = arith.addf %add3A_818, %mul3A_861 : vector<16xf32>
        %get3A_863 = arith.constant 6 : i32
        %get3A_864 = arith.index_cast %rem3A_365 : i32 to index
        %get3A_865 = arith.index_cast %get3A_863 : i32 to index
        %get3A_866 = arith.index_cast %add3A_846 : i32 to index
        %get3A_867 = arith.constant 16 : index
        %get3A_868 = tpu.vector_load %arg11[%get3A_864, %get3A_865, %get3A_866, %get3A_867] {strides = array<i32>} : memref<2x8x56x64xf32, #tpu.memory_space<vmem>>, vector<16xf32>,
        %mul3A_869 = arith.mulf %bitcast3A_854, %get3A_868 : vector<16xf32>
        %add3A_870 = arith.addf %add3A_826, %mul3A_869 : vector<16xf32>
        %get3A_871 = arith.constant 6 : i32
        %get3A_872 = arith.index_cast %rem3A_365 : i32 to index
        %get3A_873 = arith.index_cast %get3A_871 : i32 to index
        %get3A_874 = arith.index_cast %add3A_846 : i32 to index
        %get3A_875 = arith.constant 32 : index
        %get3A_876 = tpu.vector_load %arg11[%get3A_872, %get3A_873, %get3A_874, %get3A_875] {strides = array<i32>} : memref<2x8x56x64xf32, #tpu.memory_space<vmem>>, vector<16xf32>,
        %mul3A_877 = arith.mulf %bitcast3A_854, %get3A_876 : vector<16xf32>
        %add3A_878 = arith.addf %add3A_834, %mul3A_877 : vector<16xf32>
        %get3A_879 = arith.constant 6 : i32
        %get3A_880 = arith.index_cast %rem3A_365 : i32 to index
        %get3A_881 = arith.index_cast %get3A_879 : i32 to index
        %get3A_882 = arith.index_cast %add3A_846 : i32 to index
        %get3A_883 = arith.constant 48 : index
        %get3A_884 = tpu.vector_load %arg11[%get3A_880, %get3A_881, %get3A_882, %get3A_883] {strides = array<i32>} : memref<2x8x56x64xf32, #tpu.memory_space<vmem>>, vector<16xf32>,
        %mul3A_885 = arith.mulf %bitcast3A_854, %get3A_884 : vector<16xf32>
        %add3A_886 = arith.addf %add3A_842, %mul3A_885 : vector<16xf32>
        scf.yield %add3A_862, %add3A_870, %add3A_878, %add3A_886 : vector<16xf32>, vector<16xf32>, vector<16xf32>, vector<16xf32>
      }
      %scan3A_619 = arith.constant 10 : i32
      %swap3A_620 = arith.constant 6 : i32
      %swap3A_621 = arith.index_cast %swap3A_620 : i32 to index
      %swap3A_622 = arith.constant 0 : index
      %swap3A_623 = tpu.vector_load %arg12[%swap3A_621, %swap3A_622] {strides = array<i32>} : memref<8x128xf32, #tpu.memory_space<vmem>>, vector<16xf32>,
      tpu.vector_store %arg12[%swap3A_621, %swap3A_622], %scan3A_618#0 {strides = array<i32>} : memref<8x128xf32, #tpu.memory_space<vmem>>, vector<16xf32>,
      %swap3A_624 = arith.constant 6 : i32
      %swap3A_625 = arith.index_cast %swap3A_624 : i32 to index
      %swap3A_626 = arith.constant 16 : index
      %swap3A_627 = tpu.vector_load %arg12[%swap3A_625, %swap3A_626] {strides = array<i32>} : memref<8x128xf32, #tpu.memory_space<vmem>>, vector<16xf32>,
      tpu.vector_store %arg12[%swap3A_625, %swap3A_626], %scan3A_618#1 {strides = array<i32>} : memref<8x128xf32, #tpu.memory_space<vmem>>, vector<16xf32>,
      %swap3A_628 = arith.constant 6 : i32
      %swap3A_629 = arith.index_cast %swap3A_628 : i32 to index
      %swap3A_630 = arith.constant 32 : index
      %swap3A_631 = tpu.vector_load %arg12[%swap3A_629, %swap3A_630] {strides = array<i32>} : memref<8x128xf32, #tpu.memory_space<vmem>>, vector<16xf32>,
      tpu.vector_store %arg12[%swap3A_629, %swap3A_630], %scan3A_618#2 {strides = array<i32>} : memref<8x128xf32, #tpu.memory_space<vmem>>, vector<16xf32>,
      %swap3A_632 = arith.constant 6 : i32
      %swap3A_633 = arith.index_cast %swap3A_632 : i32 to index
      %swap3A_634 = arith.constant 48 : index
      %swap3A_635 = tpu.vector_load %arg12[%swap3A_633, %swap3A_634] {strides = array<i32>} : memref<8x128xf32, #tpu.memory_space<vmem>>, vector<16xf32>,
      tpu.vector_store %arg12[%swap3A_633, %swap3A_634], %scan3A_618#3 {strides = array<i32>} : memref<8x128xf32, #tpu.memory_space<vmem>>, vector<16xf32>,
      %broadcast_in_dim3A_636 = arith.constant 0.000000e+00 : f32
      %broadcast_in_dim3A_637 = vector.broadcast %broadcast_in_dim3A_636 : f32 to vector<16xf32>
      %scan3A_638 = arith.constant 0 : i32
      %scan3A_639 = arith.constant 10 : i32
      %scan3A_640 = arith.addi %scan3A_638, %scan3A_639 : i32
      %scan3A_641 = arith.constant 1 : i32
      %scan3A_642:4 = scf.for %scan3A_665 = %scan3A_638 to %scan3A_640 step %scan3A_641 iter_args(%scan3A_666 = %broadcast_in_dim3A_637, %scan3A_667 = %broadcast_in_dim3A_637, %scan3A_668 = %broadcast_in_dim3A_637, %scan3A_669 = %broadcast_in_dim3A_637) -> (vector<16xf32>, vector<16xf32>, vector<16xf32>, vector<16xf32>)  : i32 {
        %mul3A_670 = arith.constant 5 : i32
        %mul3A_671 = arith.muli %scan3A_665, %mul3A_670 : i32
        %add3A_672 = arith.constant 0 : i32
        %add3A_673 = arith.addi %mul3A_671, %add3A_672 : i32
        %broadcast_in_dim3A_674 = vector.broadcast %rem3A_365 : i32 to vector<16xi32>
        %broadcast_in_dim3A_675 = arith.constant 7 : i32
        %broadcast_in_dim3A_676 = vector.broadcast %broadcast_in_dim3A_675 : i32 to vector<16xi32>
        %add3A_677 = arith.constant 64 : i32
        %add3A_678 = arith.addi %add3A_677, %add3A_673 : i32
        %broadcast_in_dim3A_679 = vector.broadcast %add3A_678 : i32 to vector<16xi32>
        %gather3A = tpu.vector_load_idx %arg10[%broadcast_in_dim3A_674, %broadcast_in_dim3A_676, %broadcast_in_dim3A_679] : memref<2x8x128xi32, #tpu.memory_space<vmem>>[vector<16xi32>, vector<16xi32>, vector<16xi32>], vector<16xi32>,
        %bitcast3A = vector.bitcast %gather3A : vector<16xi32> to vector<16xf32>
        %get3A = arith.constant 7 : i32
        %get3A_680 = arith.index_cast %rem3A_365 : i32 to index
        %get3A_681 = arith.index_cast %get3A : i32 to index
        %get3A_682 = arith.index_cast %add3A_673 : i32 to index
        %get3A_683 = arith.constant 0 : index
        %get3A_684 = tpu.vector_load %arg11[%get3A_680, %get3A_681, %get3A_682, %get3A_683] {strides = array<i32>} : memref<2x8x56x64xf32, #tpu.memory_space<vmem>>, vector<16xf32>,
        %mul3A_685 = arith.mulf %bitcast3A, %get3A_684 : vector<16xf32>
        %add3A_686 = arith.addf %scan3A_666, %mul3A_685 : vector<16xf32>
        %get3A_687 = arith.constant 7 : i32
        %get3A_688 = arith.index_cast %rem3A_365 : i32 to index
        %get3A_689 = arith.index_cast %get3A_687 : i32 to index
        %get3A_690 = arith.index_cast %add3A_673 : i32 to index
        %get3A_691 = arith.constant 16 : index
        %get3A_692 = tpu.vector_load %arg11[%get3A_688, %get3A_689, %get3A_690, %get3A_691] {strides = array<i32>} : memref<2x8x56x64xf32, #tpu.memory_space<vmem>>, vector<16xf32>,
        %mul3A_693 = arith.mulf %bitcast3A, %get3A_692 : vector<16xf32>
        %add3A_694 = arith.addf %scan3A_667, %mul3A_693 : vector<16xf32>
        %get3A_695 = arith.constant 7 : i32
        %get3A_696 = arith.index_cast %rem3A_365 : i32 to index
        %get3A_697 = arith.index_cast %get3A_695 : i32 to index
        %get3A_698 = arith.index_cast %add3A_673 : i32 to index
        %get3A_699 = arith.constant 32 : index
        %get3A_700 = tpu.vector_load %arg11[%get3A_696, %get3A_697, %get3A_698, %get3A_699] {strides = array<i32>} : memref<2x8x56x64xf32, #tpu.memory_space<vmem>>, vector<16xf32>,
        %mul3A_701 = arith.mulf %bitcast3A, %get3A_700 : vector<16xf32>
        %add3A_702 = arith.addf %scan3A_668, %mul3A_701 : vector<16xf32>
        %get3A_703 = arith.constant 7 : i32
        %get3A_704 = arith.index_cast %rem3A_365 : i32 to index
        %get3A_705 = arith.index_cast %get3A_703 : i32 to index
        %get3A_706 = arith.index_cast %add3A_673 : i32 to index
        %get3A_707 = arith.constant 48 : index
        %get3A_708 = tpu.vector_load %arg11[%get3A_704, %get3A_705, %get3A_706, %get3A_707] {strides = array<i32>} : memref<2x8x56x64xf32, #tpu.memory_space<vmem>>, vector<16xf32>,
        %mul3A_709 = arith.mulf %bitcast3A, %get3A_708 : vector<16xf32>
        %add3A_710 = arith.addf %scan3A_669, %mul3A_709 : vector<16xf32>
        %mul3A_711 = arith.constant 5 : i32
        %mul3A_712 = arith.muli %scan3A_665, %mul3A_711 : i32
        %add3A_713 = arith.constant 1 : i32
        %add3A_714 = arith.addi %mul3A_712, %add3A_713 : i32
        %broadcast_in_dim3A_715 = vector.broadcast %rem3A_365 : i32 to vector<16xi32>
        %broadcast_in_dim3A_716 = arith.constant 7 : i32
        %broadcast_in_dim3A_717 = vector.broadcast %broadcast_in_dim3A_716 : i32 to vector<16xi32>
        %add3A_718 = arith.constant 64 : i32
        %add3A_719 = arith.addi %add3A_718, %add3A_714 : i32
        %broadcast_in_dim3A_720 = vector.broadcast %add3A_719 : i32 to vector<16xi32>
        %gather3A_721 = tpu.vector_load_idx %arg10[%broadcast_in_dim3A_715, %broadcast_in_dim3A_717, %broadcast_in_dim3A_720] : memref<2x8x128xi32, #tpu.memory_space<vmem>>[vector<16xi32>, vector<16xi32>, vector<16xi32>], vector<16xi32>,
        %bitcast3A_722 = vector.bitcast %gather3A_721 : vector<16xi32> to vector<16xf32>
        %get3A_723 = arith.constant 7 : i32
        %get3A_724 = arith.index_cast %rem3A_365 : i32 to index
        %get3A_725 = arith.index_cast %get3A_723 : i32 to index
        %get3A_726 = arith.index_cast %add3A_714 : i32 to index
        %get3A_727 = arith.constant 0 : index
        %get3A_728 = tpu.vector_load %arg11[%get3A_724, %get3A_725, %get3A_726, %get3A_727] {strides = array<i32>} : memref<2x8x56x64xf32, #tpu.memory_space<vmem>>, vector<16xf32>,
        %mul3A_729 = arith.mulf %bitcast3A_722, %get3A_728 : vector<16xf32>
        %add3A_730 = arith.addf %add3A_686, %mul3A_729 : vector<16xf32>
        %get3A_731 = arith.constant 7 : i32
        %get3A_732 = arith.index_cast %rem3A_365 : i32 to index
        %get3A_733 = arith.index_cast %get3A_731 : i32 to index
        %get3A_734 = arith.index_cast %add3A_714 : i32 to index
        %get3A_735 = arith.constant 16 : index
        %get3A_736 = tpu.vector_load %arg11[%get3A_732, %get3A_733, %get3A_734, %get3A_735] {strides = array<i32>} : memref<2x8x56x64xf32, #tpu.memory_space<vmem>>, vector<16xf32>,
        %mul3A_737 = arith.mulf %bitcast3A_722, %get3A_736 : vector<16xf32>
        %add3A_738 = arith.addf %add3A_694, %mul3A_737 : vector<16xf32>
        %get3A_739 = arith.constant 7 : i32
        %get3A_740 = arith.index_cast %rem3A_365 : i32 to index
        %get3A_741 = arith.index_cast %get3A_739 : i32 to index
        %get3A_742 = arith.index_cast %add3A_714 : i32 to index
        %get3A_743 = arith.constant 32 : index
        %get3A_744 = tpu.vector_load %arg11[%get3A_740, %get3A_741, %get3A_742, %get3A_743] {strides = array<i32>} : memref<2x8x56x64xf32, #tpu.memory_space<vmem>>, vector<16xf32>,
        %mul3A_745 = arith.mulf %bitcast3A_722, %get3A_744 : vector<16xf32>
        %add3A_746 = arith.addf %add3A_702, %mul3A_745 : vector<16xf32>
        %get3A_747 = arith.constant 7 : i32
        %get3A_748 = arith.index_cast %rem3A_365 : i32 to index
        %get3A_749 = arith.index_cast %get3A_747 : i32 to index
        %get3A_750 = arith.index_cast %add3A_714 : i32 to index
        %get3A_751 = arith.constant 48 : index
        %get3A_752 = tpu.vector_load %arg11[%get3A_748, %get3A_749, %get3A_750, %get3A_751] {strides = array<i32>} : memref<2x8x56x64xf32, #tpu.memory_space<vmem>>, vector<16xf32>,
        %mul3A_753 = arith.mulf %bitcast3A_722, %get3A_752 : vector<16xf32>
        %add3A_754 = arith.addf %add3A_710, %mul3A_753 : vector<16xf32>
        %mul3A_755 = arith.constant 5 : i32
        %mul3A_756 = arith.muli %scan3A_665, %mul3A_755 : i32
        %add3A_757 = arith.constant 2 : i32
        %add3A_758 = arith.addi %mul3A_756, %add3A_757 : i32
        %broadcast_in_dim3A_759 = vector.broadcast %rem3A_365 : i32 to vector<16xi32>
        %broadcast_in_dim3A_760 = arith.constant 7 : i32
        %broadcast_in_dim3A_761 = vector.broadcast %broadcast_in_dim3A_760 : i32 to vector<16xi32>
        %add3A_762 = arith.constant 64 : i32
        %add3A_763 = arith.addi %add3A_762, %add3A_758 : i32
        %broadcast_in_dim3A_764 = vector.broadcast %add3A_763 : i32 to vector<16xi32>
        %gather3A_765 = tpu.vector_load_idx %arg10[%broadcast_in_dim3A_759, %broadcast_in_dim3A_761, %broadcast_in_dim3A_764] : memref<2x8x128xi32, #tpu.memory_space<vmem>>[vector<16xi32>, vector<16xi32>, vector<16xi32>], vector<16xi32>,
        %bitcast3A_766 = vector.bitcast %gather3A_765 : vector<16xi32> to vector<16xf32>
        %get3A_767 = arith.constant 7 : i32
        %get3A_768 = arith.index_cast %rem3A_365 : i32 to index
        %get3A_769 = arith.index_cast %get3A_767 : i32 to index
        %get3A_770 = arith.index_cast %add3A_758 : i32 to index
        %get3A_771 = arith.constant 0 : index
        %get3A_772 = tpu.vector_load %arg11[%get3A_768, %get3A_769, %get3A_770, %get3A_771] {strides = array<i32>} : memref<2x8x56x64xf32, #tpu.memory_space<vmem>>, vector<16xf32>,
        %mul3A_773 = arith.mulf %bitcast3A_766, %get3A_772 : vector<16xf32>
        %add3A_774 = arith.addf %add3A_730, %mul3A_773 : vector<16xf32>
        %get3A_775 = arith.constant 7 : i32
        %get3A_776 = arith.index_cast %rem3A_365 : i32 to index
        %get3A_777 = arith.index_cast %get3A_775 : i32 to index
        %get3A_778 = arith.index_cast %add3A_758 : i32 to index
        %get3A_779 = arith.constant 16 : index
        %get3A_780 = tpu.vector_load %arg11[%get3A_776, %get3A_777, %get3A_778, %get3A_779] {strides = array<i32>} : memref<2x8x56x64xf32, #tpu.memory_space<vmem>>, vector<16xf32>,
        %mul3A_781 = arith.mulf %bitcast3A_766, %get3A_780 : vector<16xf32>
        %add3A_782 = arith.addf %add3A_738, %mul3A_781 : vector<16xf32>
        %get3A_783 = arith.constant 7 : i32
        %get3A_784 = arith.index_cast %rem3A_365 : i32 to index
        %get3A_785 = arith.index_cast %get3A_783 : i32 to index
        %get3A_786 = arith.index_cast %add3A_758 : i32 to index
        %get3A_787 = arith.constant 32 : index
        %get3A_788 = tpu.vector_load %arg11[%get3A_784, %get3A_785, %get3A_786, %get3A_787] {strides = array<i32>} : memref<2x8x56x64xf32, #tpu.memory_space<vmem>>, vector<16xf32>,
        %mul3A_789 = arith.mulf %bitcast3A_766, %get3A_788 : vector<16xf32>
        %add3A_790 = arith.addf %add3A_746, %mul3A_789 : vector<16xf32>
        %get3A_791 = arith.constant 7 : i32
        %get3A_792 = arith.index_cast %rem3A_365 : i32 to index
        %get3A_793 = arith.index_cast %get3A_791 : i32 to index
        %get3A_794 = arith.index_cast %add3A_758 : i32 to index
        %get3A_795 = arith.constant 48 : index
        %get3A_796 = tpu.vector_load %arg11[%get3A_792, %get3A_793, %get3A_794, %get3A_795] {strides = array<i32>} : memref<2x8x56x64xf32, #tpu.memory_space<vmem>>, vector<16xf32>,
        %mul3A_797 = arith.mulf %bitcast3A_766, %get3A_796 : vector<16xf32>
        %add3A_798 = arith.addf %add3A_754, %mul3A_797 : vector<16xf32>
        %mul3A_799 = arith.constant 5 : i32
        %mul3A_800 = arith.muli %scan3A_665, %mul3A_799 : i32
        %add3A_801 = arith.constant 3 : i32
        %add3A_802 = arith.addi %mul3A_800, %add3A_801 : i32
        %broadcast_in_dim3A_803 = vector.broadcast %rem3A_365 : i32 to vector<16xi32>
        %broadcast_in_dim3A_804 = arith.constant 7 : i32
        %broadcast_in_dim3A_805 = vector.broadcast %broadcast_in_dim3A_804 : i32 to vector<16xi32>
        %add3A_806 = arith.constant 64 : i32
        %add3A_807 = arith.addi %add3A_806, %add3A_802 : i32
        %broadcast_in_dim3A_808 = vector.broadcast %add3A_807 : i32 to vector<16xi32>
        %gather3A_809 = tpu.vector_load_idx %arg10[%broadcast_in_dim3A_803, %broadcast_in_dim3A_805, %broadcast_in_dim3A_808] : memref<2x8x128xi32, #tpu.memory_space<vmem>>[vector<16xi32>, vector<16xi32>, vector<16xi32>], vector<16xi32>,
        %bitcast3A_810 = vector.bitcast %gather3A_809 : vector<16xi32> to vector<16xf32>
        %get3A_811 = arith.constant 7 : i32
        %get3A_812 = arith.index_cast %rem3A_365 : i32 to index
        %get3A_813 = arith.index_cast %get3A_811 : i32 to index
        %get3A_814 = arith.index_cast %add3A_802 : i32 to index
        %get3A_815 = arith.constant 0 : index
        %get3A_816 = tpu.vector_load %arg11[%get3A_812, %get3A_813, %get3A_814, %get3A_815] {strides = array<i32>} : memref<2x8x56x64xf32, #tpu.memory_space<vmem>>, vector<16xf32>,
        %mul3A_817 = arith.mulf %bitcast3A_810, %get3A_816 : vector<16xf32>
        %add3A_818 = arith.addf %add3A_774, %mul3A_817 : vector<16xf32>
        %get3A_819 = arith.constant 7 : i32
        %get3A_820 = arith.index_cast %rem3A_365 : i32 to index
        %get3A_821 = arith.index_cast %get3A_819 : i32 to index
        %get3A_822 = arith.index_cast %add3A_802 : i32 to index
        %get3A_823 = arith.constant 16 : index
        %get3A_824 = tpu.vector_load %arg11[%get3A_820, %get3A_821, %get3A_822, %get3A_823] {strides = array<i32>} : memref<2x8x56x64xf32, #tpu.memory_space<vmem>>, vector<16xf32>,
        %mul3A_825 = arith.mulf %bitcast3A_810, %get3A_824 : vector<16xf32>
        %add3A_826 = arith.addf %add3A_782, %mul3A_825 : vector<16xf32>
        %get3A_827 = arith.constant 7 : i32
        %get3A_828 = arith.index_cast %rem3A_365 : i32 to index
        %get3A_829 = arith.index_cast %get3A_827 : i32 to index
        %get3A_830 = arith.index_cast %add3A_802 : i32 to index
        %get3A_831 = arith.constant 32 : index
        %get3A_832 = tpu.vector_load %arg11[%get3A_828, %get3A_829, %get3A_830, %get3A_831] {strides = array<i32>} : memref<2x8x56x64xf32, #tpu.memory_space<vmem>>, vector<16xf32>,
        %mul3A_833 = arith.mulf %bitcast3A_810, %get3A_832 : vector<16xf32>
        %add3A_834 = arith.addf %add3A_790, %mul3A_833 : vector<16xf32>
        %get3A_835 = arith.constant 7 : i32
        %get3A_836 = arith.index_cast %rem3A_365 : i32 to index
        %get3A_837 = arith.index_cast %get3A_835 : i32 to index
        %get3A_838 = arith.index_cast %add3A_802 : i32 to index
        %get3A_839 = arith.constant 48 : index
        %get3A_840 = tpu.vector_load %arg11[%get3A_836, %get3A_837, %get3A_838, %get3A_839] {strides = array<i32>} : memref<2x8x56x64xf32, #tpu.memory_space<vmem>>, vector<16xf32>,
        %mul3A_841 = arith.mulf %bitcast3A_810, %get3A_840 : vector<16xf32>
        %add3A_842 = arith.addf %add3A_798, %mul3A_841 : vector<16xf32>
        %mul3A_843 = arith.constant 5 : i32
        %mul3A_844 = arith.muli %scan3A_665, %mul3A_843 : i32
        %add3A_845 = arith.constant 4 : i32
        %add3A_846 = arith.addi %mul3A_844, %add3A_845 : i32
        %broadcast_in_dim3A_847 = vector.broadcast %rem3A_365 : i32 to vector<16xi32>
        %broadcast_in_dim3A_848 = arith.constant 7 : i32
        %broadcast_in_dim3A_849 = vector.broadcast %broadcast_in_dim3A_848 : i32 to vector<16xi32>
        %add3A_850 = arith.constant 64 : i32
        %add3A_851 = arith.addi %add3A_850, %add3A_846 : i32
        %broadcast_in_dim3A_852 = vector.broadcast %add3A_851 : i32 to vector<16xi32>
        %gather3A_853 = tpu.vector_load_idx %arg10[%broadcast_in_dim3A_847, %broadcast_in_dim3A_849, %broadcast_in_dim3A_852] : memref<2x8x128xi32, #tpu.memory_space<vmem>>[vector<16xi32>, vector<16xi32>, vector<16xi32>], vector<16xi32>,
        %bitcast3A_854 = vector.bitcast %gather3A_853 : vector<16xi32> to vector<16xf32>
        %get3A_855 = arith.constant 7 : i32
        %get3A_856 = arith.index_cast %rem3A_365 : i32 to index
        %get3A_857 = arith.index_cast %get3A_855 : i32 to index
        %get3A_858 = arith.index_cast %add3A_846 : i32 to index
        %get3A_859 = arith.constant 0 : index
        %get3A_860 = tpu.vector_load %arg11[%get3A_856, %get3A_857, %get3A_858, %get3A_859] {strides = array<i32>} : memref<2x8x56x64xf32, #tpu.memory_space<vmem>>, vector<16xf32>,
        %mul3A_861 = arith.mulf %bitcast3A_854, %get3A_860 : vector<16xf32>
        %add3A_862 = arith.addf %add3A_818, %mul3A_861 : vector<16xf32>
        %get3A_863 = arith.constant 7 : i32
        %get3A_864 = arith.index_cast %rem3A_365 : i32 to index
        %get3A_865 = arith.index_cast %get3A_863 : i32 to index
        %get3A_866 = arith.index_cast %add3A_846 : i32 to index
        %get3A_867 = arith.constant 16 : index
        %get3A_868 = tpu.vector_load %arg11[%get3A_864, %get3A_865, %get3A_866, %get3A_867] {strides = array<i32>} : memref<2x8x56x64xf32, #tpu.memory_space<vmem>>, vector<16xf32>,
        %mul3A_869 = arith.mulf %bitcast3A_854, %get3A_868 : vector<16xf32>
        %add3A_870 = arith.addf %add3A_826, %mul3A_869 : vector<16xf32>
        %get3A_871 = arith.constant 7 : i32
        %get3A_872 = arith.index_cast %rem3A_365 : i32 to index
        %get3A_873 = arith.index_cast %get3A_871 : i32 to index
        %get3A_874 = arith.index_cast %add3A_846 : i32 to index
        %get3A_875 = arith.constant 32 : index
        %get3A_876 = tpu.vector_load %arg11[%get3A_872, %get3A_873, %get3A_874, %get3A_875] {strides = array<i32>} : memref<2x8x56x64xf32, #tpu.memory_space<vmem>>, vector<16xf32>,
        %mul3A_877 = arith.mulf %bitcast3A_854, %get3A_876 : vector<16xf32>
        %add3A_878 = arith.addf %add3A_834, %mul3A_877 : vector<16xf32>
        %get3A_879 = arith.constant 7 : i32
        %get3A_880 = arith.index_cast %rem3A_365 : i32 to index
        %get3A_881 = arith.index_cast %get3A_879 : i32 to index
        %get3A_882 = arith.index_cast %add3A_846 : i32 to index
        %get3A_883 = arith.constant 48 : index
        %get3A_884 = tpu.vector_load %arg11[%get3A_880, %get3A_881, %get3A_882, %get3A_883] {strides = array<i32>} : memref<2x8x56x64xf32, #tpu.memory_space<vmem>>, vector<16xf32>,
        %mul3A_885 = arith.mulf %bitcast3A_854, %get3A_884 : vector<16xf32>
        %add3A_886 = arith.addf %add3A_842, %mul3A_885 : vector<16xf32>
        scf.yield %add3A_862, %add3A_870, %add3A_878, %add3A_886 : vector<16xf32>, vector<16xf32>, vector<16xf32>, vector<16xf32>
      }
      %scan3A_643 = arith.constant 10 : i32
      %swap3A_644 = arith.constant 7 : i32
      %swap3A_645 = arith.index_cast %swap3A_644 : i32 to index
      %swap3A_646 = arith.constant 0 : index
      %swap3A_647 = tpu.vector_load %arg12[%swap3A_645, %swap3A_646] {strides = array<i32>} : memref<8x128xf32, #tpu.memory_space<vmem>>, vector<16xf32>,
      tpu.vector_store %arg12[%swap3A_645, %swap3A_646], %scan3A_642#0 {strides = array<i32>} : memref<8x128xf32, #tpu.memory_space<vmem>>, vector<16xf32>,
      %swap3A_648 = arith.constant 7 : i32
      %swap3A_649 = arith.index_cast %swap3A_648 : i32 to index
      %swap3A_650 = arith.constant 16 : index
      %swap3A_651 = tpu.vector_load %arg12[%swap3A_649, %swap3A_650] {strides = array<i32>} : memref<8x128xf32, #tpu.memory_space<vmem>>, vector<16xf32>,
      tpu.vector_store %arg12[%swap3A_649, %swap3A_650], %scan3A_642#1 {strides = array<i32>} : memref<8x128xf32, #tpu.memory_space<vmem>>, vector<16xf32>,
      %swap3A_652 = arith.constant 7 : i32
      %swap3A_653 = arith.index_cast %swap3A_652 : i32 to index
      %swap3A_654 = arith.constant 32 : index
      %swap3A_655 = tpu.vector_load %arg12[%swap3A_653, %swap3A_654] {strides = array<i32>} : memref<8x128xf32, #tpu.memory_space<vmem>>, vector<16xf32>,
      tpu.vector_store %arg12[%swap3A_653, %swap3A_654], %scan3A_642#2 {strides = array<i32>} : memref<8x128xf32, #tpu.memory_space<vmem>>, vector<16xf32>,
      %swap3A_656 = arith.constant 7 : i32
      %swap3A_657 = arith.index_cast %swap3A_656 : i32 to index
      %swap3A_658 = arith.constant 48 : index
      %swap3A_659 = tpu.vector_load %arg12[%swap3A_657, %swap3A_658] {strides = array<i32>} : memref<8x128xf32, #tpu.memory_space<vmem>>, vector<16xf32>,
      tpu.vector_store %arg12[%swap3A_657, %swap3A_658], %scan3A_642#3 {strides = array<i32>} : memref<8x128xf32, #tpu.memory_space<vmem>>, vector<16xf32>,
      "tpu.region"() ({
        %run_scoped3A = tpu.sem_alloc : memref<!tpu.dma_semaphore, #tpu.memory_space<semaphore_mem>>
        %dma_start3A_665 = arith.constant 0 : i32
        %dma_start3A_666 = tpu.memref_slice %arg7[%add3A_467, %dma_start3A_665] : memref<16384x128xf32, #tpu.memory_space<hbm>> -> memref<8x128xf32, #tpu.memory_space<hbm>>
        %dma_start3A_667 = arith.constant 0 : i32
        %dma_start3A_668 = tpu.memref_slice %arg7[%add3A_467, %dma_start3A_667] : memref<16384x128xf32, #tpu.memory_space<hbm>> -> memref<8x128xf32, #tpu.memory_space<hbm>>
        tpu.enqueue_dma source(%arg12 : memref<8x128xf32, #tpu.memory_space<vmem>>) target(%dma_start3A_668 : memref<8x128xf32, #tpu.memory_space<hbm>>) target_semaphore(%run_scoped3A : memref<!tpu.dma_semaphore, #tpu.memory_space<semaphore_mem>>)
        %dma_wait3A_669 = arith.constant 0 : i32
        %dma_wait3A_670 = tpu.memref_slice %arg7[%add3A_467, %dma_wait3A_669] : memref<16384x128xf32, #tpu.memory_space<hbm>> -> memref<8x128xf32, #tpu.memory_space<hbm>>
        %dma_wait3A_671 = arith.constant 0 : i32
        %dma_wait3A_672 = tpu.memref_slice %arg7[%add3A_467, %dma_wait3A_671] : memref<16384x128xf32, #tpu.memory_space<hbm>> -> memref<8x128xf32, #tpu.memory_space<hbm>>
        tpu.wait_dma2 semaphore(%run_scoped3A : memref<!tpu.dma_semaphore, #tpu.memory_space<semaphore_mem>>) src(%arg12 : memref<8x128xf32, #tpu.memory_space<vmem>>) dst(%dma_wait3A_672 : memref<8x128xf32, #tpu.memory_space<hbm>>)
        tpu.yield
      }) : () -> ()
      %lt3A_660 = arith.constant 62 : i32
      %lt3A_661 = arith.cmpi slt, %add3A_364, %lt3A_660 : i32
      %convert_element_type3A_662 = arith.extui %lt3A_661 : i1 to i32
      %cond3A_663 = arith.constant 0 : i32
      %cond3A_664 = arith.cmpi ne, %convert_element_type3A_662, %cond3A_663 : i32
      scf.if %cond3A_664 {
        %add3A_665 = arith.constant 2 : i32
        %add3A_666 = arith.addi %add3A_364, %add3A_665 : i32
        %mul3A_667 = arith.constant 8 : i32
        %mul3A_668 = arith.muli %add3A_666, %mul3A_667 : i32
        %add3A_669 = arith.addi %mul3A_2, %mul3A_668 : i32
        %dma_start3A_670 = arith.constant 0 : i32
        %dma_start3A_671 = arith.constant 0 : i32
        %dma_start3A_672 = tpu.memref_slice %arg10[%rem3A_365, %dma_start3A_670, %dma_start3A_671] : memref<2x8x128xi32, #tpu.memory_space<vmem>> -> memref<1x8x128xi32, #tpu.memory_space<vmem>>
        %dma_start3A_673 = tpu.memref_squeeze %dma_start3A_672 : memref<1x8x128xi32, #tpu.memory_space<vmem>> -> memref<8x128xi32, #tpu.memory_space<vmem>>
        %dma_start3A_674 = arith.constant 0 : i32
        %dma_start3A_675 = tpu.memref_slice %arg4[%add3A_669, %dma_start3A_674] : memref<16384x128xi32, #tpu.memory_space<hbm>> -> memref<8x128xi32, #tpu.memory_space<hbm>>
        %dma_start3A_676 = arith.constant 0 : i32
        %dma_start3A_677 = arith.constant 0 : i32
        %dma_start3A_678 = tpu.memref_slice %arg10[%rem3A_365, %dma_start3A_676, %dma_start3A_677] : memref<2x8x128xi32, #tpu.memory_space<vmem>> -> memref<1x8x128xi32, #tpu.memory_space<vmem>>
        %dma_start3A_679 = tpu.memref_squeeze %dma_start3A_678 : memref<1x8x128xi32, #tpu.memory_space<vmem>> -> memref<8x128xi32, #tpu.memory_space<vmem>>
        %dma_start3A_680 = arith.constant 0 : i32
        %dma_start3A_681 = tpu.memref_slice %arg4[%add3A_669, %dma_start3A_680] : memref<16384x128xi32, #tpu.memory_space<hbm>> -> memref<8x128xi32, #tpu.memory_space<hbm>>
        tpu.enqueue_dma source(%dma_start3A_681 : memref<8x128xi32, #tpu.memory_space<hbm>>) target(%dma_start3A_679 : memref<8x128xi32, #tpu.memory_space<vmem>>) target_semaphore(%arg15 : memref<!tpu.dma_semaphore, #tpu.memory_space<semaphore_mem>>)
      } else {
      }
    }
    %scan3A_349 = arith.constant 64 : i32
    %scan3A_350 = arith.constant 0 : i32
    %scan3A_351 = arith.constant 4 : i32
    %scan3A_352 = arith.addi %scan3A_350, %scan3A_351 : i32
    %scan3A_353 = arith.constant 1 : i32
    scf.for %scan3A_360 = %scan3A_350 to %scan3A_352 step %scan3A_353  : i32 {
      %mul3A_361 = arith.constant 1 : i32
      %mul3A_362 = arith.muli %scan3A_360, %mul3A_361 : i32
      %add3A_363 = arith.constant 0 : i32
      %add3A_364 = arith.addi %add3A_363, %mul3A_362 : i32
      %mul3A_365 = arith.constant 128 : i32
      %mul3A_366 = arith.muli %add3A_364, %mul3A_365 : i32
      %add3A_367 = arith.addi %mul3A_2, %mul3A_366 : i32
      "tpu.region"() ({
        %run_scoped3A = tpu.sem_alloc : memref<!tpu.dma_semaphore, #tpu.memory_space<semaphore_mem>>
        %dma_start3A_374 = tpu.memref_slice %arg5[%add3A_367] : memref<16384xi32, #tpu.memory_space<hbm>> -> memref<128xi32, #tpu.memory_space<hbm>>
        %dma_start3A_375 = tpu.memref_slice %arg5[%add3A_367] : memref<16384xi32, #tpu.memory_space<hbm>> -> memref<128xi32, #tpu.memory_space<hbm>>
        tpu.enqueue_dma source(%dma_start3A_375 : memref<128xi32, #tpu.memory_space<hbm>>) target(%arg13 : memref<128xi32, #tpu.memory_space<vmem>>) target_semaphore(%run_scoped3A : memref<!tpu.dma_semaphore, #tpu.memory_space<semaphore_mem>>)
        %dma_wait3A_376 = tpu.memref_slice %arg5[%add3A_367] : memref<16384xi32, #tpu.memory_space<hbm>> -> memref<128xi32, #tpu.memory_space<hbm>>
        %dma_wait3A_377 = tpu.memref_slice %arg5[%add3A_367] : memref<16384xi32, #tpu.memory_space<hbm>> -> memref<128xi32, #tpu.memory_space<hbm>>
        tpu.wait_dma2 semaphore(%run_scoped3A : memref<!tpu.dma_semaphore, #tpu.memory_space<semaphore_mem>>) src(%dma_wait3A_377 : memref<128xi32, #tpu.memory_space<hbm>>) dst(%arg13 : memref<128xi32, #tpu.memory_space<vmem>>)
        tpu.yield
      }) : () -> ()
      %dma_start3A_368 = arith.constant 0 : i32
      %dma_start3A_369 = arith.constant 0 : i32
      %dma_start3A_370 = tpu.memref_slice %arg3[%dma_start3A_368, %dma_start3A_369] : memref<100001x64xf32, #tpu.memory_space<hbm>> -> memref<100001x64xf32, #tpu.memory_space<hbm>>
      tpu.enqueue_indirect_dma source(%dma_start3A_370 : memref<100001x64xf32, #tpu.memory_space<hbm>>) target(%arg14 : memref<128x64xf32, #tpu.memory_space<vmem>>) offsets(%arg13 : memref<128xi32, #tpu.memory_space<vmem>>) semaphore(%arg15 : memref<!tpu.dma_semaphore, #tpu.memory_space<semaphore_mem>>)
      %dma_wait3A_371 = arith.constant 0 : i32
      %dma_wait3A_372 = arith.constant 0 : i32
      %dma_wait3A_373 = tpu.memref_slice %arg3[%dma_wait3A_371, %dma_wait3A_372] : memref<100001x64xf32, #tpu.memory_space<hbm>> -> memref<100001x64xf32, #tpu.memory_space<hbm>>
      tpu.wait_indirect_dma semaphore(%arg15 : memref<!tpu.dma_semaphore, #tpu.memory_space<semaphore_mem>>) src(%dma_wait3A_373 : memref<100001x64xf32, #tpu.memory_space<hbm>>) dst(%arg14 : memref<128x64xf32, #tpu.memory_space<vmem>>)
      "tpu.region"() ({
        %run_scoped3A = tpu.sem_alloc : memref<!tpu.dma_semaphore, #tpu.memory_space<semaphore_mem>>
        %dma_start3A_374 = arith.constant 0 : i32
        %dma_start3A_375 = tpu.memref_slice %arg8[%add3A_367, %dma_start3A_374] : memref<16384x128xf32, #tpu.memory_space<hbm>> -> memref<128x64xf32, #tpu.memory_space<hbm>>
        %dma_start3A_376 = arith.constant 0 : i32
        %dma_start3A_377 = tpu.memref_slice %arg8[%add3A_367, %dma_start3A_376] : memref<16384x128xf32, #tpu.memory_space<hbm>> -> memref<128x64xf32, #tpu.memory_space<hbm>>
        tpu.enqueue_dma source(%arg14 : memref<128x64xf32, #tpu.memory_space<vmem>>) target(%dma_start3A_377 : memref<128x64xf32, #tpu.memory_space<hbm>>) target_semaphore(%run_scoped3A : memref<!tpu.dma_semaphore, #tpu.memory_space<semaphore_mem>>)
        %dma_wait3A_378 = arith.constant 0 : i32
        %dma_wait3A_379 = tpu.memref_slice %arg8[%add3A_367, %dma_wait3A_378] : memref<16384x128xf32, #tpu.memory_space<hbm>> -> memref<128x64xf32, #tpu.memory_space<hbm>>
        %dma_wait3A_380 = arith.constant 0 : i32
        %dma_wait3A_381 = tpu.memref_slice %arg8[%add3A_367, %dma_wait3A_380] : memref<16384x128xf32, #tpu.memory_space<hbm>> -> memref<128x64xf32, #tpu.memory_space<hbm>>
        tpu.wait_dma2 semaphore(%run_scoped3A : memref<!tpu.dma_semaphore, #tpu.memory_space<semaphore_mem>>) src(%arg14 : memref<128x64xf32, #tpu.memory_space<vmem>>) dst(%dma_wait3A_381 : memref<128x64xf32, #tpu.memory_space<hbm>>)
        tpu.yield
      }) : () -> ()
    }
    %scan3A_354 = arith.constant 4 : i32
    %scan3A_355 = arith.constant 0 : i32
    %scan3A_356 = arith.constant 4 : i32
    %scan3A_357 = arith.addi %scan3A_355, %scan3A_356 : i32
    %scan3A_358 = arith.constant 1 : i32
    scf.for %scan3A_360 = %scan3A_355 to %scan3A_357 step %scan3A_358  : i32 {
      %mul3A_361 = arith.constant 1 : i32
      %mul3A_362 = arith.muli %scan3A_360, %mul3A_361 : i32
      %add3A_363 = arith.constant 0 : i32
      %add3A_364 = arith.addi %add3A_363, %mul3A_362 : i32
      %mul3A_365 = arith.constant 128 : i32
      %mul3A_366 = arith.muli %add3A_364, %mul3A_365 : i32
      %add3A_367 = arith.addi %mul3A_2, %mul3A_366 : i32
      "tpu.region"() ({
        %run_scoped3A = tpu.sem_alloc : memref<!tpu.dma_semaphore, #tpu.memory_space<semaphore_mem>>
        %dma_start3A_374 = tpu.memref_slice %arg6[%add3A_367] : memref<16384xi32, #tpu.memory_space<hbm>> -> memref<128xi32, #tpu.memory_space<hbm>>
        %dma_start3A_375 = tpu.memref_slice %arg6[%add3A_367] : memref<16384xi32, #tpu.memory_space<hbm>> -> memref<128xi32, #tpu.memory_space<hbm>>
        tpu.enqueue_dma source(%dma_start3A_375 : memref<128xi32, #tpu.memory_space<hbm>>) target(%arg13 : memref<128xi32, #tpu.memory_space<vmem>>) target_semaphore(%run_scoped3A : memref<!tpu.dma_semaphore, #tpu.memory_space<semaphore_mem>>)
        %dma_wait3A_376 = tpu.memref_slice %arg6[%add3A_367] : memref<16384xi32, #tpu.memory_space<hbm>> -> memref<128xi32, #tpu.memory_space<hbm>>
        %dma_wait3A_377 = tpu.memref_slice %arg6[%add3A_367] : memref<16384xi32, #tpu.memory_space<hbm>> -> memref<128xi32, #tpu.memory_space<hbm>>
        tpu.wait_dma2 semaphore(%run_scoped3A : memref<!tpu.dma_semaphore, #tpu.memory_space<semaphore_mem>>) src(%dma_wait3A_377 : memref<128xi32, #tpu.memory_space<hbm>>) dst(%arg13 : memref<128xi32, #tpu.memory_space<vmem>>)
        tpu.yield
      }) : () -> ()
      %dma_start3A_368 = arith.constant 0 : i32
      %dma_start3A_369 = arith.constant 0 : i32
      %dma_start3A_370 = tpu.memref_slice %arg2[%dma_start3A_368, %dma_start3A_369] : memref<100001x64xf32, #tpu.memory_space<hbm>> -> memref<100001x64xf32, #tpu.memory_space<hbm>>
      tpu.enqueue_indirect_dma source(%dma_start3A_370 : memref<100001x64xf32, #tpu.memory_space<hbm>>) target(%arg14 : memref<128x64xf32, #tpu.memory_space<vmem>>) offsets(%arg13 : memref<128xi32, #tpu.memory_space<vmem>>) semaphore(%arg15 : memref<!tpu.dma_semaphore, #tpu.memory_space<semaphore_mem>>)
      %dma_wait3A_371 = arith.constant 0 : i32
      %dma_wait3A_372 = arith.constant 0 : i32
      %dma_wait3A_373 = tpu.memref_slice %arg2[%dma_wait3A_371, %dma_wait3A_372] : memref<100001x64xf32, #tpu.memory_space<hbm>> -> memref<100001x64xf32, #tpu.memory_space<hbm>>
      tpu.wait_indirect_dma semaphore(%arg15 : memref<!tpu.dma_semaphore, #tpu.memory_space<semaphore_mem>>) src(%dma_wait3A_373 : memref<100001x64xf32, #tpu.memory_space<hbm>>) dst(%arg14 : memref<128x64xf32, #tpu.memory_space<vmem>>)
      "tpu.region"() ({
        %run_scoped3A = tpu.sem_alloc : memref<!tpu.dma_semaphore, #tpu.memory_space<semaphore_mem>>
        %dma_start3A_374 = arith.constant 0 : i32
        %dma_start3A_375 = tpu.memref_slice %arg9[%add3A_367, %dma_start3A_374] : memref<16384x128xf32, #tpu.memory_space<hbm>> -> memref<128x64xf32, #tpu.memory_space<hbm>>
        %dma_start3A_376 = arith.constant 0 : i32
        %dma_start3A_377 = tpu.memref_slice %arg9[%add3A_367, %dma_start3A_376] : memref<16384x128xf32, #tpu.memory_space<hbm>> -> memref<128x64xf32, #tpu.memory_space<hbm>>
        tpu.enqueue_dma source(%arg14 : memref<128x64xf32, #tpu.memory_space<vmem>>) target(%dma_start3A_377 : memref<128x64xf32, #tpu.memory_space<hbm>>) target_semaphore(%run_scoped3A : memref<!tpu.dma_semaphore, #tpu.memory_space<semaphore_mem>>)
        %dma_wait3A_378 = arith.constant 0 : i32
        %dma_wait3A_379 = tpu.memref_slice %arg9[%add3A_367, %dma_wait3A_378] : memref<16384x128xf32, #tpu.memory_space<hbm>> -> memref<128x64xf32, #tpu.memory_space<hbm>>
        %dma_wait3A_380 = arith.constant 0 : i32
        %dma_wait3A_381 = tpu.memref_slice %arg9[%add3A_367, %dma_wait3A_380] : memref<16384x128xf32, #tpu.memory_space<hbm>> -> memref<128x64xf32, #tpu.memory_space<hbm>>
        tpu.wait_dma2 semaphore(%run_scoped3A : memref<!tpu.dma_semaphore, #tpu.memory_space<semaphore_mem>>) src(%arg14 : memref<128x64xf32, #tpu.memory_space<vmem>>) dst(%dma_wait3A_381 : memref<128x64xf32, #tpu.memory_space<hbm>>)
        tpu.yield
      }) : () -> ()
    }
    %scan3A_359 = arith.constant 4 : i32
    return
  }
}

module attributes {stable_mosaic.version = 14 : i64} {
  func.func @body(%arg0: i32, %arg1: memref<2048x50xi32, #tpu.memory_space<vmem>>, %arg2: memref<2048x50xf32, #tpu.memory_space<vmem>>, %arg3: memref<2048x128xi32, #tpu.memory_space<vmem>>, %arg4: memref<2048x1xf32, #tpu.memory_space<vmem>>) attributes {dimension_semantics = [#tpu.dimension_semantics<arbitrary>], iteration_bounds = array<i64: 8>, scalar_prefetch = 0 : i64, scratch_operands = 0 : i64, tpu.core_type = #tpu.core_type<tc>, window_params = [{transform_indices = @transform_0, window_bounds = array<i64: 2048, 50>}, {transform_indices = @transform_1, window_bounds = array<i64: 2048, 50>}, {transform_indices = @transform_2, window_bounds = array<i64: 2048, 128>}, {transform_indices = @transform_3, window_bounds = array<i64: 2048, 1>}]} {
    %get3A = arith.constant 0 : index
    %get3A_0 = arith.constant 0 : index
    %get3A_1 = vector.load %arg1[%get3A, %get3A_0] : memref<2048x50xi32, #tpu.memory_space<vmem>>, vector<2048x50xi32>
    %get3A_2 = arith.constant 0 : index
    %get3A_3 = arith.constant 0 : index
    %get3A_4 = vector.load %arg2[%get3A_2, %get3A_3] : memref<2048x50xf32, #tpu.memory_space<vmem>>, vector<2048x50xf32>
    %mul3A = arith.constant -1.000000e-03 : f32
    %mul3A_5 = vector.broadcast %mul3A : f32 to vector<2048x50xf32>
    %mul3A_6 = arith.mulf %get3A_4, %mul3A_5 : vector<2048x50xf32>
    %exp3A = math.exp %mul3A_6 : vector<2048x50xf32>
    %gt3A = arith.constant 0 : i32
    %gt3A_7 = vector.broadcast %gt3A : i32 to vector<2048x50xi32>
    %gt3A_8 = arith.cmpi sgt, %get3A_1, %gt3A_7 : vector<2048x50xi32>
    %convert_element_type3A = arith.extui %gt3A_8 : vector<2048x50xi1> to vector<2048x50xi32>
    %convert_element_type3A_9 = arith.sitofp %convert_element_type3A : vector<2048x50xi32> to vector<2048x50xf32>
    %mul3A_10 = arith.mulf %exp3A, %convert_element_type3A_9 : vector<2048x50xf32>
    %reduce_sum3A = arith.constant dense<0.000000e+00> : vector<2048xf32>
    %reduce_sum3A_11 = vector.multi_reduction <add>, %mul3A_10, %reduce_sum3A [1] : vector<2048x50xf32> to vector<2048xf32>
    %broadcast_in_dim3A = vector.shape_cast %reduce_sum3A_11 : vector<2048xf32> to vector<2048x1xf32>
    %swap3A = arith.constant 0 : index
    %swap3A_12 = arith.constant 0 : index
    %swap3A_13 = vector.load %arg4[%swap3A, %swap3A_12] : memref<2048x1xf32, #tpu.memory_space<vmem>>, vector<2048x1xf32>
    tpu.vector_store %arg4[%swap3A, %swap3A_12], %broadcast_in_dim3A {strides = array<i32>} : memref<2048x1xf32, #tpu.memory_space<vmem>>, vector<2048x1xf32>,
    %iota3A = tpu.iota {dimensions = array<i32: 0>} : vector<2048x14xi32>
    %mul3A_14 = arith.constant 2048 : i32
    %mul3A_15 = arith.muli %arg0, %mul3A_14 : i32
    %add3A = vector.broadcast %mul3A_15 : i32 to vector<2048x14xi32>
    %add3A_16 = arith.addi %iota3A, %add3A : vector<2048x14xi32>
    %mul3A_17 = arith.constant 53 : i32
    %mul3A_18 = vector.broadcast %mul3A_17 : i32 to vector<2048x14xi32>
    %mul3A_19 = arith.muli %add3A_16, %mul3A_18 : vector<2048x14xi32>
    %iota3A_20 = tpu.iota {dimensions = array<i32: 1>} : vector<2048x14xi32>
    %mul3A_21 = arith.constant 4099 : i32
    %mul3A_22 = vector.broadcast %mul3A_21 : i32 to vector<2048x14xi32>
    %mul3A_23 = arith.muli %iota3A_20, %mul3A_22 : vector<2048x14xi32>
    %add3A_24 = arith.addi %mul3A_19, %mul3A_23 : vector<2048x14xi32>
    %jit3A = arith.constant 100000 : i32
    %eq3A = arith.constant 0 : i32
    %eq3A_25 = arith.cmpi eq, %jit3A, %eq3A : i32
    %jit3A_26 = arith.constant 1 : i32
    %select_n3A = arith.select %eq3A_25, %jit3A_26, %jit3A : i32
    %rem3A = vector.broadcast %select_n3A : i32 to vector<2048x14xi32>
    %rem3A_27 = arith.remsi %add3A_24, %rem3A : vector<2048x14xi32>
    %ne3A = arith.constant 0 : i32
    %ne3A_28 = vector.broadcast %ne3A : i32 to vector<2048x14xi32>
    %ne3A_29 = arith.cmpi ne, %rem3A_27, %ne3A_28 : vector<2048x14xi32>
    %lt3A = arith.constant 0 : i32
    %lt3A_30 = vector.broadcast %lt3A : i32 to vector<2048x14xi32>
    %lt3A_31 = arith.cmpi slt, %rem3A_27, %lt3A_30 : vector<2048x14xi32>
    %lt3A_32 = arith.constant 0 : i32
    %lt3A_33 = arith.cmpi slt, %select_n3A, %lt3A_32 : i32
    %ne3A_34 = vector.broadcast %lt3A_33 : i1 to vector<2048x14xi1>
    %ne3A_35 = vector.broadcast %ne3A_34 : vector<2048x14xi1> to vector<2048x14xi1>
    %ne3A_36 = arith.xori %lt3A_31, %ne3A_35 : vector<2048x14xi1>
    %and3A = arith.andi %ne3A_36, %ne3A_29 : vector<2048x14xi1>
    %add3A_37 = vector.broadcast %select_n3A : i32 to vector<2048x14xi32>
    %add3A_38 = arith.addi %rem3A_27, %add3A_37 : vector<2048x14xi32>
    %select_n3A_39 = arith.select %and3A, %add3A_38, %rem3A_27 : vector<2048x14xi1>, vector<2048x14xi32>
    %add3A_40 = arith.constant 1 : i32
    %add3A_41 = vector.broadcast %add3A_40 : i32 to vector<2048x14xi32>
    %add3A_42 = arith.addi %select_n3A_39, %add3A_41 : vector<2048x14xi32>
    %bitcast_convert_type3A = tpu.bitcast %mul3A_10 : vector<2048x50xf32> -> vector<2048x50xi32>
    %broadcast_in_dim3A_43 = arith.constant 0 : i32
    %broadcast_in_dim3A_44 = vector.broadcast %broadcast_in_dim3A_43 : i32 to vector<2048x14xi32>
    %concatenate3A = tpu.concatenate %get3A_1, %add3A_42, %bitcast_convert_type3A, %broadcast_in_dim3A_44 in 1 : vector<2048x50xi32>, vector<2048x14xi32>, vector<2048x50xi32>, vector<2048x14xi32> -> vector<2048x128xi32>
    %swap3A_45 = arith.constant 0 : index
    %swap3A_46 = arith.constant 0 : index
    %swap3A_47 = vector.load %arg3[%swap3A_45, %swap3A_46] : memref<2048x128xi32, #tpu.memory_space<vmem>>, vector<2048x128xi32>
    tpu.vector_store %arg3[%swap3A_45, %swap3A_46], %concatenate3A {strides = array<i32>} : memref<2048x128xi32, #tpu.memory_space<vmem>>, vector<2048x128xi32>,
    return
  }
  func.func @transform_0(%arg0: i32) -> (i32, i32) {
    %c0_i32 = arith.constant 0 : i32
    %c0_i32_0 = arith.constant 0 : i32
    return %arg0, %c0_i32 : i32, i32
  }
  func.func @transform_1(%arg0: i32) -> (i32, i32) {
    %c0_i32 = arith.constant 0 : i32
    %c0_i32_0 = arith.constant 0 : i32
    return %arg0, %c0_i32 : i32, i32
  }
  func.func @transform_2(%arg0: i32) -> (i32, i32) {
    %c0_i32 = arith.constant 0 : i32
    %c0_i32_0 = arith.constant 0 : i32
    return %arg0, %c0_i32 : i32, i32
  }
  func.func @transform_3(%arg0: i32) -> (i32, i32) {
    %c0_i32 = arith.constant 0 : i32
    %c0_i32_0 = arith.constant 0 : i32
    return %arg0, %c0_i32 : i32, i32
  }
}

module attributes {stable_mosaic.version = 14 : i64} {
  func.func @_towers_body(%arg0: i32, %arg1: memref<2048x128xf32, #tpu.memory_space<vmem>>, %arg2: memref<2048x128xf32, #tpu.memory_space<vmem>>, %arg3: memref<2048x128xf32, #tpu.memory_space<vmem>>, %arg4: memref<2048x1xf32, #tpu.memory_space<vmem>>, %arg5: memref<2048x6xi32, #tpu.memory_space<vmem>>, %arg6: memref<2048x6xi32, #tpu.memory_space<vmem>>, %arg7: memref<2048x1xf32, #tpu.memory_space<vmem>>, %arg8: memref<2048x1xf32, #tpu.memory_space<vmem>>, %arg9: memref<2048x1xf32, #tpu.memory_space<vmem>>, %arg10: memref<2048x1xf32, #tpu.memory_space<vmem>>, %arg11: memref<2048x1xf32, #tpu.memory_space<vmem>>, %arg12: memref<1x38xf32, #tpu.memory_space<vmem>>, %arg13: memref<128x128xbf16, #tpu.memory_space<vmem>>, %arg14: memref<128x128xbf16, #tpu.memory_space<vmem>>, %arg15: memref<38x64xbf16, #tpu.memory_space<vmem>>, %arg16: memref<38x64xbf16, #tpu.memory_space<vmem>>, %arg17: memref<38x64xbf16, #tpu.memory_space<vmem>>, %arg18: memref<38x64xbf16, #tpu.memory_space<vmem>>, %arg19: memref<38x64xbf16, #tpu.memory_space<vmem>>, %arg20: memref<1x64xf32, #tpu.memory_space<vmem>>, %arg21: memref<1x64xf32, #tpu.memory_space<vmem>>, %arg22: memref<256x128xbf16, #tpu.memory_space<vmem>>, %arg23: memref<256x128xbf16, #tpu.memory_space<vmem>>, %arg24: memref<1x128xf32, #tpu.memory_space<vmem>>, %arg25: memref<1x128xf32, #tpu.memory_space<vmem>>, %arg26: memref<1x128xf32, #tpu.memory_space<vmem>>, %arg27: memref<128x64xbf16, #tpu.memory_space<vmem>>, %arg28: memref<128x64xbf16, #tpu.memory_space<vmem>>, %arg29: memref<1x64xf32, #tpu.memory_space<vmem>>, %arg30: memref<192x128xbf16, #tpu.memory_space<vmem>>, %arg31: memref<192x128xbf16, #tpu.memory_space<vmem>>, %arg32: memref<1x128xf32, #tpu.memory_space<vmem>>, %arg33: memref<1x128xf32, #tpu.memory_space<vmem>>, %arg34: memref<1x128xf32, #tpu.memory_space<vmem>>, %arg35: memref<128x64xbf16, #tpu.memory_space<vmem>>, %arg36: memref<128x64xbf16, #tpu.memory_space<vmem>>, %arg37: memref<1x64xf32, #tpu.memory_space<vmem>>, %arg38: memref<2048x64xf32, #tpu.memory_space<vmem>>, %arg39: memref<2048x64xf32, #tpu.memory_space<vmem>>) attributes {dimension_semantics = [#tpu.dimension_semantics<arbitrary>], iteration_bounds = array<i64: 8>, scalar_prefetch = 0 : i64, scratch_operands = 0 : i64, tpu.core_type = #tpu.core_type<tc>, window_params = [{transform_indices = @transform_0, window_bounds = array<i64: 2048, 128>}, {transform_indices = @transform_1, window_bounds = array<i64: 2048, 128>}, {transform_indices = @transform_2, window_bounds = array<i64: 2048, 128>}, {transform_indices = @transform_3, window_bounds = array<i64: 2048, 1>}, {transform_indices = @transform_4, window_bounds = array<i64: 2048, 6>}, {transform_indices = @transform_5, window_bounds = array<i64: 2048, 6>}, {transform_indices = @transform_6, window_bounds = array<i64: 2048, 1>}, {transform_indices = @transform_7, window_bounds = array<i64: 2048, 1>}, {transform_indices = @transform_8, window_bounds = array<i64: 2048, 1>}, {transform_indices = @transform_9, window_bounds = array<i64: 2048, 1>}, {transform_indices = @transform_10, window_bounds = array<i64: 2048, 1>}, {pipeline_mode = #tpu.pipeline_mode<synchronous>, transform_indices = @transform_11, window_bounds = array<i64: 1, 38>}, {pipeline_mode = #tpu.pipeline_mode<synchronous>, transform_indices = @transform_12, window_bounds = array<i64: 128, 128>}, {pipeline_mode = #tpu.pipeline_mode<synchronous>, transform_indices = @transform_13, window_bounds = array<i64: 128, 128>}, {pipeline_mode = #tpu.pipeline_mode<synchronous>, transform_indices = @transform_14, window_bounds = array<i64: 38, 64>}, {pipeline_mode = #tpu.pipeline_mode<synchronous>, transform_indices = @transform_15, window_bounds = array<i64: 38, 64>}, {pipeline_mode = #tpu.pipeline_mode<synchronous>, transform_indices = @transform_16, window_bounds = array<i64: 38, 64>}, {pipeline_mode = #tpu.pipeline_mode<synchronous>, transform_indices = @transform_17, window_bounds = array<i64: 38, 64>}, {pipeline_mode = #tpu.pipeline_mode<synchronous>, transform_indices = @transform_18, window_bounds = array<i64: 38, 64>}, {pipeline_mode = #tpu.pipeline_mode<synchronous>, transform_indices = @transform_19, window_bounds = array<i64: 1, 64>}, {pipeline_mode = #tpu.pipeline_mode<synchronous>, transform_indices = @transform_20, window_bounds = array<i64: 1, 64>}, {pipeline_mode = #tpu.pipeline_mode<synchronous>, transform_indices = @transform_21, window_bounds = array<i64: 256, 128>}, {pipeline_mode = #tpu.pipeline_mode<synchronous>, transform_indices = @transform_22, window_bounds = array<i64: 256, 128>}, {pipeline_mode = #tpu.pipeline_mode<synchronous>, transform_indices = @transform_23, window_bounds = array<i64: 1, 128>}, {pipeline_mode = #tpu.pipeline_mode<synchronous>, transform_indices = @transform_24, window_bounds = array<i64: 1, 128>}, {pipeline_mode = #tpu.pipeline_mode<synchronous>, transform_indices = @transform_25, window_bounds = array<i64: 1, 128>}, {pipeline_mode = #tpu.pipeline_mode<synchronous>, transform_indices = @transform_26, window_bounds = array<i64: 128, 64>}, {pipeline_mode = #tpu.pipeline_mode<synchronous>, transform_indices = @transform_27, window_bounds = array<i64: 128, 64>}, {pipeline_mode = #tpu.pipeline_mode<synchronous>, transform_indices = @transform_28, window_bounds = array<i64: 1, 64>}, {pipeline_mode = #tpu.pipeline_mode<synchronous>, transform_indices = @transform_29, window_bounds = array<i64: 192, 128>}, {pipeline_mode = #tpu.pipeline_mode<synchronous>, transform_indices = @transform_30, window_bounds = array<i64: 192, 128>}, {pipeline_mode = #tpu.pipeline_mode<synchronous>, transform_indices = @transform_31, window_bounds = array<i64: 1, 128>}, {pipeline_mode = #tpu.pipeline_mode<synchronous>, transform_indices = @transform_32, window_bounds = array<i64: 1, 128>}, {pipeline_mode = #tpu.pipeline_mode<synchronous>, transform_indices = @transform_33, window_bounds = array<i64: 1, 128>}, {pipeline_mode = #tpu.pipeline_mode<synchronous>, transform_indices = @transform_34, window_bounds = array<i64: 128, 64>}, {pipeline_mode = #tpu.pipeline_mode<synchronous>, transform_indices = @transform_35, window_bounds = array<i64: 128, 64>}, {pipeline_mode = #tpu.pipeline_mode<synchronous>, transform_indices = @transform_36, window_bounds = array<i64: 1, 64>}, {transform_indices = @transform_37, window_bounds = array<i64: 2048, 64>}, {transform_indices = @transform_38, window_bounds = array<i64: 2048, 64>}]} {
    %iota3A = tpu.iota {dimensions = array<i32: 1>} : vector<1x128xi32>
    %jit3A = arith.constant 64 : i32
    %eq3A = arith.constant 0 : i32
    %eq3A_0 = arith.cmpi eq, %jit3A, %eq3A : i32
    %jit3A_1 = arith.constant 1 : i32
    %select_n3A = arith.select %eq3A_0, %jit3A_1, %jit3A : i32
    %rem3A = vector.broadcast %select_n3A : i32 to vector<1x128xi32>
    %rem3A_2 = arith.remsi %iota3A, %rem3A : vector<1x128xi32>
    %ne3A = arith.constant 0 : i32
    %ne3A_3 = vector.broadcast %ne3A : i32 to vector<1x128xi32>
    %ne3A_4 = arith.cmpi ne, %rem3A_2, %ne3A_3 : vector<1x128xi32>
    %lt3A = arith.constant 0 : i32
    %lt3A_5 = vector.broadcast %lt3A : i32 to vector<1x128xi32>
    %lt3A_6 = arith.cmpi slt, %rem3A_2, %lt3A_5 : vector<1x128xi32>
    %lt3A_7 = arith.constant 0 : i32
    %lt3A_8 = arith.cmpi slt, %select_n3A, %lt3A_7 : i32
    %ne3A_9 = vector.broadcast %lt3A_8 : i1 to vector<1x128xi1>
    %ne3A_10 = vector.broadcast %ne3A_9 : vector<1x128xi1> to vector<1x128xi1>
    %ne3A_11 = arith.xori %lt3A_6, %ne3A_10 : vector<1x128xi1>
    %and3A = arith.andi %ne3A_11, %ne3A_4 : vector<1x128xi1>
    %add3A = vector.broadcast %select_n3A : i32 to vector<1x128xi32>
    %add3A_12 = arith.addi %rem3A_2, %add3A : vector<1x128xi32>
    %select_n3A_13 = arith.select %and3A, %add3A_12, %rem3A_2 : vector<1x128xi1>, vector<1x128xi32>
    %ge3A = arith.constant 1 : i32
    %ge3A_14 = vector.broadcast %ge3A : i32 to vector<1x128xi32>
    %ge3A_15 = arith.cmpi sge, %select_n3A_13, %ge3A_14 : vector<1x128xi32>
    %le3A = arith.constant 20 : i32
    %le3A_16 = vector.broadcast %le3A : i32 to vector<1x128xi32>
    %le3A_17 = arith.cmpi sle, %select_n3A_13, %le3A_16 : vector<1x128xi32>
    %and3A_18 = arith.andi %ge3A_15, %le3A_17 : vector<1x128xi1>
    %jit3A_19 = arith.constant -1 : i32
    %broadcast_in_dim3A = vector.broadcast %jit3A_19 : i32 to vector<1x128xi32>
    %select_n3A_20 = arith.select %and3A_18, %select_n3A_13, %broadcast_in_dim3A : vector<1x128xi1>, vector<1x128xi32>
    %convert_element_type3A = arith.sitofp %select_n3A_20 : vector<1x128xi32> to vector<1x128xf32>
    %lt3A_21 = arith.constant 64 : i32
    %lt3A_22 = vector.broadcast %lt3A_21 : i32 to vector<1x128xi32>
    %lt3A_23 = arith.cmpi slt, %iota3A, %lt3A_22 : vector<1x128xi32>
    %convert_element_type3A_24 = arith.extui %lt3A_23 : vector<1x128xi1> to vector<1x128xi32>
    %convert_element_type3A_25 = arith.sitofp %convert_element_type3A_24 : vector<1x128xi32> to vector<1x128xf32>
    %convert_element_type3A_26 = arith.truncf %convert_element_type3A_25 : vector<1x128xf32> to vector<1x128xbf16>
    %ge3A_27 = arith.constant 64 : i32
    %ge3A_28 = vector.broadcast %ge3A_27 : i32 to vector<1x128xi32>
    %ge3A_29 = arith.cmpi sge, %iota3A, %ge3A_28 : vector<1x128xi32>
    %convert_element_type3A_30 = arith.extui %ge3A_29 : vector<1x128xi1> to vector<1x128xi32>
    %convert_element_type3A_31 = arith.sitofp %convert_element_type3A_30 : vector<1x128xi32> to vector<1x128xf32>
    %convert_element_type3A_32 = arith.truncf %convert_element_type3A_31 : vector<1x128xf32> to vector<1x128xbf16>
    %concatenate3A = tpu.concatenate %convert_element_type3A_26, %convert_element_type3A_32 in 0 : vector<1x128xbf16>, vector<1x128xbf16> -> vector<2x128xbf16>
    %get3A = arith.constant 0 : index
    %get3A_33 = arith.constant 0 : index
    %get3A_34 = vector.load %arg2[%get3A, %get3A_33] : memref<2048x128xf32, #tpu.memory_space<vmem>>, vector<2048x64xf32>
    %get3A_35 = arith.constant 0 : index
    %get3A_36 = arith.constant 0 : index
    %get3A_37 = vector.load %arg4[%get3A_35, %get3A_36] : memref<2048x1xf32, #tpu.memory_space<vmem>>, vector<2048x1xf32>
    %add3A_38 = arith.constant 9.99999993E-9 : f32
    %add3A_39 = vector.broadcast %add3A_38 : f32 to vector<2048x1xf32>
    %add3A_40 = arith.addf %get3A_37, %add3A_39 : vector<2048x1xf32>
    %div3A = vector.broadcast %add3A_40 : vector<2048x1xf32> to vector<2048x64xf32>
    %div3A_41 = arith.divf %get3A_34, %div3A : vector<2048x64xf32>
    %get3A_42 = arith.constant 0 : index
    %get3A_43 = arith.constant 0 : index
    %get3A_44 = vector.load %arg5[%get3A_42, %get3A_43] : memref<2048x6xi32, #tpu.memory_space<vmem>>, vector<2048x6xi32>
    %get3A_45 = arith.constant 0 : index
    %get3A_46 = arith.constant 0 : index
    %get3A_47 = vector.load %arg6[%get3A_45, %get3A_46] : memref<2048x6xi32, #tpu.memory_space<vmem>>, vector<2048x6xi32>
    %convert_element_type3A_48 = arith.sitofp %get3A_44 : vector<2048x6xi32> to vector<2048x6xbf16>
    %convert_element_type3A_49 = arith.sitofp %get3A_47 : vector<2048x6xi32> to vector<2048x6xbf16>
    %slice3A = vector.extract_strided_slice %get3A_44 {offsets = [0, 0], sizes = [2048, 1], strides = [1, 1]} : vector<2048x6xi32> to vector<2048x1xi32>
    %gt3A = arith.constant 0 : i32
    %gt3A_50 = vector.broadcast %gt3A : i32 to vector<2048x1xi32>
    %gt3A_51 = arith.cmpi sgt, %slice3A, %gt3A_50 : vector<2048x1xi32>
    %convert_element_type3A_52 = arith.extui %gt3A_51 : vector<2048x1xi1> to vector<2048x1xi32>
    %convert_element_type3A_53 = arith.sitofp %convert_element_type3A_52 : vector<2048x1xi32> to vector<2048x1xf32>
    %slice3A_54 = vector.extract_strided_slice %get3A_47 {offsets = [0, 0], sizes = [2048, 1], strides = [1, 1]} : vector<2048x6xi32> to vector<2048x1xi32>
    %gt3A_55 = arith.constant 0 : i32
    %gt3A_56 = vector.broadcast %gt3A_55 : i32 to vector<2048x1xi32>
    %gt3A_57 = arith.cmpi sgt, %slice3A_54, %gt3A_56 : vector<2048x1xi32>
    %convert_element_type3A_58 = arith.extui %gt3A_57 : vector<2048x1xi1> to vector<2048x1xi32>
    %convert_element_type3A_59 = arith.sitofp %convert_element_type3A_58 : vector<2048x1xi32> to vector<2048x1xf32>
    %slice3A_60 = vector.extract_strided_slice %convert_element_type3A_48 {offsets = [0, 0], sizes = [2048, 1], strides = [1, 1]} : vector<2048x6xbf16> to vector<2048x1xbf16>
    %slice3A_61 = vector.extract_strided_slice %convert_element_type3A_49 {offsets = [0, 0], sizes = [2048, 1], strides = [1, 1]} : vector<2048x6xbf16> to vector<2048x1xbf16>
    %concatenate3A_62 = tpu.concatenate %slice3A_60, %slice3A_61 in 1 : vector<2048x1xbf16>, vector<2048x1xbf16> -> vector<2048x2xbf16>
    %dot_general3A = arith.constant dense<0.000000e+00> : vector<2048x128xf32>
    %dot_general3A_63 = tpu.matmul %concatenate3A_62, %concatenate3A, %dot_general3A {dimension_numbers = #tpu.dot_dimension_numbers<[1], [0], [0], [1], [0, 0, 1, 1], [], []>, transpose_lhs_hint = false} : vector<2048x2xbf16>, vector<2x128xbf16>, vector<2048x128xf32> -> vector<2048x128xf32>
    %eq3A_64 = vector.broadcast %convert_element_type3A : vector<1x128xf32> to vector<2048x128xf32>
    %eq3A_65 = arith.cmpf oeq, %dot_general3A_63, %eq3A_64 : vector<2048x128xf32>
    %convert_element_type3A_66 = arith.extui %eq3A_65 : vector<2048x128xi1> to vector<2048x128xi32>
    %convert_element_type3A_67 = arith.sitofp %convert_element_type3A_66 : vector<2048x128xi32> to vector<2048x128xf32>
    %convert_element_type3A_68 = arith.truncf %convert_element_type3A_67 : vector<2048x128xf32> to vector<2048x128xbf16>
    %slice3A_69 = vector.extract_strided_slice %convert_element_type3A_48 {offsets = [0, 1], sizes = [2048, 1], strides = [1, 1]} : vector<2048x6xbf16> to vector<2048x1xbf16>
    %slice3A_70 = vector.extract_strided_slice %convert_element_type3A_49 {offsets = [0, 1], sizes = [2048, 1], strides = [1, 1]} : vector<2048x6xbf16> to vector<2048x1xbf16>
    %concatenate3A_71 = tpu.concatenate %slice3A_69, %slice3A_70 in 1 : vector<2048x1xbf16>, vector<2048x1xbf16> -> vector<2048x2xbf16>
    %dot_general3A_72 = arith.constant dense<0.000000e+00> : vector<2048x128xf32>
    %dot_general3A_73 = tpu.matmul %concatenate3A_71, %concatenate3A, %dot_general3A_72 {dimension_numbers = #tpu.dot_dimension_numbers<[1], [0], [0], [1], [0, 0, 1, 1], [], []>, transpose_lhs_hint = false} : vector<2048x2xbf16>, vector<2x128xbf16>, vector<2048x128xf32> -> vector<2048x128xf32>
    %eq3A_74 = vector.broadcast %convert_element_type3A : vector<1x128xf32> to vector<2048x128xf32>
    %eq3A_75 = arith.cmpf oeq, %dot_general3A_73, %eq3A_74 : vector<2048x128xf32>
    %convert_element_type3A_76 = arith.extui %eq3A_75 : vector<2048x128xi1> to vector<2048x128xi32>
    %convert_element_type3A_77 = arith.sitofp %convert_element_type3A_76 : vector<2048x128xi32> to vector<2048x128xf32>
    %convert_element_type3A_78 = arith.truncf %convert_element_type3A_77 : vector<2048x128xf32> to vector<2048x128xbf16>
    %add3A_79 = arith.addf %convert_element_type3A_68, %convert_element_type3A_78 : vector<2048x128xbf16>
    %slice3A_80 = vector.extract_strided_slice %get3A_44 {offsets = [0, 1], sizes = [2048, 1], strides = [1, 1]} : vector<2048x6xi32> to vector<2048x1xi32>
    %gt3A_81 = arith.constant 0 : i32
    %gt3A_82 = vector.broadcast %gt3A_81 : i32 to vector<2048x1xi32>
    %gt3A_83 = arith.cmpi sgt, %slice3A_80, %gt3A_82 : vector<2048x1xi32>
    %convert_element_type3A_84 = arith.extui %gt3A_83 : vector<2048x1xi1> to vector<2048x1xi32>
    %convert_element_type3A_85 = arith.sitofp %convert_element_type3A_84 : vector<2048x1xi32> to vector<2048x1xf32>
    %add3A_86 = arith.addf %convert_element_type3A_53, %convert_element_type3A_85 : vector<2048x1xf32>
    %slice3A_87 = vector.extract_strided_slice %get3A_47 {offsets = [0, 1], sizes = [2048, 1], strides = [1, 1]} : vector<2048x6xi32> to vector<2048x1xi32>
    %gt3A_88 = arith.constant 0 : i32
    %gt3A_89 = vector.broadcast %gt3A_88 : i32 to vector<2048x1xi32>
    %gt3A_90 = arith.cmpi sgt, %slice3A_87, %gt3A_89 : vector<2048x1xi32>
    %convert_element_type3A_91 = arith.extui %gt3A_90 : vector<2048x1xi1> to vector<2048x1xi32>
    %convert_element_type3A_92 = arith.sitofp %convert_element_type3A_91 : vector<2048x1xi32> to vector<2048x1xf32>
    %add3A_93 = arith.addf %convert_element_type3A_59, %convert_element_type3A_92 : vector<2048x1xf32>
    %slice3A_94 = vector.extract_strided_slice %convert_element_type3A_48 {offsets = [0, 2], sizes = [2048, 1], strides = [1, 1]} : vector<2048x6xbf16> to vector<2048x1xbf16>
    %slice3A_95 = vector.extract_strided_slice %convert_element_type3A_49 {offsets = [0, 2], sizes = [2048, 1], strides = [1, 1]} : vector<2048x6xbf16> to vector<2048x1xbf16>
    %concatenate3A_96 = tpu.concatenate %slice3A_94, %slice3A_95 in 1 : vector<2048x1xbf16>, vector<2048x1xbf16> -> vector<2048x2xbf16>
    %dot_general3A_97 = arith.constant dense<0.000000e+00> : vector<2048x128xf32>
    %dot_general3A_98 = tpu.matmul %concatenate3A_96, %concatenate3A, %dot_general3A_97 {dimension_numbers = #tpu.dot_dimension_numbers<[1], [0], [0], [1], [0, 0, 1, 1], [], []>, transpose_lhs_hint = false} : vector<2048x2xbf16>, vector<2x128xbf16>, vector<2048x128xf32> -> vector<2048x128xf32>
    %eq3A_99 = vector.broadcast %convert_element_type3A : vector<1x128xf32> to vector<2048x128xf32>
    %eq3A_100 = arith.cmpf oeq, %dot_general3A_98, %eq3A_99 : vector<2048x128xf32>
    %convert_element_type3A_101 = arith.extui %eq3A_100 : vector<2048x128xi1> to vector<2048x128xi32>
    %convert_element_type3A_102 = arith.sitofp %convert_element_type3A_101 : vector<2048x128xi32> to vector<2048x128xf32>
    %convert_element_type3A_103 = arith.truncf %convert_element_type3A_102 : vector<2048x128xf32> to vector<2048x128xbf16>
    %add3A_104 = arith.addf %add3A_79, %convert_element_type3A_103 : vector<2048x128xbf16>
    %slice3A_105 = vector.extract_strided_slice %get3A_44 {offsets = [0, 2], sizes = [2048, 1], strides = [1, 1]} : vector<2048x6xi32> to vector<2048x1xi32>
    %gt3A_106 = arith.constant 0 : i32
    %gt3A_107 = vector.broadcast %gt3A_106 : i32 to vector<2048x1xi32>
    %gt3A_108 = arith.cmpi sgt, %slice3A_105, %gt3A_107 : vector<2048x1xi32>
    %convert_element_type3A_109 = arith.extui %gt3A_108 : vector<2048x1xi1> to vector<2048x1xi32>
    %convert_element_type3A_110 = arith.sitofp %convert_element_type3A_109 : vector<2048x1xi32> to vector<2048x1xf32>
    %add3A_111 = arith.addf %add3A_86, %convert_element_type3A_110 : vector<2048x1xf32>
    %slice3A_112 = vector.extract_strided_slice %get3A_47 {offsets = [0, 2], sizes = [2048, 1], strides = [1, 1]} : vector<2048x6xi32> to vector<2048x1xi32>
    %gt3A_113 = arith.constant 0 : i32
    %gt3A_114 = vector.broadcast %gt3A_113 : i32 to vector<2048x1xi32>
    %gt3A_115 = arith.cmpi sgt, %slice3A_112, %gt3A_114 : vector<2048x1xi32>
    %convert_element_type3A_116 = arith.extui %gt3A_115 : vector<2048x1xi1> to vector<2048x1xi32>
    %convert_element_type3A_117 = arith.sitofp %convert_element_type3A_116 : vector<2048x1xi32> to vector<2048x1xf32>
    %add3A_118 = arith.addf %add3A_93, %convert_element_type3A_117 : vector<2048x1xf32>
    %slice3A_119 = vector.extract_strided_slice %convert_element_type3A_48 {offsets = [0, 3], sizes = [2048, 1], strides = [1, 1]} : vector<2048x6xbf16> to vector<2048x1xbf16>
    %slice3A_120 = vector.extract_strided_slice %convert_element_type3A_49 {offsets = [0, 3], sizes = [2048, 1], strides = [1, 1]} : vector<2048x6xbf16> to vector<2048x1xbf16>
    %concatenate3A_121 = tpu.concatenate %slice3A_119, %slice3A_120 in 1 : vector<2048x1xbf16>, vector<2048x1xbf16> -> vector<2048x2xbf16>
    %dot_general3A_122 = arith.constant dense<0.000000e+00> : vector<2048x128xf32>
    %dot_general3A_123 = tpu.matmul %concatenate3A_121, %concatenate3A, %dot_general3A_122 {dimension_numbers = #tpu.dot_dimension_numbers<[1], [0], [0], [1], [0, 0, 1, 1], [], []>, transpose_lhs_hint = false} : vector<2048x2xbf16>, vector<2x128xbf16>, vector<2048x128xf32> -> vector<2048x128xf32>
    %eq3A_124 = vector.broadcast %convert_element_type3A : vector<1x128xf32> to vector<2048x128xf32>
    %eq3A_125 = arith.cmpf oeq, %dot_general3A_123, %eq3A_124 : vector<2048x128xf32>
    %convert_element_type3A_126 = arith.extui %eq3A_125 : vector<2048x128xi1> to vector<2048x128xi32>
    %convert_element_type3A_127 = arith.sitofp %convert_element_type3A_126 : vector<2048x128xi32> to vector<2048x128xf32>
    %convert_element_type3A_128 = arith.truncf %convert_element_type3A_127 : vector<2048x128xf32> to vector<2048x128xbf16>
    %add3A_129 = arith.addf %add3A_104, %convert_element_type3A_128 : vector<2048x128xbf16>
    %slice3A_130 = vector.extract_strided_slice %get3A_44 {offsets = [0, 3], sizes = [2048, 1], strides = [1, 1]} : vector<2048x6xi32> to vector<2048x1xi32>
    %gt3A_131 = arith.constant 0 : i32
    %gt3A_132 = vector.broadcast %gt3A_131 : i32 to vector<2048x1xi32>
    %gt3A_133 = arith.cmpi sgt, %slice3A_130, %gt3A_132 : vector<2048x1xi32>
    %convert_element_type3A_134 = arith.extui %gt3A_133 : vector<2048x1xi1> to vector<2048x1xi32>
    %convert_element_type3A_135 = arith.sitofp %convert_element_type3A_134 : vector<2048x1xi32> to vector<2048x1xf32>
    %add3A_136 = arith.addf %add3A_111, %convert_element_type3A_135 : vector<2048x1xf32>
    %slice3A_137 = vector.extract_strided_slice %get3A_47 {offsets = [0, 3], sizes = [2048, 1], strides = [1, 1]} : vector<2048x6xi32> to vector<2048x1xi32>
    %gt3A_138 = arith.constant 0 : i32
    %gt3A_139 = vector.broadcast %gt3A_138 : i32 to vector<2048x1xi32>
    %gt3A_140 = arith.cmpi sgt, %slice3A_137, %gt3A_139 : vector<2048x1xi32>
    %convert_element_type3A_141 = arith.extui %gt3A_140 : vector<2048x1xi1> to vector<2048x1xi32>
    %convert_element_type3A_142 = arith.sitofp %convert_element_type3A_141 : vector<2048x1xi32> to vector<2048x1xf32>
    %add3A_143 = arith.addf %add3A_118, %convert_element_type3A_142 : vector<2048x1xf32>
    %slice3A_144 = vector.extract_strided_slice %convert_element_type3A_48 {offsets = [0, 4], sizes = [2048, 1], strides = [1, 1]} : vector<2048x6xbf16> to vector<2048x1xbf16>
    %slice3A_145 = vector.extract_strided_slice %convert_element_type3A_49 {offsets = [0, 4], sizes = [2048, 1], strides = [1, 1]} : vector<2048x6xbf16> to vector<2048x1xbf16>
    %concatenate3A_146 = tpu.concatenate %slice3A_144, %slice3A_145 in 1 : vector<2048x1xbf16>, vector<2048x1xbf16> -> vector<2048x2xbf16>
    %dot_general3A_147 = arith.constant dense<0.000000e+00> : vector<2048x128xf32>
    %dot_general3A_148 = tpu.matmul %concatenate3A_146, %concatenate3A, %dot_general3A_147 {dimension_numbers = #tpu.dot_dimension_numbers<[1], [0], [0], [1], [0, 0, 1, 1], [], []>, transpose_lhs_hint = false} : vector<2048x2xbf16>, vector<2x128xbf16>, vector<2048x128xf32> -> vector<2048x128xf32>
    %eq3A_149 = vector.broadcast %convert_element_type3A : vector<1x128xf32> to vector<2048x128xf32>
    %eq3A_150 = arith.cmpf oeq, %dot_general3A_148, %eq3A_149 : vector<2048x128xf32>
    %convert_element_type3A_151 = arith.extui %eq3A_150 : vector<2048x128xi1> to vector<2048x128xi32>
    %convert_element_type3A_152 = arith.sitofp %convert_element_type3A_151 : vector<2048x128xi32> to vector<2048x128xf32>
    %convert_element_type3A_153 = arith.truncf %convert_element_type3A_152 : vector<2048x128xf32> to vector<2048x128xbf16>
    %add3A_154 = arith.addf %add3A_129, %convert_element_type3A_153 : vector<2048x128xbf16>
    %slice3A_155 = vector.extract_strided_slice %get3A_44 {offsets = [0, 4], sizes = [2048, 1], strides = [1, 1]} : vector<2048x6xi32> to vector<2048x1xi32>
    %gt3A_156 = arith.constant 0 : i32
    %gt3A_157 = vector.broadcast %gt3A_156 : i32 to vector<2048x1xi32>
    %gt3A_158 = arith.cmpi sgt, %slice3A_155, %gt3A_157 : vector<2048x1xi32>
    %convert_element_type3A_159 = arith.extui %gt3A_158 : vector<2048x1xi1> to vector<2048x1xi32>
    %convert_element_type3A_160 = arith.sitofp %convert_element_type3A_159 : vector<2048x1xi32> to vector<2048x1xf32>
    %add3A_161 = arith.addf %add3A_136, %convert_element_type3A_160 : vector<2048x1xf32>
    %slice3A_162 = vector.extract_strided_slice %get3A_47 {offsets = [0, 4], sizes = [2048, 1], strides = [1, 1]} : vector<2048x6xi32> to vector<2048x1xi32>
    %gt3A_163 = arith.constant 0 : i32
    %gt3A_164 = vector.broadcast %gt3A_163 : i32 to vector<2048x1xi32>
    %gt3A_165 = arith.cmpi sgt, %slice3A_162, %gt3A_164 : vector<2048x1xi32>
    %convert_element_type3A_166 = arith.extui %gt3A_165 : vector<2048x1xi1> to vector<2048x1xi32>
    %convert_element_type3A_167 = arith.sitofp %convert_element_type3A_166 : vector<2048x1xi32> to vector<2048x1xf32>
    %add3A_168 = arith.addf %add3A_143, %convert_element_type3A_167 : vector<2048x1xf32>
    %slice3A_169 = vector.extract_strided_slice %convert_element_type3A_48 {offsets = [0, 5], sizes = [2048, 1], strides = [1, 1]} : vector<2048x6xbf16> to vector<2048x1xbf16>
    %slice3A_170 = vector.extract_strided_slice %convert_element_type3A_49 {offsets = [0, 5], sizes = [2048, 1], strides = [1, 1]} : vector<2048x6xbf16> to vector<2048x1xbf16>
    %concatenate3A_171 = tpu.concatenate %slice3A_169, %slice3A_170 in 1 : vector<2048x1xbf16>, vector<2048x1xbf16> -> vector<2048x2xbf16>
    %dot_general3A_172 = arith.constant dense<0.000000e+00> : vector<2048x128xf32>
    %dot_general3A_173 = tpu.matmul %concatenate3A_171, %concatenate3A, %dot_general3A_172 {dimension_numbers = #tpu.dot_dimension_numbers<[1], [0], [0], [1], [0, 0, 1, 1], [], []>, transpose_lhs_hint = false} : vector<2048x2xbf16>, vector<2x128xbf16>, vector<2048x128xf32> -> vector<2048x128xf32>
    %eq3A_174 = vector.broadcast %convert_element_type3A : vector<1x128xf32> to vector<2048x128xf32>
    %eq3A_175 = arith.cmpf oeq, %dot_general3A_173, %eq3A_174 : vector<2048x128xf32>
    %convert_element_type3A_176 = arith.extui %eq3A_175 : vector<2048x128xi1> to vector<2048x128xi32>
    %convert_element_type3A_177 = arith.sitofp %convert_element_type3A_176 : vector<2048x128xi32> to vector<2048x128xf32>
    %convert_element_type3A_178 = arith.truncf %convert_element_type3A_177 : vector<2048x128xf32> to vector<2048x128xbf16>
    %add3A_179 = arith.addf %add3A_154, %convert_element_type3A_178 : vector<2048x128xbf16>
    %slice3A_180 = vector.extract_strided_slice %get3A_44 {offsets = [0, 5], sizes = [2048, 1], strides = [1, 1]} : vector<2048x6xi32> to vector<2048x1xi32>
    %gt3A_181 = arith.constant 0 : i32
    %gt3A_182 = vector.broadcast %gt3A_181 : i32 to vector<2048x1xi32>
    %gt3A_183 = arith.cmpi sgt, %slice3A_180, %gt3A_182 : vector<2048x1xi32>
    %convert_element_type3A_184 = arith.extui %gt3A_183 : vector<2048x1xi1> to vector<2048x1xi32>
    %convert_element_type3A_185 = arith.sitofp %convert_element_type3A_184 : vector<2048x1xi32> to vector<2048x1xf32>
    %add3A_186 = arith.addf %add3A_161, %convert_element_type3A_185 : vector<2048x1xf32>
    %slice3A_187 = vector.extract_strided_slice %get3A_47 {offsets = [0, 5], sizes = [2048, 1], strides = [1, 1]} : vector<2048x6xi32> to vector<2048x1xi32>
    %gt3A_188 = arith.constant 0 : i32
    %gt3A_189 = vector.broadcast %gt3A_188 : i32 to vector<2048x1xi32>
    %gt3A_190 = arith.cmpi sgt, %slice3A_187, %gt3A_189 : vector<2048x1xi32>
    %convert_element_type3A_191 = arith.extui %gt3A_190 : vector<2048x1xi1> to vector<2048x1xi32>
    %convert_element_type3A_192 = arith.sitofp %convert_element_type3A_191 : vector<2048x1xi32> to vector<2048x1xf32>
    %add3A_193 = arith.addf %add3A_168, %convert_element_type3A_192 : vector<2048x1xf32>
    %get3A_194 = arith.constant 0 : index
    %get3A_195 = arith.constant 0 : index
    %get3A_196 = vector.load %arg13[%get3A_194, %get3A_195] : memref<128x128xbf16, #tpu.memory_space<vmem>>, vector<128x128xbf16>
    %dot_general3A_197 = arith.constant dense<0.000000e+00> : vector<2048x128xf32>
    %dot_general3A_198 = tpu.matmul %add3A_179, %get3A_196, %dot_general3A_197 {dimension_numbers = #tpu.dot_dimension_numbers<[1], [0], [0], [1], [0, 0, 1, 1], [], []>, transpose_lhs_hint = false} : vector<2048x128xbf16>, vector<128x128xbf16>, vector<2048x128xf32> -> vector<2048x128xf32>
    %get3A_199 = arith.constant 0 : index
    %get3A_200 = arith.constant 0 : index
    %get3A_201 = vector.load %arg14[%get3A_199, %get3A_200] : memref<128x128xbf16, #tpu.memory_space<vmem>>, vector<128x128xbf16>
    %dot_general3A_202 = arith.constant dense<0.000000e+00> : vector<2048x128xf32>
    %dot_general3A_203 = tpu.matmul %add3A_179, %get3A_201, %dot_general3A_202 {dimension_numbers = #tpu.dot_dimension_numbers<[1], [0], [0], [1], [0, 0, 1, 1], [], []>, transpose_lhs_hint = false} : vector<2048x128xbf16>, vector<128x128xbf16>, vector<2048x128xf32> -> vector<2048x128xf32>
    %add3A_204 = arith.addf %dot_general3A_198, %dot_general3A_203 : vector<2048x128xf32>
    %slice3A_205 = vector.extract_strided_slice %add3A_204 {offsets = [0, 0], sizes = [2048, 64], strides = [1, 1]} : vector<2048x128xf32> to vector<2048x64xf32>
    %add3A_206 = arith.constant 9.99999993E-9 : f32
    %add3A_207 = vector.broadcast %add3A_206 : f32 to vector<2048x1xf32>
    %add3A_208 = arith.addf %add3A_186, %add3A_207 : vector<2048x1xf32>
    %div3A_209 = vector.broadcast %add3A_208 : vector<2048x1xf32> to vector<2048x64xf32>
    %div3A_210 = arith.divf %slice3A_205, %div3A_209 : vector<2048x64xf32>
    %slice3A_211 = vector.extract_strided_slice %add3A_204 {offsets = [0, 64], sizes = [2048, 64], strides = [1, 1]} : vector<2048x128xf32> to vector<2048x64xf32>
    %add3A_212 = arith.constant 9.99999993E-9 : f32
    %add3A_213 = vector.broadcast %add3A_212 : f32 to vector<2048x1xf32>
    %add3A_214 = arith.addf %add3A_193, %add3A_213 : vector<2048x1xf32>
    %div3A_215 = vector.broadcast %add3A_214 : vector<2048x1xf32> to vector<2048x64xf32>
    %div3A_216 = arith.divf %slice3A_211, %div3A_215 : vector<2048x64xf32>
    %get3A_217 = arith.constant 0 : index
    %get3A_218 = arith.constant 0 : index
    %get3A_219 = vector.load %arg7[%get3A_217, %get3A_218] : memref<2048x1xf32, #tpu.memory_space<vmem>>, vector<2048x1xf32>
    %get3A_220 = arith.constant 0 : index
    %get3A_221 = arith.constant 0 : index
    %get3A_222 = vector.load %arg12[%get3A_220, %get3A_221] : memref<1x38xf32, #tpu.memory_space<vmem>>, vector<1x38xf32>
    %gt3A_223 = vector.broadcast %get3A_219 : vector<2048x1xf32> to vector<2048x38xf32>
    %gt3A_224 = vector.broadcast %get3A_222 : vector<1x38xf32> to vector<2048x38xf32>
    %gt3A_225 = arith.cmpf ogt, %gt3A_223, %gt3A_224 : vector<2048x38xf32>
    %convert_element_type3A_226 = arith.extui %gt3A_225 : vector<2048x38xi1> to vector<2048x38xi32>
    %convert_element_type3A_227 = arith.sitofp %convert_element_type3A_226 : vector<2048x38xi32> to vector<2048x38xf32>
    %convert_element_type3A_228 = arith.truncf %convert_element_type3A_227 : vector<2048x38xf32> to vector<2048x38xbf16>
    %get3A_229 = arith.constant 0 : index
    %get3A_230 = arith.constant 0 : index
    %get3A_231 = vector.load %arg15[%get3A_229, %get3A_230] : memref<38x64xbf16, #tpu.memory_space<vmem>>, vector<38x64xbf16>
    %dot_general3A_232 = arith.constant dense<0.000000e+00> : vector<2048x64xf32>
    %dot_general3A_233 = tpu.matmul %convert_element_type3A_228, %get3A_231, %dot_general3A_232 {dimension_numbers = #tpu.dot_dimension_numbers<[1], [0], [0], [1], [0, 0, 1, 1], [], []>, transpose_lhs_hint = false} : vector<2048x38xbf16>, vector<38x64xbf16>, vector<2048x64xf32> -> vector<2048x64xf32>
    %get3A_234 = arith.constant 0 : index
    %get3A_235 = arith.constant 0 : index
    %get3A_236 = vector.load %arg8[%get3A_234, %get3A_235] : memref<2048x1xf32, #tpu.memory_space<vmem>>, vector<2048x1xf32>
    %get3A_237 = arith.constant 0 : index
    %get3A_238 = arith.constant 0 : index
    %get3A_239 = vector.load %arg12[%get3A_237, %get3A_238] : memref<1x38xf32, #tpu.memory_space<vmem>>, vector<1x38xf32>
    %gt3A_240 = vector.broadcast %get3A_236 : vector<2048x1xf32> to vector<2048x38xf32>
    %gt3A_241 = vector.broadcast %get3A_239 : vector<1x38xf32> to vector<2048x38xf32>
    %gt3A_242 = arith.cmpf ogt, %gt3A_240, %gt3A_241 : vector<2048x38xf32>
    %convert_element_type3A_243 = arith.extui %gt3A_242 : vector<2048x38xi1> to vector<2048x38xi32>
    %convert_element_type3A_244 = arith.sitofp %convert_element_type3A_243 : vector<2048x38xi32> to vector<2048x38xf32>
    %convert_element_type3A_245 = arith.truncf %convert_element_type3A_244 : vector<2048x38xf32> to vector<2048x38xbf16>
    %get3A_246 = arith.constant 0 : index
    %get3A_247 = arith.constant 0 : index
    %get3A_248 = vector.load %arg16[%get3A_246, %get3A_247] : memref<38x64xbf16, #tpu.memory_space<vmem>>, vector<38x64xbf16>
    %dot_general3A_249 = arith.constant dense<0.000000e+00> : vector<2048x64xf32>
    %dot_general3A_250 = tpu.matmul %convert_element_type3A_245, %get3A_248, %dot_general3A_249 {dimension_numbers = #tpu.dot_dimension_numbers<[1], [0], [0], [1], [0, 0, 1, 1], [], []>, transpose_lhs_hint = false} : vector<2048x38xbf16>, vector<38x64xbf16>, vector<2048x64xf32> -> vector<2048x64xf32>
    %add3A_251 = arith.addf %dot_general3A_233, %dot_general3A_250 : vector<2048x64xf32>
    %get3A_252 = arith.constant 0 : index
    %get3A_253 = arith.constant 0 : index
    %get3A_254 = vector.load %arg20[%get3A_252, %get3A_253] : memref<1x64xf32, #tpu.memory_space<vmem>>, vector<1x64xf32>
    %add3A_255 = vector.broadcast %get3A_254 : vector<1x64xf32> to vector<2048x64xf32>
    %add3A_256 = arith.addf %add3A_251, %add3A_255 : vector<2048x64xf32>
    %get3A_257 = arith.constant 0 : index
    %get3A_258 = arith.constant 0 : index
    %get3A_259 = vector.load %arg1[%get3A_257, %get3A_258] : memref<2048x128xf32, #tpu.memory_space<vmem>>, vector<2048x64xf32>
    %concatenate3A_260 = tpu.concatenate %get3A_259, %div3A_41, %div3A_210, %add3A_256 in 1 : vector<2048x64xf32>, vector<2048x64xf32>, vector<2048x64xf32>, vector<2048x64xf32> -> vector<2048x256xf32>
    %convert_element_type3A_261 = arith.truncf %concatenate3A_260 : vector<2048x256xf32> to vector<2048x256xbf16>
    %convert_element_type3A_262 = arith.extf %convert_element_type3A_261 : vector<2048x256xbf16> to vector<2048x256xf32>
    %sub3A = arith.subf %concatenate3A_260, %convert_element_type3A_262 : vector<2048x256xf32>
    %convert_element_type3A_263 = arith.truncf %sub3A : vector<2048x256xf32> to vector<2048x256xbf16>
    %get3A_264 = arith.constant 0 : index
    %get3A_265 = arith.constant 0 : index
    %get3A_266 = vector.load %arg22[%get3A_264, %get3A_265] : memref<256x128xbf16, #tpu.memory_space<vmem>>, vector<256x128xbf16>
    %dot_general3A_267 = arith.constant dense<0.000000e+00> : vector<2048x128xf32>
    %dot_general3A_268 = tpu.matmul %convert_element_type3A_261, %get3A_266, %dot_general3A_267 {dimension_numbers = #tpu.dot_dimension_numbers<[1], [0], [0], [1], [0, 0, 1, 1], [], []>, transpose_lhs_hint = false} : vector<2048x256xbf16>, vector<256x128xbf16>, vector<2048x128xf32> -> vector<2048x128xf32>
    %get3A_269 = arith.constant 0 : index
    %get3A_270 = arith.constant 0 : index
    %get3A_271 = vector.load %arg22[%get3A_269, %get3A_270] : memref<256x128xbf16, #tpu.memory_space<vmem>>, vector<256x128xbf16>
    %dot_general3A_272 = arith.constant dense<0.000000e+00> : vector<2048x128xf32>
    %dot_general3A_273 = tpu.matmul %convert_element_type3A_263, %get3A_271, %dot_general3A_272 {dimension_numbers = #tpu.dot_dimension_numbers<[1], [0], [0], [1], [0, 0, 1, 1], [], []>, transpose_lhs_hint = false} : vector<2048x256xbf16>, vector<256x128xbf16>, vector<2048x128xf32> -> vector<2048x128xf32>
    %add3A_274 = arith.addf %dot_general3A_268, %dot_general3A_273 : vector<2048x128xf32>
    %get3A_275 = arith.constant 0 : index
    %get3A_276 = arith.constant 0 : index
    %get3A_277 = vector.load %arg23[%get3A_275, %get3A_276] : memref<256x128xbf16, #tpu.memory_space<vmem>>, vector<256x128xbf16>
    %dot_general3A_278 = arith.constant dense<0.000000e+00> : vector<2048x128xf32>
    %dot_general3A_279 = tpu.matmul %convert_element_type3A_261, %get3A_277, %dot_general3A_278 {dimension_numbers = #tpu.dot_dimension_numbers<[1], [0], [0], [1], [0, 0, 1, 1], [], []>, transpose_lhs_hint = false} : vector<2048x256xbf16>, vector<256x128xbf16>, vector<2048x128xf32> -> vector<2048x128xf32>
    %add3A_280 = arith.addf %add3A_274, %dot_general3A_279 : vector<2048x128xf32>
    %get3A_281 = arith.constant 0 : index
    %get3A_282 = arith.constant 0 : index
    %get3A_283 = vector.load %arg24[%get3A_281, %get3A_282] : memref<1x128xf32, #tpu.memory_space<vmem>>, vector<1x128xf32>
    %add3A_284 = vector.broadcast %get3A_283 : vector<1x128xf32> to vector<2048x128xf32>
    %add3A_285 = arith.addf %add3A_280, %add3A_284 : vector<2048x128xf32>
    %reduce_sum3A = arith.constant dense<0.000000e+00> : vector<2048xf32>
    %reduce_sum3A_286 = vector.multi_reduction <add>, %add3A_285, %reduce_sum3A [1] : vector<2048x128xf32> to vector<2048xf32>
    %broadcast_in_dim3A_287 = vector.shape_cast %reduce_sum3A_286 : vector<2048xf32> to vector<2048x1xf32>
    %div3A_288 = arith.constant 1.280000e+02 : f32
    %div3A_289 = vector.broadcast %div3A_288 : f32 to vector<2048x1xf32>
    %div3A_290 = arith.divf %broadcast_in_dim3A_287, %div3A_289 : vector<2048x1xf32>
    %sub3A_291 = vector.broadcast %div3A_290 : vector<2048x1xf32> to vector<2048x128xf32>
    %sub3A_292 = arith.subf %add3A_285, %sub3A_291 : vector<2048x128xf32>
    %integer_pow3A = arith.mulf %sub3A_292, %sub3A_292 : vector<2048x128xf32>
    %reduce_sum3A_293 = arith.constant dense<0.000000e+00> : vector<2048xf32>
    %reduce_sum3A_294 = vector.multi_reduction <add>, %integer_pow3A, %reduce_sum3A_293 [1] : vector<2048x128xf32> to vector<2048xf32>
    %broadcast_in_dim3A_295 = vector.shape_cast %reduce_sum3A_294 : vector<2048xf32> to vector<2048x1xf32>
    %div3A_296 = arith.constant 1.280000e+02 : f32
    %div3A_297 = vector.broadcast %div3A_296 : f32 to vector<2048x1xf32>
    %div3A_298 = arith.divf %broadcast_in_dim3A_295, %div3A_297 : vector<2048x1xf32>
    %sub3A_299 = vector.broadcast %div3A_290 : vector<2048x1xf32> to vector<2048x128xf32>
    %sub3A_300 = arith.subf %add3A_285, %sub3A_299 : vector<2048x128xf32>
    %add3A_301 = arith.constant 9.99999974E-6 : f32
    %add3A_302 = vector.broadcast %add3A_301 : f32 to vector<2048x1xf32>
    %add3A_303 = arith.addf %div3A_298, %add3A_302 : vector<2048x1xf32>
    %sqrt3A = math.sqrt %add3A_303 : vector<2048x1xf32>
    %div3A_304 = vector.broadcast %sqrt3A : vector<2048x1xf32> to vector<2048x128xf32>
    %div3A_305 = arith.divf %sub3A_300, %div3A_304 : vector<2048x128xf32>
    %get3A_306 = arith.constant 0 : index
    %get3A_307 = arith.constant 0 : index
    %get3A_308 = vector.load %arg25[%get3A_306, %get3A_307] : memref<1x128xf32, #tpu.memory_space<vmem>>, vector<1x128xf32>
    %mul3A = vector.broadcast %get3A_308 : vector<1x128xf32> to vector<2048x128xf32>
    %mul3A_309 = arith.mulf %div3A_305, %mul3A : vector<2048x128xf32>
    %get3A_310 = arith.constant 0 : index
    %get3A_311 = arith.constant 0 : index
    %get3A_312 = vector.load %arg26[%get3A_310, %get3A_311] : memref<1x128xf32, #tpu.memory_space<vmem>>, vector<1x128xf32>
    %add3A_313 = vector.broadcast %get3A_312 : vector<1x128xf32> to vector<2048x128xf32>
    %add3A_314 = arith.addf %mul3A_309, %add3A_313 : vector<2048x128xf32>
    %max3A = arith.constant 0.000000e+00 : f32
    %max3A_315 = vector.broadcast %max3A : f32 to vector<2048x128xf32>
    %max3A_316 = arith.maximumf %add3A_314, %max3A_315 : vector<2048x128xf32>
    %convert_element_type3A_317 = arith.truncf %max3A_316 : vector<2048x128xf32> to vector<2048x128xbf16>
    %convert_element_type3A_318 = arith.extf %convert_element_type3A_317 : vector<2048x128xbf16> to vector<2048x128xf32>
    %sub3A_319 = arith.subf %max3A_316, %convert_element_type3A_318 : vector<2048x128xf32>
    %convert_element_type3A_320 = arith.truncf %sub3A_319 : vector<2048x128xf32> to vector<2048x128xbf16>
    %get3A_321 = arith.constant 0 : index
    %get3A_322 = arith.constant 0 : index
    %get3A_323 = vector.load %arg27[%get3A_321, %get3A_322] : memref<128x64xbf16, #tpu.memory_space<vmem>>, vector<128x64xbf16>
    %dot_general3A_324 = arith.constant dense<0.000000e+00> : vector<2048x64xf32>
    %dot_general3A_325 = tpu.matmul %convert_element_type3A_317, %get3A_323, %dot_general3A_324 {dimension_numbers = #tpu.dot_dimension_numbers<[1], [0], [0], [1], [0, 0, 1, 1], [], []>, transpose_lhs_hint = false} : vector<2048x128xbf16>, vector<128x64xbf16>, vector<2048x64xf32> -> vector<2048x64xf32>
    %get3A_326 = arith.constant 0 : index
    %get3A_327 = arith.constant 0 : index
    %get3A_328 = vector.load %arg27[%get3A_326, %get3A_327] : memref<128x64xbf16, #tpu.memory_space<vmem>>, vector<128x64xbf16>
    %dot_general3A_329 = arith.constant dense<0.000000e+00> : vector<2048x64xf32>
    %dot_general3A_330 = tpu.matmul %convert_element_type3A_320, %get3A_328, %dot_general3A_329 {dimension_numbers = #tpu.dot_dimension_numbers<[1], [0], [0], [1], [0, 0, 1, 1], [], []>, transpose_lhs_hint = false} : vector<2048x128xbf16>, vector<128x64xbf16>, vector<2048x64xf32> -> vector<2048x64xf32>
    %add3A_331 = arith.addf %dot_general3A_325, %dot_general3A_330 : vector<2048x64xf32>
    %get3A_332 = arith.constant 0 : index
    %get3A_333 = arith.constant 0 : index
    %get3A_334 = vector.load %arg28[%get3A_332, %get3A_333] : memref<128x64xbf16, #tpu.memory_space<vmem>>, vector<128x64xbf16>
    %dot_general3A_335 = arith.constant dense<0.000000e+00> : vector<2048x64xf32>
    %dot_general3A_336 = tpu.matmul %convert_element_type3A_317, %get3A_334, %dot_general3A_335 {dimension_numbers = #tpu.dot_dimension_numbers<[1], [0], [0], [1], [0, 0, 1, 1], [], []>, transpose_lhs_hint = false} : vector<2048x128xbf16>, vector<128x64xbf16>, vector<2048x64xf32> -> vector<2048x64xf32>
    %add3A_337 = arith.addf %add3A_331, %dot_general3A_336 : vector<2048x64xf32>
    %get3A_338 = arith.constant 0 : index
    %get3A_339 = arith.constant 0 : index
    %get3A_340 = vector.load %arg29[%get3A_338, %get3A_339] : memref<1x64xf32, #tpu.memory_space<vmem>>, vector<1x64xf32>
    %add3A_341 = vector.broadcast %get3A_340 : vector<1x64xf32> to vector<2048x64xf32>
    %add3A_342 = arith.addf %add3A_337, %add3A_341 : vector<2048x64xf32>
    %mul3A_343 = arith.mulf %add3A_342, %add3A_342 : vector<2048x64xf32>
    %reduce_sum3A_344 = arith.constant dense<0.000000e+00> : vector<2048xf32>
    %reduce_sum3A_345 = vector.multi_reduction <add>, %mul3A_343, %reduce_sum3A_344 [1] : vector<2048x64xf32> to vector<2048xf32>
    %broadcast_in_dim3A_346 = vector.shape_cast %reduce_sum3A_345 : vector<2048xf32> to vector<2048x1xf32>
    %sqrt3A_347 = math.sqrt %broadcast_in_dim3A_346 : vector<2048x1xf32>
    %max3A_348 = arith.constant 9.99999996E-13 : f32
    %max3A_349 = vector.broadcast %max3A_348 : f32 to vector<2048x1xf32>
    %max3A_350 = arith.maximumf %sqrt3A_347, %max3A_349 : vector<2048x1xf32>
    %div3A_351 = vector.broadcast %max3A_350 : vector<2048x1xf32> to vector<2048x64xf32>
    %div3A_352 = arith.divf %add3A_342, %div3A_351 : vector<2048x64xf32>
    %swap3A = arith.constant 0 : index
    %swap3A_353 = arith.constant 0 : index
    %swap3A_354 = vector.load %arg38[%swap3A, %swap3A_353] : memref<2048x64xf32, #tpu.memory_space<vmem>>, vector<2048x64xf32>
    tpu.vector_store %arg38[%swap3A, %swap3A_353], %div3A_352 {strides = array<i32>} : memref<2048x64xf32, #tpu.memory_space<vmem>>, vector<2048x64xf32>,
    %get3A_355 = arith.constant 0 : index
    %get3A_356 = arith.constant 0 : index
    %get3A_357 = vector.load %arg9[%get3A_355, %get3A_356] : memref<2048x1xf32, #tpu.memory_space<vmem>>, vector<2048x1xf32>
    %get3A_358 = arith.constant 0 : index
    %get3A_359 = arith.constant 0 : index
    %get3A_360 = vector.load %arg12[%get3A_358, %get3A_359] : memref<1x38xf32, #tpu.memory_space<vmem>>, vector<1x38xf32>
    %gt3A_361 = vector.broadcast %get3A_357 : vector<2048x1xf32> to vector<2048x38xf32>
    %gt3A_362 = vector.broadcast %get3A_360 : vector<1x38xf32> to vector<2048x38xf32>
    %gt3A_363 = arith.cmpf ogt, %gt3A_361, %gt3A_362 : vector<2048x38xf32>
    %convert_element_type3A_364 = arith.extui %gt3A_363 : vector<2048x38xi1> to vector<2048x38xi32>
    %convert_element_type3A_365 = arith.sitofp %convert_element_type3A_364 : vector<2048x38xi32> to vector<2048x38xf32>
    %convert_element_type3A_366 = arith.truncf %convert_element_type3A_365 : vector<2048x38xf32> to vector<2048x38xbf16>
    %get3A_367 = arith.constant 0 : index
    %get3A_368 = arith.constant 0 : index
    %get3A_369 = vector.load %arg17[%get3A_367, %get3A_368] : memref<38x64xbf16, #tpu.memory_space<vmem>>, vector<38x64xbf16>
    %dot_general3A_370 = arith.constant dense<0.000000e+00> : vector<2048x64xf32>
    %dot_general3A_371 = tpu.matmul %convert_element_type3A_366, %get3A_369, %dot_general3A_370 {dimension_numbers = #tpu.dot_dimension_numbers<[1], [0], [0], [1], [0, 0, 1, 1], [], []>, transpose_lhs_hint = false} : vector<2048x38xbf16>, vector<38x64xbf16>, vector<2048x64xf32> -> vector<2048x64xf32>
    %get3A_372 = arith.constant 0 : index
    %get3A_373 = arith.constant 0 : index
    %get3A_374 = vector.load %arg10[%get3A_372, %get3A_373] : memref<2048x1xf32, #tpu.memory_space<vmem>>, vector<2048x1xf32>
    %get3A_375 = arith.constant 0 : index
    %get3A_376 = arith.constant 0 : index
    %get3A_377 = vector.load %arg12[%get3A_375, %get3A_376] : memref<1x38xf32, #tpu.memory_space<vmem>>, vector<1x38xf32>
    %gt3A_378 = vector.broadcast %get3A_374 : vector<2048x1xf32> to vector<2048x38xf32>
    %gt3A_379 = vector.broadcast %get3A_377 : vector<1x38xf32> to vector<2048x38xf32>
    %gt3A_380 = arith.cmpf ogt, %gt3A_378, %gt3A_379 : vector<2048x38xf32>
    %convert_element_type3A_381 = arith.extui %gt3A_380 : vector<2048x38xi1> to vector<2048x38xi32>
    %convert_element_type3A_382 = arith.sitofp %convert_element_type3A_381 : vector<2048x38xi32> to vector<2048x38xf32>
    %convert_element_type3A_383 = arith.truncf %convert_element_type3A_382 : vector<2048x38xf32> to vector<2048x38xbf16>
    %get3A_384 = arith.constant 0 : index
    %get3A_385 = arith.constant 0 : index
    %get3A_386 = vector.load %arg18[%get3A_384, %get3A_385] : memref<38x64xbf16, #tpu.memory_space<vmem>>, vector<38x64xbf16>
    %dot_general3A_387 = arith.constant dense<0.000000e+00> : vector<2048x64xf32>
    %dot_general3A_388 = tpu.matmul %convert_element_type3A_383, %get3A_386, %dot_general3A_387 {dimension_numbers = #tpu.dot_dimension_numbers<[1], [0], [0], [1], [0, 0, 1, 1], [], []>, transpose_lhs_hint = false} : vector<2048x38xbf16>, vector<38x64xbf16>, vector<2048x64xf32> -> vector<2048x64xf32>
    %add3A_389 = arith.addf %dot_general3A_371, %dot_general3A_388 : vector<2048x64xf32>
    %get3A_390 = arith.constant 0 : index
    %get3A_391 = arith.constant 0 : index
    %get3A_392 = vector.load %arg11[%get3A_390, %get3A_391] : memref<2048x1xf32, #tpu.memory_space<vmem>>, vector<2048x1xf32>
    %get3A_393 = arith.constant 0 : index
    %get3A_394 = arith.constant 0 : index
    %get3A_395 = vector.load %arg12[%get3A_393, %get3A_394] : memref<1x38xf32, #tpu.memory_space<vmem>>, vector<1x38xf32>
    %gt3A_396 = vector.broadcast %get3A_392 : vector<2048x1xf32> to vector<2048x38xf32>
    %gt3A_397 = vector.broadcast %get3A_395 : vector<1x38xf32> to vector<2048x38xf32>
    %gt3A_398 = arith.cmpf ogt, %gt3A_396, %gt3A_397 : vector<2048x38xf32>
    %convert_element_type3A_399 = arith.extui %gt3A_398 : vector<2048x38xi1> to vector<2048x38xi32>
    %convert_element_type3A_400 = arith.sitofp %convert_element_type3A_399 : vector<2048x38xi32> to vector<2048x38xf32>
    %convert_element_type3A_401 = arith.truncf %convert_element_type3A_400 : vector<2048x38xf32> to vector<2048x38xbf16>
    %get3A_402 = arith.constant 0 : index
    %get3A_403 = arith.constant 0 : index
    %get3A_404 = vector.load %arg19[%get3A_402, %get3A_403] : memref<38x64xbf16, #tpu.memory_space<vmem>>, vector<38x64xbf16>
    %dot_general3A_405 = arith.constant dense<0.000000e+00> : vector<2048x64xf32>
    %dot_general3A_406 = tpu.matmul %convert_element_type3A_401, %get3A_404, %dot_general3A_405 {dimension_numbers = #tpu.dot_dimension_numbers<[1], [0], [0], [1], [0, 0, 1, 1], [], []>, transpose_lhs_hint = false} : vector<2048x38xbf16>, vector<38x64xbf16>, vector<2048x64xf32> -> vector<2048x64xf32>
    %add3A_407 = arith.addf %add3A_389, %dot_general3A_406 : vector<2048x64xf32>
    %get3A_408 = arith.constant 0 : index
    %get3A_409 = arith.constant 0 : index
    %get3A_410 = vector.load %arg21[%get3A_408, %get3A_409] : memref<1x64xf32, #tpu.memory_space<vmem>>, vector<1x64xf32>
    %add3A_411 = vector.broadcast %get3A_410 : vector<1x64xf32> to vector<2048x64xf32>
    %add3A_412 = arith.addf %add3A_407, %add3A_411 : vector<2048x64xf32>
    %get3A_413 = arith.constant 0 : index
    %get3A_414 = arith.constant 0 : index
    %get3A_415 = vector.load %arg3[%get3A_413, %get3A_414] : memref<2048x128xf32, #tpu.memory_space<vmem>>, vector<2048x64xf32>
    %concatenate3A_416 = tpu.concatenate %get3A_415, %div3A_216, %add3A_412 in 1 : vector<2048x64xf32>, vector<2048x64xf32>, vector<2048x64xf32> -> vector<2048x192xf32>
    %convert_element_type3A_417 = arith.truncf %concatenate3A_416 : vector<2048x192xf32> to vector<2048x192xbf16>
    %convert_element_type3A_418 = arith.extf %convert_element_type3A_417 : vector<2048x192xbf16> to vector<2048x192xf32>
    %sub3A_419 = arith.subf %concatenate3A_416, %convert_element_type3A_418 : vector<2048x192xf32>
    %convert_element_type3A_420 = arith.truncf %sub3A_419 : vector<2048x192xf32> to vector<2048x192xbf16>
    %get3A_421 = arith.constant 0 : index
    %get3A_422 = arith.constant 0 : index
    %get3A_423 = vector.load %arg30[%get3A_421, %get3A_422] : memref<192x128xbf16, #tpu.memory_space<vmem>>, vector<192x128xbf16>
    %dot_general3A_424 = arith.constant dense<0.000000e+00> : vector<2048x128xf32>
    %dot_general3A_425 = tpu.matmul %convert_element_type3A_417, %get3A_423, %dot_general3A_424 {dimension_numbers = #tpu.dot_dimension_numbers<[1], [0], [0], [1], [0, 0, 1, 1], [], []>, transpose_lhs_hint = false} : vector<2048x192xbf16>, vector<192x128xbf16>, vector<2048x128xf32> -> vector<2048x128xf32>
    %get3A_426 = arith.constant 0 : index
    %get3A_427 = arith.constant 0 : index
    %get3A_428 = vector.load %arg30[%get3A_426, %get3A_427] : memref<192x128xbf16, #tpu.memory_space<vmem>>, vector<192x128xbf16>
    %dot_general3A_429 = arith.constant dense<0.000000e+00> : vector<2048x128xf32>
    %dot_general3A_430 = tpu.matmul %convert_element_type3A_420, %get3A_428, %dot_general3A_429 {dimension_numbers = #tpu.dot_dimension_numbers<[1], [0], [0], [1], [0, 0, 1, 1], [], []>, transpose_lhs_hint = false} : vector<2048x192xbf16>, vector<192x128xbf16>, vector<2048x128xf32> -> vector<2048x128xf32>
    %add3A_431 = arith.addf %dot_general3A_425, %dot_general3A_430 : vector<2048x128xf32>
    %get3A_432 = arith.constant 0 : index
    %get3A_433 = arith.constant 0 : index
    %get3A_434 = vector.load %arg31[%get3A_432, %get3A_433] : memref<192x128xbf16, #tpu.memory_space<vmem>>, vector<192x128xbf16>
    %dot_general3A_435 = arith.constant dense<0.000000e+00> : vector<2048x128xf32>
    %dot_general3A_436 = tpu.matmul %convert_element_type3A_417, %get3A_434, %dot_general3A_435 {dimension_numbers = #tpu.dot_dimension_numbers<[1], [0], [0], [1], [0, 0, 1, 1], [], []>, transpose_lhs_hint = false} : vector<2048x192xbf16>, vector<192x128xbf16>, vector<2048x128xf32> -> vector<2048x128xf32>
    %add3A_437 = arith.addf %add3A_431, %dot_general3A_436 : vector<2048x128xf32>
    %get3A_438 = arith.constant 0 : index
    %get3A_439 = arith.constant 0 : index
    %get3A_440 = vector.load %arg32[%get3A_438, %get3A_439] : memref<1x128xf32, #tpu.memory_space<vmem>>, vector<1x128xf32>
    %add3A_441 = vector.broadcast %get3A_440 : vector<1x128xf32> to vector<2048x128xf32>
    %add3A_442 = arith.addf %add3A_437, %add3A_441 : vector<2048x128xf32>
    %reduce_sum3A_443 = arith.constant dense<0.000000e+00> : vector<2048xf32>
    %reduce_sum3A_444 = vector.multi_reduction <add>, %add3A_442, %reduce_sum3A_443 [1] : vector<2048x128xf32> to vector<2048xf32>
    %broadcast_in_dim3A_445 = vector.shape_cast %reduce_sum3A_444 : vector<2048xf32> to vector<2048x1xf32>
    %div3A_446 = arith.constant 1.280000e+02 : f32
    %div3A_447 = vector.broadcast %div3A_446 : f32 to vector<2048x1xf32>
    %div3A_448 = arith.divf %broadcast_in_dim3A_445, %div3A_447 : vector<2048x1xf32>
    %sub3A_449 = vector.broadcast %div3A_448 : vector<2048x1xf32> to vector<2048x128xf32>
    %sub3A_450 = arith.subf %add3A_442, %sub3A_449 : vector<2048x128xf32>
    %integer_pow3A_451 = arith.mulf %sub3A_450, %sub3A_450 : vector<2048x128xf32>
    %reduce_sum3A_452 = arith.constant dense<0.000000e+00> : vector<2048xf32>
    %reduce_sum3A_453 = vector.multi_reduction <add>, %integer_pow3A_451, %reduce_sum3A_452 [1] : vector<2048x128xf32> to vector<2048xf32>
    %broadcast_in_dim3A_454 = vector.shape_cast %reduce_sum3A_453 : vector<2048xf32> to vector<2048x1xf32>
    %div3A_455 = arith.constant 1.280000e+02 : f32
    %div3A_456 = vector.broadcast %div3A_455 : f32 to vector<2048x1xf32>
    %div3A_457 = arith.divf %broadcast_in_dim3A_454, %div3A_456 : vector<2048x1xf32>
    %sub3A_458 = vector.broadcast %div3A_448 : vector<2048x1xf32> to vector<2048x128xf32>
    %sub3A_459 = arith.subf %add3A_442, %sub3A_458 : vector<2048x128xf32>
    %add3A_460 = arith.constant 9.99999974E-6 : f32
    %add3A_461 = vector.broadcast %add3A_460 : f32 to vector<2048x1xf32>
    %add3A_462 = arith.addf %div3A_457, %add3A_461 : vector<2048x1xf32>
    %sqrt3A_463 = math.sqrt %add3A_462 : vector<2048x1xf32>
    %div3A_464 = vector.broadcast %sqrt3A_463 : vector<2048x1xf32> to vector<2048x128xf32>
    %div3A_465 = arith.divf %sub3A_459, %div3A_464 : vector<2048x128xf32>
    %get3A_466 = arith.constant 0 : index
    %get3A_467 = arith.constant 0 : index
    %get3A_468 = vector.load %arg33[%get3A_466, %get3A_467] : memref<1x128xf32, #tpu.memory_space<vmem>>, vector<1x128xf32>
    %mul3A_469 = vector.broadcast %get3A_468 : vector<1x128xf32> to vector<2048x128xf32>
    %mul3A_470 = arith.mulf %div3A_465, %mul3A_469 : vector<2048x128xf32>
    %get3A_471 = arith.constant 0 : index
    %get3A_472 = arith.constant 0 : index
    %get3A_473 = vector.load %arg34[%get3A_471, %get3A_472] : memref<1x128xf32, #tpu.memory_space<vmem>>, vector<1x128xf32>
    %add3A_474 = vector.broadcast %get3A_473 : vector<1x128xf32> to vector<2048x128xf32>
    %add3A_475 = arith.addf %mul3A_470, %add3A_474 : vector<2048x128xf32>
    %max3A_476 = arith.constant 0.000000e+00 : f32
    %max3A_477 = vector.broadcast %max3A_476 : f32 to vector<2048x128xf32>
    %max3A_478 = arith.maximumf %add3A_475, %max3A_477 : vector<2048x128xf32>
    %convert_element_type3A_479 = arith.truncf %max3A_478 : vector<2048x128xf32> to vector<2048x128xbf16>
    %convert_element_type3A_480 = arith.extf %convert_element_type3A_479 : vector<2048x128xbf16> to vector<2048x128xf32>
    %sub3A_481 = arith.subf %max3A_478, %convert_element_type3A_480 : vector<2048x128xf32>
    %convert_element_type3A_482 = arith.truncf %sub3A_481 : vector<2048x128xf32> to vector<2048x128xbf16>
    %get3A_483 = arith.constant 0 : index
    %get3A_484 = arith.constant 0 : index
    %get3A_485 = vector.load %arg35[%get3A_483, %get3A_484] : memref<128x64xbf16, #tpu.memory_space<vmem>>, vector<128x64xbf16>
    %dot_general3A_486 = arith.constant dense<0.000000e+00> : vector<2048x64xf32>
    %dot_general3A_487 = tpu.matmul %convert_element_type3A_479, %get3A_485, %dot_general3A_486 {dimension_numbers = #tpu.dot_dimension_numbers<[1], [0], [0], [1], [0, 0, 1, 1], [], []>, transpose_lhs_hint = false} : vector<2048x128xbf16>, vector<128x64xbf16>, vector<2048x64xf32> -> vector<2048x64xf32>
    %get3A_488 = arith.constant 0 : index
    %get3A_489 = arith.constant 0 : index
    %get3A_490 = vector.load %arg35[%get3A_488, %get3A_489] : memref<128x64xbf16, #tpu.memory_space<vmem>>, vector<128x64xbf16>
    %dot_general3A_491 = arith.constant dense<0.000000e+00> : vector<2048x64xf32>
    %dot_general3A_492 = tpu.matmul %convert_element_type3A_482, %get3A_490, %dot_general3A_491 {dimension_numbers = #tpu.dot_dimension_numbers<[1], [0], [0], [1], [0, 0, 1, 1], [], []>, transpose_lhs_hint = false} : vector<2048x128xbf16>, vector<128x64xbf16>, vector<2048x64xf32> -> vector<2048x64xf32>
    %add3A_493 = arith.addf %dot_general3A_487, %dot_general3A_492 : vector<2048x64xf32>
    %get3A_494 = arith.constant 0 : index
    %get3A_495 = arith.constant 0 : index
    %get3A_496 = vector.load %arg36[%get3A_494, %get3A_495] : memref<128x64xbf16, #tpu.memory_space<vmem>>, vector<128x64xbf16>
    %dot_general3A_497 = arith.constant dense<0.000000e+00> : vector<2048x64xf32>
    %dot_general3A_498 = tpu.matmul %convert_element_type3A_479, %get3A_496, %dot_general3A_497 {dimension_numbers = #tpu.dot_dimension_numbers<[1], [0], [0], [1], [0, 0, 1, 1], [], []>, transpose_lhs_hint = false} : vector<2048x128xbf16>, vector<128x64xbf16>, vector<2048x64xf32> -> vector<2048x64xf32>
    %add3A_499 = arith.addf %add3A_493, %dot_general3A_498 : vector<2048x64xf32>
    %get3A_500 = arith.constant 0 : index
    %get3A_501 = arith.constant 0 : index
    %get3A_502 = vector.load %arg37[%get3A_500, %get3A_501] : memref<1x64xf32, #tpu.memory_space<vmem>>, vector<1x64xf32>
    %add3A_503 = vector.broadcast %get3A_502 : vector<1x64xf32> to vector<2048x64xf32>
    %add3A_504 = arith.addf %add3A_499, %add3A_503 : vector<2048x64xf32>
    %mul3A_505 = arith.mulf %add3A_504, %add3A_504 : vector<2048x64xf32>
    %reduce_sum3A_506 = arith.constant dense<0.000000e+00> : vector<2048xf32>
    %reduce_sum3A_507 = vector.multi_reduction <add>, %mul3A_505, %reduce_sum3A_506 [1] : vector<2048x64xf32> to vector<2048xf32>
    %broadcast_in_dim3A_508 = vector.shape_cast %reduce_sum3A_507 : vector<2048xf32> to vector<2048x1xf32>
    %sqrt3A_509 = math.sqrt %broadcast_in_dim3A_508 : vector<2048x1xf32>
    %max3A_510 = arith.constant 9.99999996E-13 : f32
    %max3A_511 = vector.broadcast %max3A_510 : f32 to vector<2048x1xf32>
    %max3A_512 = arith.maximumf %sqrt3A_509, %max3A_511 : vector<2048x1xf32>
    %div3A_513 = vector.broadcast %max3A_512 : vector<2048x1xf32> to vector<2048x64xf32>
    %div3A_514 = arith.divf %add3A_504, %div3A_513 : vector<2048x64xf32>
    %swap3A_515 = arith.constant 0 : index
    %swap3A_516 = arith.constant 0 : index
    %swap3A_517 = vector.load %arg39[%swap3A_515, %swap3A_516] : memref<2048x64xf32, #tpu.memory_space<vmem>>, vector<2048x64xf32>
    tpu.vector_store %arg39[%swap3A_515, %swap3A_516], %div3A_514 {strides = array<i32>} : memref<2048x64xf32, #tpu.memory_space<vmem>>, vector<2048x64xf32>,
    return
  }
  func.func @transform_0(%arg0: i32) -> (i32, i32) {
    %c0_i32 = arith.constant 0 : i32
    %c0_i32_0 = arith.constant 0 : i32
    return %arg0, %c0_i32 : i32, i32
  }
  func.func @transform_1(%arg0: i32) -> (i32, i32) {
    %c0_i32 = arith.constant 0 : i32
    %c0_i32_0 = arith.constant 0 : i32
    return %arg0, %c0_i32 : i32, i32
  }
  func.func @transform_2(%arg0: i32) -> (i32, i32) {
    %c0_i32 = arith.constant 0 : i32
    %c0_i32_0 = arith.constant 0 : i32
    return %arg0, %c0_i32 : i32, i32
  }
  func.func @transform_3(%arg0: i32) -> (i32, i32) {
    %c0_i32 = arith.constant 0 : i32
    %c0_i32_0 = arith.constant 0 : i32
    return %arg0, %c0_i32 : i32, i32
  }
  func.func @transform_4(%arg0: i32) -> (i32, i32) {
    %c0_i32 = arith.constant 0 : i32
    %c0_i32_0 = arith.constant 0 : i32
    return %arg0, %c0_i32 : i32, i32
  }
  func.func @transform_5(%arg0: i32) -> (i32, i32) {
    %c0_i32 = arith.constant 0 : i32
    %c0_i32_0 = arith.constant 0 : i32
    return %arg0, %c0_i32 : i32, i32
  }
  func.func @transform_6(%arg0: i32) -> (i32, i32) {
    %c0_i32 = arith.constant 0 : i32
    %c0_i32_0 = arith.constant 0 : i32
    return %arg0, %c0_i32 : i32, i32
  }
  func.func @transform_7(%arg0: i32) -> (i32, i32) {
    %c0_i32 = arith.constant 0 : i32
    %c0_i32_0 = arith.constant 0 : i32
    return %arg0, %c0_i32 : i32, i32
  }
  func.func @transform_8(%arg0: i32) -> (i32, i32) {
    %c0_i32 = arith.constant 0 : i32
    %c0_i32_0 = arith.constant 0 : i32
    return %arg0, %c0_i32 : i32, i32
  }
  func.func @transform_9(%arg0: i32) -> (i32, i32) {
    %c0_i32 = arith.constant 0 : i32
    %c0_i32_0 = arith.constant 0 : i32
    return %arg0, %c0_i32 : i32, i32
  }
  func.func @transform_10(%arg0: i32) -> (i32, i32) {
    %c0_i32 = arith.constant 0 : i32
    %c0_i32_0 = arith.constant 0 : i32
    return %arg0, %c0_i32 : i32, i32
  }
  func.func @transform_11(%arg0: i32) -> (i32, i32) {
    %c0_i32 = arith.constant 0 : i32
    %c0_i32_0 = arith.constant 0 : i32
    %c0_i32_1 = arith.constant 0 : i32
    return %c0_i32, %c0_i32_0 : i32, i32
  }
  func.func @transform_12(%arg0: i32) -> (i32, i32) {
    %c0_i32 = arith.constant 0 : i32
    %c0_i32_0 = arith.constant 0 : i32
    %c0_i32_1 = arith.constant 0 : i32
    return %c0_i32, %c0_i32_0 : i32, i32
  }
  func.func @transform_13(%arg0: i32) -> (i32, i32) {
    %c0_i32 = arith.constant 0 : i32
    %c0_i32_0 = arith.constant 0 : i32
    %c0_i32_1 = arith.constant 0 : i32
    return %c0_i32, %c0_i32_0 : i32, i32
  }
  func.func @transform_14(%arg0: i32) -> (i32, i32) {
    %c0_i32 = arith.constant 0 : i32
    %c0_i32_0 = arith.constant 0 : i32
    %c0_i32_1 = arith.constant 0 : i32
    return %c0_i32, %c0_i32_0 : i32, i32
  }
  func.func @transform_15(%arg0: i32) -> (i32, i32) {
    %c0_i32 = arith.constant 0 : i32
    %c0_i32_0 = arith.constant 0 : i32
    %c0_i32_1 = arith.constant 0 : i32
    return %c0_i32, %c0_i32_0 : i32, i32
  }
  func.func @transform_16(%arg0: i32) -> (i32, i32) {
    %c0_i32 = arith.constant 0 : i32
    %c0_i32_0 = arith.constant 0 : i32
    %c0_i32_1 = arith.constant 0 : i32
    return %c0_i32, %c0_i32_0 : i32, i32
  }
  func.func @transform_17(%arg0: i32) -> (i32, i32) {
    %c0_i32 = arith.constant 0 : i32
    %c0_i32_0 = arith.constant 0 : i32
    %c0_i32_1 = arith.constant 0 : i32
    return %c0_i32, %c0_i32_0 : i32, i32
  }
  func.func @transform_18(%arg0: i32) -> (i32, i32) {
    %c0_i32 = arith.constant 0 : i32
    %c0_i32_0 = arith.constant 0 : i32
    %c0_i32_1 = arith.constant 0 : i32
    return %c0_i32, %c0_i32_0 : i32, i32
  }
  func.func @transform_19(%arg0: i32) -> (i32, i32) {
    %c0_i32 = arith.constant 0 : i32
    %c0_i32_0 = arith.constant 0 : i32
    %c0_i32_1 = arith.constant 0 : i32
    return %c0_i32, %c0_i32_0 : i32, i32
  }
  func.func @transform_20(%arg0: i32) -> (i32, i32) {
    %c0_i32 = arith.constant 0 : i32
    %c0_i32_0 = arith.constant 0 : i32
    %c0_i32_1 = arith.constant 0 : i32
    return %c0_i32, %c0_i32_0 : i32, i32
  }
  func.func @transform_21(%arg0: i32) -> (i32, i32) {
    %c0_i32 = arith.constant 0 : i32
    %c0_i32_0 = arith.constant 0 : i32
    %c0_i32_1 = arith.constant 0 : i32
    return %c0_i32, %c0_i32_0 : i32, i32
  }
  func.func @transform_22(%arg0: i32) -> (i32, i32) {
    %c0_i32 = arith.constant 0 : i32
    %c0_i32_0 = arith.constant 0 : i32
    %c0_i32_1 = arith.constant 0 : i32
    return %c0_i32, %c0_i32_0 : i32, i32
  }
  func.func @transform_23(%arg0: i32) -> (i32, i32) {
    %c0_i32 = arith.constant 0 : i32
    %c0_i32_0 = arith.constant 0 : i32
    %c0_i32_1 = arith.constant 0 : i32
    return %c0_i32, %c0_i32_0 : i32, i32
  }
  func.func @transform_24(%arg0: i32) -> (i32, i32) {
    %c0_i32 = arith.constant 0 : i32
    %c0_i32_0 = arith.constant 0 : i32
    %c0_i32_1 = arith.constant 0 : i32
    return %c0_i32, %c0_i32_0 : i32, i32
  }
  func.func @transform_25(%arg0: i32) -> (i32, i32) {
    %c0_i32 = arith.constant 0 : i32
    %c0_i32_0 = arith.constant 0 : i32
    %c0_i32_1 = arith.constant 0 : i32
    return %c0_i32, %c0_i32_0 : i32, i32
  }
  func.func @transform_26(%arg0: i32) -> (i32, i32) {
    %c0_i32 = arith.constant 0 : i32
    %c0_i32_0 = arith.constant 0 : i32
    %c0_i32_1 = arith.constant 0 : i32
    return %c0_i32, %c0_i32_0 : i32, i32
  }
  func.func @transform_27(%arg0: i32) -> (i32, i32) {
    %c0_i32 = arith.constant 0 : i32
    %c0_i32_0 = arith.constant 0 : i32
    %c0_i32_1 = arith.constant 0 : i32
    return %c0_i32, %c0_i32_0 : i32, i32
  }
  func.func @transform_28(%arg0: i32) -> (i32, i32) {
    %c0_i32 = arith.constant 0 : i32
    %c0_i32_0 = arith.constant 0 : i32
    %c0_i32_1 = arith.constant 0 : i32
    return %c0_i32, %c0_i32_0 : i32, i32
  }
  func.func @transform_29(%arg0: i32) -> (i32, i32) {
    %c0_i32 = arith.constant 0 : i32
    %c0_i32_0 = arith.constant 0 : i32
    %c0_i32_1 = arith.constant 0 : i32
    return %c0_i32, %c0_i32_0 : i32, i32
  }
  func.func @transform_30(%arg0: i32) -> (i32, i32) {
    %c0_i32 = arith.constant 0 : i32
    %c0_i32_0 = arith.constant 0 : i32
    %c0_i32_1 = arith.constant 0 : i32
    return %c0_i32, %c0_i32_0 : i32, i32
  }
  func.func @transform_31(%arg0: i32) -> (i32, i32) {
    %c0_i32 = arith.constant 0 : i32
    %c0_i32_0 = arith.constant 0 : i32
    %c0_i32_1 = arith.constant 0 : i32
    return %c0_i32, %c0_i32_0 : i32, i32
  }
  func.func @transform_32(%arg0: i32) -> (i32, i32) {
    %c0_i32 = arith.constant 0 : i32
    %c0_i32_0 = arith.constant 0 : i32
    %c0_i32_1 = arith.constant 0 : i32
    return %c0_i32, %c0_i32_0 : i32, i32
  }
  func.func @transform_33(%arg0: i32) -> (i32, i32) {
    %c0_i32 = arith.constant 0 : i32
    %c0_i32_0 = arith.constant 0 : i32
    %c0_i32_1 = arith.constant 0 : i32
    return %c0_i32, %c0_i32_0 : i32, i32
  }
  func.func @transform_34(%arg0: i32) -> (i32, i32) {
    %c0_i32 = arith.constant 0 : i32
    %c0_i32_0 = arith.constant 0 : i32
    %c0_i32_1 = arith.constant 0 : i32
    return %c0_i32, %c0_i32_0 : i32, i32
  }
  func.func @transform_35(%arg0: i32) -> (i32, i32) {
    %c0_i32 = arith.constant 0 : i32
    %c0_i32_0 = arith.constant 0 : i32
    %c0_i32_1 = arith.constant 0 : i32
    return %c0_i32, %c0_i32_0 : i32, i32
  }
  func.func @transform_36(%arg0: i32) -> (i32, i32) {
    %c0_i32 = arith.constant 0 : i32
    %c0_i32_0 = arith.constant 0 : i32
    %c0_i32_1 = arith.constant 0 : i32
    return %c0_i32, %c0_i32_0 : i32, i32
  }
  func.func @transform_37(%arg0: i32) -> (i32, i32) {
    %c0_i32 = arith.constant 0 : i32
    %c0_i32_0 = arith.constant 0 : i32
    return %arg0, %c0_i32 : i32, i32
  }
  func.func @transform_38(%arg0: i32) -> (i32, i32) {
    %c0_i32 = arith.constant 0 : i32
    %c0_i32_0 = arith.constant 0 : i32
    return %arg0, %c0_i32 : i32, i32
  }
}

</mosaic_0001>

<sc_bundles>
// kernel: kernel.5.cloned.1.call-start
scs
__scs_entry_jumppad:
0x0: {  	(pc) =	sbr.rel $0x88, $3  }
0x1: {  	(tag) =	ssettag $0x0;
	lr =	simm.s32 $0x1  }
0x2: {  	[smem:$0x3F82] =	sst lr;
	_ =	strace $0xD0000000  }
0x3: {  	_ = 	snop  }
0x4: {  	_ = 	snop  }
0x5: {  	_ = 	snop  }
0x6: {  	_ = 	snop  }
0x7: {  	_ = 	snop  }
__scs_overlays_trampoline_lowered:
0x8: {  	[smem:$0x3F91] =	sst s0  }
0x9: {  	[smem:$0x3F92] =	sst s1  }
0xa: {  	[smem:$0x3F93] =	sst s2  }
0xb: {  	[smem:$0x3F94] =	sst s3  }
0xc: {  	[smem:$0x3F95] =	sst s4  }
0xd: {  	[smem:$0x3F96] =	sst s5  }
0xe: {  	[smem:$0x3F97] =	sst s6  }
0xf: {  	[smem:$0x3F98] =	sst s7  }
0x10: {  	[smem:$0x3F99] =	sst s8  }
0x11: {  	[smem:$0x3F9A] =	sst s9;
	s0 =	simm.s32 @!p0 $0x0  }
0x12: {  	s1 =	sld [smem:$0x3F80];
	s0 =	simm.s32 @p0 $0x1  }
0x13: {  	[smem:$0x3F9B] =	sst s0;
	s0 =	simm.s32 @!p1 $0x0  }
0x14: {  	s2 =	sld [smem:$0x3F7F];
	s0 =	simm.s32 @p1 $0x1  }
0x15: {  	[smem:$0x3F9C] =	sst s0;
	s0 =	simm.s32 @!p2 $0x0  }
0x16: {  	s3 =	sld [smem:$0x3FDB];
	s0 =	simm.s32 @p2 $0x1  }
0x17: {  	s4 =	simm.s32 $0x1BF5;
	[smem:$0x3F9E] =	sst s0  }
0x18: {  	s0 =	sld [smem:$0x3F81];
	_ =	swait.ge [sflag:s4], $0x0  }
0x19: {  	s7 =	sld [smem:$0x3F82]  }
0x1a: {  	s8 =	sadd.s32 $0xFFFFE003, lr  }
0x1b: {  	s9 =	sadd.s32 $0xFFFFFEF7, lr;
	s5 =	simm.s32 $0xFFFFFFFF;
	p2 =	slt.u32 s8, $0xFFFFF086  }
0x1c: {  	p1 =	slt.u32 s9, $0xF7A;
	s5 =	simm.s32 @!p2 $0x0  }
0x1d: {  	s5 =	simm.s32 @p1 $0x1;
	p0 =	seq.s32 s7, s2  }
0x1e: {  	s7 =	smul.u32 @!p0 $0xF7A, s2;
	p2 =	seq.s32 @!p0 s5, $0x0  }
0x1f: {  	s9 =	smul.u32 $0xF7A, s1;
	s8 =	simm.s32 @!p0 $0x1BF5;
	p2 =	por !p2, p0  }
0x20: {  	[sflag:s8] =	ssyncset.s32 @!p0 $0xFFFFF086;
	s6 =	sadd.s32 @!p0 s3, s7;
	s7 =	simm.s32 @!p0 $0x108  }
0x21: {  	s3 =	sadd.s32 s3, s9;
	s6 =	sadd.s32 @!p0 $0x88, s6;
	s7 =	simm.s32 @p2 $0x1082  }
0x22: {  	[simem:s7], [sflag:s8] =	dma.local @!p0 [hbm:s6], $0xF7A  }
0x23: {  	s9 =	sor.u32 $0xD0000000, s2;
	s6 =	simm.s32 $0x108;
	_ =	swait.ge @!p0 [sflag:s8], $0x0  }
0x24: {  	s3 =	sadd.s32 $0x88, s3;
	s6 =	simm.s32 @!p1 $0x1082;
	[sflag:s4] =	ssyncset.s32 $0xFFFFF086  }
0x25: {  	[simem:s6], [sflag:s4] =	dma.local [hbm:s3], $0xF7A  }
0x26: {  	[smem:$0x3F82] =	sst s1;
	(tag) =	ssettag s2;
	_ =	strace s9  }
0x27: {  	s1 =	sld [smem:$0x3F92]  }
0x28: {  	s2 =	sld [smem:$0x3F93]  }
0x29: {  	s4 =	sld [smem:$0x3F95]  }
0x2a: {  	p0 =	seq.s32 s5, $0x0;
	s5 =	sld [smem:$0x3F96]  }
0x2b: {  	s6 =	sld [smem:$0x3F97]  }
0x2c: {  	s7 =	sld [smem:$0x3F98]  }
0x2d: {  	s3 =	simm.s32 $0x108;
	s8 =	sld [smem:$0x3F99]  }
0x2e: {  	s3 =	simm.s32 @!p0 $0x1082;
	s9 =	sld [smem:$0x3F9A]  }
0x2f: {  	lr =	sadd.s32 s0, s3;
	s0 =	sld [smem:$0x3F91]  }
0x30: {  	s3 =	sld [smem:$0x3F94]  }
0x31: {  	[smem:$0x3F9D] =	sst s10  }
0x32: {  	s10 =	sld [smem:$0x3F9B];
	_ =	sdelay $0x3  }
0x33: {  	p0 =	seq.s32 s10, $0x1;
	s10 =	sld [smem:$0x3F9D];
	_ =	sdelay $0x3  }
0x34: {  	[smem:$0x3F9D] =	sst s10  }
0x35: {  	s10 =	sld [smem:$0x3F9C];
	_ =	sdelay $0x3  }
0x36: {  	p1 =	seq.s32 s10, $0x1;
	s10 =	sld [smem:$0x3F9D];
	_ =	sdelay $0x3  }
0x37: {  	[smem:$0x3F9D] =	sst s10  }
0x38: {  	s10 =	sld [smem:$0x3F9E]  }
0x39: {  	_ = 	snop;
	(pc) =	sbr.ind lr, $3  }
0x3a: {  	_ = 	snop  }
0x3b: {  	_ = 	snop  }
0x3c: {  	p2 =	seq.s32 s10, $0x1;
	s10 =	sld [smem:$0x3F9D]  }
0x3d: {  	_ =	shalt  }
0x3e: {  	_ =	shalt  }
0x3f: {  	_ =	shalt  }
0x40: {  	_ =	shalt  }
0x41: {  	_ =	shalt  }
0x42: {  	_ =	shalt  }
0x43: {  	_ =	shalt  }
0x44: {  	_ =	shalt  }
0x45: {  	_ =	shalt  }
0x46: {  	_ =	shalt  }
0x47: {  	_ =	shalt  }
0x48: {  	_ =	shalt  }
0x49: {  	_ =	shalt  }
0x4a: {  	_ =	shalt  }
0x4b: {  	_ =	shalt  }
0x4c: {  	_ =	shalt  }
0x4d: {  	_ =	shalt  }
0x4e: {  	_ =	shalt  }
0x4f: {  	_ =	shalt  }
0x50: {  	_ =	shalt  }
0x51: {  	_ =	shalt  }
0x52: {  	_ =	shalt  }
0x53: {  	_ =	shalt  }
0x54: {  	_ =	shalt  }
0x55: {  	_ =	shalt  }
0x56: {  	_ =	shalt  }
0x57: {  	_ =	shalt  }
0x58: {  	_ =	shalt  }
0x59: {  	_ =	shalt  }
0x5a: {  	_ =	shalt  }
0x5b: {  	_ =	shalt  }
0x5c: {  	_ =	shalt  }
0x5d: {  	_ =	shalt  }
0x5e: {  	_ =	shalt  }
0x5f: {  	_ =	shalt  }
0x60: {  	_ =	shalt  }
0x61: {  	_ =	shalt  }
0x62: {  	_ =	shalt  }
0x63: {  	_ =	shalt  }
0x64: {  	_ =	shalt  }
0x65: {  	_ =	shalt  }
0x66: {  	_ =	shalt  }
0x67: {  	_ =	shalt  }
0x68: {  	_ =	shalt  }
0x69: {  	_ =	shalt  }
0x6a: {  	_ =	shalt  }
0x6b: {  	_ =	shalt  }
0x6c: {  	_ =	shalt  }
0x6d: {  	_ =	shalt  }
0x6e: {  	_ =	shalt  }
0x6f: {  	_ =	shalt  }
0x70: {  	_ =	shalt  }
0x71: {  	_ =	shalt  }
0x72: {  	_ =	shalt  }
0x73: {  	_ =	shalt  }
0x74: {  	_ =	shalt  }
0x75: {  	_ =	shalt  }
0x76: {  	_ =	shalt  }
0x77: {  	_ =	shalt  }
0x78: {  	_ =	shalt  }
0x79: {  	_ =	shalt  }
0x7a: {  	_ =	shalt  }
0x7b: {  	_ =	shalt  }
0x7c: {  	_ =	shalt  }
0x7d: {  	_ =	shalt  }
0x7e: {  	_ =	shalt  }
0x7f: {  	_ =	shalt  }
0x80: {  	_ =	shalt  }
0x81: {  	_ =	shalt  }
0x82: {  	_ =	shalt  }
0x83: {  	_ =	shalt  }
0x84: {  	_ =	shalt  }
0x85: {  	_ =	shalt  }
0x86: {  	_ =	shalt  }
0x87: {  	_ =	shalt  }
.Lfunc_end0:
.L_simem_size_0:
called_computation_lowered:
.L_overlay_start_0:
0x88: {  	s2 =	sld [smem:$0x3FD9]  }
0x89: {  	s3 =	sld [smem:$0x3FFE];
	_ =	sdelay $0x1  }
0x8a: {  	s1 =	srdreg.scid  }
0x8b: {  	s0 =	sand.u32 $0x1, s1  }
0x8c: {  	s17 =	sshll.u32 s0, $0xA;
	s2 =	sadd.s32 s3, s2  }
0x8d: {  	s2 =	sadd.s32 s2, s17  }
0x8e: {  	[smem:$0x3FA9] =	sst s2  }
0x8f: {  	_ = 	snop  }
0x90: {  	s2 =	sld [smem:$0x3FC9]  }
0x91: {  	s18 =	sld [smem:$0x3FC6];
	(tm) =	ssettm $0x1  }
0x92: {  	s4 =	sld [smem:$0x3FFB];
	_ =	sdelay $0x3  }
0x93: {  	_ =	strace s4  }
0x94: {  	s4 =	sld [smem:$0x3FFC];
	_ =	sdelay $0x3  }
0x95: {  	_ =	strace s4  }
0x96: {  	s4 =	sld [smem:$0x3FFD];
	_ =	sdelay $0x3  }
0x97: {  	_ =	strace s4  }
0x98: {  	_ =	strace $0x8FFFFFFF  }
0x99: {  	s19 =	sld [smem:$0x3FDB];
	_ =	sdelay $0x1  }
0x9a: {  	s5 =	simm.s32 $_scs_section_size  }
0x9b: {  	s6 =	simm.s32 $_size__tile_overlayer_lowered;
	s7 =	simm.s32 $_tile_overlayer_lowered  }
0x9c: {  	s22 =	simm.s32 $0x1BFF;
	s21 =	sshll.u32 s7, $0x1;
	s4 =	sadd.s32 s5, s19  }
0x9d: {  	s8 =	simm.s32 $0x0;
	s20 =	sshll.u32 s6, $0x1;
	s6 =	sadd.s32 s21, s4  }
0x9e: {  	[timem:s8], [sflag:s22] =	dma.local [hbm:s6], s20  }
0x9f: {  	_ =	swait.ge [sflag:s22], s20  }
0xa0: {  	s5 =	ssub.s32 $0x0, s20;
	[sflag:s22] =	ssyncset.done $0x0  }
0xa1: {  	[sflag:s22] =	ssyncadd.s32 s5;
	_ =	sdelay $0x1  }
0xa2: {  	s23 =	simm.s32 $0x1B8B  }
0xa3: {  	_ =	swait.ge [sflag:s23], $0x1  }
0xa4: {  	[sflag:s23] =	ssyncset.done $0x0  }
0xa5: {  	s25 =	simm.s32 $0x1B8E;
	s24 =	sld [smem:$0x3FFE];
	[sflag:s23] =	ssyncadd.s32 $0xFFFFFFFF  }
0xa6: {  	s26 =	simm.s32 $execute0_lowered;
	[smem:$0x3FD2] =	sst s25  }
0xa7: {  	s6 =	sshll.u32 s26, $0x1;
	_ =	strace $0x80000046;
	[dreg:$0x1] =	wrdreg $0xFFFFFFFF  }
0xa8: {  	s28 =	simm.s32 $_size_execute0_lowered;
	s4 =	sadd.s32 s4, s6;
	[dreg:$0x0] =	wrdreg $0x0  }
0xa9: {  	s6 =	sshll.u32 s28, $0x1;
	[dreg:$0x2] =	wrdreg s4  }
0xaa: {  	[dreg:$0x3] =	wrdreg s6  }
0xab: {  	[dreg:$0x4] =	wrdreg $0xC0  }
0xac: {  	_ =	task [dreg:s8], $0x5FFFF  }
0xad: {  	[dreg:$0x1] =	wrdreg $0xFFFFFFFF  }
0xae: {  	[dreg:$0x0] =	wrdreg $0x60  }
0xaf: {  	[dreg:$0x2] =	wrdreg s24  }
0xb0: {  	[dreg:$0x3] =	wrdreg s2  }
0xb1: {  	[dreg:$0x4] =	wrdreg s18  }
0xb2: {  	[dreg:$0x5] =	wrdreg $0x9  }
0xb3: {  	_ =	task.clear_ibuf [dreg:s8], $0x6FFFF;
	_ =	strace $0x90000046  }
0xb4: {  	s29 =	simm.s32 $0x9;
	_ =	strace $0x80000048  }
0xb5: {  	_ =	swait.ge [sflag:s29], $0x1  }
0xb6: {  	[sflag:s29] =	ssyncadd.s32 $0xFFFFFFFF  }
0xb7: {  	_ =	strace $0x90000048  }
0xb8: {  	_ =	sfence  }
0xb9: {  	s30 =	sld [smem:$0x0];
	_ =	sdelay $0x2  }
0xba: {  	s31 =	sshll.u32 s1, $0xD;
	s1 =	sshrl.u32 s1, $0x2  }
0xbb: {  	s3 =	sand.u32 $0x4000, s31;
	s1 =	sadd.s32 s1, s30  }
0xbc: {  	s0 =	sor.u32 s3, s0;
	s1 =	sshll.u32 s1, $0x11  }
0xbd: {  	s0 =	sor.u32 s1, s0  }
0xbe: {  	s0 =	sadd.s32 $0x8F2B, s0  }
0xbf: {  	[sflag:s0] =	ssyncadd.remote.s32 $0x1  }
0xc0: {  	_ =	sfence.sel $0xFFFF  }
0xc1: {  	[dreg:$0x0] =	wrdreg $0xFFFFFFFF;
	(pc) =	sbr.abs _section_cstart, $3  }
0xc2: {  	[dreg:$0x1] =	wrdreg $0xFFFFFFFF  }
0xc3: {  	_ =	task.clear_ibuf [dreg:s8], $0x2FFFF;
	_ =	strace $0x9FFFFFFF  }
0xc4: {  	(tm) =	ssettm $0x7FFFFFFF  }
0xc5: {  	_ =	shalt  }
tec
execute0_lowered:
.L_overlay_start_1:
0x0: {  	(tag) =	ssettag $0x1  }
0x1: {  	s0 =	rddreg [dreg:$0x0]  }
0x2: {  	s1 =	rddreg [dreg:$0x1]  }
0x3: {  	s5 =	rddreg [dreg:$0x2]  }
0x4: {  	s2 =	srdreg.scid;
	s3 =	stileid.u32  }
0x5: {  	s29 =	simm.s32 $0x38;
	s31 =	simm.s32 $0x80;
	s28 =	simm.s32 $0xE800  }
0x6: {  	s30 =	simm.s32 $0x3;
	s6 =	sand.u32 $0x1, s2;
	s2 =	simm.s32 $0x0  }
0x7: {  	s3 =	sshll.u32 s3, $0xA;
	s10 =	sadd.s32 $0xC7A00, s0;
	[smem:$0x7FF] =	sst s2  }
0x8: {  	s4 =	sshll.u32 s6, $0x9;
	s6 =	ssub.s32 $0x2, s6;
	_ =	strace $0x80000047  }
0x9: {  	s7 =	sor.u32 s4, s3;
	s3 =	sadd.s32 $0x18E600, s0;
	s4 =	sadd.s32 $0x251C00, s0  }
0xa: {  	s11 =	sshrl.u32 s6, $0x1;
	s8 =	sshll.u32 s7, $0x4;
	s26 =	sshrl.u32 s7, $0x3  }
0xb: {  	s6 =	ssub.s32 s6, s11;
	s14 =	sor.u32 $0x80, s7;
	s13 =	sadd.s32 s5, s26  }
0xc: {  	s17 =	sor.u32 $0x100, s7;
	s11 =	sadd.s32 s1, s26;
	[dreg:$0x6] =	wrdreg s13  }
0xd: {  	s9 =	sadd.s32 s8, s0;
	s15 =	sadd.s32 s10, s8;
	[dreg:$0x7] =	wrdreg s11  }
0xe: {  	s7 =	sor.u32 $0x180, s7;
	s25 =	sadd.s32 $0x7A00, s9;
	[dreg:$0x8] =	wrdreg s15  }
0xf: {  	s16 =	sshrl.u32 s14, $0x3;
	s12 =	sadd.s32 $0x7A80, s9;
	[dreg:$0x4] =	wrdreg s25  }
0x10: {  	s18 =	sshrl.u32 s17, $0x3;
	s13 =	sadd.s32 s1, s16;
	[dreg:$0x5] =	wrdreg s12  }
0x11: {  	s19 =	sshrl.u32 s7, $0x3;
	s15 =	sadd.s32 s1, s18;
	[dreg:$0x9] =	wrdreg s13  }
0x12: {  	s0 =	sadd.s32 $0x107A00, s0;
	s1 =	sadd.s32 s1, s19;
	[dreg:$0xb] =	wrdreg s15  }
0x13: {  	s24 =	sshll.u32 s7, $0x4;
	s20 =	sadd.s32 s5, s16;
	[dreg:$0xc] =	wrdreg s1  }
0x14: {  	s7 =	simm.s32 $0x0;
	s21 =	sadd.s32 s5, s18;
	[dreg:$0xd] =	wrdreg s20  }
0x15: {  	s22 =	sadd.s32 s5, s19;
	s26 =	sadd.s32 s0, s8;
	[dreg:$0xe] =	wrdreg s21  }
0x16: {  	s5 =	simm.s32 $0xEC80;
	s12 =	sshll.u32 s14, $0x4;
	[dreg:$0xf] =	wrdreg s22  }
0x17: {  	s13 =	sshll.u32 s17, $0x4;
	s25 =	sadd.s32 s10, s24;
	[dreg:$0x12] =	wrdreg s26  }
0x18: {  	s22 =	sadd.s32 s0, s24;
	s24 =	smax.u32 s6, $0x1;
	s26 =	simm.s32 $0x1  }
0x19: {  	s1 =	simm.s32 $0x2;
	s6 =	simm.s32 $0x40;
	s14 =	sadd.s32 s10, s12  }
0x1a: {  	s23 =	sadd.s32 s10, s13;
	[dreg:$0x11] =	wrdreg s25;
	s20 =	sadd.s32 s0, s12  }
0x1b: {  	s21 =	sadd.s32 s0, s13;
	s25 =	sadd.s32 $0x7B00, s9;
	[dreg:$0xa] =	wrdreg s14  }
0x1c: {  	v0 =	vimm.f32 $0.0e+00;
	s0 =	simm.s32 $0xEC00;
	[dreg:$0x10] =	wrdreg s23;
	s23 =	sadd.s32 $0x87A00, s9  }
.LBB2_1:
0x1d: {  	[tilespmem:$0xE840] =	vst v0  }
0x1e: {  	[tilespmem:$0xE850] =	vst v0  }
0x1f: {  	[tilespmem:$0xE860] =	vst v0  }
0x20: {  	[tilespmem:$0xE870] =	vst v0  }
0x21: {  	[tilespmem:$0xE8C0] =	vst v0  }
0x22: {  	[tilespmem:$0xE8D0] =	vst v0  }
0x23: {  	[tilespmem:$0xE8E0] =	vst v0  }
0x24: {  	[tilespmem:$0xE8F0] =	vst v0  }
0x25: {  	[tilespmem:$0xE940] =	vst v0  }
0x26: {  	[tilespmem:$0xE950] =	vst v0  }
0x27: {  	[tilespmem:$0xE960] =	vst v0  }
0x28: {  	[tilespmem:$0xE970] =	vst v0  }
0x29: {  	[tilespmem:$0xE9C0] =	vst v0  }
0x2a: {  	[tilespmem:$0xE9D0] =	vst v0  }
0x2b: {  	[tilespmem:$0xE9E0] =	vst v0  }
0x2c: {  	[tilespmem:$0xE9F0] =	vst v0  }
0x2d: {  	[tilespmem:$0xEA40] =	vst v0  }
0x2e: {  	[tilespmem:$0xEA50] =	vst v0  }
0x2f: {  	[tilespmem:$0xEA60] =	vst v0  }
0x30: {  	[tilespmem:$0xEA70] =	vst v0  }
0x31: {  	[tilespmem:$0xEAC0] =	vst v0  }
0x32: {  	[tilespmem:$0xEAD0] =	vst v0  }
0x33: {  	[tilespmem:$0xEAE0] =	vst v0  }
0x34: {  	[tilespmem:$0xEAF0] =	vst v0  }
0x35: {  	[tilespmem:$0xEB40] =	vst v0  }
0x36: {  	[tilespmem:$0xEB50] =	vst v0  }
0x37: {  	[tilespmem:$0xEB60] =	vst v0  }
0x38: {  	[tilespmem:$0xEB70] =	vst v0  }
0x39: {  	[tilespmem:$0xEBC0] =	vst v0  }
0x3a: {  	[tilespmem:$0xEBD0] =	vst v0  }
0x3b: {  	[tilespmem:$0xEBE0] =	vst v0  }
0x3c: {  	[tilespmem:$0xEBF0] =	vst v0;
	s8 =	rddreg [dreg:$0x4]  }
0x3d: {  	[tilespmem:s2], [sflag:$0x1] =	stream.linear.gather [hbm4b:s8+s2], $0x400, $0x38;
	[tilespmem:$0x10C80] =	vst v63  }
0x3e: {  	_ =	swait.ge [sflag:s26], $0x400  }
0x3f: {  	[sflag:s26] =	ssyncset.done $0x0  }
0x40: {  	s9 =	simm.s32 $0x400;
	s15 =	rddreg [dreg:$0x5];
	[sflag:s26] =	ssyncadd.s32 $0xFFFFFC00  }
0x41: {  	[tilespmem:s9], [sflag:$0x1] =	stream.linear.gather [hbm4b:s15+s2], $0x400, $0x38;
	[tilespmem:$0x10C80] =	vst v63  }
0x42: {  	s16 =	simm.s32 $0x800  }
0x43: {  	[tilespmem:s16], [sflag:$0x2] =	stream.indirect.gather [hbm4b:s3+s29], $0x40, s2, s29, $0xb8;
	[tilespmem:$0x10C80] =	vst v63  }
0x44: {  	s17 =	simm.s32 $0x1600  }
0x45: {  	[tilespmem:s17], [sflag:$0x2] =	stream.indirect.gather [hbm4b:s3+s29], $0x40, s31, s29, $0xb8;
	[tilespmem:$0x10C80] =	vst v63  }
0x46: {  	s18 =	simm.s32 $0x100;
	s19 =	simm.s32 $0x2400  }
0x47: {  	[tilespmem:s19], [sflag:$0x2] =	stream.indirect.gather [hbm4b:s3+s29], $0x40, s18, s29, $0xb8;
	[tilespmem:$0x10C80] =	vst v63  }
0x48: {  	s10 =	simm.s32 $0x180;
	s11 =	simm.s32 $0x3200  }
0x49: {  	[tilespmem:s11], [sflag:$0x2] =	stream.indirect.gather [hbm4b:s3+s29], $0x40, s10, s29, $0xb8;
	[tilespmem:$0x10C80] =	vst v63  }
0x4a: {  	s12 =	simm.s32 $0x200;
	s13 =	simm.s32 $0x4000  }
0x4b: {  	[tilespmem:s13], [sflag:$0x2] =	stream.indirect.gather [hbm4b:s3+s29], $0x40, s12, s29, $0xb8;
	[tilespmem:$0x10C80] =	vst v63  }
0x4c: {  	s14 =	simm.s32 $0x280;
	s15 =	simm.s32 $0x4E00  }
0x4d: {  	[tilespmem:s15], [sflag:$0x2] =	stream.indirect.gather [hbm4b:s3+s29], $0x40, s14, s29, $0xb8;
	[tilespmem:$0x10C80] =	vst v63  }
0x4e: {  	p0 =	por $0x0, $0x0;
	s16 =	simm.s32 $0x300;
	s17 =	simm.s32 $0x5C00  }
0x4f: {  	[tilespmem:s17], [sflag:$0x2] =	stream.indirect.gather [hbm4b:s3+s29], $0x40, s16, s29, $0xb8;
	[tilespmem:$0x10C80] =	vst v63  }
0x50: {  	s8 =	simm.s32 $0x0;
	s18 =	simm.s32 $0x380;
	s19 =	simm.s32 $0x6A00  }
0x51: {  	[tilespmem:s19], [sflag:$0x2] =	stream.indirect.gather [hbm4b:s3+s29], $0x40, s18, s29, $0xb8;
	[tilespmem:$0x10C80] =	vst v63  }
.LBB2_2:
0x52: {  	s9 =	sand.u32 $0x1, s8;
	p1 =	seq.s32 s8, $0x3F  }
0x53: {  	s10 =	sxor.u32 @!p1 $0x1, s9;
	s11 =	simm.s32 @!p1 $0x1  }
0x54: {  	_ =	swait.ge @!p1 [sflag:s11], $0x400;
	s12 =	smul.u32 @!p1 $0x1C000, s10  }
0x55: {  	[sflag:s11] =	ssyncset.done @!p1 $0x0  }
0x56: {  	[sflag:s11] =	ssyncadd.s32 @!p1 $0xFFFFFC00;
	s11 =	sshrl.u32 @!p1 s12, $0x2  }
0x57: {  	s13 =	simm.s32 @!p1 $0x38;
	s10 =	sshll.u32 @!p1 s10, $0xA;
	s12 =	sor.u32 @!p1 $0x800, s11  }
0x58: {  	[tilespmem:s12], [sflag:$0x2] =	stream.indirect.gather @!p1 [hbm4b:s3+s13], $0x40, s10, s13, $0xb8;
	[tilespmem:$0x10C80] =	vst v63  }
0x59: {  	s14 =	sor.u32 @!p1 $0x80, s10;
	s12 =	sadd.s32 @!p1 $0x1600, s11  }
0x5a: {  	[tilespmem:s12], [sflag:$0x2] =	stream.indirect.gather @!p1 [hbm4b:s3+s13], $0x40, s14, s13, $0xb8;
	[tilespmem:$0x10C80] =	vst v63  }
0x5b: {  	s12 =	sadd.s32 @!p1 $0x2400, s11;
	s14 =	sor.u32 @!p1 $0x100, s10  }
0x5c: {  	[tilespmem:s12], [sflag:$0x2] =	stream.indirect.gather @!p1 [hbm4b:s3+s13], $0x40, s14, s13, $0xb8;
	[tilespmem:$0x10C80] =	vst v63  }
0x5d: {  	s12 =	sadd.s32 @!p1 $0x3200, s11;
	s14 =	sor.u32 @!p1 $0x180, s10  }
0x5e: {  	[tilespmem:s12], [sflag:$0x2] =	stream.indirect.gather @!p1 [hbm4b:s3+s13], $0x40, s14, s13, $0xb8;
	[tilespmem:$0x10C80] =	vst v63  }
0x5f: {  	s12 =	sadd.s32 @!p1 $0x4000, s11;
	s14 =	sor.u32 @!p1 $0x200, s10  }
0x60: {  	[tilespmem:s12], [sflag:$0x2] =	stream.indirect.gather @!p1 [hbm4b:s3+s13], $0x40, s14, s13, $0xb8;
	[tilespmem:$0x10C80] =	vst v63  }
0x61: {  	s12 =	sadd.s32 @!p1 $0x4E00, s11;
	s14 =	sor.u32 @!p1 $0x280, s10  }
0x62: {  	[tilespmem:s12], [sflag:$0x2] =	stream.indirect.gather @!p1 [hbm4b:s3+s13], $0x40, s14, s13, $0xb8;
	[tilespmem:$0x10C80] =	vst v63  }
0x63: {  	s12 =	sadd.s32 @!p1 $0x5C00, s11;
	s14 =	sor.u32 @!p1 $0x300, s10  }
0x64: {  	[tilespmem:s12], [sflag:$0x2] =	stream.indirect.gather @!p1 [hbm4b:s3+s13], $0x40, s14, s13, $0xb8;
	[tilespmem:$0x10C80] =	vst v63  }
0x65: {  	s11 =	sadd.s32 @!p1 $0x6A00, s11;
	s10 =	sor.u32 @!p1 $0x380, s10  }
0x66: {  	[tilespmem:s11], [sflag:$0x2] =	stream.indirect.gather @!p1 [hbm4b:s3+s13], $0x40, s10, s13, $0xb8;
	[tilespmem:$0x10C80] =	vst v63  }
0x67: {  	_ =	swait.ge [sflag:s1], $0xE00  }
0x68: {  	[sflag:s1] =	ssyncset.done $0x0  }
0x69: {  	[sflag:s1] =	ssyncadd.s32 $0xFFFFF200  }
0x6a: {  	_ =	swait.ge [sflag:s1], $0xE00  }
0x6b: {  	[sflag:s1] =	ssyncset.done $0x0  }
0x6c: {  	[sflag:s1] =	ssyncadd.s32 $0xFFFFF200  }
0x6d: {  	_ =	swait.ge [sflag:s1], $0xE00  }
0x6e: {  	[sflag:s1] =	ssyncset.done $0x0  }
0x6f: {  	[sflag:s1] =	ssyncadd.s32 $0xFFFFF200  }
0x70: {  	_ =	swait.ge [sflag:s1], $0xE00  }
0x71: {  	[sflag:s1] =	ssyncset.done $0x0  }
0x72: {  	[sflag:s1] =	ssyncadd.s32 $0xFFFFF200  }
0x73: {  	_ =	swait.ge [sflag:s1], $0xE00  }
0x74: {  	[sflag:s1] =	ssyncset.done $0x0  }
0x75: {  	[sflag:s1] =	ssyncadd.s32 $0xFFFFF200  }
0x76: {  	_ =	swait.ge [sflag:s1], $0xE00  }
0x77: {  	[sflag:s1] =	ssyncset.done $0x0  }
0x78: {  	[sflag:s1] =	ssyncadd.s32 $0xFFFFF200  }
0x79: {  	s10 =	simm.s32 $0x1;
	_ =	swait.ge [sflag:s1], $0xE00  }
0x7a: {  	s10 =	simm.s32 @!p0 $0x0;
	[sflag:s1] =	ssyncset.done $0x0  }
0x7b: {  	s10 =	smul.u32 $0x1C000, s10;
	[sflag:s1] =	ssyncadd.s32 $0xFFFFF200  }
0x7c: {  	_ =	swait.ge [sflag:s1], $0xE00  }
0x7d: {  	s14 =	sshrl.u32 s10, $0x2;
	[sflag:s1] =	ssyncset.done $0x0  }
0x7e: {  	s15 =	sor.u32 $0x8A0, s14;
	[sflag:s1] =	ssyncadd.s32 $0xFFFFF200  }
0x7f: {  	s16 =	simm.s32 $0x44;
	v4 =	vimm.f32 $0.0e+00;
	s17 =	simm.s32 $0x43;
	s12 =	simm.s32 $0x40;
	v3 =	vld [tilespmem:s15+$0x60]  }
0x80: {  	s18 =	simm.s32 $0x42;
	v7 =	vmov s16;
	v8 =	vmov s17;
	v2 =	vmov s12;
	s13 =	sshll.u32 s9, $0xA;
	v5 =	vld [tilespmem:s15+$0x70]  }
0x81: {  	s19 =	simm.s32 $0x41;
	v9 =	vmov s18;
	v2 =	vand.u32 $0xFF, v2;
	v1 =	vmov s13;
	v6 =	vld [tilespmem:s15+$0x20]  }
0x82: {  	v14 =	vmov s19;
	v10 =	vand.u32 $0xFF, v7;
	v2 =	vor.u32 v1, v2;
	v7 =	vld [tilespmem:s15+$0x30]  }
0x83: {  	v11 =	vand.u32 $0xFF, v8;
	v15 =	vand.u32 $0xFF, v9;
	v2 =	vbroadcast v2, $0x0;
	v8 =	vld [tilespmem:s15+$0xFFFFFFE0]  }
0x84: {  	s16 =	simm.s32 $0x45;
	v9 =	vimm.f32 $0.0e+00;
	v10 =	vor.u32 v1, v10;
	v17 =	vor.u32 v1, v11;
	s10 =	sor.u32 $0x800, s14;
	s11 =	sadd.s32 $0x4130, s14;
	v12 =	vld [tilespmem:s15+$0xFFFFFFF0]  }
0x85: {  	v11 =	vimm.f32 $0.0e+00;
	v16 =	vbroadcast v10, $0x0;
	v10 =	vimm.f32 $0.0e+00;
	s12 =	sadd.s32 $0x3330, s14;
	s13 =	sadd.s32 $0x2530, s14;
	s14 =	sadd.s32 $0x1730, s14;
	v13 =	vld [tilespmem:s15+$0xFFFFFFA0]  }
.LBB2_3:
0x86: {  	p1 =	sne.s32 s16, $0x6D;
	v18 =	vld [tilespmem:s15+$0xFFFFFF60];
	v14 =	vand.u32 $0xFF, v14;
	v15 =	vor.u32 v1, v15;
	v17 =	vbroadcast v17, $0x0  }
0x87: {  	v19 =	vld [tilespmem:s15+$0xFFFFFF70];
	v14 =	vor.u32 v1, v14;
	v15 =	vbroadcast v15, $0x0  }
0x88: {  	v20 =	vld [tilespmem:s15+$0xFFFFFF80];
	v14 =	vbroadcast v14, $0x0  }
0x89: {  	v21 =	vld.idx.msk [tilespmem:v2+s2+$0x0], $0xffff  }
0x8a: {  	v22 =	vld [tilespmem:s15+$0xFFFFFF90]  }
0x8b: {  	v2 =	vmov s16;
	v16 =	vld.idx.msk [tilespmem:v16+s2+$0x0], $0xffff  }
0x8c: {  	v2 =	vand.u32 $0xFF, v2;
	v17 =	vld.idx.msk [tilespmem:v17+s2+$0x0], $0xffff  }
0x8d: {  	s17 =	sadd.s32 $0x3, s16;
	s18 =	sadd.s32 $0x4, s16;
	v2 =	vor.u32 v1, v2;
	v23 =	vld.idx.msk [tilespmem:v15+s2+$0x0], $0xffff  }
0x8e: {  	s19 =	sadd.s32 $0x2, s16;
	v24 =	vmov s18;
	v2 =	vbroadcast v2, $0x0;
	v15 =	vmov s17;
	v25 =	vld.idx.msk [tilespmem:v14+s2+$0x0], $0xffff  }
0x8f: {  	v26 =	vmov s19;
	s17 =	sadd.s32 $0x1, s16;
	v18 =	vmul.f32 v21, v18;
	v19 =	vmul.f32 v21, v19;
	v27 =	vld [tilespmem:s15+$0xFFFFFFB0]  }
0x90: {  	v14 =	vmov s17;
	v20 =	vmul.f32 v21, v20;
	v21 =	vmul.f32 v21, v22;
	v22 =	vld [tilespmem:s15+$0xFFFFFFC0]  }
0x91: {  	v24 =	vand.u32 $0xFF, v24;
	v29 =	vmul.f32 v16, v3;
	v30 =	vmul.f32 v16, v5;
	v28 =	vld [tilespmem:s15+$0xFFFFFFD0]  }
0x92: {  	v31 =	vand.u32 $0xFF, v15;
	v32 =	vmul.f32 v17, v6;
	v33 =	vmul.f32 v17, v7;
	v3 =	vld [tilespmem:s15+$0x0]  }
0x93: {  	v15 =	vand.u32 $0xFF, v26;
	v6 =	vmul.f32 v23, v8;
	v7 =	vmul.f32 v23, v12;
	v5 =	vld [tilespmem:s15+$0x10]  }
0x94: {  	v24 =	vor.u32 v1, v24;
	v8 =	vmul.f32 v25, v13;
	v12 =	vmul.f32 v25, v27;
	v13 =	vld [tilespmem:s15+$0x40]  }
0x95: {  	v4 =	vadd.f32 v18, v4;
	v11 =	vadd.f32 v19, v11;
	v18 =	vmul.f32 v25, v22;
	v19 =	vld [tilespmem:s15+$0x50]  }
0x96: {  	v10 =	vadd.f32 v20, v10;
	v9 =	vadd.f32 v21, v9;
	v20 =	vmul.f32 v25, v28;
	v21 =	vld [tilespmem:s15+$0x80]  }
0x97: {  	v4 =	vadd.f32 v8, v4;
	v8 =	vadd.f32 v12, v11;
	v11 =	vmul.f32 v23, v3;
	v12 =	vld [tilespmem:s15+$0x90];
	s15 =	sadd.s32 $0x140, s15  }
0x98: {  	v10 =	vadd.f32 v18, v10;
	v3 =	vld [tilespmem:s15+$0x60];
	v9 =	vadd.f32 v20, v9;
	v18 =	vmul.f32 v23, v5  }
0x99: {  	v4 =	vadd.f32 v6, v4;
	v8 =	vadd.f32 v7, v8;
	v5 =	vld [tilespmem:s15+$0x70];
	v13 =	vmul.f32 v17, v13  }
.Ltmp0:
0x9a: {  	v10 =	vadd.f32 v11, v10;
	v6 =	vld [tilespmem:s15+$0x20];
	v9 =	vadd.f32 v18, v9;
	v11 =	vmul.f32 v17, v19;
	(pc) =	sbr.rel @p1 .LBB2_3-.Ltmp0, $4  }
0x9b: {  	v4 =	vadd.f32 v32, v4;
	v18 =	vadd.f32 v33, v8;
	v7 =	vld [tilespmem:s15+$0x30];
	v19 =	vmul.f32 v16, v21  }
0x9c: {  	v10 =	vadd.f32 v13, v10;
	v8 =	vld [tilespmem:s15+$0xFFFFFFE0];
	v9 =	vadd.f32 v11, v9;
	v20 =	vmul.f32 v16, v12  }
0x9d: {  	v17 =	vor.u32 v1, v31;
	v4 =	vadd.f32 v29, v4;
	v11 =	vadd.f32 v30, v18;
	v12 =	vld [tilespmem:s15+$0xFFFFFFF0]  }
0x9e: {  	s16 =	sadd.s32 $0x5, s16;
	v16 =	vbroadcast v24, $0x0;
	v10 =	vadd.f32 v19, v10;
	v13 =	vld [tilespmem:s15+$0xFFFFFFA0];
	v9 =	vadd.f32 v20, v9  }
0x9f: {  	_ = 	snop  }
0xa0: {  	v18 =	vld [tilespmem:s15+$0xFFFFFF60];
	v14 =	vand.u32 $0xFF, v14  }
0xa1: {  	v17 =	vbroadcast v17, $0x0;
	v19 =	vld [tilespmem:s15+$0xFFFFFF70];
	v14 =	vor.u32 v1, v14  }
0xa2: {  	v20 =	vld [tilespmem:s15+$0xFFFFFF80];
	v14 =	vbroadcast v14, $0x0  }
0xa3: {  	v15 =	vor.u32 v1, v15;
	v2 =	vld.idx.msk [tilespmem:v2+s2+$0x0], $0xffff  }
0xa4: {  	v21 =	vld [tilespmem:s15+$0xFFFFFF90];
	v15 =	vbroadcast v15, $0x0  }
0xa5: {  	v22 =	vld [tilespmem:s15+$0xFFFFFFB0]  }
0xa6: {  	v16 =	vld.idx.msk [tilespmem:v16+s2+$0x0], $0xffff  }
0xa7: {  	v17 =	vld.idx.msk [tilespmem:v17+s2+$0x0], $0xffff  }
0xa8: {  	v18 =	vmul.f32 v2, v18;
	v19 =	vmul.f32 v2, v19;
	v14 =	vld.idx.msk [tilespmem:v14+s2+$0x0], $0xffff  }
0xa9: {  	v20 =	vmul.f32 v2, v20;
	v2 =	vmul.f32 v2, v21;
	v21 =	vld [tilespmem:s15+$0xFFFFFFC0]  }
0xaa: {  	v15 =	vld.idx.msk [tilespmem:v15+s2+$0x0], $0xffff  }
0xab: {  	v23 =	vld [tilespmem:s15+$0xFFFFFFD0];
	v3 =	vmul.f32 v16, v3  }
0xac: {  	v24 =	vld [tilespmem:s15+$0x0];
	v5 =	vmul.f32 v16, v5;
	v4 =	vadd.f32 v18, v4;
	v11 =	vadd.f32 v19, v11  }
0xad: {  	v25 =	vld [tilespmem:s15+$0x10];
	v10 =	vadd.f32 v20, v10;
	v6 =	vmul.f32 v17, v6;
	v13 =	vmul.f32 v14, v13  }
0xae: {  	v2 =	vadd.f32 v2, v9;
	v7 =	vmul.f32 v17, v7;
	v18 =	vmul.f32 v14, v22;
	v22 =	vld [tilespmem:s15+$0x40]  }
0xaf: {  	v8 =	vmul.f32 v15, v8;
	v19 =	vmul.f32 v14, v21;
	v21 =	vld [tilespmem:s15+$0x50];
	v4 =	vadd.f32 v13, v4  }
0xb0: {  	v12 =	vmul.f32 v15, v12;
	v9 =	vmul.f32 v14, v23;
	v13 =	vld [tilespmem:s15+$0x80];
	v11 =	vadd.f32 v18, v11  }
0xb1: {  	v14 =	vmul.f32 v15, v24;
	v18 =	vld [tilespmem:s15+$0x90];
	v10 =	vadd.f32 v19, v10;
	v4 =	vadd.f32 v8, v4  }
0xb2: {  	v2 =	vadd.f32 v9, v2;
	v8 =	vmul.f32 v15, v25;
	v9 =	vadd.f32 v12, v11  }
0xb3: {  	v10 =	vadd.f32 v14, v10;
	v11 =	vmul.f32 v17, v22;
	v4 =	vadd.f32 v6, v4  }
0xb4: {  	v2 =	vadd.f32 v8, v2;
	v6 =	vmul.f32 v17, v21;
	v7 =	vadd.f32 v7, v9  }
0xb5: {  	v8 =	vmul.f32 v16, v13;
	v9 =	vadd.f32 v11, v10;
	v3 =	vadd.f32 v3, v4  }
0xb6: {  	v2 =	vadd.f32 v6, v2;
	v4 =	vmul.f32 v16, v18;
	v5 =	vadd.f32 v5, v7  }
0xb7: {  	v6 =	vadd.f32 v8, v9;
	[tilespmem:$0xE800] =	vst v3  }
0xb8: {  	v2 =	vadd.f32 v4, v2;
	[tilespmem:$0xE810] =	vst v5  }
0xb9: {  	s17 =	simm.s32 $0x43;
	[tilespmem:$0xE820] =	vst v6  }
0xba: {  	v10 =	vmov s17;
	[tilespmem:$0xE830] =	vst v2  }
0xbb: {  	s19 =	simm.s32 $0x40;
	s18 =	simm.s32 $0x44;
	v15 =	vand.u32 $0x7, v10;
	v19 =	vand.u32 $0xF8, v10;
	v4 =	vld [tilespmem:s14+$0xFFFFFFD0]  }
0xbc: {  	v8 =	vmov s18;
	v6 =	vmov s19;
	v2 =	vadd.s32 $0x80, v1;
	v5 =	vld [tilespmem:s14+$0xFFFFFFE0]  }
0xbd: {  	s16 =	simm.s32 $0x42;
	v11 =	vand.u32 $0xF8, v6;
	v12 =	vand.u32 $0x7, v6;
	v2 =	vbroadcast v2, $0x0;
	v6 =	vld [tilespmem:s14+$0xFFFFFF90]  }
0xbe: {  	v9 =	vmov s16;
	v17 =	vand.u32 $0x7, v8;
	v14 =	vand.u32 $0xF8, v8;
	v8 =	vld [tilespmem:s14+$0xFFFFFFA0]  }
0xbf: {  	v3 =	vimm.f32 $0.0e+00;
	v16 =	vand.u32 $0x7, v9;
	v10 =	vld [tilespmem:s14+$0xFFFFFF50];
	v11 =	vadd.s32 v2, v11  }
0xc0: {  	v20 =	vand.u32 $0xF8, v9;
	v9 =	vimm.f32 $0.0e+00;
	s19 =	simm.s32 $0x41;
	v13 =	vld [tilespmem:s14+$0xFFFFFF60];
	v18 =	vor.u32 v12, v11  }
0xc1: {  	v7 =	vmov s19;
	v21 =	vadd.s32 v2, v19;
	v11 =	vadd.s32 v2, v14;
	v14 =	vld [tilespmem:s14+$0xFFFFFF10]  }
0xc2: {  	s15 =	simm.s32 $0x45;
	v12 =	vimm.f32 $0.0e+00;
	v19 =	vor.u32 v17, v11;
	v17 =	vld [tilespmem:s14+$0xFFFFFED0];
	v11 =	vimm.f32 $0.0e+00  }
.LBB2_5:
0xc3: {  	p1 =	sne.s32 s15, $0x6D;
	v22 =	vld [tilespmem:s14+$0xFFFFFEE0];
	v23 =	vand.u32 $0xF8, v7;
	v20 =	vadd.s32 v2, v20;
	v15 =	vor.u32 v15, v21  }
0xc4: {  	v7 =	vand.u32 $0x7, v7;
	v21 =	vld [tilespmem:s14+$0xFFFFFEF0];
	v23 =	vadd.s32 v2, v23;
	v16 =	vor.u32 v16, v20  }
0xc5: {  	v18 =	vld.idx.msk [tilespmem:v18+s2+$0x0], $0xffff;
	v20 =	vor.u32 v7, v23  }
0xc6: {  	v23 =	vld [tilespmem:s14+$0xFFFFFF00]  }
0xc7: {  	v19 =	vld.idx.msk [tilespmem:v19+s2+$0x0], $0xffff  }
0xc8: {  	s16 =	sadd.s32 $0x2, s15;
	s17 =	sadd.s32 $0x3, s15;
	s18 =	sadd.s32 $0x4, s15;
	v7 =	vmov s15;
	v24 =	vld.idx.msk [tilespmem:v15+s2+$0x0], $0xffff  }
0xc9: {  	s19 =	sadd.s32 $0x1, s15;
	v25 =	vmov s16;
	v26 =	vmov s17;
	v15 =	vmov s18;
	v27 =	vld.idx.msk [tilespmem:v16+s2+$0x0], $0xffff  }
0xca: {  	v28 =	vand.u32 $0xF8, v7;
	v29 =	vand.u32 $0x7, v7;
	v7 =	vmov s19;
	v20 =	vld.idx.msk [tilespmem:v20+s2+$0x0], $0xffff  }
0xcb: {  	v30 =	vand.u32 $0x7, v15;
	v17 =	vmul.f32 v18, v17;
	v22 =	vmul.f32 v18, v22;
	v31 =	vld [tilespmem:s14+$0xFFFFFF20]  }
0xcc: {  	v32 =	vand.u32 $0xF8, v15;
	v21 =	vmul.f32 v18, v21;
	v18 =	vmul.f32 v18, v23;
	v23 =	vld [tilespmem:s14+$0xFFFFFF30]  }
0xcd: {  	v15 =	vand.u32 $0x7, v26;
	v34 =	vmul.f32 v19, v4;
	v35 =	vmul.f32 v19, v5;
	v33 =	vld [tilespmem:s14+$0xFFFFFF40]  }
0xce: {  	v26 =	vand.u32 $0xF8, v26;
	v36 =	vmul.f32 v24, v6;
	v37 =	vmul.f32 v24, v8;
	v4 =	vld [tilespmem:s14+$0xFFFFFF70]  }
0xcf: {  	v16 =	vand.u32 $0x7, v25;
	v6 =	vmul.f32 v27, v10;
	v8 =	vmul.f32 v27, v13;
	v5 =	vld [tilespmem:s14+$0xFFFFFF80]  }
0xd0: {  	v13 =	vadd.s32 v2, v28;
	v10 =	vmul.f32 v20, v14;
	v14 =	vmul.f32 v20, v31;
	v28 =	vld [tilespmem:s14+$0xFFFFFFB0]  }
0xd1: {  	v3 =	vadd.f32 v17, v3;
	v12 =	vadd.f32 v22, v12;
	v17 =	vmul.f32 v20, v23;
	v22 =	vld [tilespmem:s14+$0xFFFFFFC0]  }
0xd2: {  	v11 =	vadd.f32 v21, v11;
	v9 =	vadd.f32 v18, v9;
	v18 =	vmul.f32 v20, v33;
	v20 =	vld [tilespmem:s14+$0xFFFFFFF0]  }
0xd3: {  	v3 =	vadd.f32 v10, v3;
	v10 =	vadd.f32 v14, v12;
	v12 =	vmul.f32 v27, v4;
	v14 =	vld [tilespmem:s14+$0x0];
	s14 =	sadd.s32 $0x140, s14  }
0xd4: {  	v11 =	vadd.f32 v17, v11;
	v4 =	vld [tilespmem:s14+$0xFFFFFFD0];
	v9 =	vadd.f32 v18, v9;
	v17 =	vmul.f32 v27, v5  }
0xd5: {  	v3 =	vadd.f32 v6, v3;
	v10 =	vadd.f32 v8, v10;
	v5 =	vld [tilespmem:s14+$0xFFFFFFE0];
	v18 =	vmul.f32 v24, v28  }
0xd6: {  	v11 =	vadd.f32 v12, v11;
	v6 =	vld [tilespmem:s14+$0xFFFFFF90];
	v9 =	vadd.f32 v17, v9;
	v12 =	vmul.f32 v24, v22  }
.Ltmp1:
0xd7: {  	v3 =	vadd.f32 v36, v3;
	v17 =	vadd.f32 v37, v10;
	v8 =	vld [tilespmem:s14+$0xFFFFFFA0];
	v20 =	vmul.f32 v19, v20;
	(pc) =	sbr.rel @p1 .LBB2_5-.Ltmp1, $4  }
0xd8: {  	v11 =	vadd.f32 v18, v11;
	v10 =	vld [tilespmem:s14+$0xFFFFFF50];
	v9 =	vadd.f32 v12, v9;
	v19 =	vmul.f32 v19, v14  }
0xd9: {  	v18 =	vor.u32 v29, v13;
	v3 =	vadd.f32 v34, v3;
	v12 =	vadd.f32 v35, v17;
	v13 =	vld [tilespmem:s14+$0xFFFFFF60]  }
0xda: {  	v22 =	vadd.s32 v2, v32;
	v11 =	vadd.f32 v20, v11;
	v14 =	vld [tilespmem:s14+$0xFFFFFF10];
	v9 =	vadd.f32 v19, v9  }
0xdb: {  	s15 =	sadd.s32 $0x5, s15;
	v21 =	vadd.s32 v2, v26;
	v20 =	vand.u32 $0xF8, v25;
	v19 =	vor.u32 v30, v22;
	v17 =	vld [tilespmem:s14+$0xFFFFFED0]  }
0xdc: {  	_ =	sdelay $0x1  }
0xdd: {  	v22 =	vld [tilespmem:s14+$0xFFFFFEE0];
	v23 =	vand.u32 $0xF8, v7;
	v20 =	vadd.s32 v2, v20  }
0xde: {  	v15 =	vor.u32 v15, v21;
	v60 =	vld [tilespmem:s14+$0xFFFFFEF0];
	v7 =	vand.u32 $0x7, v7;
	v2 =	vadd.s32 v2, v23  }
0xdf: {  	v18 =	vld.idx.msk [tilespmem:v18+s2+$0x0], $0xffff;
	v2 =	vor.u32 v7, v2  }
0xe0: {  	v19 =	vld.idx.msk [tilespmem:v19+s2+$0x0], $0xffff;
	v16 =	vor.u32 v16, v20  }
0xe1: {  	v7 =	vld [tilespmem:s14+$0xFFFFFF00]  }
0xe2: {  	v61 =	vld [tilespmem:s14+$0xFFFFFF20]  }
0xe3: {  	v15 =	vld.idx.msk [tilespmem:v15+s2+$0x0], $0xffff  }
0xe4: {  	v2 =	vld.idx.msk [tilespmem:v2+s2+$0x0], $0xffff  }
0xe5: {  	v17 =	vmul.f32 v18, v17;
	v20 =	vmul.f32 v18, v22;
	v16 =	vld.idx.msk [tilespmem:v16+s2+$0x0], $0xffff  }
0xe6: {  	v21 =	vmul.f32 v18, v60;
	v7 =	vmul.f32 v18, v7;
	v18 =	vld [tilespmem:s14+$0xFFFFFF30]  }
0xe7: {  	v62 =	vld [tilespmem:s14+$0xFFFFFF40];
	v4 =	vmul.f32 v19, v4  }
0xe8: {  	v24 =	vld [tilespmem:s14+$0xFFFFFF70];
	v5 =	vmul.f32 v19, v5;
	v3 =	vadd.f32 v17, v3;
	v12 =	vadd.f32 v20, v12  }
0xe9: {  	v25 =	vld [tilespmem:s14+$0xFFFFFF80];
	v11 =	vadd.f32 v21, v11;
	v6 =	vmul.f32 v15, v6;
	v14 =	vmul.f32 v2, v14  }
0xea: {  	v63 =	vld [tilespmem:s14+$0xFFFFFFB0];
	v7 =	vadd.f32 v7, v9;
	v8 =	vmul.f32 v15, v8;
	v17 =	vmul.f32 v2, v61  }
0xeb: {  	v20 =	vld [tilespmem:s14+$0xFFFFFFC0];
	v10 =	vmul.f32 v16, v10;
	v18 =	vmul.f32 v2, v18;
	v3 =	vadd.f32 v14, v3  }
0xec: {  	v9 =	vld [tilespmem:s14+$0xFFFFFFF0];
	v13 =	vmul.f32 v16, v13;
	v2 =	vmul.f32 v2, v62;
	v12 =	vadd.f32 v17, v12  }
0xed: {  	v14 =	vmul.f32 v16, v24;
	v17 =	vld [tilespmem:s14+$0x0];
	v11 =	vadd.f32 v18, v11;
	v3 =	vadd.f32 v10, v3  }
0xee: {  	v2 =	vadd.f32 v2, v7;
	v7 =	vmul.f32 v16, v25;
	v10 =	vadd.f32 v13, v12  }
0xef: {  	v12 =	vmul.f32 v15, v63;
	v11 =	vadd.f32 v14, v11;
	v3 =	vadd.f32 v6, v3  }
0xf0: {  	v2 =	vadd.f32 v7, v2;
	v6 =	vmul.f32 v15, v20;
	v7 =	vadd.f32 v8, v10  }
0xf1: {  	v8 =	vmul.f32 v19, v9;
	v9 =	vadd.f32 v12, v11;
	v3 =	vadd.f32 v4, v3  }
0xf2: {  	v2 =	vadd.f32 v6, v2;
	v4 =	vmul.f32 v19, v17;
	v5 =	vadd.f32 v5, v7  }
0xf3: {  	v6 =	vadd.f32 v8, v9;
	[tilespmem:$0xE880] =	vst v3  }
0xf4: {  	v2 =	vadd.f32 v4, v2;
	[tilespmem:$0xE890] =	vst v5  }
0xf5: {  	[tilespmem:$0xE8A0] =	vst v6  }
0xf6: {  	s16 =	simm.s32 $0x42;
	[tilespmem:$0xE8B0] =	vst v2  }
0xf7: {  	s17 =	simm.s32 $0x40;
	s19 =	simm.s32 $0x41;
	v10 =	vmov s16;
	v4 =	vld [tilespmem:s13+$0xFFFFFFD0]  }
0xf8: {  	s18 =	simm.s32 $0x44;
	v15 =	vmov s19;
	v16 =	vand.u32 $0xFF, v10;
	v3 =	vmov s17;
	v6 =	vld [tilespmem:s13+$0xFFFFFFE0]  }
0xf9: {  	s15 =	simm.s32 $0x43;
	v8 =	vmov s18;
	v3 =	vand.u32 $0xFF, v3;
	v2 =	vadd.s32 $0x100, v1;
	v7 =	vld [tilespmem:s13+$0xFFFFFF90]  }
0xfa: {  	v9 =	vmov s15;
	v11 =	vand.u32 $0xFF, v8;
	v3 =	vor.u32 v2, v3;
	v8 =	vld [tilespmem:s13+$0xFFFFFFA0]  }
0xfb: {  	v10 =	vimm.f32 $0.0e+00;
	v9 =	vand.u32 $0xFF, v9;
	v12 =	vld [tilespmem:s13+$0xFFFFFF50];
	v3 =	vbroadcast v3, $0x0  }
0xfc: {  	v5 =	vimm.f32 $0.0e+00;
	v11 =	vor.u32 v2, v11;
	v13 =	vld [tilespmem:s13+$0xFFFFFF60];
	v18 =	vor.u32 v2, v9  }
0xfd: {  	s14 =	simm.s32 $0x45;
	v14 =	vld [tilespmem:s13+$0xFFFFFF10];
	v9 =	vimm.f32 $0.0e+00;
	v17 =	vbroadcast v11, $0x0;
	v11 =	vimm.f32 $0.0e+00  }
.LBB2_7:
0xfe: {  	p1 =	sne.s32 s14, $0x6D;
	v19 =	vld [tilespmem:s13+$0xFFFFFED0];
	v15 =	vand.u32 $0xFF, v15;
	v16 =	vor.u32 v2, v16;
	v18 =	vbroadcast v18, $0x0  }
0xff: {  	v20 =	vld [tilespmem:s13+$0xFFFFFEE0];
	v15 =	vor.u32 v2, v15;
	v16 =	vbroadcast v16, $0x0  }
0x100: {  	v21 =	vld [tilespmem:s13+$0xFFFFFEF0];
	v15 =	vbroadcast v15, $0x0  }
0x101: {  	v22 =	vld.idx.msk [tilespmem:v3+s2+$0x0], $0xffff  }
0x102: {  	v23 =	vld [tilespmem:s13+$0xFFFFFF00]  }
0x103: {  	v3 =	vmov s14;
	v17 =	vld.idx.msk [tilespmem:v17+s2+$0x0], $0xffff  }
0x104: {  	v3 =	vand.u32 $0xFF, v3;
	v18 =	vld.idx.msk [tilespmem:v18+s2+$0x0], $0xffff  }
0x105: {  	s15 =	sadd.s32 $0x3, s14;
	s16 =	sadd.s32 $0x4, s14;
	v3 =	vor.u32 v2, v3;
	v24 =	vld.idx.msk [tilespmem:v16+s2+$0x0], $0xffff  }
0x106: {  	s17 =	sadd.s32 $0x2, s14;
	v25 =	vmov s16;
	v3 =	vbroadcast v3, $0x0;
	v16 =	vmov s15;
	v26 =	vld.idx.msk [tilespmem:v15+s2+$0x0], $0xffff  }
0x107: {  	v27 =	vmov s17;
	s15 =	sadd.s32 $0x1, s14;
	v19 =	vmul.f32 v22, v19;
	v20 =	vmul.f32 v22, v20;
	v28 =	vld [tilespmem:s13+$0xFFFFFF20]  }
0x108: {  	v15 =	vmov s15;
	v21 =	vmul.f32 v22, v21;
	v22 =	vmul.f32 v22, v23;
	v23 =	vld [tilespmem:s13+$0xFFFFFF30]  }
0x109: {  	v25 =	vand.u32 $0xFF, v25;
	v30 =	vmul.f32 v17, v4;
	v31 =	vmul.f32 v17, v6;
	v29 =	vld [tilespmem:s13+$0xFFFFFF40]  }
0x10a: {  	v32 =	vand.u32 $0xFF, v16;
	v33 =	vmul.f32 v18, v7;
	v34 =	vmul.f32 v18, v8;
	v4 =	vld [tilespmem:s13+$0xFFFFFF70]  }
0x10b: {  	v16 =	vand.u32 $0xFF, v27;
	v7 =	vmul.f32 v24, v12;
	v8 =	vmul.f32 v24, v13;
	v6 =	vld [tilespmem:s13+$0xFFFFFF80]  }
0x10c: {  	v25 =	vor.u32 v2, v25;
	v12 =	vmul.f32 v26, v14;
	v13 =	vmul.f32 v26, v28;
	v14 =	vld [tilespmem:s13+$0xFFFFFFB0]  }
0x10d: {  	v5 =	vadd.f32 v19, v5;
	v11 =	vadd.f32 v20, v11;
	v19 =	vmul.f32 v26, v23;
	v20 =	vld [tilespmem:s13+$0xFFFFFFC0]  }
0x10e: {  	v10 =	vadd.f32 v21, v10;
	v9 =	vadd.f32 v22, v9;
	v21 =	vmul.f32 v26, v29;
	v22 =	vld [tilespmem:s13+$0xFFFFFFF0]  }
0x10f: {  	v5 =	vadd.f32 v12, v5;
	v11 =	vadd.f32 v13, v11;
	v12 =	vmul.f32 v24, v4;
	v13 =	vld [tilespmem:s13+$0x0];
	s13 =	sadd.s32 $0x140, s13  }
0x110: {  	v10 =	vadd.f32 v19, v10;
	v4 =	vld [tilespmem:s13+$0xFFFFFFD0];
	v9 =	vadd.f32 v21, v9;
	v19 =	vmul.f32 v24, v6  }
0x111: {  	v5 =	vadd.f32 v7, v5;
	v11 =	vadd.f32 v8, v11;
	v6 =	vld [tilespmem:s13+$0xFFFFFFE0];
	v14 =	vmul.f32 v18, v14  }
.Ltmp2:
0x112: {  	v10 =	vadd.f32 v12, v10;
	v7 =	vld [tilespmem:s13+$0xFFFFFF90];
	v9 =	vadd.f32 v19, v9;
	v18 =	vmul.f32 v18, v20;
	(pc) =	sbr.rel @p1 .LBB2_7-.Ltmp2, $4  }
0x113: {  	v5 =	vadd.f32 v33, v5;
	v11 =	vadd.f32 v34, v11;
	v8 =	vld [tilespmem:s13+$0xFFFFFFA0];
	v19 =	vmul.f32 v17, v22  }
0x114: {  	v10 =	vadd.f32 v14, v10;
	v12 =	vld [tilespmem:s13+$0xFFFFFF50];
	v9 =	vadd.f32 v18, v9;
	v20 =	vmul.f32 v17, v13  }
0x115: {  	v5 =	vadd.f32 v30, v5;
	v18 =	vor.u32 v2, v32;
	v11 =	vadd.f32 v31, v11;
	v13 =	vld [tilespmem:s13+$0xFFFFFF60]  }
0x116: {  	s14 =	sadd.s32 $0x5, s14;
	v17 =	vbroadcast v25, $0x0;
	v10 =	vadd.f32 v19, v10;
	v14 =	vld [tilespmem:s13+$0xFFFFFF10];
	v9 =	vadd.f32 v20, v9  }
0x117: {  	_ =	sdelay $0x1  }
0x118: {  	v19 =	vld [tilespmem:s13+$0xFFFFFED0];
	v15 =	vand.u32 $0xFF, v15  }
0x119: {  	v16 =	vor.u32 v2, v16;
	v18 =	vbroadcast v18, $0x0;
	v20 =	vld [tilespmem:s13+$0xFFFFFEE0];
	v2 =	vor.u32 v2, v15  }
0x11a: {  	v3 =	vld.idx.msk [tilespmem:v3+s2+$0x0], $0xffff;
	v2 =	vbroadcast v2, $0x0  }
0x11b: {  	v21 =	vld [tilespmem:s13+$0xFFFFFF00]  }
0x11c: {  	v15 =	vbroadcast v16, $0x0;
	v16 =	vld [tilespmem:s13+$0xFFFFFEF0]  }
0x11d: {  	v22 =	vld [tilespmem:s13+$0xFFFFFF20]  }
0x11e: {  	v17 =	vld.idx.msk [tilespmem:v17+s2+$0x0], $0xffff  }
0x11f: {  	v18 =	vld.idx.msk [tilespmem:v18+s2+$0x0], $0xffff  }
0x120: {  	v19 =	vmul.f32 v3, v19;
	v20 =	vmul.f32 v3, v20;
	v2 =	vld.idx.msk [tilespmem:v2+s2+$0x0], $0xffff  }
0x121: {  	v16 =	vmul.f32 v3, v16;
	v3 =	vmul.f32 v3, v21;
	v21 =	vld [tilespmem:s13+$0xFFFFFF30]  }
0x122: {  	v15 =	vld.idx.msk [tilespmem:v15+s2+$0x0], $0xffff  }
0x123: {  	v23 =	vld [tilespmem:s13+$0xFFFFFF40];
	v4 =	vmul.f32 v17, v4  }
0x124: {  	v24 =	vld [tilespmem:s13+$0xFFFFFF70];
	v6 =	vmul.f32 v17, v6;
	v5 =	vadd.f32 v19, v5;
	v11 =	vadd.f32 v20, v11  }
0x125: {  	v25 =	vld [tilespmem:s13+$0xFFFFFF80];
	v10 =	vadd.f32 v16, v10;
	v7 =	vmul.f32 v18, v7;
	v14 =	vmul.f32 v2, v14  }
0x126: {  	v3 =	vadd.f32 v3, v9;
	v8 =	vmul.f32 v18, v8;
	v19 =	vmul.f32 v2, v22;
	v22 =	vld [tilespmem:s13+$0xFFFFFFB0]  }
0x127: {  	v12 =	vmul.f32 v15, v12;
	v20 =	vmul.f32 v2, v21;
	v21 =	vld [tilespmem:s13+$0xFFFFFFC0];
	v5 =	vadd.f32 v14, v5  }
0x128: {  	v9 =	vld [tilespmem:s13+$0xFFFFFFF0];
	v13 =	vmul.f32 v15, v13;
	v2 =	vmul.f32 v2, v23;
	v11 =	vadd.f32 v19, v11  }
0x129: {  	v16 =	vld [tilespmem:s13+$0x0];
	v14 =	vmul.f32 v15, v24;
	v10 =	vadd.f32 v20, v10;
	v5 =	vadd.f32 v12, v5  }
0x12a: {  	v2 =	vadd.f32 v2, v3;
	v3 =	vmul.f32 v15, v25;
	v11 =	vadd.f32 v13, v11  }
0x12b: {  	v10 =	vadd.f32 v14, v10;
	v12 =	vmul.f32 v18, v22;
	v5 =	vadd.f32 v7, v5  }
0x12c: {  	v2 =	vadd.f32 v3, v2;
	v3 =	vmul.f32 v18, v21;
	v7 =	vadd.f32 v8, v11  }
0x12d: {  	v8 =	vmul.f32 v17, v9;
	v9 =	vadd.f32 v12, v10;
	v4 =	vadd.f32 v4, v5  }
0x12e: {  	v2 =	vadd.f32 v3, v2;
	v3 =	vmul.f32 v17, v16;
	v5 =	vadd.f32 v6, v7  }
0x12f: {  	v6 =	vadd.f32 v8, v9;
	[tilespmem:$0xE900] =	vst v4  }
0x130: {  	v2 =	vadd.f32 v3, v2;
	[tilespmem:$0xE910] =	vst v5  }
0x131: {  	s15 =	simm.s32 $0x43;
	[tilespmem:$0xE920] =	vst v6  }
0x132: {  	s19 =	simm.s32 $0x41;
	v10 =	vmov s15;
	[tilespmem:$0xE930] =	vst v2  }
0x133: {  	s17 =	simm.s32 $0x40;
	s18 =	simm.s32 $0x44;
	v7 =	vmov s19;
	v15 =	vand.u32 $0x7, v10;
	v4 =	vld [tilespmem:s12+$0xFFFFFFD0]  }
0x134: {  	v8 =	vmov s18;
	v2 =	vadd.s32 $0x180, v1;
	v6 =	vmov s17;
	v5 =	vld [tilespmem:s12+$0xFFFFFFE0]  }
0x135: {  	v2 =	vbroadcast v2, $0x0;
	v11 =	vand.u32 $0xF8, v6;
	v12 =	vand.u32 $0x7, v6;
	v6 =	vld [tilespmem:s12+$0xFFFFFF90]  }
0x136: {  	s14 =	simm.s32 $0x42;
	v19 =	vand.u32 $0xF8, v10;
	v17 =	vand.u32 $0x7, v8;
	v14 =	vand.u32 $0xF8, v8;
	v8 =	vld [tilespmem:s12+$0xFFFFFFA0]  }
0x137: {  	v3 =	vimm.f32 $0.0e+00;
	v9 =	vmov s14;
	v10 =	vld [tilespmem:s12+$0xFFFFFF50];
	v11 =	vadd.s32 v2, v11  }
0x138: {  	v16 =	vand.u32 $0x7, v9;
	v20 =	vand.u32 $0xF8, v9;
	v13 =	vld [tilespmem:s12+$0xFFFFFF60];
	v18 =	vor.u32 v12, v11  }
0x139: {  	v9 =	vimm.f32 $0.0e+00;
	v21 =	vadd.s32 v2, v19;
	v11 =	vadd.s32 v2, v14;
	v14 =	vld [tilespmem:s12+$0xFFFFFF10]  }
0x13a: {  	s13 =	simm.s32 $0x45;
	v12 =	vimm.f32 $0.0e+00;
	v19 =	vor.u32 v17, v11;
	v17 =	vld [tilespmem:s12+$0xFFFFFED0];
	v11 =	vimm.f32 $0.0e+00  }
.LBB2_9:
0x13b: {  	p1 =	sne.s32 s13, $0x6D;
	v22 =	vld [tilespmem:s12+$0xFFFFFEE0];
	v23 =	vand.u32 $0xF8, v7;
	v20 =	vadd.s32 v2, v20;
	v15 =	vor.u32 v15, v21  }
0x13c: {  	v7 =	vand.u32 $0x7, v7;
	v21 =	vld [tilespmem:s12+$0xFFFFFEF0];
	v23 =	vadd.s32 v2, v23;
	v16 =	vor.u32 v16, v20  }
0x13d: {  	v18 =	vld.idx.msk [tilespmem:v18+s2+$0x0], $0xffff;
	v20 =	vor.u32 v7, v23  }
0x13e: {  	v23 =	vld [tilespmem:s12+$0xFFFFFF00]  }
0x13f: {  	v19 =	vld.idx.msk [tilespmem:v19+s2+$0x0], $0xffff  }
0x140: {  	s14 =	sadd.s32 $0x2, s13;
	s15 =	sadd.s32 $0x3, s13;
	s16 =	sadd.s32 $0x4, s13;
	v7 =	vmov s13;
	v24 =	vld.idx.msk [tilespmem:v15+s2+$0x0], $0xffff  }
0x141: {  	s17 =	sadd.s32 $0x1, s13;
	v25 =	vmov s14;
	v26 =	vmov s15;
	v15 =	vmov s16;
	v27 =	vld.idx.msk [tilespmem:v16+s2+$0x0], $0xffff  }
0x142: {  	v28 =	vand.u32 $0xF8, v7;
	v29 =	vand.u32 $0x7, v7;
	v7 =	vmov s17;
	v20 =	vld.idx.msk [tilespmem:v20+s2+$0x0], $0xffff  }
0x143: {  	v30 =	vand.u32 $0x7, v15;
	v17 =	vmul.f32 v18, v17;
	v22 =	vmul.f32 v18, v22;
	v31 =	vld [tilespmem:s12+$0xFFFFFF20]  }
0x144: {  	v32 =	vand.u32 $0xF8, v15;
	v21 =	vmul.f32 v18, v21;
	v18 =	vmul.f32 v18, v23;
	v23 =	vld [tilespmem:s12+$0xFFFFFF30]  }
0x145: {  	v15 =	vand.u32 $0x7, v26;
	v34 =	vmul.f32 v19, v4;
	v35 =	vmul.f32 v19, v5;
	v33 =	vld [tilespmem:s12+$0xFFFFFF40]  }
0x146: {  	v26 =	vand.u32 $0xF8, v26;
	v36 =	vmul.f32 v24, v6;
	v37 =	vmul.f32 v24, v8;
	v4 =	vld [tilespmem:s12+$0xFFFFFF70]  }
0x147: {  	v16 =	vand.u32 $0x7, v25;
	v6 =	vmul.f32 v27, v10;
	v8 =	vmul.f32 v27, v13;
	v5 =	vld [tilespmem:s12+$0xFFFFFF80]  }
0x148: {  	v13 =	vadd.s32 v2, v28;
	v10 =	vmul.f32 v20, v14;
	v14 =	vmul.f32 v20, v31;
	v28 =	vld [tilespmem:s12+$0xFFFFFFB0]  }
0x149: {  	v3 =	vadd.f32 v17, v3;
	v12 =	vadd.f32 v22, v12;
	v17 =	vmul.f32 v20, v23;
	v22 =	vld [tilespmem:s12+$0xFFFFFFC0]  }
0x14a: {  	v11 =	vadd.f32 v21, v11;
	v9 =	vadd.f32 v18, v9;
	v18 =	vmul.f32 v20, v33;
	v20 =	vld [tilespmem:s12+$0xFFFFFFF0]  }
0x14b: {  	v3 =	vadd.f32 v10, v3;
	v10 =	vadd.f32 v14, v12;
	v12 =	vmul.f32 v27, v4;
	v14 =	vld [tilespmem:s12+$0x0];
	s12 =	sadd.s32 $0x140, s12  }
0x14c: {  	v11 =	vadd.f32 v17, v11;
	v4 =	vld [tilespmem:s12+$0xFFFFFFD0];
	v9 =	vadd.f32 v18, v9;
	v17 =	vmul.f32 v27, v5  }
0x14d: {  	v3 =	vadd.f32 v6, v3;
	v10 =	vadd.f32 v8, v10;
	v5 =	vld [tilespmem:s12+$0xFFFFFFE0];
	v18 =	vmul.f32 v24, v28  }
0x14e: {  	v11 =	vadd.f32 v12, v11;
	v6 =	vld [tilespmem:s12+$0xFFFFFF90];
	v9 =	vadd.f32 v17, v9;
	v12 =	vmul.f32 v24, v22  }
.Ltmp3:
0x14f: {  	v3 =	vadd.f32 v36, v3;
	v17 =	vadd.f32 v37, v10;
	v8 =	vld [tilespmem:s12+$0xFFFFFFA0];
	v20 =	vmul.f32 v19, v20;
	(pc) =	sbr.rel @p1 .LBB2_9-.Ltmp3, $4  }
0x150: {  	v11 =	vadd.f32 v18, v11;
	v10 =	vld [tilespmem:s12+$0xFFFFFF50];
	v9 =	vadd.f32 v12, v9;
	v19 =	vmul.f32 v19, v14  }
0x151: {  	v18 =	vor.u32 v29, v13;
	v3 =	vadd.f32 v34, v3;
	v12 =	vadd.f32 v35, v17;
	v13 =	vld [tilespmem:s12+$0xFFFFFF60]  }
0x152: {  	v22 =	vadd.s32 v2, v32;
	v11 =	vadd.f32 v20, v11;
	v14 =	vld [tilespmem:s12+$0xFFFFFF10];
	v9 =	vadd.f32 v19, v9  }
0x153: {  	s13 =	sadd.s32 $0x5, s13;
	v21 =	vadd.s32 v2, v26;
	v20 =	vand.u32 $0xF8, v25;
	v19 =	vor.u32 v30, v22;
	v17 =	vld [tilespmem:s12+$0xFFFFFED0]  }
0x154: {  	_ =	sdelay $0x1  }
0x155: {  	v22 =	vld [tilespmem:s12+$0xFFFFFEE0];
	v23 =	vand.u32 $0xF8, v7;
	v20 =	vadd.s32 v2, v20  }
0x156: {  	v15 =	vor.u32 v15, v21;
	v60 =	vld [tilespmem:s12+$0xFFFFFEF0];
	v7 =	vand.u32 $0x7, v7;
	v2 =	vadd.s32 v2, v23  }
0x157: {  	v18 =	vld.idx.msk [tilespmem:v18+s2+$0x0], $0xffff;
	v2 =	vor.u32 v7, v2  }
0x158: {  	v19 =	vld.idx.msk [tilespmem:v19+s2+$0x0], $0xffff;
	v16 =	vor.u32 v16, v20  }
0x159: {  	v7 =	vld [tilespmem:s12+$0xFFFFFF00]  }
0x15a: {  	v61 =	vld [tilespmem:s12+$0xFFFFFF20]  }
0x15b: {  	v15 =	vld.idx.msk [tilespmem:v15+s2+$0x0], $0xffff  }
0x15c: {  	v2 =	vld.idx.msk [tilespmem:v2+s2+$0x0], $0xffff  }
0x15d: {  	v17 =	vmul.f32 v18, v17;
	v20 =	vmul.f32 v18, v22;
	v16 =	vld.idx.msk [tilespmem:v16+s2+$0x0], $0xffff  }
0x15e: {  	v21 =	vmul.f32 v18, v60;
	v7 =	vmul.f32 v18, v7;
	v18 =	vld [tilespmem:s12+$0xFFFFFF30]  }
0x15f: {  	v62 =	vld [tilespmem:s12+$0xFFFFFF40];
	v4 =	vmul.f32 v19, v4  }
0x160: {  	v24 =	vld [tilespmem:s12+$0xFFFFFF70];
	v5 =	vmul.f32 v19, v5;
	v3 =	vadd.f32 v17, v3;
	v12 =	vadd.f32 v20, v12  }
0x161: {  	v25 =	vld [tilespmem:s12+$0xFFFFFF80];
	v11 =	vadd.f32 v21, v11;
	v6 =	vmul.f32 v15, v6;
	v14 =	vmul.f32 v2, v14  }
0x162: {  	v63 =	vld [tilespmem:s12+$0xFFFFFFB0];
	v7 =	vadd.f32 v7, v9;
	v8 =	vmul.f32 v15, v8;
	v17 =	vmul.f32 v2, v61  }
0x163: {  	v20 =	vld [tilespmem:s12+$0xFFFFFFC0];
	v10 =	vmul.f32 v16, v10;
	v18 =	vmul.f32 v2, v18;
	v3 =	vadd.f32 v14, v3  }
0x164: {  	v9 =	vld [tilespmem:s12+$0xFFFFFFF0];
	v13 =	vmul.f32 v16, v13;
	v2 =	vmul.f32 v2, v62;
	v12 =	vadd.f32 v17, v12  }
0x165: {  	v14 =	vmul.f32 v16, v24;
	v17 =	vld [tilespmem:s12+$0x0];
	v11 =	vadd.f32 v18, v11;
	v3 =	vadd.f32 v10, v3  }
0x166: {  	v2 =	vadd.f32 v2, v7;
	v7 =	vmul.f32 v16, v25;
	v10 =	vadd.f32 v13, v12  }
0x167: {  	v12 =	vmul.f32 v15, v63;
	v11 =	vadd.f32 v14, v11;
	v3 =	vadd.f32 v6, v3  }
0x168: {  	v2 =	vadd.f32 v7, v2;
	v6 =	vmul.f32 v15, v20;
	v7 =	vadd.f32 v8, v10  }
0x169: {  	v8 =	vmul.f32 v19, v9;
	v9 =	vadd.f32 v12, v11;
	v3 =	vadd.f32 v4, v3  }
0x16a: {  	v2 =	vadd.f32 v6, v2;
	v4 =	vmul.f32 v19, v17;
	v5 =	vadd.f32 v5, v7  }
0x16b: {  	v6 =	vadd.f32 v8, v9;
	[tilespmem:$0xE980] =	vst v3  }
0x16c: {  	v2 =	vadd.f32 v4, v2;
	[tilespmem:$0xE990] =	vst v5  }
0x16d: {  	[tilespmem:$0xE9A0] =	vst v6  }
0x16e: {  	s14 =	simm.s32 $0x42;
	[tilespmem:$0xE9B0] =	vst v2  }
0x16f: {  	s17 =	simm.s32 $0x40;
	s18 =	simm.s32 $0x44;
	s19 =	simm.s32 $0x41;
	v10 =	vmov s14;
	v5 =	vld [tilespmem:s11+$0xFFFFFFD0]  }
0x170: {  	v15 =	vmov s19;
	v8 =	vmov s18;
	v2 =	vmov s17;
	v7 =	vld [tilespmem:s11+$0xFFFFFF90]  }
0x171: {  	s13 =	simm.s32 $0x43;
	v11 =	vand.u32 $0xFF, v8;
	v3 =	vadd.s32 $0x200, v1;
	v2 =	vand.u32 $0xFF, v2;
	v8 =	vld [tilespmem:s11+$0xFFFFFFA0]  }
0x172: {  	v16 =	vand.u32 $0xFF, v10;
	v9 =	vmov s13;
	v12 =	vld [tilespmem:s11+$0xFFFFFF50];
	v4 =	vor.u32 v3, v2  }
0x173: {  	v10 =	vimm.f32 $0.0e+00;
	v9 =	vand.u32 $0xFF, v9;
	v13 =	vld [tilespmem:s11+$0xFFFFFF60];
	v4 =	vbroadcast v4, $0x0  }
0x174: {  	v6 =	vimm.f32 $0.0e+00;
	v11 =	vor.u32 v3, v11;
	v18 =	vor.u32 v3, v9;
	v14 =	vld [tilespmem:s11+$0xFFFFFF10]  }
0x175: {  	s12 =	simm.s32 $0x45;
	v9 =	vimm.f32 $0.0e+00;
	v17 =	vbroadcast v11, $0x0;
	v11 =	vimm.f32 $0.0e+00;
	v2 =	vld [tilespmem:s11+$0xFFFFFFE0]  }
.LBB2_11:
0x176: {  	p1 =	sne.s32 s12, $0x6D;
	v19 =	vld [tilespmem:s11+$0xFFFFFED0];
	v15 =	vand.u32 $0xFF, v15;
	v16 =	vor.u32 v3, v16;
	v18 =	vbroadcast v18, $0x0  }
0x177: {  	v20 =	vld [tilespmem:s11+$0xFFFFFEE0];
	v15 =	vor.u32 v3, v15;
	v16 =	vbroadcast v16, $0x0  }
0x178: {  	v21 =	vld [tilespmem:s11+$0xFFFFFEF0];
	v15 =	vbroadcast v15, $0x0  }
0x179: {  	v22 =	vld.idx.msk [tilespmem:v4+s2+$0x0], $0xffff  }
0x17a: {  	v23 =	vld [tilespmem:s11+$0xFFFFFF00]  }
0x17b: {  	v4 =	vmov s12;
	v17 =	vld.idx.msk [tilespmem:v17+s2+$0x0], $0xffff  }
0x17c: {  	v4 =	vand.u32 $0xFF, v4;
	v18 =	vld.idx.msk [tilespmem:v18+s2+$0x0], $0xffff  }
0x17d: {  	s13 =	sadd.s32 $0x3, s12;
	s14 =	sadd.s32 $0x4, s12;
	v4 =	vor.u32 v3, v4;
	v24 =	vld.idx.msk [tilespmem:v16+s2+$0x0], $0xffff  }
0x17e: {  	s15 =	sadd.s32 $0x2, s12;
	v25 =	vmov s14;
	v4 =	vbroadcast v4, $0x0;
	v16 =	vmov s13;
	v26 =	vld.idx.msk [tilespmem:v15+s2+$0x0], $0xffff  }
0x17f: {  	v27 =	vmov s15;
	s13 =	sadd.s32 $0x1, s12;
	v19 =	vmul.f32 v22, v19;
	v20 =	vmul.f32 v22, v20;
	v28 =	vld [tilespmem:s11+$0xFFFFFF20]  }
0x180: {  	v15 =	vmov s13;
	v21 =	vmul.f32 v22, v21;
	v22 =	vmul.f32 v22, v23;
	v23 =	vld [tilespmem:s11+$0xFFFFFF30]  }
0x181: {  	v25 =	vand.u32 $0xFF, v25;
	v30 =	vmul.f32 v17, v5;
	v31 =	vmul.f32 v17, v2;
	v29 =	vld [tilespmem:s11+$0xFFFFFF40]  }
0x182: {  	v32 =	vand.u32 $0xFF, v16;
	v33 =	vmul.f32 v18, v7;
	v34 =	vmul.f32 v18, v8;
	v2 =	vld [tilespmem:s11+$0xFFFFFF70]  }
0x183: {  	v16 =	vand.u32 $0xFF, v27;
	v7 =	vmul.f32 v24, v12;
	v8 =	vmul.f32 v24, v13;
	v12 =	vld [tilespmem:s11+$0xFFFFFF80]  }
0x184: {  	v25 =	vor.u32 v3, v25;
	v5 =	vmul.f32 v26, v14;
	v13 =	vmul.f32 v26, v28;
	v14 =	vld [tilespmem:s11+$0xFFFFFFB0]  }
0x185: {  	v6 =	vadd.f32 v19, v6;
	v11 =	vadd.f32 v20, v11;
	v19 =	vmul.f32 v26, v23;
	v20 =	vld [tilespmem:s11+$0xFFFFFFC0]  }
0x186: {  	v9 =	vadd.f32 v21, v9;
	v10 =	vadd.f32 v22, v10;
	v21 =	vmul.f32 v26, v29;
	v22 =	vld [tilespmem:s11+$0xFFFFFFF0]  }
0x187: {  	v6 =	vadd.f32 v5, v6;
	v11 =	vadd.f32 v13, v11;
	v13 =	vmul.f32 v24, v2;
	v23 =	vld [tilespmem:s11+$0x0];
	s11 =	sadd.s32 $0x140, s11  }
0x188: {  	v9 =	vadd.f32 v19, v9;
	v5 =	vld [tilespmem:s11+$0xFFFFFFD0];
	v10 =	vadd.f32 v21, v10;
	v12 =	vmul.f32 v24, v12  }
0x189: {  	v6 =	vadd.f32 v7, v6;
	v11 =	vadd.f32 v8, v11;
	v2 =	vld [tilespmem:s11+$0xFFFFFFE0];
	v14 =	vmul.f32 v18, v14  }
.Ltmp4:
0x18a: {  	v9 =	vadd.f32 v13, v9;
	v7 =	vld [tilespmem:s11+$0xFFFFFF90];
	v10 =	vadd.f32 v12, v10;
	v13 =	vmul.f32 v18, v20;
	(pc) =	sbr.rel @p1 .LBB2_11-.Ltmp4, $4  }
0x18b: {  	v6 =	vadd.f32 v33, v6;
	v11 =	vadd.f32 v34, v11;
	v8 =	vld [tilespmem:s11+$0xFFFFFFA0];
	v19 =	vmul.f32 v17, v22  }
0x18c: {  	v9 =	vadd.f32 v14, v9;
	v12 =	vld [tilespmem:s11+$0xFFFFFF50];
	v10 =	vadd.f32 v13, v10;
	v20 =	vmul.f32 v17, v23  }
0x18d: {  	v18 =	vor.u32 v3, v32;
	v6 =	vadd.f32 v30, v6;
	v11 =	vadd.f32 v31, v11;
	v13 =	vld [tilespmem:s11+$0xFFFFFF60]  }
0x18e: {  	s12 =	sadd.s32 $0x5, s12;
	v17 =	vbroadcast v25, $0x0;
	v9 =	vadd.f32 v19, v9;
	v14 =	vld [tilespmem:s11+$0xFFFFFF10];
	v10 =	vadd.f32 v20, v10  }
0x18f: {  	_ =	sdelay $0x1  }
0x190: {  	v19 =	vld [tilespmem:s11+$0xFFFFFED0]  }
0x191: {  	v15 =	vand.u32 $0xFF, v15;
	v16 =	vor.u32 v3, v16;
	v18 =	vbroadcast v18, $0x0;
	v20 =	vld [tilespmem:s11+$0xFFFFFEE0]  }
0x192: {  	v4 =	vld.idx.msk [tilespmem:v4+s2+$0x0], $0xffff;
	v3 =	vor.u32 v3, v15;
	v15 =	vbroadcast v16, $0x0  }
0x193: {  	v21 =	vld [tilespmem:s11+$0xFFFFFF00];
	v3 =	vbroadcast v3, $0x0  }
0x194: {  	v22 =	vld [tilespmem:s11+$0xFFFFFF20]  }
0x195: {  	v16 =	vld [tilespmem:s11+$0xFFFFFEF0]  }
0x196: {  	v17 =	vld.idx.msk [tilespmem:v17+s2+$0x0], $0xffff  }
0x197: {  	v18 =	vld.idx.msk [tilespmem:v18+s2+$0x0], $0xffff  }
0x198: {  	v15 =	vld.idx.msk [tilespmem:v15+s2+$0x0], $0xffff  }
0x199: {  	v3 =	vld.idx.msk [tilespmem:v3+s2+$0x0], $0xffff  }
0x19a: {  	v23 =	vld [tilespmem:s11+$0xFFFFFF30];
	v19 =	vmul.f32 v4, v19;
	v20 =	vmul.f32 v4, v20  }
0x19b: {  	v16 =	vmul.f32 v4, v16;
	v4 =	vmul.f32 v4, v21;
	v21 =	vld [tilespmem:s11+$0xFFFFFF40]  }
0x19c: {  	v24 =	vld [tilespmem:s11+$0xFFFFFF70];
	v5 =	vmul.f32 v17, v5;
	v6 =	vadd.f32 v19, v6  }
0x19d: {  	v25 =	vld [tilespmem:s11+$0xFFFFFF80];
	v11 =	vadd.f32 v20, v11;
	v7 =	vmul.f32 v18, v7;
	v8 =	vmul.f32 v18, v8  }
0x19e: {  	v26 =	vld [tilespmem:s11+$0xFFFFFFB0];
	v9 =	vadd.f32 v16, v9;
	v12 =	vmul.f32 v15, v12;
	v14 =	vmul.f32 v3, v14  }
0x19f: {  	v20 =	vld [tilespmem:s11+$0xFFFFFFC0];
	v4 =	vadd.f32 v4, v10;
	v22 =	vmul.f32 v3, v22;
	v19 =	vmul.f32 v3, v23  }
0x1a0: {  	v13 =	vmul.f32 v15, v13;
	v3 =	vmul.f32 v3, v21;
	v6 =	vadd.f32 v14, v6  }
0x1a1: {  	v10 =	vld [tilespmem:s11+$0xFFFFFFF0];
	v11 =	vadd.f32 v22, v11;
	v14 =	vmul.f32 v15, v24;
	v9 =	vadd.f32 v19, v9  }
0x1a2: {  	v16 =	vld [tilespmem:s11+$0x0];
	v3 =	vadd.f32 v3, v4;
	v4 =	vmul.f32 v15, v25;
	v6 =	vadd.f32 v12, v6  }
0x1a3: {  	v11 =	vadd.f32 v13, v11;
	v12 =	vmul.f32 v18, v26;
	v9 =	vadd.f32 v14, v9  }
0x1a4: {  	v3 =	vadd.f32 v4, v3;
	v4 =	vmul.f32 v18, v20;
	v6 =	vadd.f32 v7, v6  }
0x1a5: {  	v2 =	vmul.f32 v17, v2;
	v7 =	vadd.f32 v8, v11;
	v8 =	vadd.f32 v12, v9  }
0x1a6: {  	v9 =	vmul.f32 v17, v10;
	v3 =	vadd.f32 v4, v3;
	v4 =	vadd.f32 v5, v6  }
0x1a7: {  	v5 =	vmul.f32 v17, v16;
	v6 =	vadd.f32 v2, v7;
	v2 =	vmov s10  }
0x1a8: {  	v7 =	vadd.f32 v9, v8;
	[tilespmem:$0xEA00] =	vst v4  }
0x1a9: {  	v3 =	vadd.f32 v5, v3;
	[tilespmem:$0xEA10] =	vst v6  }
0x1aa: {  	s14 =	simm.s32 $0x41;
	[tilespmem:$0xEA20] =	vst v7  }
0x1ab: {  	s19 =	simm.s32 $0x42;
	v15 =	vmov s14;
	s10 =	simm.s32 $0x0;
	[tilespmem:$0xEA30] =	vst v3  }
0x1ac: {  	s12 =	simm.s32 $0x43;
	v13 =	vmov s19;
	v20 =	vand.u32 $0xF8, v15;
	v5 =	vld.idx.msk [tilespmem:v2+s10+$0x4700 ss:$0x1], $0xffff  }
0x1ad: {  	v14 =	vand.u32 $0x7, v13;
	v18 =	vand.u32 $0xF8, v13;
	v9 =	vmov s12;
	v7 =	vld.idx.msk [tilespmem:v2+s10+$0x4710 ss:$0x1], $0xffff  }
0x1ae: {  	s11 =	simm.s32 $0x44;
	v17 =	vand.u32 $0x7, v15;
	v16 =	vand.u32 $0xF8, v9;
	v3 =	vadd.s32 $0x280, v1;
	v8 =	vld.idx.msk [tilespmem:v2+s10+$0x46C0 ss:$0x1], $0xffff  }
0x1af: {  	v9 =	vand.u32 $0x7, v9;
	v6 =	vmov s11;
	v3 =	vbroadcast v3, $0x0;
	v12 =	vld.idx.msk [tilespmem:v2+s10+$0x46D0 ss:$0x1], $0xffff  }
0x1b0: {  	s13 =	simm.s32 $0x40;
	v4 =	vimm.f32 $0.0e+00;
	v10 =	vand.u32 $0xF8, v6;
	v11 =	vand.u32 $0x7, v6;
	v13 =	vld.idx.msk [tilespmem:v2+s10+$0x4680 ss:$0x1], $0xffff  }
0x1b1: {  	v6 =	vmov s13;
	v15 =	vld.idx.msk [tilespmem:v2+s10+$0x4690 ss:$0x1], $0xffff;
	v10 =	vadd.s32 v3, v10;
	v21 =	vadd.s32 v3, v16  }
0x1b2: {  	v16 =	vld.idx.msk [tilespmem:v2+s10+$0x4640 ss:$0x1], $0xffff;
	v22 =	vadd.s32 v3, v18;
	v19 =	vor.u32 v11, v10;
	v21 =	vor.u32 v9, v21  }
0x1b3: {  	s12 =	simm.s32 $0x500;
	v18 =	vld.idx.msk [tilespmem:v2+s10+$0x4650 ss:$0x1], $0xffff;
	v11 =	vimm.f32 $0.0e+00;
	v10 =	vimm.f32 $0.0e+00;
	v9 =	vimm.f32 $0.0e+00  }
.LBB2_13:
0x1b4: {  	p1 =	sne.s32 s12, $0x2D00;
	v23 =	vand.u32 $0xF8, v6;
	v24 =	vld.idx.msk [tilespmem:v2+s10+$0x4600 ss:$0x1], $0xffff;
	v20 =	vadd.s32 v3, v20;
	v14 =	vor.u32 v14, v22  }
0x1b5: {  	v6 =	vand.u32 $0x7, v6;
	v22 =	vadd.s32 v3, v23;
	v23 =	vld.idx.msk [tilespmem:v2+s10+$0x4610 ss:$0x1], $0xffff;
	v17 =	vor.u32 v17, v20  }
0x1b6: {  	v20 =	vor.u32 v6, v22;
	v22 =	vld.idx.msk [tilespmem:v2+s10+$0x4620 ss:$0x1], $0xffff  }
0x1b7: {  	v25 =	vld.idx.msk [tilespmem:v19+s2+$0x0], $0xffff  }
0x1b8: {  	s11 =	sadd.s32 $0x5, s11;
	v21 =	vld.idx.msk [tilespmem:v21+s2+$0x0], $0xffff  }
0x1b9: {  	s13 =	sadd.s32 $0xFFFFFFFF, s11;
	v6 =	vmov s11;
	v26 =	vld.idx.msk [tilespmem:v14+s2+$0x0], $0xffff  }
0x1ba: {  	s14 =	sadd.s32 $0xFFFFFFFC, s11;
	s15 =	sadd.s32 $0xFFFFFFFD, s11;
	s16 =	sadd.s32 $0xFFFFFFFE, s11;
	v19 =	vand.u32 $0xF8, v6;
	v27 =	vand.u32 $0x7, v6;
	v14 =	vmov s13;
	v28 =	vld.idx.msk [tilespmem:v17+s2+$0x0], $0xffff  }
0x1bb: {  	v29 =	vmov s15;
	v6 =	vmov s14;
	v17 =	vmov s16;
	v30 =	vld.idx.msk [tilespmem:v20+s2+$0x0], $0xffff  }
0x1bc: {  	v19 =	vadd.s32 v3, v19;
	v31 =	vand.u32 $0xF8, v14;
	v32 =	vand.u32 $0x7, v14;
	v33 =	vld.idx.msk [tilespmem:v2+s10+$0x4630 ss:$0x1], $0xffff  }
0x1bd: {  	v14 =	vand.u32 $0x7, v17;
	v35 =	vmul.f32 v25, v5;
	v36 =	vmul.f32 v25, v7;
	v34 =	vld.idx.msk [tilespmem:v2+s10+$0x4660 ss:$0x1], $0xffff  }
0x1be: {  	v37 =	vand.u32 $0xF8, v17;
	v38 =	vmul.f32 v21, v8;
	v39 =	vmul.f32 v21, v12;
	v5 =	vld.idx.msk [tilespmem:v2+s10+$0x4670 ss:$0x1], $0xffff  }
0x1bf: {  	v17 =	vand.u32 $0x7, v29;
	v12 =	vmul.f32 v26, v13;
	v13 =	vmul.f32 v26, v15;
	v7 =	vld.idx.msk [tilespmem:v2+s10+$0x46A0 ss:$0x1], $0xffff  }
0x1c0: {  	v20 =	vand.u32 $0xF8, v29;
	v8 =	vmul.f32 v28, v16;
	v15 =	vmul.f32 v28, v18;
	v16 =	vld.idx.msk [tilespmem:v2+s10+$0x46B0 ss:$0x1], $0xffff  }
0x1c1: {  	v19 =	vor.u32 v27, v19;
	v18 =	vmul.f32 v30, v24;
	v23 =	vmul.f32 v30, v23;
	v24 =	vld.idx.msk [tilespmem:v2+s10+$0x46E0 ss:$0x1], $0xffff  }
0x1c2: {  	v27 =	vadd.s32 v3, v31;
	v22 =	vmul.f32 v30, v22;
	v29 =	vmul.f32 v30, v33;
	v30 =	vld.idx.msk [tilespmem:v2+s10+$0x46F0 ss:$0x1], $0xffff  }
0x1c3: {  	v4 =	vadd.f32 v18, v4;
	v11 =	vadd.f32 v23, v11;
	v18 =	vmul.f32 v28, v34;
	v23 =	vld.idx.msk [tilespmem:v2+s10+$0x4720 ss:$0x1], $0xffff  }
0x1c4: {  	v10 =	vadd.f32 v22, v10;
	v9 =	vadd.f32 v29, v9;
	v22 =	vmul.f32 v28, v5;
	v28 =	vld.idx.msk [tilespmem:v2+s10+$0x4730 ss:$0x1], $0xffff;
	s10 =	sshra.s32 s12, $0x2  }
0x1c5: {  	v4 =	vadd.f32 v8, v4;
	v11 =	vadd.f32 v15, v11;
	v15 =	vmul.f32 v26, v7;
	v5 =	vld.idx.msk [tilespmem:v2+s10+$0x4700 ss:$0x1], $0xffff  }
0x1c6: {  	v10 =	vadd.f32 v18, v10;
	v9 =	vadd.f32 v22, v9;
	v16 =	vmul.f32 v26, v16;
	v7 =	vld.idx.msk [tilespmem:v2+s10+$0x4710 ss:$0x1], $0xffff  }
0x1c7: {  	v4 =	vadd.f32 v12, v4;
	v11 =	vadd.f32 v13, v11;
	v18 =	vmul.f32 v21, v24;
	v8 =	vld.idx.msk [tilespmem:v2+s10+$0x46C0 ss:$0x1], $0xffff  }
.Ltmp5:
0x1c8: {  	v10 =	vadd.f32 v15, v10;
	v9 =	vadd.f32 v16, v9;
	v16 =	vmul.f32 v21, v30;
	v12 =	vld.idx.msk [tilespmem:v2+s10+$0x46D0 ss:$0x1], $0xffff;
	(pc) =	sbr.rel @p1 .LBB2_13-.Ltmp5, $4  }
0x1c9: {  	v4 =	vadd.f32 v38, v4;
	v11 =	vadd.f32 v39, v11;
	v23 =	vmul.f32 v25, v23;
	v13 =	vld.idx.msk [tilespmem:v2+s10+$0x4680 ss:$0x1], $0xffff  }
0x1ca: {  	v10 =	vadd.f32 v18, v10;
	v9 =	vadd.f32 v16, v9;
	v24 =	vmul.f32 v25, v28;
	v15 =	vld.idx.msk [tilespmem:v2+s10+$0x4690 ss:$0x1], $0xffff  }
0x1cb: {  	v22 =	vadd.s32 v3, v37;
	v4 =	vadd.f32 v35, v4;
	v11 =	vadd.f32 v36, v11;
	v16 =	vld.idx.msk [tilespmem:v2+s10+$0x4640 ss:$0x1], $0xffff  }
0x1cc: {  	s12 =	sadd.s32 $0x500, s12;
	v21 =	vor.u32 v32, v27;
	v10 =	vadd.f32 v23, v10;
	v9 =	vadd.f32 v24, v9;
	v18 =	vld.idx.msk [tilespmem:v2+s10+$0x4650 ss:$0x1], $0xffff  }
0x1cd: {  	_ =	sdelay $0x1  }
0x1ce: {  	v23 =	vand.u32 $0xF8, v6  }
0x1cf: {  	v14 =	vor.u32 v14, v22;
	v6 =	vand.u32 $0x7, v6;
	v22 =	vadd.s32 v3, v23  }
0x1d0: {  	v23 =	vld.idx.msk [tilespmem:v2+s10+$0x4600 ss:$0x1], $0xffff;
	v6 =	vor.u32 v6, v22  }
0x1d1: {  	v3 =	vadd.s32 v3, v20;
	v20 =	vld.idx.msk [tilespmem:v2+s10+$0x4610 ss:$0x1], $0xffff  }
0x1d2: {  	v3 =	vor.u32 v17, v3;
	v17 =	vld.idx.msk [tilespmem:v19+s2+$0x0], $0xffff  }
0x1d3: {  	v19 =	vld.idx.msk [tilespmem:v21+s2+$0x0], $0xffff  }
0x1d4: {  	v14 =	vld.idx.msk [tilespmem:v14+s2+$0x0], $0xffff  }
0x1d5: {  	v6 =	vld.idx.msk [tilespmem:v6+s2+$0x0], $0xffff  }
0x1d6: {  	v21 =	vld.idx.msk [tilespmem:v2+s10+$0x4620 ss:$0x1], $0xffff  }
0x1d7: {  	v3 =	vld.idx.msk [tilespmem:v3+s2+$0x0], $0xffff  }
0x1d8: {  	v22 =	vld.idx.msk [tilespmem:v2+s10+$0x4630 ss:$0x1], $0xffff;
	v5 =	vmul.f32 v17, v5;
	v7 =	vmul.f32 v17, v7  }
0x1d9: {  	v24 =	vld.idx.msk [tilespmem:v2+s10+$0x4660 ss:$0x1], $0xffff;
	v8 =	vmul.f32 v19, v8;
	v12 =	vmul.f32 v19, v12  }
0x1da: {  	v25 =	vld.idx.msk [tilespmem:v2+s10+$0x4670 ss:$0x1], $0xffff;
	v13 =	vmul.f32 v14, v13;
	v23 =	vmul.f32 v6, v23  }
0x1db: {  	v26 =	vld.idx.msk [tilespmem:v2+s10+$0x46A0 ss:$0x1], $0xffff;
	v15 =	vmul.f32 v14, v15;
	v20 =	vmul.f32 v6, v20  }
0x1dc: {  	v27 =	vld.idx.msk [tilespmem:v2+s10+$0x46B0 ss:$0x1], $0xffff;
	v16 =	vmul.f32 v3, v16;
	v21 =	vmul.f32 v6, v21;
	v4 =	vadd.f32 v23, v4  }
0x1dd: {  	v18 =	vmul.f32 v3, v18;
	v6 =	vmul.f32 v6, v22;
	v23 =	vld.idx.msk [tilespmem:v2+s10+$0x46E0 ss:$0x1], $0xffff;
	v11 =	vadd.f32 v20, v11  }
0x1de: {  	v22 =	vmul.f32 v3, v24;
	v20 =	vld.idx.msk [tilespmem:v2+s10+$0x46F0 ss:$0x1], $0xffff;
	v10 =	vadd.f32 v21, v10;
	v4 =	vadd.f32 v16, v4  }
0x1df: {  	v3 =	vmul.f32 v3, v25;
	v6 =	vadd.f32 v6, v9;
	v16 =	vld.idx.msk [tilespmem:v2+s10+$0x4720 ss:$0x1], $0xffff;
	v9 =	vadd.f32 v18, v11  }
0x1e0: {  	v11 =	vld.idx.msk [tilespmem:v2+s10+$0x4730 ss:$0x1], $0xffff;
	v18 =	vmul.f32 v14, v26;
	v10 =	vadd.f32 v22, v10;
	v4 =	vadd.f32 v13, v4  }
0x1e1: {  	v3 =	vadd.f32 v3, v6;
	v6 =	vmul.f32 v14, v27;
	v9 =	vadd.f32 v15, v9  }
0x1e2: {  	v10 =	vadd.f32 v18, v10;
	v13 =	vmul.f32 v19, v23;
	v4 =	vadd.f32 v8, v4  }
0x1e3: {  	v3 =	vadd.f32 v6, v3;
	v6 =	vmul.f32 v19, v20;
	v8 =	vadd.f32 v12, v9  }
0x1e4: {  	v9 =	vmul.f32 v17, v16;
	v10 =	vadd.f32 v13, v10;
	v4 =	vadd.f32 v5, v4  }
0x1e5: {  	v3 =	vadd.f32 v6, v3;
	v5 =	vmul.f32 v17, v11;
	v6 =	vadd.f32 v7, v8  }
0x1e6: {  	v7 =	vadd.f32 v9, v10;
	[tilespmem:$0xEA80] =	vst v4  }
0x1e7: {  	v3 =	vadd.f32 v5, v3;
	[tilespmem:$0xEA90] =	vst v6  }
0x1e8: {  	[tilespmem:$0xEAA0] =	vst v7  }
0x1e9: {  	s12 =	simm.s32 $0x0;
	[tilespmem:$0xEAB0] =	vst v3  }
0x1ea: {  	v5 =	vld.idx.msk [tilespmem:v2+s12+$0x5500 ss:$0x1], $0xffff  }
0x1eb: {  	v6 =	vld.idx.msk [tilespmem:v2+s12+$0x5510 ss:$0x1], $0xffff  }
0x1ec: {  	s14 =	simm.s32 $0x44;
	s15 =	simm.s32 $0x41;
	s16 =	simm.s32 $0x40;
	v8 =	vld.idx.msk [tilespmem:v2+s12+$0x54C0 ss:$0x1], $0xffff  }
0x1ed: {  	s11 =	simm.s32 $0x43;
	v12 =	vmov s16;
	v9 =	vmov s15;
	v4 =	vmov s14;
	v11 =	vld.idx.msk [tilespmem:v2+s12+$0x54D0 ss:$0x1], $0xffff  }
0x1ee: {  	s13 =	simm.s32 $0x42;
	v7 =	vmov s11;
	v4 =	vand.u32 $0xFF, v4;
	v3 =	vadd.s32 $0x300, v1;
	v13 =	vld.idx.msk [tilespmem:v2+s12+$0x5480 ss:$0x1], $0xffff  }
0x1ef: {  	v10 =	vmov s13;
	v7 =	vand.u32 $0xFF, v7;
	v4 =	vor.u32 v3, v4;
	v14 =	vld.idx.msk [tilespmem:v2+s12+$0x5490 ss:$0x1], $0xffff  }
0x1f0: {  	v10 =	vand.u32 $0xFF, v10;
	v7 =	vor.u32 v3, v7;
	v15 =	vld.idx.msk [tilespmem:v2+s12+$0x5440 ss:$0x1], $0xffff;
	v4 =	vbroadcast v4, $0x0  }
0x1f1: {  	v9 =	vand.u32 $0xFF, v9;
	v10 =	vor.u32 v3, v10;
	v16 =	vld.idx.msk [tilespmem:v2+s12+$0x5450 ss:$0x1], $0xffff;
	v7 =	vbroadcast v7, $0x0  }
0x1f2: {  	v12 =	vand.u32 $0xFF, v12;
	v9 =	vor.u32 v3, v9;
	v17 =	vld.idx.msk [tilespmem:v2+s12+$0x5400 ss:$0x1], $0xffff;
	v10 =	vbroadcast v10, $0x0  }
0x1f3: {  	v12 =	vor.u32 v3, v12;
	v18 =	vld.idx.msk [tilespmem:v2+s12+$0x5410 ss:$0x1], $0xffff;
	v9 =	vbroadcast v9, $0x0  }
0x1f4: {  	v19 =	vld.idx.msk [tilespmem:v2+s12+$0x5420 ss:$0x1], $0xffff;
	v12 =	vbroadcast v12, $0x0  }
0x1f5: {  	v56 =	vld.idx.msk [tilespmem:v2+s12+$0x5430 ss:$0x1], $0xffff  }
0x1f6: {  	s10 =	simm.s32 $0x49;
	v21 =	vld.idx.msk [tilespmem:v4+s2+$0x0], $0xffff  }
0x1f7: {  	s18 =	simm.s32 $0x46;
	s14 =	simm.s32 $0x47;
	v20 =	vld.idx.msk [tilespmem:v7+s2+$0x0], $0xffff;
	v4 =	vmov s10  }
0x1f8: {  	v23 =	vmov s18;
	v54 =	vmov s14;
	v22 =	vld.idx.msk [tilespmem:v10+s2+$0x0], $0xffff;
	v4 =	vand.u32 $0xFF, v4  }
0x1f9: {  	s17 =	simm.s32 $0x48;
	s19 =	simm.s32 $0x45;
	v24 =	vand.u32 $0xFF, v54;
	v7 =	vimm.f32 $0.0e+00;
	v9 =	vld.idx.msk [tilespmem:v9+s2+$0x0], $0xffff;
	v4 =	vor.u32 v3, v4  }
0x1fa: {  	v10 =	vmov s17;
	v55 =	vld.idx.msk [tilespmem:v12+s2+$0x0], $0xffff;
	v12 =	vmov s19;
	v4 =	vbroadcast v4, $0x0  }
0x1fb: {  	v57 =	vld.idx.msk [tilespmem:v2+s12+$0x5460 ss:$0x1], $0xffff;
	v10 =	vand.u32 $0xFF, v10;
	v28 =	vmul.f32 v21, v5;
	v29 =	vmul.f32 v21, v6  }
0x1fc: {  	v32 =	vld.idx.msk [tilespmem:v2+s12+$0x54B0 ss:$0x1], $0xffff;
	v31 =	vor.u32 v3, v10;
	v30 =	vmul.f32 v20, v8;
	v11 =	vmul.f32 v20, v11  }
0x1fd: {  	v6 =	vand.u32 $0xFF, v23;
	v23 =	vld.idx.msk [tilespmem:v2+s12+$0x5470 ss:$0x1], $0xffff;
	v13 =	vmul.f32 v22, v13;
	v14 =	vmul.f32 v22, v14  }
0x1fe: {  	v5 =	vand.u32 $0xFF, v12;
	v8 =	vld.idx.msk [tilespmem:v2+s12+$0x54A0 ss:$0x1], $0xffff;
	v15 =	vmul.f32 v9, v15;
	v16 =	vmul.f32 v9, v16  }
0x1ff: {  	v58 =	vld.idx.msk [tilespmem:v2+s12+$0x54E0 ss:$0x1], $0xffff;
	v12 =	vor.u32 v3, v24;
	v17 =	vmul.f32 v55, v17;
	v18 =	vmul.f32 v55, v18  }
0x200: {  	v59 =	vld.idx.msk [tilespmem:v2+s12+$0x54F0 ss:$0x1], $0xffff;
	v10 =	vor.u32 v3, v6;
	v6 =	vmul.f32 v55, v19;
	v19 =	vmul.f32 v55, v56  }
0x201: {  	s11 =	simm.s32 $0x140;
	v61 =	vld.idx.msk [tilespmem:v2+s12+$0x5520 ss:$0x1], $0xffff;
	v60 =	vmul.f32 v9, v57;
	v17 =	vadd.f32 v17, v7;
	v18 =	vadd.f32 v18, v7  }
0x202: {  	v33 =	vadd.f32 v6, v7;
	v19 =	vadd.f32 v19, v7;
	v6 =	vld.idx.msk [tilespmem:v2+s11+$0x5500 ss:$0x1], $0xffff;
	v9 =	vmul.f32 v9, v23  }
0x203: {  	v15 =	vadd.f32 v15, v17;
	v16 =	vadd.f32 v16, v18;
	v23 =	vld.idx.msk [tilespmem:v2+s12+$0x5530 ss:$0x1], $0xffff;
	v17 =	vmul.f32 v22, v8  }
0x204: {  	v7 =	vld.idx.msk [tilespmem:v2+s11+$0x5510 ss:$0x1], $0xffff;
	v18 =	vadd.f32 v60, v33;
	v9 =	vadd.f32 v9, v19;
	v19 =	vmul.f32 v22, v32  }
0x205: {  	v8 =	vld.idx.msk [tilespmem:v2+s11+$0x54C0 ss:$0x1], $0xffff;
	v15 =	vadd.f32 v13, v15;
	v16 =	vadd.f32 v14, v16;
	v22 =	vmul.f32 v20, v58  }
0x206: {  	v13 =	vld.idx.msk [tilespmem:v2+s11+$0x54D0 ss:$0x1], $0xffff;
	v18 =	vadd.f32 v17, v18;
	v9 =	vadd.f32 v19, v9;
	v19 =	vmul.f32 v20, v59  }
0x207: {  	v14 =	vld.idx.msk [tilespmem:v2+s11+$0x5480 ss:$0x1], $0xffff;
	v17 =	vmul.f32 v21, v61;
	v62 =	vadd.f32 v30, v15;
	v63 =	vadd.f32 v11, v16  }
0x208: {  	v15 =	vld.idx.msk [tilespmem:v2+s11+$0x5490 ss:$0x1], $0xffff;
	v20 =	vadd.f32 v22, v18;
	v18 =	vadd.f32 v19, v9;
	v19 =	vmul.f32 v21, v23  }
0x209: {  	s12 =	simm.s32 $0xA00;
	v16 =	vld.idx.msk [tilespmem:v2+s11+$0x5440 ss:$0x1], $0xffff;
	v11 =	vadd.f32 v28, v62;
	v21 =	vbroadcast v31, $0x0;
	v9 =	vadd.f32 v29, v63  }
.LBB2_15:
0x20a: {  	p1 =	sne.s32 s12, $0x2D00;
	v22 =	vld.idx.msk [tilespmem:v2+s11+$0x5450 ss:$0x1], $0xffff;
	v12 =	vbroadcast v12, $0x0;
	v17 =	vadd.f32 v17, v20;
	v18 =	vadd.f32 v19, v18  }
0x20b: {  	v5 =	vor.u32 v3, v5;
	v10 =	vbroadcast v10, $0x0;
	v19 =	vld.idx.msk [tilespmem:v2+s11+$0x5400 ss:$0x1], $0xffff  }
0x20c: {  	v5 =	vbroadcast v5, $0x0;
	v20 =	vld.idx.msk [tilespmem:v2+s11+$0x5410 ss:$0x1], $0xffff  }
0x20d: {  	v23 =	vld.idx.msk [tilespmem:v2+s11+$0x5420 ss:$0x1], $0xffff  }
0x20e: {  	v24 =	vld.idx.msk [tilespmem:v4+s2+$0x0], $0xffff  }
0x20f: {  	s10 =	sadd.s32 $0x5, s10;
	v21 =	vld.idx.msk [tilespmem:v21+s2+$0x0], $0xffff  }
0x210: {  	s13 =	sadd.s32 $0xFFFFFFFF, s10;
	v4 =	vmov s10;
	v25 =	vld.idx.msk [tilespmem:v12+s2+$0x0], $0xffff  }
0x211: {  	s14 =	sadd.s32 $0xFFFFFFFD, s10;
	s15 =	sadd.s32 $0xFFFFFFFE, s10;
	v4 =	vand.u32 $0xFF, v4;
	v12 =	vmov s13;
	v26 =	vld.idx.msk [tilespmem:v10+s2+$0x0], $0xffff  }
0x212: {  	v27 =	vmov s15;
	s13 =	sadd.s32 $0xFFFFFFFC, s10;
	v4 =	vor.u32 v3, v4;
	v10 =	vmov s14;
	v28 =	vld.idx.msk [tilespmem:v5+s2+$0x0], $0xffff  }
0x213: {  	v12 =	vand.u32 $0xFF, v12;
	v4 =	vbroadcast v4, $0x0;
	v5 =	vmov s13;
	v29 =	vld.idx.msk [tilespmem:v2+s11+$0x5430 ss:$0x1], $0xffff  }
0x214: {  	v27 =	vand.u32 $0xFF, v27;
	v31 =	vmul.f32 v24, v6;
	v32 =	vmul.f32 v24, v7;
	v30 =	vld.idx.msk [tilespmem:v2+s11+$0x5460 ss:$0x1], $0xffff  }
0x215: {  	v6 =	vand.u32 $0xFF, v10;
	v33 =	vmul.f32 v21, v8;
	v34 =	vmul.f32 v21, v13;
	v7 =	vld.idx.msk [tilespmem:v2+s11+$0x5470 ss:$0x1], $0xffff  }
0x216: {  	v5 =	vand.u32 $0xFF, v5;
	v13 =	vmul.f32 v25, v14;
	v14 =	vmul.f32 v25, v15;
	v8 =	vld.idx.msk [tilespmem:v2+s11+$0x54A0 ss:$0x1], $0xffff  }
0x217: {  	v35 =	vor.u32 v3, v12;
	v15 =	vmul.f32 v26, v16;
	v16 =	vmul.f32 v26, v22;
	v22 =	vld.idx.msk [tilespmem:v2+s11+$0x54B0 ss:$0x1], $0xffff  }
0x218: {  	v12 =	vor.u32 v3, v27;
	v19 =	vmul.f32 v28, v19;
	v20 =	vmul.f32 v28, v20;
	v27 =	vld.idx.msk [tilespmem:v2+s11+$0x54E0 ss:$0x1], $0xffff  }
0x219: {  	v10 =	vor.u32 v3, v6;
	v6 =	vmul.f32 v28, v23;
	v23 =	vmul.f32 v28, v29;
	v28 =	vld.idx.msk [tilespmem:v2+s11+$0x54F0 ss:$0x1], $0xffff  }
0x21a: {  	v11 =	vadd.f32 v19, v11;
	v9 =	vadd.f32 v20, v9;
	v19 =	vmul.f32 v26, v30;
	v20 =	vld.idx.msk [tilespmem:v2+s11+$0x5520 ss:$0x1], $0xffff  }
0x21b: {  	v17 =	vadd.f32 v6, v17;
	v18 =	vadd.f32 v23, v18;
	v23 =	vmul.f32 v26, v7;
	v26 =	vld.idx.msk [tilespmem:v2+s11+$0x5530 ss:$0x1], $0xffff;
	s11 =	sshra.s32 s12, $0x2  }
0x21c: {  	v11 =	vadd.f32 v15, v11;
	v9 =	vadd.f32 v16, v9;
	v15 =	vmul.f32 v25, v8;
	v6 =	vld.idx.msk [tilespmem:v2+s11+$0x5500 ss:$0x1], $0xffff  }
0x21d: {  	v16 =	vadd.f32 v19, v17;
	v17 =	vadd.f32 v23, v18;
	v18 =	vmul.f32 v25, v22;
	v7 =	vld.idx.msk [tilespmem:v2+s11+$0x5510 ss:$0x1], $0xffff  }
.Ltmp6:
0x21e: {  	v11 =	vadd.f32 v13, v11;
	v9 =	vadd.f32 v14, v9;
	v19 =	vmul.f32 v21, v27;
	v8 =	vld.idx.msk [tilespmem:v2+s11+$0x54C0 ss:$0x1], $0xffff;
	(pc) =	sbr.rel @p1 .LBB2_15-.Ltmp6, $4  }
0x21f: {  	v16 =	vadd.f32 v15, v16;
	v18 =	vadd.f32 v18, v17;
	v21 =	vmul.f32 v21, v28;
	v13 =	vld.idx.msk [tilespmem:v2+s11+$0x54D0 ss:$0x1], $0xffff  }
0x220: {  	v11 =	vadd.f32 v33, v11;
	v9 =	vadd.f32 v34, v9;
	v17 =	vmul.f32 v24, v20;
	v14 =	vld.idx.msk [tilespmem:v2+s11+$0x5480 ss:$0x1], $0xffff  }
0x221: {  	v20 =	vadd.f32 v19, v16;
	v18 =	vadd.f32 v21, v18;
	v19 =	vmul.f32 v24, v26;
	v15 =	vld.idx.msk [tilespmem:v2+s11+$0x5490 ss:$0x1], $0xffff  }
0x222: {  	s12 =	sadd.s32 $0x500, s12;
	v21 =	vbroadcast v35, $0x0;
	v11 =	vadd.f32 v31, v11;
	v9 =	vadd.f32 v32, v9;
	v16 =	vld.idx.msk [tilespmem:v2+s11+$0x5440 ss:$0x1], $0xffff  }
0x223: {  	_ =	sdelay $0x2  }
0x224: {  	v12 =	vbroadcast v12, $0x0;
	v3 =	vor.u32 v3, v5  }
0x225: {  	v5 =	vld.idx.msk [tilespmem:v2+s11+$0x5450 ss:$0x1], $0xffff;
	v3 =	vbroadcast v3, $0x0  }
0x226: {  	v22 =	vld.idx.msk [tilespmem:v2+s11+$0x5400 ss:$0x1], $0xffff  }
0x227: {  	v10 =	vbroadcast v10, $0x0;
	v23 =	vld.idx.msk [tilespmem:v2+s11+$0x5410 ss:$0x1], $0xffff  }
0x228: {  	v4 =	vld.idx.msk [tilespmem:v4+s2+$0x0], $0xffff  }
0x229: {  	v21 =	vld.idx.msk [tilespmem:v21+s2+$0x0], $0xffff  }
0x22a: {  	v12 =	vld.idx.msk [tilespmem:v12+s2+$0x0], $0xffff  }
0x22b: {  	v3 =	vld.idx.msk [tilespmem:v3+s2+$0x0], $0xffff  }
0x22c: {  	v24 =	vld.idx.msk [tilespmem:v2+s11+$0x5420 ss:$0x1], $0xffff  }
0x22d: {  	v10 =	vld.idx.msk [tilespmem:v10+s2+$0x0], $0xffff  }
0x22e: {  	v25 =	vld.idx.msk [tilespmem:v2+s11+$0x5430 ss:$0x1], $0xffff;
	v6 =	vmul.f32 v4, v6;
	v7 =	vmul.f32 v4, v7  }
0x22f: {  	v26 =	vld.idx.msk [tilespmem:v2+s11+$0x5460 ss:$0x1], $0xffff;
	v8 =	vmul.f32 v21, v8;
	v13 =	vmul.f32 v21, v13  }
0x230: {  	v17 =	vadd.f32 v17, v20;
	v20 =	vld.idx.msk [tilespmem:v2+s11+$0x5470 ss:$0x1], $0xffff;
	v14 =	vmul.f32 v12, v14;
	v22 =	vmul.f32 v3, v22  }
0x231: {  	v18 =	vadd.f32 v19, v18;
	v19 =	vld.idx.msk [tilespmem:v2+s11+$0x54A0 ss:$0x1], $0xffff;
	v15 =	vmul.f32 v12, v15;
	v23 =	vmul.f32 v3, v23  }
0x232: {  	v27 =	vld.idx.msk [tilespmem:v2+s11+$0x54B0 ss:$0x1], $0xffff;
	v16 =	vmul.f32 v10, v16;
	v24 =	vmul.f32 v3, v24;
	v11 =	vadd.f32 v22, v11  }
0x233: {  	v5 =	vmul.f32 v10, v5;
	v3 =	vmul.f32 v3, v25;
	v22 =	vld.idx.msk [tilespmem:v2+s11+$0x54E0 ss:$0x1], $0xffff;
	v9 =	vadd.f32 v23, v9  }
0x234: {  	v63 =	vmul.f32 v10, v26;
	v23 =	vld.idx.msk [tilespmem:v2+s11+$0x54F0 ss:$0x1], $0xffff;
	v17 =	vadd.f32 v24, v17;
	v11 =	vadd.f32 v16, v11  }
0x235: {  	v10 =	vmul.f32 v10, v20;
	v3 =	vadd.f32 v3, v18;
	v16 =	vld.idx.msk [tilespmem:v2+s11+$0x5520 ss:$0x1], $0xffff;
	v5 =	vadd.f32 v5, v9  }
0x236: {  	v18 =	vmul.f32 v12, v19;
	v9 =	vld.idx.msk [tilespmem:v2+s11+$0x5530 ss:$0x1], $0xffff;
	v17 =	vadd.f32 v63, v17;
	v11 =	vadd.f32 v14, v11  }
0x237: {  	v3 =	vadd.f32 v10, v3;
	v10 =	vmul.f32 v12, v27;
	v5 =	vadd.f32 v15, v5  }
0x238: {  	v14 =	vadd.f32 v18, v17;
	v12 =	vmul.f32 v21, v22;
	v8 =	vadd.f32 v8, v11  }
0x239: {  	v3 =	vadd.f32 v10, v3;
	v10 =	vmul.f32 v21, v23;
	v5 =	vadd.f32 v13, v5  }
0x23a: {  	v11 =	vmul.f32 v4, v16;
	v12 =	vadd.f32 v12, v14;
	v6 =	vadd.f32 v6, v8  }
0x23b: {  	v3 =	vadd.f32 v10, v3;
	v4 =	vmul.f32 v4, v9;
	v5 =	vadd.f32 v7, v5  }
0x23c: {  	v7 =	vadd.f32 v11, v12;
	[tilespmem:$0xEB00] =	vst v6  }
0x23d: {  	v3 =	vadd.f32 v4, v3;
	[tilespmem:$0xEB10] =	vst v5  }
0x23e: {  	[tilespmem:$0xEB20] =	vst v7  }
0x23f: {  	v1 =	vadd.s32 $0x380, v1;
	s10 =	simm.s32 $0x0;
	s14 =	simm.s32 $0x41;
	[tilespmem:$0xEB30] =	vst v3  }
0x240: {  	s12 =	simm.s32 $0x43;
	v1 =	vbroadcast v1, $0x0;
	v14 =	vmov s14;
	v4 =	vld.idx.msk [tilespmem:v2+s10+$0x6300 ss:$0x1], $0xffff  }
0x241: {  	s19 =	simm.s32 $0x42;
	v8 =	vmov s12;
	v16 =	vand.u32 $0x7, v14;
	v19 =	vand.u32 $0xF8, v14;
	v6 =	vld.idx.msk [tilespmem:v2+s10+$0x6310 ss:$0x1], $0xffff  }
0x242: {  	s11 =	simm.s32 $0x44;
	v12 =	vmov s19;
	v15 =	vand.u32 $0xF8, v8;
	v8 =	vand.u32 $0x7, v8;
	v7 =	vld.idx.msk [tilespmem:v2+s10+$0x62C0 ss:$0x1], $0xffff  }
0x243: {  	v5 =	vmov s11;
	v13 =	vand.u32 $0x7, v12;
	v17 =	vand.u32 $0xF8, v12;
	v11 =	vld.idx.msk [tilespmem:v2+s10+$0x62D0 ss:$0x1], $0xffff  }
0x244: {  	s13 =	simm.s32 $0x40;
	v20 =	vadd.s32 v1, v15;
	v3 =	vimm.f32 $0.0e+00;
	v9 =	vand.u32 $0xF8, v5;
	v12 =	vld.idx.msk [tilespmem:v2+s10+$0x6280 ss:$0x1], $0xffff  }
0x245: {  	v10 =	vand.u32 $0x7, v5;
	v5 =	vmov s13;
	v9 =	vadd.s32 v1, v9;
	v14 =	vld.idx.msk [tilespmem:v2+s10+$0x6290 ss:$0x1], $0xffff  }
0x246: {  	v21 =	vadd.s32 v1, v17;
	v20 =	vor.u32 v8, v20;
	v15 =	vld.idx.msk [tilespmem:v2+s10+$0x6240 ss:$0x1], $0xffff;
	v18 =	vor.u32 v10, v9  }
0x247: {  	s12 =	simm.s32 $0x500;
	v8 =	vimm.f32 $0.0e+00;
	v17 =	vld.idx.msk [tilespmem:v2+s10+$0x6250 ss:$0x1], $0xffff;
	v10 =	vimm.f32 $0.0e+00;
	v9 =	vimm.f32 $0.0e+00  }
.LBB2_17:
0x248: {  	p1 =	sne.s32 s12, $0x2D00;
	v22 =	vand.u32 $0xF8, v5;
	v23 =	vld.idx.msk [tilespmem:v2+s10+$0x6200 ss:$0x1], $0xffff;
	v19 =	vadd.s32 v1, v19;
	v13 =	vor.u32 v13, v21  }
0x249: {  	v5 =	vand.u32 $0x7, v5;
	v21 =	vadd.s32 v1, v22;
	v22 =	vld.idx.msk [tilespmem:v2+s10+$0x6210 ss:$0x1], $0xffff;
	v16 =	vor.u32 v16, v19  }
0x24a: {  	v19 =	vor.u32 v5, v21;
	v21 =	vld.idx.msk [tilespmem:v2+s10+$0x6220 ss:$0x1], $0xffff  }
0x24b: {  	v24 =	vld.idx.msk [tilespmem:v18+s2+$0x0], $0xffff  }
0x24c: {  	s11 =	sadd.s32 $0x5, s11;
	v20 =	vld.idx.msk [tilespmem:v20+s2+$0x0], $0xffff  }
0x24d: {  	s13 =	sadd.s32 $0xFFFFFFFF, s11;
	v5 =	vmov s11;
	v25 =	vld.idx.msk [tilespmem:v13+s2+$0x0], $0xffff  }
0x24e: {  	s14 =	sadd.s32 $0xFFFFFFFC, s11;
	s15 =	sadd.s32 $0xFFFFFFFD, s11;
	s16 =	sadd.s32 $0xFFFFFFFE, s11;
	v18 =	vand.u32 $0xF8, v5;
	v26 =	vand.u32 $0x7, v5;
	v13 =	vmov s13;
	v27 =	vld.idx.msk [tilespmem:v16+s2+$0x0], $0xffff  }
0x24f: {  	v28 =	vmov s15;
	v5 =	vmov s14;
	v16 =	vmov s16;
	v29 =	vld.idx.msk [tilespmem:v19+s2+$0x0], $0xffff  }
0x250: {  	v18 =	vadd.s32 v1, v18;
	v30 =	vand.u32 $0xF8, v13;
	v31 =	vand.u32 $0x7, v13;
	v32 =	vld.idx.msk [tilespmem:v2+s10+$0x6230 ss:$0x1], $0xffff  }
0x251: {  	v13 =	vand.u32 $0x7, v16;
	v34 =	vmul.f32 v24, v4;
	v35 =	vmul.f32 v24, v6;
	v33 =	vld.idx.msk [tilespmem:v2+s10+$0x6260 ss:$0x1], $0xffff  }
0x252: {  	v36 =	vand.u32 $0xF8, v16;
	v37 =	vmul.f32 v20, v7;
	v38 =	vmul.f32 v20, v11;
	v4 =	vld.idx.msk [tilespmem:v2+s10+$0x6270 ss:$0x1], $0xffff  }
0x253: {  	v16 =	vand.u32 $0x7, v28;
	v11 =	vmul.f32 v25, v12;
	v12 =	vmul.f32 v25, v14;
	v6 =	vld.idx.msk [tilespmem:v2+s10+$0x62A0 ss:$0x1], $0xffff  }
0x254: {  	v19 =	vand.u32 $0xF8, v28;
	v7 =	vmul.f32 v27, v15;
	v14 =	vmul.f32 v27, v17;
	v15 =	vld.idx.msk [tilespmem:v2+s10+$0x62B0 ss:$0x1], $0xffff  }
0x255: {  	v18 =	vor.u32 v26, v18;
	v17 =	vmul.f32 v29, v23;
	v22 =	vmul.f32 v29, v22;
	v23 =	vld.idx.msk [tilespmem:v2+s10+$0x62E0 ss:$0x1], $0xffff  }
0x256: {  	v26 =	vadd.s32 v1, v30;
	v21 =	vmul.f32 v29, v21;
	v28 =	vmul.f32 v29, v32;
	v29 =	vld.idx.msk [tilespmem:v2+s10+$0x62F0 ss:$0x1], $0xffff  }
0x257: {  	v3 =	vadd.f32 v17, v3;
	v10 =	vadd.f32 v22, v10;
	v17 =	vmul.f32 v27, v33;
	v22 =	vld.idx.msk [tilespmem:v2+s10+$0x6320 ss:$0x1], $0xffff  }
0x258: {  	v9 =	vadd.f32 v21, v9;
	v8 =	vadd.f32 v28, v8;
	v21 =	vmul.f32 v27, v4;
	v27 =	vld.idx.msk [tilespmem:v2+s10+$0x6330 ss:$0x1], $0xffff;
	s10 =	sshra.s32 s12, $0x2  }
0x259: {  	v3 =	vadd.f32 v7, v3;
	v10 =	vadd.f32 v14, v10;
	v14 =	vmul.f32 v25, v6;
	v4 =	vld.idx.msk [tilespmem:v2+s10+$0x6300 ss:$0x1], $0xffff  }
0x25a: {  	v9 =	vadd.f32 v17, v9;
	v8 =	vadd.f32 v21, v8;
	v15 =	vmul.f32 v25, v15;
	v6 =	vld.idx.msk [tilespmem:v2+s10+$0x6310 ss:$0x1], $0xffff  }
0x25b: {  	v3 =	vadd.f32 v11, v3;
	v10 =	vadd.f32 v12, v10;
	v17 =	vmul.f32 v20, v23;
	v7 =	vld.idx.msk [tilespmem:v2+s10+$0x62C0 ss:$0x1], $0xffff  }
.Ltmp7:
0x25c: {  	v9 =	vadd.f32 v14, v9;
	v8 =	vadd.f32 v15, v8;
	v15 =	vmul.f32 v20, v29;
	v11 =	vld.idx.msk [tilespmem:v2+s10+$0x62D0 ss:$0x1], $0xffff;
	(pc) =	sbr.rel @p1 .LBB2_17-.Ltmp7, $4  }
0x25d: {  	v3 =	vadd.f32 v37, v3;
	v10 =	vadd.f32 v38, v10;
	v22 =	vmul.f32 v24, v22;
	v12 =	vld.idx.msk [tilespmem:v2+s10+$0x6280 ss:$0x1], $0xffff  }
0x25e: {  	v9 =	vadd.f32 v17, v9;
	v8 =	vadd.f32 v15, v8;
	v23 =	vmul.f32 v24, v27;
	v14 =	vld.idx.msk [tilespmem:v2+s10+$0x6290 ss:$0x1], $0xffff  }
0x25f: {  	v21 =	vadd.s32 v1, v36;
	v3 =	vadd.f32 v34, v3;
	v10 =	vadd.f32 v35, v10;
	v15 =	vld.idx.msk [tilespmem:v2+s10+$0x6240 ss:$0x1], $0xffff  }
0x260: {  	s12 =	sadd.s32 $0x500, s12;
	v20 =	vor.u32 v31, v26;
	v9 =	vadd.f32 v22, v9;
	v8 =	vadd.f32 v23, v8;
	v17 =	vld.idx.msk [tilespmem:v2+s10+$0x6250 ss:$0x1], $0xffff  }
0x261: {  	_ =	sdelay $0x1  }
0x262: {  	v22 =	vand.u32 $0xF8, v5  }
0x263: {  	v13 =	vor.u32 v13, v21;
	v43 =	vand.u32 $0x7, v5;
	v44 =	vadd.s32 v1, v22  }
0x264: {  	v45 =	vld.idx.msk [tilespmem:v2+s10+$0x6200 ss:$0x1], $0xffff;
	v5 =	vor.u32 v43, v44  }
0x265: {  	v46 =	vld.idx.msk [tilespmem:v2+s10+$0x6210 ss:$0x1], $0xffff;
	v1 =	vadd.s32 v1, v19  }
0x266: {  	v47 =	vld.idx.msk [tilespmem:v18+s2+$0x0], $0xffff;
	v1 =	vor.u32 v16, v1  }
0x267: {  	v48 =	vld.idx.msk [tilespmem:v20+s2+$0x0], $0xffff  }
0x268: {  	v13 =	vld.idx.msk [tilespmem:v13+s2+$0x0], $0xffff  }
0x269: {  	v5 =	vld.idx.msk [tilespmem:v5+s2+$0x0], $0xffff  }
0x26a: {  	v49 =	vld.idx.msk [tilespmem:v2+s10+$0x6220 ss:$0x1], $0xffff  }
0x26b: {  	v1 =	vld.idx.msk [tilespmem:v1+s2+$0x0], $0xffff  }
0x26c: {  	v50 =	vld.idx.msk [tilespmem:v2+s10+$0x6230 ss:$0x1], $0xffff;
	v4 =	vmul.f32 v47, v4;
	v6 =	vmul.f32 v47, v6  }
0x26d: {  	v23 =	vld.idx.msk [tilespmem:v2+s10+$0x6260 ss:$0x1], $0xffff;
	v7 =	vmul.f32 v48, v7;
	v11 =	vmul.f32 v48, v11  }
0x26e: {  	v24 =	vld.idx.msk [tilespmem:v2+s10+$0x6270 ss:$0x1], $0xffff;
	v12 =	vmul.f32 v13, v12;
	v22 =	vmul.f32 v5, v45  }
0x26f: {  	v25 =	vld.idx.msk [tilespmem:v2+s10+$0x62A0 ss:$0x1], $0xffff;
	v14 =	vmul.f32 v13, v14;
	v19 =	vmul.f32 v5, v46  }
0x270: {  	v26 =	vld.idx.msk [tilespmem:v2+s10+$0x62B0 ss:$0x1], $0xffff;
	v15 =	vmul.f32 v1, v15;
	v20 =	vmul.f32 v5, v49;
	v3 =	vadd.f32 v22, v3  }
0x271: {  	v51 =	vld.idx.msk [tilespmem:v2+s10+$0x62E0 ss:$0x1], $0xffff;
	v17 =	vmul.f32 v1, v17;
	v5 =	vmul.f32 v5, v50;
	v10 =	vadd.f32 v19, v10  }
0x272: {  	v52 =	vld.idx.msk [tilespmem:v2+s10+$0x62F0 ss:$0x1], $0xffff;
	v53 =	vmul.f32 v1, v23;
	v9 =	vadd.f32 v20, v9;
	v3 =	vadd.f32 v15, v3  }
0x273: {  	v54 =	vld.idx.msk [tilespmem:v2+s10+$0x6320 ss:$0x1], $0xffff;
	v1 =	vmul.f32 v1, v24;
	v5 =	vadd.f32 v5, v8;
	v55 =	vadd.f32 v17, v10  }
0x274: {  	v2 =	vld.idx.msk [tilespmem:v2+s10+$0x6330 ss:$0x1], $0xffff;
	v56 =	vmul.f32 v13, v25;
	v9 =	vadd.f32 v53, v9;
	v3 =	vadd.f32 v12, v3  }
0x275: {  	v57 =	vmul.f32 v13, v26;
	v1 =	vadd.f32 v1, v5;
	v8 =	vadd.f32 v14, v55  }
0x276: {  	v58 =	vmul.f32 v48, v51;
	v9 =	vadd.f32 v56, v9;
	v3 =	vadd.f32 v7, v3  }
0x277: {  	v59 =	vmul.f32 v48, v52;
	v1 =	vadd.f32 v57, v1;
	v60 =	vadd.f32 v11, v8  }
0x278: {  	v61 =	vmul.f32 v47, v54;
	v9 =	vadd.f32 v58, v9;
	v3 =	vadd.f32 v4, v3  }
0x279: {  	v2 =	vmul.f32 v47, v2;
	v1 =	vadd.f32 v59, v1;
	v62 =	vadd.f32 v6, v60  }
0x27a: {  	v63 =	vadd.f32 v61, v9;
	[tilespmem:$0xEB80] =	vst v3  }
0x27b: {  	v1 =	vadd.f32 v2, v1;
	[tilespmem:$0xEB90] =	vst v62  }
0x27c: {  	s10 =	sshll.u32 s8, $0x7;
	[tilespmem:$0xEBA0] =	vst v63  }
0x27d: {  	s11 =	sadd.s32 s10, s23;
	[tilespmem:$0xEBB0] =	vst v1  }
0x27e: {  	[hbm4b:s11+s2] =	stream.linear.scatter [tilespmem:s28], [sflag:$0x3], $0x400, $0x38;
	[tilespmem:$0x10C80] =	vst v63  }
0x27f: {  	p1 =	sgt.u32 s8, $0x3D;
	_ =	swait.ge [sflag:s30], $0x400  }
0x280: {  	s8 =	sadd.s32 $0x1, s8;
	s9 =	sshll.u32 @!p1 s9, $0xA;
	[sflag:s30] =	ssyncset.done $0x0  }
0x281: {  	s10 =	sadd.s32 @!p1 s25, s10;
	s11 =	simm.s32 @!p1 $0x0;
	[sflag:s30] =	ssyncadd.s32 $0xFFFFFC00  }
0x282: {  	[tilespmem:s9], [sflag:$0x1] =	stream.linear.gather @!p1 [hbm4b:s10+s11], $0x400, $0x38;
	[tilespmem:$0x10C80] =	vst v63  }
0x283: {  	p1 =	seq.s32 s8, $0x40  }
.Ltmp8:
0x284: {  	_ = 	snop;
	(pc) =	sbr.rel @!p1 .LBB2_2-.Ltmp8, $2  }
0x285: {  	_ =	sdelay $0x2  }
0x286: {  	p0 =	por !p0, !p0  }
0x287: {  	s8 =	rddreg [dreg:$0x7]  }
0x288: {  	[tilespmem:s0], [sflag:$0x3] =	stream.linear.gather [hbm4b:s8+s2], $0x80, $0x38;
	[tilespmem:$0x10C80] =	vst v63  }
0x289: {  	_ =	swait.ge [sflag:s30], $0x80  }
0x28a: {  	[sflag:s30] =	ssyncset.done $0x0  }
0x28b: {  	[sflag:s30] =	ssyncadd.s32 $0xFFFFFF80  }
0x28c: {  	[tilespmem:s5], [sflag:$0x1] =	stream.indirect.gather [hbm4b:s4+s31], $0x40, s0, s31, $0xb8;
	[tilespmem:$0x10C80] =	vst v63  }
0x28d: {  	_ =	swait.ge [sflag:s26], $0x2000  }
0x28e: {  	[sflag:s26] =	ssyncset.done $0x0  }
0x28f: {  	s19 =	rddreg [dreg:$0x8];
	[sflag:s26] =	ssyncadd.s32 $0xFFFFE000  }
0x290: {  	[hbm4b:s19+s6] =	stream.strided.scatter [tilespmem:s5], [sflag:$0x3], $0x2000, s31, s6, $0x38;
	[tilespmem:$0x10C80] =	vst v63  }
0x291: {  	_ =	swait.ge [sflag:s30], $0x2000  }
0x292: {  	[sflag:s30] =	ssyncset.done $0x0  }
0x293: {  	s9 =	rddreg [dreg:$0x9];
	[sflag:s30] =	ssyncadd.s32 $0xFFFFE000  }
0x294: {  	[tilespmem:s0], [sflag:$0x3] =	stream.linear.gather [hbm4b:s9+s2], $0x80, $0x38;
	[tilespmem:$0x10C80] =	vst v63  }
0x295: {  	_ =	swait.ge [sflag:s30], $0x80  }
0x296: {  	[sflag:s30] =	ssyncset.done $0x0  }
0x297: {  	[sflag:s30] =	ssyncadd.s32 $0xFFFFFF80  }
0x298: {  	[tilespmem:s5], [sflag:$0x1] =	stream.indirect.gather [hbm4b:s4+s31], $0x40, s0, s31, $0xb8;
	[tilespmem:$0x10C80] =	vst v63  }
0x299: {  	_ =	swait.ge [sflag:s26], $0x2000  }
0x29a: {  	[sflag:s26] =	ssyncset.done $0x0  }
0x29b: {  	s10 =	rddreg [dreg:$0xa];
	[sflag:s26] =	ssyncadd.s32 $0xFFFFE000  }
0x29c: {  	[hbm4b:s10+s6] =	stream.strided.scatter [tilespmem:s5], [sflag:$0x3], $0x2000, s31, s6, $0x38;
	[tilespmem:$0x10C80] =	vst v63  }
0x29d: {  	_ =	swait.ge [sflag:s30], $0x2000  }
0x29e: {  	[sflag:s30] =	ssyncset.done $0x0  }
0x29f: {  	s11 =	rddreg [dreg:$0xb];
	[sflag:s30] =	ssyncadd.s32 $0xFFFFE000  }
0x2a0: {  	[tilespmem:s0], [sflag:$0x3] =	stream.linear.gather [hbm4b:s11+s2], $0x80, $0x38;
	[tilespmem:$0x10C80] =	vst v63  }
0x2a1: {  	_ =	swait.ge [sflag:s30], $0x80  }
0x2a2: {  	[sflag:s30] =	ssyncset.done $0x0  }
0x2a3: {  	[sflag:s30] =	ssyncadd.s32 $0xFFFFFF80  }
0x2a4: {  	[tilespmem:s5], [sflag:$0x1] =	stream.indirect.gather [hbm4b:s4+s31], $0x40, s0, s31, $0xb8;
	[tilespmem:$0x10C80] =	vst v63  }
0x2a5: {  	_ =	swait.ge [sflag:s26], $0x2000  }
0x2a6: {  	[sflag:s26] =	ssyncset.done $0x0  }
0x2a7: {  	s12 =	rddreg [dreg:$0x10];
	[sflag:s26] =	ssyncadd.s32 $0xFFFFE000  }
0x2a8: {  	[hbm4b:s12+s6] =	stream.strided.scatter [tilespmem:s5], [sflag:$0x3], $0x2000, s31, s6, $0x38;
	[tilespmem:$0x10C80] =	vst v63  }
0x2a9: {  	_ =	swait.ge [sflag:s30], $0x2000  }
0x2aa: {  	[sflag:s30] =	ssyncset.done $0x0  }
0x2ab: {  	s13 =	rddreg [dreg:$0xc];
	[sflag:s30] =	ssyncadd.s32 $0xFFFFE000  }
0x2ac: {  	[tilespmem:s0], [sflag:$0x3] =	stream.linear.gather [hbm4b:s13+s2], $0x80, $0x38;
	[tilespmem:$0x10C80] =	vst v63  }
0x2ad: {  	_ =	swait.ge [sflag:s30], $0x80  }
0x2ae: {  	[sflag:s30] =	ssyncset.done $0x0  }
0x2af: {  	[sflag:s30] =	ssyncadd.s32 $0xFFFFFF80  }
0x2b0: {  	[tilespmem:s5], [sflag:$0x1] =	stream.indirect.gather [hbm4b:s4+s31], $0x40, s0, s31, $0xb8;
	[tilespmem:$0x10C80] =	vst v63  }
0x2b1: {  	_ =	swait.ge [sflag:s26], $0x2000  }
0x2b2: {  	[sflag:s26] =	ssyncset.done $0x0  }
0x2b3: {  	s14 =	rddreg [dreg:$0x11];
	[sflag:s26] =	ssyncadd.s32 $0xFFFFE000  }
0x2b4: {  	[hbm4b:s14+s6] =	stream.strided.scatter [tilespmem:s5], [sflag:$0x3], $0x2000, s31, s6, $0x38;
	[tilespmem:$0x10C80] =	vst v63  }
0x2b5: {  	_ =	swait.ge [sflag:s30], $0x2000  }
0x2b6: {  	[sflag:s30] =	ssyncset.done $0x0  }
0x2b7: {  	s15 =	rddreg [dreg:$0x6];
	[sflag:s30] =	ssyncadd.s32 $0xFFFFE000  }
0x2b8: {  	[tilespmem:s0], [sflag:$0x3] =	stream.linear.gather [hbm4b:s15+s2], $0x80, $0x38;
	[tilespmem:$0x10C80] =	vst v63  }
0x2b9: {  	_ =	swait.ge [sflag:s30], $0x80  }
0x2ba: {  	[sflag:s30] =	ssyncset.done $0x0  }
0x2bb: {  	[sflag:s30] =	ssyncadd.s32 $0xFFFFFF80  }
0x2bc: {  	[tilespmem:s5], [sflag:$0x1] =	stream.indirect.gather [hbm4b:s3+s31], $0x40, s0, s31, $0xb8;
	[tilespmem:$0x10C80] =	vst v63  }
0x2bd: {  	_ =	swait.ge [sflag:s26], $0x2000  }
0x2be: {  	[sflag:s26] =	ssyncset.done $0x0  }
0x2bf: {  	s16 =	rddreg [dreg:$0x12];
	[sflag:s26] =	ssyncadd.s32 $0xFFFFE000  }
0x2c0: {  	[hbm4b:s16+s6] =	stream.strided.scatter [tilespmem:s5], [sflag:$0x3], $0x2000, s31, s6, $0x38;
	[tilespmem:$0x10C80] =	vst v63  }
0x2c1: {  	_ =	swait.ge [sflag:s30], $0x2000  }
0x2c2: {  	[sflag:s30] =	ssyncset.done $0x0  }
0x2c3: {  	s17 =	rddreg [dreg:$0xd];
	[sflag:s30] =	ssyncadd.s32 $0xFFFFE000  }
0x2c4: {  	[tilespmem:s0], [sflag:$0x3] =	stream.linear.gather [hbm4b:s17+s2], $0x80, $0x38;
	[tilespmem:$0x10C80] =	vst v63  }
0x2c5: {  	_ =	swait.ge [sflag:s30], $0x80  }
0x2c6: {  	[sflag:s30] =	ssyncset.done $0x0  }
0x2c7: {  	[sflag:s30] =	ssyncadd.s32 $0xFFFFFF80  }
0x2c8: {  	[tilespmem:s5], [sflag:$0x1] =	stream.indirect.gather [hbm4b:s3+s31], $0x40, s0, s31, $0xb8;
	[tilespmem:$0x10C80] =	vst v63  }
0x2c9: {  	_ =	swait.ge [sflag:s26], $0x2000  }
0x2ca: {  	[sflag:s26] =	ssyncset.done $0x0  }
0x2cb: {  	[sflag:s26] =	ssyncadd.s32 $0xFFFFE000  }
0x2cc: {  	[hbm4b:s20+s6] =	stream.strided.scatter [tilespmem:s5], [sflag:$0x3], $0x2000, s31, s6, $0x38;
	[tilespmem:$0x10C80] =	vst v63  }
0x2cd: {  	_ =	swait.ge [sflag:s30], $0x2000  }
0x2ce: {  	[sflag:s30] =	ssyncset.done $0x0  }
0x2cf: {  	s18 =	rddreg [dreg:$0xe];
	[sflag:s30] =	ssyncadd.s32 $0xFFFFE000  }
0x2d0: {  	[tilespmem:s0], [sflag:$0x3] =	stream.linear.gather [hbm4b:s18+s2], $0x80, $0x38;
	[tilespmem:$0x10C80] =	vst v63  }
0x2d1: {  	_ =	swait.ge [sflag:s30], $0x80  }
0x2d2: {  	[sflag:s30] =	ssyncset.done $0x0  }
0x2d3: {  	[sflag:s30] =	ssyncadd.s32 $0xFFFFFF80  }
0x2d4: {  	[tilespmem:s5], [sflag:$0x1] =	stream.indirect.gather [hbm4b:s3+s31], $0x40, s0, s31, $0xb8;
	[tilespmem:$0x10C80] =	vst v63  }
0x2d5: {  	_ =	swait.ge [sflag:s26], $0x2000  }
0x2d6: {  	[sflag:s26] =	ssyncset.done $0x0  }
0x2d7: {  	[sflag:s26] =	ssyncadd.s32 $0xFFFFE000  }
0x2d8: {  	[hbm4b:s21+s6] =	stream.strided.scatter [tilespmem:s5], [sflag:$0x3], $0x2000, s31, s6, $0x38;
	[tilespmem:$0x10C80] =	vst v63  }
0x2d9: {  	_ =	swait.ge [sflag:s30], $0x2000  }
0x2da: {  	[sflag:s30] =	ssyncset.done $0x0  }
0x2db: {  	s19 =	rddreg [dreg:$0xf];
	[sflag:s30] =	ssyncadd.s32 $0xFFFFE000  }
0x2dc: {  	[tilespmem:s0], [sflag:$0x3] =	stream.linear.gather [hbm4b:s19+s2], $0x80, $0x38;
	[tilespmem:$0x10C80] =	vst v63  }
0x2dd: {  	_ =	swait.ge [sflag:s30], $0x80  }
0x2de: {  	[sflag:s30] =	ssyncset.done $0x0  }
0x2df: {  	[sflag:s30] =	ssyncadd.s32 $0xFFFFFF80  }
0x2e0: {  	[tilespmem:s5], [sflag:$0x1] =	stream.indirect.gather [hbm4b:s3+s31], $0x40, s0, s31, $0xb8;
	[tilespmem:$0x10C80] =	vst v63  }
0x2e1: {  	s7 =	sadd.s32 $0x1, s7;
	_ =	swait.ge [sflag:s26], $0x2000  }
0x2e2: {  	p0 =	seq.s32 s7, s24;
	[sflag:s26] =	ssyncset.done $0x0  }
.Ltmp9:
0x2e3: {  	[sflag:s26] =	ssyncadd.s32 $0xFFFFE000;
	(pc) =	sbr.rel @!p0 .LBB2_1-.Ltmp9, $4  }
0x2e4: {  	[hbm4b:s22+s6] =	stream.strided.scatter [tilespmem:s5], [sflag:$0x3], $0x2000, s31, s6, $0x38;
	[tilespmem:$0x10C80] =	vst v63  }
0x2e5: {  	_ =	swait.ge [sflag:s30], $0x2000  }
0x2e6: {  	[sflag:s30] =	ssyncset.done $0x0  }
0x2e7: {  	[sflag:s30] =	ssyncadd.s32 $0xFFFFE000  }
0x2e8: {  	_ =	sfence.sel $0x180000  }
0x2e9: {  	[bflag:$0x0] =	sbarrier.arrive $0xFFFF  }
0x2ea: {  	_ =	strace $0x90000047  }
0x2eb: {  	s0 =	stileid.u32;
	[bflag:$0x2] =	sbarrier.arrive $0xFFFF  }
0x2ec: {  	p0 =	sne.s32 s0, $0x0;
	s0 =	rddreg [dreg:$0x3]  }
0x2ed: {  	s0 =	sadd.s32 @!p0 $0x100000, s0  }
0x2ee: {  	[sflag:s0] =	ssyncadd.tile.s32 @!p0 $0x1;
	_ =	shalt  }
.Lfunc_end2:
_tile_overlayer_lowered:
.L_overlay_start_2:
0x2ef: {  	(tag) =	ssettag $0x2  }
0x2f0: {  	s0 =	rddreg [dreg:$0x0];
	s2 =	stileid.u32  }
0x2f1: {  	s1 =	rddreg [dreg:$0x1];
	p0 =	sne.s32 s2, $0x0  }
0x2f2: {  	s3 =	rddreg [dreg:$0x2];
	[bflag:$0x3] =	sbarrier.arrive $0xFFFF;
	s2 =	simm.s32 @!p0 $0x1C03  }
0x2f3: {  	[timem:s3], [sflag:s2] =	dma.local @!p0 [hbm:s0], s1  }
0x2f4: {  	s0 =	simm.s32 @!p0 $0x3  }
0x2f5: {  	_ =	swait.ge @!p0 [sflag:s0], s1  }
0x2f6: {  	s1 =	ssub.s32 @!p0 $0x0, s1;
	[sflag:s0] =	ssyncset.done @!p0 $0x0  }
0x2f7: {  	[sflag:s0] =	ssyncadd.s32 @!p0 s1  }
0x2f8: {  	[bflag:$0x3] =	sbarrier.arrive $0xFFFF  }
0x2f9: {  	_ =	shalt  }

</sc_bundles>
